<compile_context>
chip_gen: v7x
topology: tpu7x:2x2x1
jax: 0.10.2.dev20260603
libtpu: 0.0.44.dev20260713+nightly
codegen_flags: <defaults>
</compile_context>

<pallas_src>
import functools

import jax
import jax.numpy as jnp
from jax import lax
from jax.experimental import pallas as pl
from jax.experimental.pallas import tpu as pltpu
from jax.experimental.pallas import tpu_sc as plsc

B, N, M, K = 4, 16384, 1024, 64
L = 16
NCHUNK = N // L
UNROLL = 8
GROUPS = M // L
NS = 16
WPB = 8
RSTRIDE = K + L


def _ball_query_body(xyz_hbm, ct_hbm, r2_hbm, out_hbm,
                     xs, ys, zs, x2s, cb, r2s, ob, ob2, wcnt, sem):
    cid = lax.axis_index("c")
    sid = lax.axis_index("s")
    wid = cid * NS + sid
    b = wid // WPB
    leader = (sid // WPB) * WPB

    pltpu.sync_copy(xyz_hbm.at[pl.ds((b * 3 + 0) * N, N)], xs)
    pltpu.sync_copy(xyz_hbm.at[pl.ds((b * 3 + 1) * N, N)], ys)
    pltpu.sync_copy(xyz_hbm.at[pl.ds((b * 3 + 2) * N, N)], zs)
    pltpu.sync_copy(ct_hbm.at[pl.ds((b * 3 + 0) * M, M)],
                    cb.at[pl.ds(0 * M, M)])
    pltpu.sync_copy(ct_hbm.at[pl.ds((b * 3 + 1) * M, M)],
                    cb.at[pl.ds(1 * M, M)])
    pltpu.sync_copy(ct_hbm.at[pl.ds((b * 3 + 2) * M, M)],
                    cb.at[pl.ds(2 * M, M)])
    pltpu.sync_copy(r2_hbm, r2s)

    r2v = r2s[...]
    iota = lax.iota(jnp.int32, L)
    zeros = jnp.zeros((L,), jnp.int32)

    def bf16_round(v):
        u = plsc.bitcast(v, jnp.int32)
        lsb = lax.shift_right_logical(u, 16) & 1
        u = (u + (lsb + 0x7FFF)) & jnp.int32(-65536)
        return plsc.bitcast(u, jnp.float32)

    def pre(j, _):
        base = j * L
        px = xs[pl.ds(base, L)]
        py = ys[pl.ds(base, L)]
        pz = zs[pl.ds(base, L)]
        x2s[pl.ds(base, L)] = (px * px + py * py) + pz * pz
        xs[pl.ds(base, L)] = bf16_round(px)
        ys[pl.ds(base, L)] = bf16_round(py)
        zs[pl.ds(base, L)] = bf16_round(pz)
        return 0

    lax.fori_loop(0, NCHUNK, pre, 0)

    kvec = jnp.full((L,), K, jnp.int32)

    wcnt[0] = jnp.int32(0)
    plsc.subcore_barrier()

    def per_group(g, slot):
        cx16 = cb[pl.ds(0 * M + g * L, L)]
        cy16 = cb[pl.ds(1 * M + g * L, L)]
        cz16 = cb[pl.ds(2 * M + g * L, L)]
        c216 = (cx16 * cx16 + cy16 * cy16) + cz16 * cz16
        cxb16 = bf16_round(cx16)
        cxb16 = cxb16 + cxb16
        cyb16 = bf16_round(cy16)
        cyb16 = cyb16 + cyb16
        czb16 = bf16_round(cz16)
        czb16 = czb16 + czb16
        NI = 4
        QU = 4
        for lane in range(L // NI):
            lanes = [lane + q * (L // NI) for q in range(NI)]
            rows = [i * RSTRIDE for i in lanes]
            for row in rows:
                for v in range(K // L):
                    ob[pl.ds(row + v * L, L)] = zeros

            cxq = [jnp.full((L,), cxb16[i], jnp.float32) for i in lanes]
            cyq = [jnp.full((L,), cyb16[i], jnp.float32) for i in lanes]
            czq = [jnp.full((L,), czb16[i], jnp.float32) for i in lanes]
            c2q = [jnp.full((L,), c216[i], jnp.float32) for i in lanes]

            def cond(carry):
                j, live = carry[0], carry[1]
                return jnp.logical_and(j < NCHUNK, live)

            def body(carry, rows=rows, cxq=cxq, cyq=cyq, czq=czq, c2q=c2q):
                j, live = carry[0], carry[1]
                cnts = list(carry[2:])
                live = (cnts[0][0] < K) | (cnts[1][0] < K) \
                    | (cnts[2][0] < K) | (cnts[3][0] < K)
                hits = [[] for _ in range(NI)]
                offs = [[] for _ in range(NI)]
                idxs = []
                for u in range(QU):
                    base = (j + u) * L
                    px = xs[pl.ds(base, L)]
                    py = ys[pl.ds(base, L)]
                    pz = zs[pl.ds(base, L)]
                    x2 = x2s[pl.ds(base, L)]
                    idxs.append(iota + base)
                    for q in range(NI):
                        cross = (cxq[q] * px + cyq[q] * py) + czq[q] * pz
                        hit = ((c2q[q] + x2) - cross) < r2v
                        hits[q].append(hit)
                        offs[q].append(cnts[q][0])
                        cnts[q] = jnp.minimum(
                            cnts[q] + plsc.all_reduce_population_count(hit),
                            kvec)
                for u in range(QU):
                    for q in range(NI):
                        plsc.store_compressed(
                            ob.at[pl.ds(rows[q] + offs[q][u], L)],
                            idxs[u], mask=hits[q][u])
                return (j + QU, live, *cnts)

            lax.while_loop(cond, body,
                           (jnp.int32(0), jnp.bool_(True),
                            zeros, zeros, zeros, zeros))
        for lane in range(L):
            src = lane * RSTRIDE
            dst = slot * (L * K) + lane * K
            for v in range(K // L):
                ob2[pl.ds(dst + v * L, L)] = ob[pl.ds(src + v * L, L)]
        pltpu.async_copy(ob2.at[pl.ds(slot * (L * K), L * K)],
                         out_hbm.at[pl.ds((b * M + g * L) * K, L * K)], sem)

    def drain_one(slot):
        pltpu.make_async_copy(
            out_hbm.at[pl.ds(0, L * K)],
            ob2.at[pl.ds(slot * (L * K), L * K)], sem).wait()

    def steal_cond(carry):
        return carry[0] < GROUPS

    def steal_body(carry):
        g, i = carry
        slot = i & 1
        pl.when(i >= 2)(lambda: drain_one(slot))
        per_group(g, slot)
        return plsc.fetch_and_add(wcnt, 1, subcore_id=leader), i + 1

    g0 = plsc.fetch_and_add(wcnt, 1, subcore_id=leader)
    _, ndone = lax.while_loop(steal_cond, steal_body, (g0, jnp.int32(0)))
    pl.when(ndone >= 1)(lambda: drain_one(jnp.int32(0) & 1))
    pl.when(ndone >= 2)(lambda: drain_one(jnp.int32(1)))


def kernel(xyz, center_xyz, max_radius, sample_num):
    xyz_t = jnp.transpose(xyz, (0, 2, 1)).reshape(-1)
    ct_t = jnp.transpose(center_xyz, (0, 2, 1)).reshape(-1)
    r2 = jnp.asarray(max_radius, jnp.float32) ** 2
    r2v = jnp.broadcast_to(r2, (L,))

    cpw = (B * M) // 32
    mesh = plsc.VectorSubcoreMesh(core_axis_name="c", subcore_axis_name="s")
    run = functools.partial(
        pl.kernel,
        mesh=mesh,
        out_type=jax.ShapeDtypeStruct((B * M * K,), jnp.int32),
        scratch_types=[
            pltpu.VMEM((N,), jnp.float32),
            pltpu.VMEM((N,), jnp.float32),
            pltpu.VMEM((N,), jnp.float32),
            pltpu.VMEM((N,), jnp.float32),
            pltpu.VMEM((3 * M,), jnp.float32),
            pltpu.VMEM((L,), jnp.float32),
            pltpu.VMEM((L * RSTRIDE,), jnp.int32),
            pltpu.VMEM((2 * L * K,), jnp.int32),
            pltpu.SMEM((1,), jnp.int32),
            pltpu.SemaphoreType.DMA,
        ],
        compiler_params=pltpu.CompilerParams(needs_layout_passes=False),
    )(_ball_query_body)
    idx = run(xyz_t, ct_t, r2v).reshape(B, M, K)
    col = lax.broadcasted_iota(jnp.int32, (1, 1, K), 2)
    return jnp.where(col < jnp.asarray(sample_num, jnp.int32), idx, 0)

# --- scband reference (transcript-rebuilt; emitter-appended) ---
"""Pipeline reference for scband-model-70549132804297 (READ-ONLY COPY).

The authoritative reference and input builder live on the scoring server;
editing this copy changes nothing except your own understanding.
"""

import jax, jax.numpy as jnp
import numpy as np


def setup_inputs(seed: int = 0) -> dict:
    key = jax.random.key(seed)
    k1, k2 = jax.random.split(key)
    B, N, M = 4, 16384, 1024
    xyz = jax.random.normal(k1, (B, N, 3), dtype=jnp.float32)
    center_xyz = jax.random.normal(k2, (B, M, 3), dtype=jnp.float32)
    return {"xyz": xyz, "center_xyz": center_xyz, "max_radius": 1, "sample_num": 64}


def reference(xyz, center_xyz, max_radius, sample_num):
    # Ball query: for each center, find first `sample_num` point indices with
    # distance < max_radius; unfilled slots stay 0 (matches torch loop semantics:
    # valid indices are ascending, truncated to sample_num, zero-padded).
    B, N, _ = xyz.shape
    M = center_xyz.shape[1]
    r2 = jnp.asarray(max_radius, jnp.float32) ** 2
    x2 = jnp.sum(xyz * xyz, axis=-1)                 # [B, N]
    c2 = jnp.sum(center_xyz * center_xyz, axis=-1)   # [B, M]
    cross = jnp.einsum('bmd,bnd->bmn', center_xyz, xyz)  # [B, M, N]
    d2 = c2[:, :, None] + x2[:, None, :] - 2.0 * cross    # squared distances
    mask = d2 < r2                                    # strict <, same as torch norm < r
    sentinel = jnp.int32(N)
    cand = jnp.where(mask, jnp.arange(N, dtype=jnp.int32)[None, None, :], sentinel)
    # ascending sort puts valid indices (in increasing order) first, sentinels last
    K = 64
    first_k = jnp.sort(cand, axis=-1)[:, :, :K]
    idx = jnp.where(first_k == sentinel, jnp.int32(0), first_k).astype(jnp.int32)
    col_valid = jnp.arange(K, dtype=jnp.int32)[None, None, :] < jnp.asarray(sample_num, jnp.int32)
    idx = jnp.where(col_valid, idx, jnp.int32(0))
    return idx

if __name__ == "__main__":
    import jax
    _d = setup_inputs()
    print(jax.jit(kernel)(*tuple(_d.values())))

</pallas_src>

<mosaic_0001>
#map = affine_map<(d0, d1) -> (0)>
module attributes {stable_mosaic.version = 14 : i64} {
  func.func @_ball_query_body(%arg0: i32, %arg1: i32, %arg2: memref<196608xf32, #tpu.memory_space<hbm>>, %arg3: memref<12288xf32, #tpu.memory_space<hbm>>, %arg4: memref<16xf32, #tpu.memory_space<hbm>>, %arg5: memref<262144xi32, #tpu.memory_space<hbm>>, %arg6: memref<16384xf32, #tpu.memory_space<vmem>>, %arg7: memref<16384xf32, #tpu.memory_space<vmem>>, %arg8: memref<16384xf32, #tpu.memory_space<vmem>>, %arg9: memref<16384xf32, #tpu.memory_space<vmem>>, %arg10: memref<3072xf32, #tpu.memory_space<vmem>>, %arg11: memref<16xf32, #tpu.memory_space<vmem>>, %arg12: memref<1280xi32, #tpu.memory_space<vmem>>, %arg13: memref<2048xi32, #tpu.memory_space<vmem>>, %arg14: memref<1xi32, #tpu.memory_space<smem>>, %arg15: memref<!tpu.dma_semaphore, #tpu.memory_space<semaphore_mem>>) attributes {dimension_semantics = [#tpu.dimension_semantics<core_parallel>, #tpu.dimension_semantics<subcore_parallel>], iteration_bounds = array<i64: 2, 16>, scalar_prefetch = 0 : i64, scratch_operands = 10 : i64, tpu.core_type = #tpu.core_type<sc_vector_subcore>, window_params = [{transform_indices = #map}, {transform_indices = #map}, {transform_indices = #map}, {transform_indices = #map}]} {
    %mul3A = arith.constant 16 : i32
    %mul3A_0 = arith.muli %arg0, %mul3A : i32
    %add3A = arith.addi %mul3A_0, %arg1 : i32
    %jit3A = arith.constant 8 : i32
    %div3A = arith.divsi %add3A, %jit3A : i32
    %sign3A = arith.constant 0 : i32
    %sign3A_1 = arith.cmpi sgt, %add3A, %sign3A : i32
    %sign3A_2 = arith.extui %sign3A_1 : i1 to i32
    %sign3A_3 = arith.constant 0 : i32
    %sign3A_4 = arith.cmpi slt, %add3A, %sign3A_3 : i32
    %sign3A_5 = arith.extui %sign3A_4 : i1 to i32
    %sign3A_6 = arith.subi %sign3A_2, %sign3A_5 : i32
    %sign3A_7 = arith.constant 0 : i32
    %sign3A_8 = arith.cmpi sgt, %jit3A, %sign3A_7 : i32
    %sign3A_9 = arith.extui %sign3A_8 : i1 to i32
    %sign3A_10 = arith.constant 0 : i32
    %sign3A_11 = arith.cmpi slt, %jit3A, %sign3A_10 : i32
    %sign3A_12 = arith.extui %sign3A_11 : i1 to i32
    %sign3A_13 = arith.subi %sign3A_9, %sign3A_12 : i32
    %ne3A = arith.cmpi ne, %sign3A_6, %sign3A_13 : i32
    %rem3A = arith.remsi %add3A, %jit3A : i32
    %ne3A_14 = arith.constant 0 : i32
    %ne3A_15 = arith.cmpi ne, %rem3A, %ne3A_14 : i32
    %and3A = arith.andi %ne3A, %ne3A_15 : i1
    %sub3A = arith.constant 1 : i32
    %sub3A_16 = arith.subi %div3A, %sub3A : i32
    %select_n3A = arith.select %and3A, %sub3A_16, %div3A : i32
    %jit3A_17 = arith.constant 8 : i32
    %div3A_18 = arith.divsi %arg1, %jit3A_17 : i32
    %sign3A_19 = arith.constant 0 : i32
    %sign3A_20 = arith.cmpi sgt, %arg1, %sign3A_19 : i32
    %sign3A_21 = arith.extui %sign3A_20 : i1 to i32
    %sign3A_22 = arith.constant 0 : i32
    %sign3A_23 = arith.cmpi slt, %arg1, %sign3A_22 : i32
    %sign3A_24 = arith.extui %sign3A_23 : i1 to i32
    %sign3A_25 = arith.subi %sign3A_21, %sign3A_24 : i32
    %sign3A_26 = arith.constant 0 : i32
    %sign3A_27 = arith.cmpi sgt, %jit3A_17, %sign3A_26 : i32
    %sign3A_28 = arith.extui %sign3A_27 : i1 to i32
    %sign3A_29 = arith.constant 0 : i32
    %sign3A_30 = arith.cmpi slt, %jit3A_17, %sign3A_29 : i32
    %sign3A_31 = arith.extui %sign3A_30 : i1 to i32
    %sign3A_32 = arith.subi %sign3A_28, %sign3A_31 : i32
    %ne3A_33 = arith.cmpi ne, %sign3A_25, %sign3A_32 : i32
    %rem3A_34 = arith.remsi %arg1, %jit3A_17 : i32
    %ne3A_35 = arith.constant 0 : i32
    %ne3A_36 = arith.cmpi ne, %rem3A_34, %ne3A_35 : i32
    %and3A_37 = arith.andi %ne3A_33, %ne3A_36 : i1
    %sub3A_38 = arith.constant 1 : i32
    %sub3A_39 = arith.subi %div3A_18, %sub3A_38 : i32
    %select_n3A_40 = arith.select %and3A_37, %sub3A_39, %div3A_18 : i32
    %mul3A_41 = arith.constant 8 : i32
    %mul3A_42 = arith.muli %select_n3A_40, %mul3A_41 : i32
    %mul3A_43 = arith.constant 3 : i32
    %mul3A_44 = arith.muli %select_n3A, %mul3A_43 : i32
    %add3A_45 = arith.constant 0 : i32
    %add3A_46 = arith.addi %mul3A_44, %add3A_45 : i32
    %mul3A_47 = arith.constant 16384 : i32
    %mul3A_48 = arith.muli %add3A_46, %mul3A_47 : i32
    "tpu.region"() ({
      %run_scoped3A = tpu.sem_alloc : memref<!tpu.dma_semaphore, #tpu.memory_space<semaphore_mem>>
      %dma_start3A = tpu.memref_slice %arg2[%mul3A_48] : memref<196608xf32, #tpu.memory_space<hbm>> -> memref<16384xf32, #tpu.memory_space<hbm>>
      %dma_start3A_102 = tpu.memref_slice %arg2[%mul3A_48] : memref<196608xf32, #tpu.memory_space<hbm>> -> memref<16384xf32, #tpu.memory_space<hbm>>
      tpu.enqueue_dma source(%dma_start3A_102 : memref<16384xf32, #tpu.memory_space<hbm>>) target(%arg6 : memref<16384xf32, #tpu.memory_space<vmem>>) target_semaphore(%run_scoped3A : memref<!tpu.dma_semaphore, #tpu.memory_space<semaphore_mem>>)
      %dma_wait3A = tpu.memref_slice %arg2[%mul3A_48] : memref<196608xf32, #tpu.memory_space<hbm>> -> memref<16384xf32, #tpu.memory_space<hbm>>
      %dma_wait3A_103 = tpu.memref_slice %arg2[%mul3A_48] : memref<196608xf32, #tpu.memory_space<hbm>> -> memref<16384xf32, #tpu.memory_space<hbm>>
      tpu.wait_dma2 semaphore(%run_scoped3A : memref<!tpu.dma_semaphore, #tpu.memory_space<semaphore_mem>>) src(%dma_wait3A_103 : memref<16384xf32, #tpu.memory_space<hbm>>) dst(%arg6 : memref<16384xf32, #tpu.memory_space<vmem>>)
      tpu.yield
    }) : () -> ()
    %mul3A_49 = arith.constant 3 : i32
    %mul3A_50 = arith.muli %select_n3A, %mul3A_49 : i32
    %add3A_51 = arith.constant 1 : i32
    %add3A_52 = arith.addi %mul3A_50, %add3A_51 : i32
    %mul3A_53 = arith.constant 16384 : i32
    %mul3A_54 = arith.muli %add3A_52, %mul3A_53 : i32
    "tpu.region"() ({
      %run_scoped3A = tpu.sem_alloc : memref<!tpu.dma_semaphore, #tpu.memory_space<semaphore_mem>>
      %dma_start3A = tpu.memref_slice %arg2[%mul3A_54] : memref<196608xf32, #tpu.memory_space<hbm>> -> memref<16384xf32, #tpu.memory_space<hbm>>
      %dma_start3A_102 = tpu.memref_slice %arg2[%mul3A_54] : memref<196608xf32, #tpu.memory_space<hbm>> -> memref<16384xf32, #tpu.memory_space<hbm>>
      tpu.enqueue_dma source(%dma_start3A_102 : memref<16384xf32, #tpu.memory_space<hbm>>) target(%arg7 : memref<16384xf32, #tpu.memory_space<vmem>>) target_semaphore(%run_scoped3A : memref<!tpu.dma_semaphore, #tpu.memory_space<semaphore_mem>>)
      %dma_wait3A = tpu.memref_slice %arg2[%mul3A_54] : memref<196608xf32, #tpu.memory_space<hbm>> -> memref<16384xf32, #tpu.memory_space<hbm>>
      %dma_wait3A_103 = tpu.memref_slice %arg2[%mul3A_54] : memref<196608xf32, #tpu.memory_space<hbm>> -> memref<16384xf32, #tpu.memory_space<hbm>>
      tpu.wait_dma2 semaphore(%run_scoped3A : memref<!tpu.dma_semaphore, #tpu.memory_space<semaphore_mem>>) src(%dma_wait3A_103 : memref<16384xf32, #tpu.memory_space<hbm>>) dst(%arg7 : memref<16384xf32, #tpu.memory_space<vmem>>)
      tpu.yield
    }) : () -> ()
    %mul3A_55 = arith.constant 3 : i32
    %mul3A_56 = arith.muli %select_n3A, %mul3A_55 : i32
    %add3A_57 = arith.constant 2 : i32
    %add3A_58 = arith.addi %mul3A_56, %add3A_57 : i32
    %mul3A_59 = arith.constant 16384 : i32
    %mul3A_60 = arith.muli %add3A_58, %mul3A_59 : i32
    "tpu.region"() ({
      %run_scoped3A = tpu.sem_alloc : memref<!tpu.dma_semaphore, #tpu.memory_space<semaphore_mem>>
      %dma_start3A = tpu.memref_slice %arg2[%mul3A_60] : memref<196608xf32, #tpu.memory_space<hbm>> -> memref<16384xf32, #tpu.memory_space<hbm>>
      %dma_start3A_102 = tpu.memref_slice %arg2[%mul3A_60] : memref<196608xf32, #tpu.memory_space<hbm>> -> memref<16384xf32, #tpu.memory_space<hbm>>
      tpu.enqueue_dma source(%dma_start3A_102 : memref<16384xf32, #tpu.memory_space<hbm>>) target(%arg8 : memref<16384xf32, #tpu.memory_space<vmem>>) target_semaphore(%run_scoped3A : memref<!tpu.dma_semaphore, #tpu.memory_space<semaphore_mem>>)
      %dma_wait3A = tpu.memref_slice %arg2[%mul3A_60] : memref<196608xf32, #tpu.memory_space<hbm>> -> memref<16384xf32, #tpu.memory_space<hbm>>
      %dma_wait3A_103 = tpu.memref_slice %arg2[%mul3A_60] : memref<196608xf32, #tpu.memory_space<hbm>> -> memref<16384xf32, #tpu.memory_space<hbm>>
      tpu.wait_dma2 semaphore(%run_scoped3A : memref<!tpu.dma_semaphore, #tpu.memory_space<semaphore_mem>>) src(%dma_wait3A_103 : memref<16384xf32, #tpu.memory_space<hbm>>) dst(%arg8 : memref<16384xf32, #tpu.memory_space<vmem>>)
      tpu.yield
    }) : () -> ()
    %mul3A_61 = arith.constant 3 : i32
    %mul3A_62 = arith.muli %select_n3A, %mul3A_61 : i32
    %add3A_63 = arith.constant 0 : i32
    %add3A_64 = arith.addi %mul3A_62, %add3A_63 : i32
    %mul3A_65 = arith.constant 1024 : i32
    %mul3A_66 = arith.muli %add3A_64, %mul3A_65 : i32
    "tpu.region"() ({
      %run_scoped3A = tpu.sem_alloc : memref<!tpu.dma_semaphore, #tpu.memory_space<semaphore_mem>>
      %dma_start3A = arith.constant 0 : i32
      %dma_start3A_102 = tpu.memref_slice %arg10[%dma_start3A] : memref<3072xf32, #tpu.memory_space<vmem>> -> memref<1024xf32, #tpu.memory_space<vmem>>
      %dma_start3A_103 = tpu.memref_slice %arg3[%mul3A_66] : memref<12288xf32, #tpu.memory_space<hbm>> -> memref<1024xf32, #tpu.memory_space<hbm>>
      %dma_start3A_104 = arith.constant 0 : i32
      %dma_start3A_105 = tpu.memref_slice %arg10[%dma_start3A_104] : memref<3072xf32, #tpu.memory_space<vmem>> -> memref<1024xf32, #tpu.memory_space<vmem>>
      %dma_start3A_106 = tpu.memref_slice %arg3[%mul3A_66] : memref<12288xf32, #tpu.memory_space<hbm>> -> memref<1024xf32, #tpu.memory_space<hbm>>
      tpu.enqueue_dma source(%dma_start3A_106 : memref<1024xf32, #tpu.memory_space<hbm>>) target(%dma_start3A_105 : memref<1024xf32, #tpu.memory_space<vmem>>) target_semaphore(%run_scoped3A : memref<!tpu.dma_semaphore, #tpu.memory_space<semaphore_mem>>)
      %dma_wait3A = arith.constant 0 : i32
      %dma_wait3A_107 = tpu.memref_slice %arg10[%dma_wait3A] : memref<3072xf32, #tpu.memory_space<vmem>> -> memref<1024xf32, #tpu.memory_space<vmem>>
      %dma_wait3A_108 = tpu.memref_slice %arg3[%mul3A_66] : memref<12288xf32, #tpu.memory_space<hbm>> -> memref<1024xf32, #tpu.memory_space<hbm>>
      %dma_wait3A_109 = arith.constant 0 : i32
      %dma_wait3A_110 = tpu.memref_slice %arg10[%dma_wait3A_109] : memref<3072xf32, #tpu.memory_space<vmem>> -> memref<1024xf32, #tpu.memory_space<vmem>>
      %dma_wait3A_111 = tpu.memref_slice %arg3[%mul3A_66] : memref<12288xf32, #tpu.memory_space<hbm>> -> memref<1024xf32, #tpu.memory_space<hbm>>
      tpu.wait_dma2 semaphore(%run_scoped3A : memref<!tpu.dma_semaphore, #tpu.memory_space<semaphore_mem>>) src(%dma_wait3A_111 : memref<1024xf32, #tpu.memory_space<hbm>>) dst(%dma_wait3A_110 : memref<1024xf32, #tpu.memory_space<vmem>>)
      tpu.yield
    }) : () -> ()
    %mul3A_67 = arith.constant 3 : i32
    %mul3A_68 = arith.muli %select_n3A, %mul3A_67 : i32
    %add3A_69 = arith.constant 1 : i32
    %add3A_70 = arith.addi %mul3A_68, %add3A_69 : i32
    %mul3A_71 = arith.constant 1024 : i32
    %mul3A_72 = arith.muli %add3A_70, %mul3A_71 : i32
    "tpu.region"() ({
      %run_scoped3A = tpu.sem_alloc : memref<!tpu.dma_semaphore, #tpu.memory_space<semaphore_mem>>
      %dma_start3A = arith.constant 1024 : i32
      %dma_start3A_102 = tpu.memref_slice %arg10[%dma_start3A] : memref<3072xf32, #tpu.memory_space<vmem>> -> memref<1024xf32, #tpu.memory_space<vmem>>
      %dma_start3A_103 = tpu.memref_slice %arg3[%mul3A_72] : memref<12288xf32, #tpu.memory_space<hbm>> -> memref<1024xf32, #tpu.memory_space<hbm>>
      %dma_start3A_104 = arith.constant 1024 : i32
      %dma_start3A_105 = tpu.memref_slice %arg10[%dma_start3A_104] : memref<3072xf32, #tpu.memory_space<vmem>> -> memref<1024xf32, #tpu.memory_space<vmem>>
      %dma_start3A_106 = tpu.memref_slice %arg3[%mul3A_72] : memref<12288xf32, #tpu.memory_space<hbm>> -> memref<1024xf32, #tpu.memory_space<hbm>>
      tpu.enqueue_dma source(%dma_start3A_106 : memref<1024xf32, #tpu.memory_space<hbm>>) target(%dma_start3A_105 : memref<1024xf32, #tpu.memory_space<vmem>>) target_semaphore(%run_scoped3A : memref<!tpu.dma_semaphore, #tpu.memory_space<semaphore_mem>>)
      %dma_wait3A = arith.constant 1024 : i32
      %dma_wait3A_107 = tpu.memref_slice %arg10[%dma_wait3A] : memref<3072xf32, #tpu.memory_space<vmem>> -> memref<1024xf32, #tpu.memory_space<vmem>>
      %dma_wait3A_108 = tpu.memref_slice %arg3[%mul3A_72] : memref<12288xf32, #tpu.memory_space<hbm>> -> memref<1024xf32, #tpu.memory_space<hbm>>
      %dma_wait3A_109 = arith.constant 1024 : i32
      %dma_wait3A_110 = tpu.memref_slice %arg10[%dma_wait3A_109] : memref<3072xf32, #tpu.memory_space<vmem>> -> memref<1024xf32, #tpu.memory_space<vmem>>
      %dma_wait3A_111 = tpu.memref_slice %arg3[%mul3A_72] : memref<12288xf32, #tpu.memory_space<hbm>> -> memref<1024xf32, #tpu.memory_space<hbm>>
      tpu.wait_dma2 semaphore(%run_scoped3A : memref<!tpu.dma_semaphore, #tpu.memory_space<semaphore_mem>>) src(%dma_wait3A_111 : memref<1024xf32, #tpu.memory_space<hbm>>) dst(%dma_wait3A_110 : memref<1024xf32, #tpu.memory_space<vmem>>)
      tpu.yield
    }) : () -> ()
    %mul3A_73 = arith.constant 3 : i32
    %mul3A_74 = arith.muli %select_n3A, %mul3A_73 : i32
    %add3A_75 = arith.constant 2 : i32
    %add3A_76 = arith.addi %mul3A_74, %add3A_75 : i32
    %mul3A_77 = arith.constant 1024 : i32
    %mul3A_78 = arith.muli %add3A_76, %mul3A_77 : i32
    "tpu.region"() ({
      %run_scoped3A = tpu.sem_alloc : memref<!tpu.dma_semaphore, #tpu.memory_space<semaphore_mem>>
      %dma_start3A = arith.constant 2048 : i32
      %dma_start3A_102 = tpu.memref_slice %arg10[%dma_start3A] : memref<3072xf32, #tpu.memory_space<vmem>> -> memref<1024xf32, #tpu.memory_space<vmem>>
      %dma_start3A_103 = tpu.memref_slice %arg3[%mul3A_78] : memref<12288xf32, #tpu.memory_space<hbm>> -> memref<1024xf32, #tpu.memory_space<hbm>>
      %dma_start3A_104 = arith.constant 2048 : i32
      %dma_start3A_105 = tpu.memref_slice %arg10[%dma_start3A_104] : memref<3072xf32, #tpu.memory_space<vmem>> -> memref<1024xf32, #tpu.memory_space<vmem>>
      %dma_start3A_106 = tpu.memref_slice %arg3[%mul3A_78] : memref<12288xf32, #tpu.memory_space<hbm>> -> memref<1024xf32, #tpu.memory_space<hbm>>
      tpu.enqueue_dma source(%dma_start3A_106 : memref<1024xf32, #tpu.memory_space<hbm>>) target(%dma_start3A_105 : memref<1024xf32, #tpu.memory_space<vmem>>) target_semaphore(%run_scoped3A : memref<!tpu.dma_semaphore, #tpu.memory_space<semaphore_mem>>)
      %dma_wait3A = arith.constant 2048 : i32
      %dma_wait3A_107 = tpu.memref_slice %arg10[%dma_wait3A] : memref<3072xf32, #tpu.memory_space<vmem>> -> memref<1024xf32, #tpu.memory_space<vmem>>
      %dma_wait3A_108 = tpu.memref_slice %arg3[%mul3A_78] : memref<12288xf32, #tpu.memory_space<hbm>> -> memref<1024xf32, #tpu.memory_space<hbm>>
      %dma_wait3A_109 = arith.constant 2048 : i32
      %dma_wait3A_110 = tpu.memref_slice %arg10[%dma_wait3A_109] : memref<3072xf32, #tpu.memory_space<vmem>> -> memref<1024xf32, #tpu.memory_space<vmem>>
      %dma_wait3A_111 = tpu.memref_slice %arg3[%mul3A_78] : memref<12288xf32, #tpu.memory_space<hbm>> -> memref<1024xf32, #tpu.memory_space<hbm>>
      tpu.wait_dma2 semaphore(%run_scoped3A : memref<!tpu.dma_semaphore, #tpu.memory_space<semaphore_mem>>) src(%dma_wait3A_111 : memref<1024xf32, #tpu.memory_space<hbm>>) dst(%dma_wait3A_110 : memref<1024xf32, #tpu.memory_space<vmem>>)
      tpu.yield
    }) : () -> ()
    "tpu.region"() ({
      %run_scoped3A = tpu.sem_alloc : memref<!tpu.dma_semaphore, #tpu.memory_space<semaphore_mem>>
      tpu.enqueue_dma source(%arg4 : memref<16xf32, #tpu.memory_space<hbm>>) target(%arg11 : memref<16xf32, #tpu.memory_space<vmem>>) target_semaphore(%run_scoped3A : memref<!tpu.dma_semaphore, #tpu.memory_space<semaphore_mem>>)
      tpu.wait_dma2 semaphore(%run_scoped3A : memref<!tpu.dma_semaphore, #tpu.memory_space<semaphore_mem>>) src(%arg4 : memref<16xf32, #tpu.memory_space<hbm>>) dst(%arg11 : memref<16xf32, #tpu.memory_space<vmem>>)
      tpu.yield
    }) : () -> ()
    %get3A = arith.constant 0 : index
    %get3A_79 = tpu.vector_load %arg11[%get3A] {strides = array<i32>} : memref<16xf32, #tpu.memory_space<vmem>>, vector<16xf32>,
    %iota3A = tpu.iota {dimensions = array<i32: 0>} : vector<16xi32>
    %broadcast_in_dim3A = arith.constant 0 : i32
    %broadcast_in_dim3A_80 = vector.broadcast %broadcast_in_dim3A : i32 to vector<16xi32>
    %scan3A = arith.constant 0 : i32
    %scan3A_81 = arith.constant 0 : i32
    %scan3A_82 = arith.constant 1024 : i32
    %scan3A_83 = arith.addi %scan3A_81, %scan3A_82 : i32
    %scan3A_84 = arith.constant 1 : i32
    %scan3A_85 = scf.for %scan3A_102 = %scan3A_81 to %scan3A_83 step %scan3A_84 iter_args(%scan3A_103 = %scan3A) -> (i32)  : i32 {
      %mul3A_104 = arith.constant 16 : i32
      %mul3A_105 = arith.muli %scan3A_102, %mul3A_104 : i32
      %get3A_106 = arith.index_cast %mul3A_105 : i32 to index
      %get3A_107 = tpu.vector_load %arg6[%get3A_106] {strides = array<i32>} : memref<16384xf32, #tpu.memory_space<vmem>>, vector<16xf32>,
      %get3A_108 = arith.index_cast %mul3A_105 : i32 to index
      %get3A_109 = tpu.vector_load %arg7[%get3A_108] {strides = array<i32>} : memref<16384xf32, #tpu.memory_space<vmem>>, vector<16xf32>,
      %get3A_110 = arith.index_cast %mul3A_105 : i32 to index
      %get3A_111 = tpu.vector_load %arg8[%get3A_110] {strides = array<i32>} : memref<16384xf32, #tpu.memory_space<vmem>>, vector<16xf32>,
      %mul3A_112 = arith.mulf %get3A_107, %get3A_107 : vector<16xf32>
      %mul3A_113 = arith.mulf %get3A_109, %get3A_109 : vector<16xf32>
      %add3A_114 = arith.addf %mul3A_112, %mul3A_113 : vector<16xf32>
      %mul3A_115 = arith.mulf %get3A_111, %get3A_111 : vector<16xf32>
      %add3A_116 = arith.addf %add3A_114, %mul3A_115 : vector<16xf32>
      %swap3A_117 = arith.index_cast %mul3A_105 : i32 to index
      %swap3A_118 = tpu.vector_load %arg9[%swap3A_117] {strides = array<i32>} : memref<16384xf32, #tpu.memory_space<vmem>>, vector<16xf32>,
      tpu.vector_store %arg9[%swap3A_117], %add3A_116 {strides = array<i32>} : memref<16384xf32, #tpu.memory_space<vmem>>, vector<16xf32>,
      %bitcast3A = vector.bitcast %get3A_107 : vector<16xf32> to vector<16xi32>
      %shift_right_logical3A = arith.constant 16 : i32
      %shift_right_logical3A_119 = vector.broadcast %shift_right_logical3A : i32 to vector<16xi32>
      %shift_right_logical3A_120 = arith.shrui %bitcast3A, %shift_right_logical3A_119 : vector<16xi32>
      %and3A_121 = arith.constant 1 : i32
      %and3A_122 = vector.broadcast %and3A_121 : i32 to vector<16xi32>
      %and3A_123 = arith.andi %shift_right_logical3A_120, %and3A_122 : vector<16xi32>
      %add3A_124 = arith.constant 32767 : i32
      %add3A_125 = vector.broadcast %add3A_124 : i32 to vector<16xi32>
      %add3A_126 = arith.addi %and3A_123, %add3A_125 : vector<16xi32>
      %add3A_127 = arith.addi %bitcast3A, %add3A_126 : vector<16xi32>
      %and3A_128 = arith.constant -65536 : i32
      %and3A_129 = vector.broadcast %and3A_128 : i32 to vector<16xi32>
      %and3A_130 = arith.andi %add3A_127, %and3A_129 : vector<16xi32>
      %bitcast3A_131 = vector.bitcast %and3A_130 : vector<16xi32> to vector<16xf32>
      %swap3A_132 = arith.index_cast %mul3A_105 : i32 to index
      %swap3A_133 = tpu.vector_load %arg6[%swap3A_132] {strides = array<i32>} : memref<16384xf32, #tpu.memory_space<vmem>>, vector<16xf32>,
      tpu.vector_store %arg6[%swap3A_132], %bitcast3A_131 {strides = array<i32>} : memref<16384xf32, #tpu.memory_space<vmem>>, vector<16xf32>,
      %bitcast3A_134 = vector.bitcast %get3A_109 : vector<16xf32> to vector<16xi32>
      %shift_right_logical3A_135 = arith.constant 16 : i32
      %shift_right_logical3A_136 = vector.broadcast %shift_right_logical3A_135 : i32 to vector<16xi32>
      %shift_right_logical3A_137 = arith.shrui %bitcast3A_134, %shift_right_logical3A_136 : vector<16xi32>
      %and3A_138 = arith.constant 1 : i32
      %and3A_139 = vector.broadcast %and3A_138 : i32 to vector<16xi32>
      %and3A_140 = arith.andi %shift_right_logical3A_137, %and3A_139 : vector<16xi32>
      %add3A_141 = arith.constant 32767 : i32
      %add3A_142 = vector.broadcast %add3A_141 : i32 to vector<16xi32>
      %add3A_143 = arith.addi %and3A_140, %add3A_142 : vector<16xi32>
      %add3A_144 = arith.addi %bitcast3A_134, %add3A_143 : vector<16xi32>
      %and3A_145 = arith.constant -65536 : i32
      %and3A_146 = vector.broadcast %and3A_145 : i32 to vector<16xi32>
      %and3A_147 = arith.andi %add3A_144, %and3A_146 : vector<16xi32>
      %bitcast3A_148 = vector.bitcast %and3A_147 : vector<16xi32> to vector<16xf32>
      %swap3A_149 = arith.index_cast %mul3A_105 : i32 to index
      %swap3A_150 = tpu.vector_load %arg7[%swap3A_149] {strides = array<i32>} : memref<16384xf32, #tpu.memory_space<vmem>>, vector<16xf32>,
      tpu.vector_store %arg7[%swap3A_149], %bitcast3A_148 {strides = array<i32>} : memref<16384xf32, #tpu.memory_space<vmem>>, vector<16xf32>,
      %bitcast3A_151 = vector.bitcast %get3A_111 : vector<16xf32> to vector<16xi32>
      %shift_right_logical3A_152 = arith.constant 16 : i32
      %shift_right_logical3A_153 = vector.broadcast %shift_right_logical3A_152 : i32 to vector<16xi32>
      %shift_right_logical3A_154 = arith.shrui %bitcast3A_151, %shift_right_logical3A_153 : vector<16xi32>
      %and3A_155 = arith.constant 1 : i32
      %and3A_156 = vector.broadcast %and3A_155 : i32 to vector<16xi32>
      %and3A_157 = arith.andi %shift_right_logical3A_154, %and3A_156 : vector<16xi32>
      %add3A_158 = arith.constant 32767 : i32
      %add3A_159 = vector.broadcast %add3A_158 : i32 to vector<16xi32>
      %add3A_160 = arith.addi %and3A_157, %add3A_159 : vector<16xi32>
      %add3A_161 = arith.addi %bitcast3A_151, %add3A_160 : vector<16xi32>
      %and3A_162 = arith.constant -65536 : i32
      %and3A_163 = vector.broadcast %and3A_162 : i32 to vector<16xi32>
      %and3A_164 = arith.andi %add3A_161, %and3A_163 : vector<16xi32>
      %bitcast3A_165 = vector.bitcast %and3A_164 : vector<16xi32> to vector<16xf32>
      %swap3A_166 = arith.index_cast %mul3A_105 : i32 to index
      %swap3A_167 = tpu.vector_load %arg8[%swap3A_166] {strides = array<i32>} : memref<16384xf32, #tpu.memory_space<vmem>>, vector<16xf32>,
      tpu.vector_store %arg8[%swap3A_166], %bitcast3A_165 {strides = array<i32>} : memref<16384xf32, #tpu.memory_space<vmem>>, vector<16xf32>,
      %scan3A_168 = arith.constant 0 : i32
      scf.yield %scan3A_168 : i32
    }
    %scan3A_86 = arith.constant 1024 : i32
    %broadcast_in_dim3A_87 = arith.constant 64 : i32
    %broadcast_in_dim3A_88 = vector.broadcast %broadcast_in_dim3A_87 : i32 to vector<16xi32>
    %swap3A = arith.constant 0 : i32
    %swap3A_89 = arith.constant 0 : i32
    %swap3A_90 = arith.index_cast %swap3A_89 : i32 to index
    %swap3A_91 = memref.load %arg14[%swap3A_90] : memref<1xi32, #tpu.memory_space<smem>>
    memref.store %swap3A, %arg14[%swap3A_90] : memref<1xi32, #tpu.memory_space<smem>>
    %barrier3A = arith.constant 0 : index
    tpu.barrier barrier_id(%barrier3A)
    %sc_fetch_and_add3A = arith.constant 1 : i32
    %sc_fetch_and_add3A_92 = arith.constant 0 : i32
    %sc_fetch_and_add3A_93 = tpu.fetch_and_add_sync %arg14[%sc_fetch_and_add3A_92], %sc_fetch_and_add3A, %mul3A_42 : memref<1xi32, #tpu.memory_space<smem>>, i32 -> i32
    %while3A = arith.constant 0 : i32
    %while3A_94:2 = scf.while (%while3A_102 = %sc_fetch_and_add3A_93, %while3A_103 = %while3A) : (i32, i32) -> (i32, i32) {
      %lt3A = arith.constant 64 : i32
      %lt3A_104 = arith.cmpi slt, %while3A_102, %lt3A : i32
      scf.condition(%lt3A_104) %while3A_102, %while3A_103 : i32, i32
    } do {
    ^bb0(%while3A_102: i32, %while3A_103: i32):
      %and3A_104 = arith.constant 1 : i32
      %and3A_105 = arith.andi %while3A_103, %and3A_104 : i32
      %ge3A_106 = arith.constant 2 : i32
      %ge3A_107 = arith.cmpi sge, %while3A_103, %ge3A_106 : i32
      %convert_element_type3A_108 = arith.extui %ge3A_107 : i1 to i32
      %cond3A_109 = arith.constant 0 : i32
      %cond3A_110 = arith.cmpi ne, %convert_element_type3A_108, %cond3A_109 : i32
      scf.if %cond3A_110 {
        %mul3A_975 = arith.constant 1024 : i32
        %mul3A_976 = arith.muli %and3A_105, %mul3A_975 : i32
        %dma_wait3A = tpu.memref_slice %arg13[%mul3A_976] : memref<2048xi32, #tpu.memory_space<vmem>> -> memref<1024xi32, #tpu.memory_space<vmem>>
        %dma_wait3A_977 = arith.constant 0 : i32
        %dma_wait3A_978 = tpu.memref_slice %arg5[%dma_wait3A_977] : memref<262144xi32, #tpu.memory_space<hbm>> -> memref<1024xi32, #tpu.memory_space<hbm>>
        %dma_wait3A_979 = tpu.memref_slice %arg13[%mul3A_976] : memref<2048xi32, #tpu.memory_space<vmem>> -> memref<1024xi32, #tpu.memory_space<vmem>>
        %dma_wait3A_980 = arith.constant 0 : i32
        %dma_wait3A_981 = tpu.memref_slice %arg5[%dma_wait3A_980] : memref<262144xi32, #tpu.memory_space<hbm>> -> memref<1024xi32, #tpu.memory_space<hbm>>
        tpu.wait_dma2 semaphore(%arg15 : memref<!tpu.dma_semaphore, #tpu.memory_space<semaphore_mem>>) src(%dma_wait3A_981 : memref<1024xi32, #tpu.memory_space<hbm>>) dst(%dma_wait3A_979 : memref<1024xi32, #tpu.memory_space<vmem>>)
      } else {
      }
      %mul3A_111 = arith.constant 16 : i32
      %mul3A_112 = arith.muli %while3A_102, %mul3A_111 : i32
      %add3A_113 = arith.constant 0 : i32
      %add3A_114 = arith.addi %add3A_113, %mul3A_112 : i32
      %get3A_115 = arith.index_cast %add3A_114 : i32 to index
      %get3A_116 = tpu.vector_load %arg10[%get3A_115] {strides = array<i32>} : memref<3072xf32, #tpu.memory_space<vmem>>, vector<16xf32>,
      %mul3A_117 = arith.constant 16 : i32
      %mul3A_118 = arith.muli %while3A_102, %mul3A_117 : i32
      %add3A_119 = arith.constant 1024 : i32
      %add3A_120 = arith.addi %add3A_119, %mul3A_118 : i32
      %get3A_121 = arith.index_cast %add3A_120 : i32 to index
      %get3A_122 = tpu.vector_load %arg10[%get3A_121] {strides = array<i32>} : memref<3072xf32, #tpu.memory_space<vmem>>, vector<16xf32>,
      %mul3A_123 = arith.constant 16 : i32
      %mul3A_124 = arith.muli %while3A_102, %mul3A_123 : i32
      %add3A_125 = arith.constant 2048 : i32
      %add3A_126 = arith.addi %add3A_125, %mul3A_124 : i32
      %get3A_127 = arith.index_cast %add3A_126 : i32 to index
      %get3A_128 = tpu.vector_load %arg10[%get3A_127] {strides = array<i32>} : memref<3072xf32, #tpu.memory_space<vmem>>, vector<16xf32>,
      %mul3A_129 = arith.mulf %get3A_116, %get3A_116 : vector<16xf32>
      %mul3A_130 = arith.mulf %get3A_122, %get3A_122 : vector<16xf32>
      %add3A_131 = arith.addf %mul3A_129, %mul3A_130 : vector<16xf32>
      %mul3A_132 = arith.mulf %get3A_128, %get3A_128 : vector<16xf32>
      %add3A_133 = arith.addf %add3A_131, %mul3A_132 : vector<16xf32>
      %bitcast3A = vector.bitcast %get3A_116 : vector<16xf32> to vector<16xi32>
      %shift_right_logical3A = arith.constant 16 : i32
      %shift_right_logical3A_134 = vector.broadcast %shift_right_logical3A : i32 to vector<16xi32>
      %shift_right_logical3A_135 = arith.shrui %bitcast3A, %shift_right_logical3A_134 : vector<16xi32>
      %and3A_136 = arith.constant 1 : i32
      %and3A_137 = vector.broadcast %and3A_136 : i32 to vector<16xi32>
      %and3A_138 = arith.andi %shift_right_logical3A_135, %and3A_137 : vector<16xi32>
      %add3A_139 = arith.constant 32767 : i32
      %add3A_140 = vector.broadcast %add3A_139 : i32 to vector<16xi32>
      %add3A_141 = arith.addi %and3A_138, %add3A_140 : vector<16xi32>
      %add3A_142 = arith.addi %bitcast3A, %add3A_141 : vector<16xi32>
      %and3A_143 = arith.constant -65536 : i32
      %and3A_144 = vector.broadcast %and3A_143 : i32 to vector<16xi32>
      %and3A_145 = arith.andi %add3A_142, %and3A_144 : vector<16xi32>
      %bitcast3A_146 = vector.bitcast %and3A_145 : vector<16xi32> to vector<16xf32>
      %add3A_147 = arith.addf %bitcast3A_146, %bitcast3A_146 : vector<16xf32>
      %bitcast3A_148 = vector.bitcast %get3A_122 : vector<16xf32> to vector<16xi32>
      %shift_right_logical3A_149 = arith.constant 16 : i32
      %shift_right_logical3A_150 = vector.broadcast %shift_right_logical3A_149 : i32 to vector<16xi32>
      %shift_right_logical3A_151 = arith.shrui %bitcast3A_148, %shift_right_logical3A_150 : vector<16xi32>
      %and3A_152 = arith.constant 1 : i32
      %and3A_153 = vector.broadcast %and3A_152 : i32 to vector<16xi32>
      %and3A_154 = arith.andi %shift_right_logical3A_151, %and3A_153 : vector<16xi32>
      %add3A_155 = arith.constant 32767 : i32
      %add3A_156 = vector.broadcast %add3A_155 : i32 to vector<16xi32>
      %add3A_157 = arith.addi %and3A_154, %add3A_156 : vector<16xi32>
      %add3A_158 = arith.addi %bitcast3A_148, %add3A_157 : vector<16xi32>
      %and3A_159 = arith.constant -65536 : i32
      %and3A_160 = vector.broadcast %and3A_159 : i32 to vector<16xi32>
      %and3A_161 = arith.andi %add3A_158, %and3A_160 : vector<16xi32>
      %bitcast3A_162 = vector.bitcast %and3A_161 : vector<16xi32> to vector<16xf32>
      %add3A_163 = arith.addf %bitcast3A_162, %bitcast3A_162 : vector<16xf32>
      %bitcast3A_164 = vector.bitcast %get3A_128 : vector<16xf32> to vector<16xi32>
      %shift_right_logical3A_165 = arith.constant 16 : i32
      %shift_right_logical3A_166 = vector.broadcast %shift_right_logical3A_165 : i32 to vector<16xi32>
      %shift_right_logical3A_167 = arith.shrui %bitcast3A_164, %shift_right_logical3A_166 : vector<16xi32>
      %and3A_168 = arith.constant 1 : i32
      %and3A_169 = vector.broadcast %and3A_168 : i32 to vector<16xi32>
      %and3A_170 = arith.andi %shift_right_logical3A_167, %and3A_169 : vector<16xi32>
      %add3A_171 = arith.constant 32767 : i32
      %add3A_172 = vector.broadcast %add3A_171 : i32 to vector<16xi32>
      %add3A_173 = arith.addi %and3A_170, %add3A_172 : vector<16xi32>
      %add3A_174 = arith.addi %bitcast3A_164, %add3A_173 : vector<16xi32>
      %and3A_175 = arith.constant -65536 : i32
      %and3A_176 = vector.broadcast %and3A_175 : i32 to vector<16xi32>
      %and3A_177 = arith.andi %add3A_174, %and3A_176 : vector<16xi32>
      %bitcast3A_178 = vector.bitcast %and3A_177 : vector<16xi32> to vector<16xf32>
      %add3A_179 = arith.addf %bitcast3A_178, %bitcast3A_178 : vector<16xf32>
      %swap3A_180 = arith.constant 0 : index
      %swap3A_181 = tpu.vector_load %arg12[%swap3A_180] {strides = array<i32>} : memref<1280xi32, #tpu.memory_space<vmem>>, vector<16xi32>,
      tpu.vector_store %arg12[%swap3A_180], %broadcast_in_dim3A_80 {strides = array<i32>} : memref<1280xi32, #tpu.memory_space<vmem>>, vector<16xi32>,
      %swap3A_182 = arith.constant 16 : index
      %swap3A_183 = tpu.vector_load %arg12[%swap3A_182] {strides = array<i32>} : memref<1280xi32, #tpu.memory_space<vmem>>, vector<16xi32>,
      tpu.vector_store %arg12[%swap3A_182], %broadcast_in_dim3A_80 {strides = array<i32>} : memref<1280xi32, #tpu.memory_space<vmem>>, vector<16xi32>,
      %swap3A_184 = arith.constant 32 : index
      %swap3A_185 = tpu.vector_load %arg12[%swap3A_184] {strides = array<i32>} : memref<1280xi32, #tpu.memory_space<vmem>>, vector<16xi32>,
      tpu.vector_store %arg12[%swap3A_184], %broadcast_in_dim3A_80 {strides = array<i32>} : memref<1280xi32, #tpu.memory_space<vmem>>, vector<16xi32>,
      %swap3A_186 = arith.constant 48 : index
      %swap3A_187 = tpu.vector_load %arg12[%swap3A_186] {strides = array<i32>} : memref<1280xi32, #tpu.memory_space<vmem>>, vector<16xi32>,
      tpu.vector_store %arg12[%swap3A_186], %broadcast_in_dim3A_80 {strides = array<i32>} : memref<1280xi32, #tpu.memory_space<vmem>>, vector<16xi32>,
      %swap3A_188 = arith.constant 320 : index
      %swap3A_189 = tpu.vector_load %arg12[%swap3A_188] {strides = array<i32>} : memref<1280xi32, #tpu.memory_space<vmem>>, vector<16xi32>,
      tpu.vector_store %arg12[%swap3A_188], %broadcast_in_dim3A_80 {strides = array<i32>} : memref<1280xi32, #tpu.memory_space<vmem>>, vector<16xi32>,
      %swap3A_190 = arith.constant 336 : index
      %swap3A_191 = tpu.vector_load %arg12[%swap3A_190] {strides = array<i32>} : memref<1280xi32, #tpu.memory_space<vmem>>, vector<16xi32>,
      tpu.vector_store %arg12[%swap3A_190], %broadcast_in_dim3A_80 {strides = array<i32>} : memref<1280xi32, #tpu.memory_space<vmem>>, vector<16xi32>,
      %swap3A_192 = arith.constant 352 : index
      %swap3A_193 = tpu.vector_load %arg12[%swap3A_192] {strides = array<i32>} : memref<1280xi32, #tpu.memory_space<vmem>>, vector<16xi32>,
      tpu.vector_store %arg12[%swap3A_192], %broadcast_in_dim3A_80 {strides = array<i32>} : memref<1280xi32, #tpu.memory_space<vmem>>, vector<16xi32>,
      %swap3A_194 = arith.constant 368 : index
      %swap3A_195 = tpu.vector_load %arg12[%swap3A_194] {strides = array<i32>} : memref<1280xi32, #tpu.memory_space<vmem>>, vector<16xi32>,
      tpu.vector_store %arg12[%swap3A_194], %broadcast_in_dim3A_80 {strides = array<i32>} : memref<1280xi32, #tpu.memory_space<vmem>>, vector<16xi32>,
      %swap3A_196 = arith.constant 640 : index
      %swap3A_197 = tpu.vector_load %arg12[%swap3A_196] {strides = array<i32>} : memref<1280xi32, #tpu.memory_space<vmem>>, vector<16xi32>,
      tpu.vector_store %arg12[%swap3A_196], %broadcast_in_dim3A_80 {strides = array<i32>} : memref<1280xi32, #tpu.memory_space<vmem>>, vector<16xi32>,
      %swap3A_198 = arith.constant 656 : index
      %swap3A_199 = tpu.vector_load %arg12[%swap3A_198] {strides = array<i32>} : memref<1280xi32, #tpu.memory_space<vmem>>, vector<16xi32>,
      tpu.vector_store %arg12[%swap3A_198], %broadcast_in_dim3A_80 {strides = array<i32>} : memref<1280xi32, #tpu.memory_space<vmem>>, vector<16xi32>,
      %swap3A_200 = arith.constant 672 : index
      %swap3A_201 = tpu.vector_load %arg12[%swap3A_200] {strides = array<i32>} : memref<1280xi32, #tpu.memory_space<vmem>>, vector<16xi32>,
      tpu.vector_store %arg12[%swap3A_200], %broadcast_in_dim3A_80 {strides = array<i32>} : memref<1280xi32, #tpu.memory_space<vmem>>, vector<16xi32>,
      %swap3A_202 = arith.constant 688 : index
      %swap3A_203 = tpu.vector_load %arg12[%swap3A_202] {strides = array<i32>} : memref<1280xi32, #tpu.memory_space<vmem>>, vector<16xi32>,
      tpu.vector_store %arg12[%swap3A_202], %broadcast_in_dim3A_80 {strides = array<i32>} : memref<1280xi32, #tpu.memory_space<vmem>>, vector<16xi32>,
      %swap3A_204 = arith.constant 960 : index
      %swap3A_205 = tpu.vector_load %arg12[%swap3A_204] {strides = array<i32>} : memref<1280xi32, #tpu.memory_space<vmem>>, vector<16xi32>,
      tpu.vector_store %arg12[%swap3A_204], %broadcast_in_dim3A_80 {strides = array<i32>} : memref<1280xi32, #tpu.memory_space<vmem>>, vector<16xi32>,
      %swap3A_206 = arith.constant 976 : index
      %swap3A_207 = tpu.vector_load %arg12[%swap3A_206] {strides = array<i32>} : memref<1280xi32, #tpu.memory_space<vmem>>, vector<16xi32>,
      tpu.vector_store %arg12[%swap3A_206], %broadcast_in_dim3A_80 {strides = array<i32>} : memref<1280xi32, #tpu.memory_space<vmem>>, vector<16xi32>,
      %swap3A_208 = arith.constant 992 : index
      %swap3A_209 = tpu.vector_load %arg12[%swap3A_208] {strides = array<i32>} : memref<1280xi32, #tpu.memory_space<vmem>>, vector<16xi32>,
      tpu.vector_store %arg12[%swap3A_208], %broadcast_in_dim3A_80 {strides = array<i32>} : memref<1280xi32, #tpu.memory_space<vmem>>, vector<16xi32>,
      %swap3A_210 = arith.constant 1008 : index
      %swap3A_211 = tpu.vector_load %arg12[%swap3A_210] {strides = array<i32>} : memref<1280xi32, #tpu.memory_space<vmem>>, vector<16xi32>,
      tpu.vector_store %arg12[%swap3A_210], %broadcast_in_dim3A_80 {strides = array<i32>} : memref<1280xi32, #tpu.memory_space<vmem>>, vector<16xi32>,
      %slice3A = vector.extract_strided_slice %add3A_147 {offsets = [0], sizes = [1], strides = [1]} : vector<16xf32> to vector<1xf32>
      %squeeze3A = vector.extract %slice3A[0] : f32 from vector<1xf32>
      %broadcast_in_dim3A_212 = vector.broadcast %squeeze3A : f32 to vector<16xf32>
      %slice3A_213 = vector.extract_strided_slice %add3A_147 {offsets = [4], sizes = [1], strides = [1]} : vector<16xf32> to vector<1xf32>
      %squeeze3A_214 = vector.extract %slice3A_213[0] : f32 from vector<1xf32>
      %broadcast_in_dim3A_215 = vector.broadcast %squeeze3A_214 : f32 to vector<16xf32>
      %slice3A_216 = vector.extract_strided_slice %add3A_147 {offsets = [8], sizes = [1], strides = [1]} : vector<16xf32> to vector<1xf32>
      %squeeze3A_217 = vector.extract %slice3A_216[0] : f32 from vector<1xf32>
      %broadcast_in_dim3A_218 = vector.broadcast %squeeze3A_217 : f32 to vector<16xf32>
      %slice3A_219 = vector.extract_strided_slice %add3A_147 {offsets = [12], sizes = [1], strides = [1]} : vector<16xf32> to vector<1xf32>
      %squeeze3A_220 = vector.extract %slice3A_219[0] : f32 from vector<1xf32>
      %broadcast_in_dim3A_221 = vector.broadcast %squeeze3A_220 : f32 to vector<16xf32>
      %slice3A_222 = vector.extract_strided_slice %add3A_163 {offsets = [0], sizes = [1], strides = [1]} : vector<16xf32> to vector<1xf32>
      %squeeze3A_223 = vector.extract %slice3A_222[0] : f32 from vector<1xf32>
      %broadcast_in_dim3A_224 = vector.broadcast %squeeze3A_223 : f32 to vector<16xf32>
      %slice3A_225 = vector.extract_strided_slice %add3A_163 {offsets = [4], sizes = [1], strides = [1]} : vector<16xf32> to vector<1xf32>
      %squeeze3A_226 = vector.extract %slice3A_225[0] : f32 from vector<1xf32>
      %broadcast_in_dim3A_227 = vector.broadcast %squeeze3A_226 : f32 to vector<16xf32>
      %slice3A_228 = vector.extract_strided_slice %add3A_163 {offsets = [8], sizes = [1], strides = [1]} : vector<16xf32> to vector<1xf32>
      %squeeze3A_229 = vector.extract %slice3A_228[0] : f32 from vector<1xf32>
      %broadcast_in_dim3A_230 = vector.broadcast %squeeze3A_229 : f32 to vector<16xf32>
      %slice3A_231 = vector.extract_strided_slice %add3A_163 {offsets = [12], sizes = [1], strides = [1]} : vector<16xf32> to vector<1xf32>
      %squeeze3A_232 = vector.extract %slice3A_231[0] : f32 from vector<1xf32>
      %broadcast_in_dim3A_233 = vector.broadcast %squeeze3A_232 : f32 to vector<16xf32>
      %slice3A_234 = vector.extract_strided_slice %add3A_179 {offsets = [0], sizes = [1], strides = [1]} : vector<16xf32> to vector<1xf32>
      %squeeze3A_235 = vector.extract %slice3A_234[0] : f32 from vector<1xf32>
      %broadcast_in_dim3A_236 = vector.broadcast %squeeze3A_235 : f32 to vector<16xf32>
      %slice3A_237 = vector.extract_strided_slice %add3A_179 {offsets = [4], sizes = [1], strides = [1]} : vector<16xf32> to vector<1xf32>
      %squeeze3A_238 = vector.extract %slice3A_237[0] : f32 from vector<1xf32>
      %broadcast_in_dim3A_239 = vector.broadcast %squeeze3A_238 : f32 to vector<16xf32>
      %slice3A_240 = vector.extract_strided_slice %add3A_179 {offsets = [8], sizes = [1], strides = [1]} : vector<16xf32> to vector<1xf32>
      %squeeze3A_241 = vector.extract %slice3A_240[0] : f32 from vector<1xf32>
      %broadcast_in_dim3A_242 = vector.broadcast %squeeze3A_241 : f32 to vector<16xf32>
      %slice3A_243 = vector.extract_strided_slice %add3A_179 {offsets = [12], sizes = [1], strides = [1]} : vector<16xf32> to vector<1xf32>
      %squeeze3A_244 = vector.extract %slice3A_243[0] : f32 from vector<1xf32>
      %broadcast_in_dim3A_245 = vector.broadcast %squeeze3A_244 : f32 to vector<16xf32>
      %slice3A_246 = vector.extract_strided_slice %add3A_133 {offsets = [0], sizes = [1], strides = [1]} : vector<16xf32> to vector<1xf32>
      %squeeze3A_247 = vector.extract %slice3A_246[0] : f32 from vector<1xf32>
      %broadcast_in_dim3A_248 = vector.broadcast %squeeze3A_247 : f32 to vector<16xf32>
      %slice3A_249 = vector.extract_strided_slice %add3A_133 {offsets = [4], sizes = [1], strides = [1]} : vector<16xf32> to vector<1xf32>
      %squeeze3A_250 = vector.extract %slice3A_249[0] : f32 from vector<1xf32>
      %broadcast_in_dim3A_251 = vector.broadcast %squeeze3A_250 : f32 to vector<16xf32>
      %slice3A_252 = vector.extract_strided_slice %add3A_133 {offsets = [8], sizes = [1], strides = [1]} : vector<16xf32> to vector<1xf32>
      %squeeze3A_253 = vector.extract %slice3A_252[0] : f32 from vector<1xf32>
      %broadcast_in_dim3A_254 = vector.broadcast %squeeze3A_253 : f32 to vector<16xf32>
      %slice3A_255 = vector.extract_strided_slice %add3A_133 {offsets = [12], sizes = [1], strides = [1]} : vector<16xf32> to vector<1xf32>
      %squeeze3A_256 = vector.extract %slice3A_255[0] : f32 from vector<1xf32>
      %broadcast_in_dim3A_257 = vector.broadcast %squeeze3A_256 : f32 to vector<16xf32>
      %while3A_258 = arith.constant 0 : i32
      %while3A_259 = arith.constant true
      %while3A_260:6 = scf.while (%while3A_975 = %while3A_258, %while3A_976 = %while3A_259, %while3A_977 = %broadcast_in_dim3A_80, %while3A_978 = %broadcast_in_dim3A_80, %while3A_979 = %broadcast_in_dim3A_80, %while3A_980 = %broadcast_in_dim3A_80) : (i32, i1, vector<16xi32>, vector<16xi32>, vector<16xi32>, vector<16xi32>) -> (i32, i1, vector<16xi32>, vector<16xi32>, vector<16xi32>, vector<16xi32>) {
        %lt3A = arith.constant 1024 : i32
        %lt3A_981 = arith.cmpi slt, %while3A_975, %lt3A : i32
        %and3A_982 = arith.andi %lt3A_981, %while3A_976 : i1
        scf.condition(%and3A_982) %while3A_975, %while3A_976, %while3A_977, %while3A_978, %while3A_979, %while3A_980 : i32, i1, vector<16xi32>, vector<16xi32>, vector<16xi32>, vector<16xi32>
      } do {
      ^bb0(%while3A_975: i32, %while3A_976: i1, %while3A_977: vector<16xi32>, %while3A_978: vector<16xi32>, %while3A_979: vector<16xi32>, %while3A_980: vector<16xi32>):
        %slice3A_981 = vector.extract_strided_slice %while3A_977 {offsets = [0], sizes = [1], strides = [1]} : vector<16xi32> to vector<1xi32>
        %squeeze3A_982 = vector.extract %slice3A_981[0] : i32 from vector<1xi32>
        %lt3A = arith.constant 64 : i32
        %lt3A_983 = arith.cmpi slt, %squeeze3A_982, %lt3A : i32
        %slice3A_984 = vector.extract_strided_slice %while3A_978 {offsets = [0], sizes = [1], strides = [1]} : vector<16xi32> to vector<1xi32>
        %squeeze3A_985 = vector.extract %slice3A_984[0] : i32 from vector<1xi32>
        %lt3A_986 = arith.constant 64 : i32
        %lt3A_987 = arith.cmpi slt, %squeeze3A_985, %lt3A_986 : i32
        %or3A = arith.ori %lt3A_983, %lt3A_987 : i1
        %slice3A_988 = vector.extract_strided_slice %while3A_979 {offsets = [0], sizes = [1], strides = [1]} : vector<16xi32> to vector<1xi32>
        %squeeze3A_989 = vector.extract %slice3A_988[0] : i32 from vector<1xi32>
        %lt3A_990 = arith.constant 64 : i32
        %lt3A_991 = arith.cmpi slt, %squeeze3A_989, %lt3A_990 : i32
        %or3A_992 = arith.ori %or3A, %lt3A_991 : i1
        %slice3A_993 = vector.extract_strided_slice %while3A_980 {offsets = [0], sizes = [1], strides = [1]} : vector<16xi32> to vector<1xi32>
        %squeeze3A_994 = vector.extract %slice3A_993[0] : i32 from vector<1xi32>
        %lt3A_995 = arith.constant 64 : i32
        %lt3A_996 = arith.cmpi slt, %squeeze3A_994, %lt3A_995 : i32
        %or3A_997 = arith.ori %or3A_992, %lt3A_996 : i1
        %add3A_998 = arith.constant 0 : i32
        %add3A_999 = arith.addi %while3A_975, %add3A_998 : i32
        %mul3A_1000 = arith.constant 16 : i32
        %mul3A_1001 = arith.muli %add3A_999, %mul3A_1000 : i32
        %get3A_1002 = arith.index_cast %mul3A_1001 : i32 to index
        %get3A_1003 = tpu.vector_load %arg6[%get3A_1002] {strides = array<i32>} : memref<16384xf32, #tpu.memory_space<vmem>>, vector<16xf32>,
        %get3A_1004 = arith.index_cast %mul3A_1001 : i32 to index
        %get3A_1005 = tpu.vector_load %arg7[%get3A_1004] {strides = array<i32>} : memref<16384xf32, #tpu.memory_space<vmem>>, vector<16xf32>,
        %get3A_1006 = arith.index_cast %mul3A_1001 : i32 to index
        %get3A_1007 = tpu.vector_load %arg8[%get3A_1006] {strides = array<i32>} : memref<16384xf32, #tpu.memory_space<vmem>>, vector<16xf32>,
        %get3A_1008 = arith.index_cast %mul3A_1001 : i32 to index
        %get3A_1009 = tpu.vector_load %arg9[%get3A_1008] {strides = array<i32>} : memref<16384xf32, #tpu.memory_space<vmem>>, vector<16xf32>,
        %add3A_1010 = vector.broadcast %mul3A_1001 : i32 to vector<16xi32>
        %add3A_1011 = arith.addi %iota3A, %add3A_1010 : vector<16xi32>
        %mul3A_1012 = arith.mulf %broadcast_in_dim3A_212, %get3A_1003 : vector<16xf32>
        %mul3A_1013 = arith.mulf %broadcast_in_dim3A_224, %get3A_1005 : vector<16xf32>
        %add3A_1014 = arith.addf %mul3A_1012, %mul3A_1013 : vector<16xf32>
        %mul3A_1015 = arith.mulf %broadcast_in_dim3A_236, %get3A_1007 : vector<16xf32>
        %add3A_1016 = arith.addf %add3A_1014, %mul3A_1015 : vector<16xf32>
        %add3A_1017 = arith.addf %broadcast_in_dim3A_248, %get3A_1009 : vector<16xf32>
        %sub3A_1018 = arith.subf %add3A_1017, %add3A_1016 : vector<16xf32>
        %lt3A_1019 = arith.cmpf olt, %sub3A_1018, %get3A_79 : vector<16xf32>
        %slice3A_1020 = vector.extract_strided_slice %while3A_977 {offsets = [0], sizes = [1], strides = [1]} : vector<16xi32> to vector<1xi32>
        %squeeze3A_1021 = vector.extract %slice3A_1020[0] : i32 from vector<1xi32>
        %all_reduce_population_count3A = tpu.all_reduce %lt3A_1019 {dim = 0 : i64, kind = #tpu.reduction_kind<sum>} : vector<16xi1> -> vector<16xi32>
        %add3A_1022 = arith.addi %while3A_977, %all_reduce_population_count3A : vector<16xi32>
        %min3A = arith.minsi %add3A_1022, %broadcast_in_dim3A_88 : vector<16xi32>
        %mul3A_1023 = arith.mulf %broadcast_in_dim3A_215, %get3A_1003 : vector<16xf32>
        %mul3A_1024 = arith.mulf %broadcast_in_dim3A_227, %get3A_1005 : vector<16xf32>
        %add3A_1025 = arith.addf %mul3A_1023, %mul3A_1024 : vector<16xf32>
        %mul3A_1026 = arith.mulf %broadcast_in_dim3A_239, %get3A_1007 : vector<16xf32>
        %add3A_1027 = arith.addf %add3A_1025, %mul3A_1026 : vector<16xf32>
        %add3A_1028 = arith.addf %broadcast_in_dim3A_251, %get3A_1009 : vector<16xf32>
        %sub3A_1029 = arith.subf %add3A_1028, %add3A_1027 : vector<16xf32>
        %lt3A_1030 = arith.cmpf olt, %sub3A_1029, %get3A_79 : vector<16xf32>
        %slice3A_1031 = vector.extract_strided_slice %while3A_978 {offsets = [0], sizes = [1], strides = [1]} : vector<16xi32> to vector<1xi32>
        %squeeze3A_1032 = vector.extract %slice3A_1031[0] : i32 from vector<1xi32>
        %all_reduce_population_count3A_1033 = tpu.all_reduce %lt3A_1030 {dim = 0 : i64, kind = #tpu.reduction_kind<sum>} : vector<16xi1> -> vector<16xi32>
        %add3A_1034 = arith.addi %while3A_978, %all_reduce_population_count3A_1033 : vector<16xi32>
        %min3A_1035 = arith.minsi %add3A_1034, %broadcast_in_dim3A_88 : vector<16xi32>
        %mul3A_1036 = arith.mulf %broadcast_in_dim3A_218, %get3A_1003 : vector<16xf32>
        %mul3A_1037 = arith.mulf %broadcast_in_dim3A_230, %get3A_1005 : vector<16xf32>
        %add3A_1038 = arith.addf %mul3A_1036, %mul3A_1037 : vector<16xf32>
        %mul3A_1039 = arith.mulf %broadcast_in_dim3A_242, %get3A_1007 : vector<16xf32>
        %add3A_1040 = arith.addf %add3A_1038, %mul3A_1039 : vector<16xf32>
        %add3A_1041 = arith.addf %broadcast_in_dim3A_254, %get3A_1009 : vector<16xf32>
        %sub3A_1042 = arith.subf %add3A_1041, %add3A_1040 : vector<16xf32>
        %lt3A_1043 = arith.cmpf olt, %sub3A_1042, %get3A_79 : vector<16xf32>
        %slice3A_1044 = vector.extract_strided_slice %while3A_979 {offsets = [0], sizes = [1], strides = [1]} : vector<16xi32> to vector<1xi32>
        %squeeze3A_1045 = vector.extract %slice3A_1044[0] : i32 from vector<1xi32>
        %all_reduce_population_count3A_1046 = tpu.all_reduce %lt3A_1043 {dim = 0 : i64, kind = #tpu.reduction_kind<sum>} : vector<16xi1> -> vector<16xi32>
        %add3A_1047 = arith.addi %while3A_979, %all_reduce_population_count3A_1046 : vector<16xi32>
        %min3A_1048 = arith.minsi %add3A_1047, %broadcast_in_dim3A_88 : vector<16xi32>
        %mul3A_1049 = arith.mulf %broadcast_in_dim3A_221, %get3A_1003 : vector<16xf32>
        %mul3A_1050 = arith.mulf %broadcast_in_dim3A_233, %get3A_1005 : vector<16xf32>
        %add3A_1051 = arith.addf %mul3A_1049, %mul3A_1050 : vector<16xf32>
        %mul3A_1052 = arith.mulf %broadcast_in_dim3A_245, %get3A_1007 : vector<16xf32>
        %add3A_1053 = arith.addf %add3A_1051, %mul3A_1052 : vector<16xf32>
        %add3A_1054 = arith.addf %broadcast_in_dim3A_257, %get3A_1009 : vector<16xf32>
        %sub3A_1055 = arith.subf %add3A_1054, %add3A_1053 : vector<16xf32>
        %lt3A_1056 = arith.cmpf olt, %sub3A_1055, %get3A_79 : vector<16xf32>
        %slice3A_1057 = vector.extract_strided_slice %while3A_980 {offsets = [0], sizes = [1], strides = [1]} : vector<16xi32> to vector<1xi32>
        %squeeze3A_1058 = vector.extract %slice3A_1057[0] : i32 from vector<1xi32>
        %all_reduce_population_count3A_1059 = tpu.all_reduce %lt3A_1056 {dim = 0 : i64, kind = #tpu.reduction_kind<sum>} : vector<16xi1> -> vector<16xi32>
        %add3A_1060 = arith.addi %while3A_980, %all_reduce_population_count3A_1059 : vector<16xi32>
        %min3A_1061 = arith.minsi %add3A_1060, %broadcast_in_dim3A_88 : vector<16xi32>
        %add3A_1062 = arith.constant 1 : i32
        %add3A_1063 = arith.addi %while3A_975, %add3A_1062 : i32
        %mul3A_1064 = arith.constant 16 : i32
        %mul3A_1065 = arith.muli %add3A_1063, %mul3A_1064 : i32
        %get3A_1066 = arith.index_cast %mul3A_1065 : i32 to index
        %get3A_1067 = tpu.vector_load %arg6[%get3A_1066] {strides = array<i32>} : memref<16384xf32, #tpu.memory_space<vmem>>, vector<16xf32>,
        %get3A_1068 = arith.index_cast %mul3A_1065 : i32 to index
        %get3A_1069 = tpu.vector_load %arg7[%get3A_1068] {strides = array<i32>} : memref<16384xf32, #tpu.memory_space<vmem>>, vector<16xf32>,
        %get3A_1070 = arith.index_cast %mul3A_1065 : i32 to index
        %get3A_1071 = tpu.vector_load %arg8[%get3A_1070] {strides = array<i32>} : memref<16384xf32, #tpu.memory_space<vmem>>, vector<16xf32>,
        %get3A_1072 = arith.index_cast %mul3A_1065 : i32 to index
        %get3A_1073 = tpu.vector_load %arg9[%get3A_1072] {strides = array<i32>} : memref<16384xf32, #tpu.memory_space<vmem>>, vector<16xf32>,
        %add3A_1074 = vector.broadcast %mul3A_1065 : i32 to vector<16xi32>
        %add3A_1075 = arith.addi %iota3A, %add3A_1074 : vector<16xi32>
        %mul3A_1076 = arith.mulf %broadcast_in_dim3A_212, %get3A_1067 : vector<16xf32>
        %mul3A_1077 = arith.mulf %broadcast_in_dim3A_224, %get3A_1069 : vector<16xf32>
        %add3A_1078 = arith.addf %mul3A_1076, %mul3A_1077 : vector<16xf32>
        %mul3A_1079 = arith.mulf %broadcast_in_dim3A_236, %get3A_1071 : vector<16xf32>
        %add3A_1080 = arith.addf %add3A_1078, %mul3A_1079 : vector<16xf32>
        %add3A_1081 = arith.addf %broadcast_in_dim3A_248, %get3A_1073 : vector<16xf32>
        %sub3A_1082 = arith.subf %add3A_1081, %add3A_1080 : vector<16xf32>
        %lt3A_1083 = arith.cmpf olt, %sub3A_1082, %get3A_79 : vector<16xf32>
        %slice3A_1084 = vector.extract_strided_slice %min3A {offsets = [0], sizes = [1], strides = [1]} : vector<16xi32> to vector<1xi32>
        %squeeze3A_1085 = vector.extract %slice3A_1084[0] : i32 from vector<1xi32>
        %all_reduce_population_count3A_1086 = tpu.all_reduce %lt3A_1083 {dim = 0 : i64, kind = #tpu.reduction_kind<sum>} : vector<16xi1> -> vector<16xi32>
        %add3A_1087 = arith.addi %min3A, %all_reduce_population_count3A_1086 : vector<16xi32>
        %min3A_1088 = arith.minsi %add3A_1087, %broadcast_in_dim3A_88 : vector<16xi32>
        %mul3A_1089 = arith.mulf %broadcast_in_dim3A_215, %get3A_1067 : vector<16xf32>
        %mul3A_1090 = arith.mulf %broadcast_in_dim3A_227, %get3A_1069 : vector<16xf32>
        %add3A_1091 = arith.addf %mul3A_1089, %mul3A_1090 : vector<16xf32>
        %mul3A_1092 = arith.mulf %broadcast_in_dim3A_239, %get3A_1071 : vector<16xf32>
        %add3A_1093 = arith.addf %add3A_1091, %mul3A_1092 : vector<16xf32>
        %add3A_1094 = arith.addf %broadcast_in_dim3A_251, %get3A_1073 : vector<16xf32>
        %sub3A_1095 = arith.subf %add3A_1094, %add3A_1093 : vector<16xf32>
        %lt3A_1096 = arith.cmpf olt, %sub3A_1095, %get3A_79 : vector<16xf32>
        %slice3A_1097 = vector.extract_strided_slice %min3A_1035 {offsets = [0], sizes = [1], strides = [1]} : vector<16xi32> to vector<1xi32>
        %squeeze3A_1098 = vector.extract %slice3A_1097[0] : i32 from vector<1xi32>
        %all_reduce_population_count3A_1099 = tpu.all_reduce %lt3A_1096 {dim = 0 : i64, kind = #tpu.reduction_kind<sum>} : vector<16xi1> -> vector<16xi32>
        %add3A_1100 = arith.addi %min3A_1035, %all_reduce_population_count3A_1099 : vector<16xi32>
        %min3A_1101 = arith.minsi %add3A_1100, %broadcast_in_dim3A_88 : vector<16xi32>
        %mul3A_1102 = arith.mulf %broadcast_in_dim3A_218, %get3A_1067 : vector<16xf32>
        %mul3A_1103 = arith.mulf %broadcast_in_dim3A_230, %get3A_1069 : vector<16xf32>
        %add3A_1104 = arith.addf %mul3A_1102, %mul3A_1103 : vector<16xf32>
        %mul3A_1105 = arith.mulf %broadcast_in_dim3A_242, %get3A_1071 : vector<16xf32>
        %add3A_1106 = arith.addf %add3A_1104, %mul3A_1105 : vector<16xf32>
        %add3A_1107 = arith.addf %broadcast_in_dim3A_254, %get3A_1073 : vector<16xf32>
        %sub3A_1108 = arith.subf %add3A_1107, %add3A_1106 : vector<16xf32>
        %lt3A_1109 = arith.cmpf olt, %sub3A_1108, %get3A_79 : vector<16xf32>
        %slice3A_1110 = vector.extract_strided_slice %min3A_1048 {offsets = [0], sizes = [1], strides = [1]} : vector<16xi32> to vector<1xi32>
        %squeeze3A_1111 = vector.extract %slice3A_1110[0] : i32 from vector<1xi32>
        %all_reduce_population_count3A_1112 = tpu.all_reduce %lt3A_1109 {dim = 0 : i64, kind = #tpu.reduction_kind<sum>} : vector<16xi1> -> vector<16xi32>
        %add3A_1113 = arith.addi %min3A_1048, %all_reduce_population_count3A_1112 : vector<16xi32>
        %min3A_1114 = arith.minsi %add3A_1113, %broadcast_in_dim3A_88 : vector<16xi32>
        %mul3A_1115 = arith.mulf %broadcast_in_dim3A_221, %get3A_1067 : vector<16xf32>
        %mul3A_1116 = arith.mulf %broadcast_in_dim3A_233, %get3A_1069 : vector<16xf32>
        %add3A_1117 = arith.addf %mul3A_1115, %mul3A_1116 : vector<16xf32>
        %mul3A_1118 = arith.mulf %broadcast_in_dim3A_245, %get3A_1071 : vector<16xf32>
        %add3A_1119 = arith.addf %add3A_1117, %mul3A_1118 : vector<16xf32>
        %add3A_1120 = arith.addf %broadcast_in_dim3A_257, %get3A_1073 : vector<16xf32>
        %sub3A_1121 = arith.subf %add3A_1120, %add3A_1119 : vector<16xf32>
        %lt3A_1122 = arith.cmpf olt, %sub3A_1121, %get3A_79 : vector<16xf32>
        %slice3A_1123 = vector.extract_strided_slice %min3A_1061 {offsets = [0], sizes = [1], strides = [1]} : vector<16xi32> to vector<1xi32>
        %squeeze3A_1124 = vector.extract %slice3A_1123[0] : i32 from vector<1xi32>
        %all_reduce_population_count3A_1125 = tpu.all_reduce %lt3A_1122 {dim = 0 : i64, kind = #tpu.reduction_kind<sum>} : vector<16xi1> -> vector<16xi32>
        %add3A_1126 = arith.addi %min3A_1061, %all_reduce_population_count3A_1125 : vector<16xi32>
        %min3A_1127 = arith.minsi %add3A_1126, %broadcast_in_dim3A_88 : vector<16xi32>
        %add3A_1128 = arith.constant 2 : i32
        %add3A_1129 = arith.addi %while3A_975, %add3A_1128 : i32
        %mul3A_1130 = arith.constant 16 : i32
        %mul3A_1131 = arith.muli %add3A_1129, %mul3A_1130 : i32
        %get3A_1132 = arith.index_cast %mul3A_1131 : i32 to index
        %get3A_1133 = tpu.vector_load %arg6[%get3A_1132] {strides = array<i32>} : memref<16384xf32, #tpu.memory_space<vmem>>, vector<16xf32>,
        %get3A_1134 = arith.index_cast %mul3A_1131 : i32 to index
        %get3A_1135 = tpu.vector_load %arg7[%get3A_1134] {strides = array<i32>} : memref<16384xf32, #tpu.memory_space<vmem>>, vector<16xf32>,
        %get3A_1136 = arith.index_cast %mul3A_1131 : i32 to index
        %get3A_1137 = tpu.vector_load %arg8[%get3A_1136] {strides = array<i32>} : memref<16384xf32, #tpu.memory_space<vmem>>, vector<16xf32>,
        %get3A_1138 = arith.index_cast %mul3A_1131 : i32 to index
        %get3A_1139 = tpu.vector_load %arg9[%get3A_1138] {strides = array<i32>} : memref<16384xf32, #tpu.memory_space<vmem>>, vector<16xf32>,
        %add3A_1140 = vector.broadcast %mul3A_1131 : i32 to vector<16xi32>
        %add3A_1141 = arith.addi %iota3A, %add3A_1140 : vector<16xi32>
        %mul3A_1142 = arith.mulf %broadcast_in_dim3A_212, %get3A_1133 : vector<16xf32>
        %mul3A_1143 = arith.mulf %broadcast_in_dim3A_224, %get3A_1135 : vector<16xf32>
        %add3A_1144 = arith.addf %mul3A_1142, %mul3A_1143 : vector<16xf32>
        %mul3A_1145 = arith.mulf %broadcast_in_dim3A_236, %get3A_1137 : vector<16xf32>
        %add3A_1146 = arith.addf %add3A_1144, %mul3A_1145 : vector<16xf32>
        %add3A_1147 = arith.addf %broadcast_in_dim3A_248, %get3A_1139 : vector<16xf32>
        %sub3A_1148 = arith.subf %add3A_1147, %add3A_1146 : vector<16xf32>
        %lt3A_1149 = arith.cmpf olt, %sub3A_1148, %get3A_79 : vector<16xf32>
        %slice3A_1150 = vector.extract_strided_slice %min3A_1088 {offsets = [0], sizes = [1], strides = [1]} : vector<16xi32> to vector<1xi32>
        %squeeze3A_1151 = vector.extract %slice3A_1150[0] : i32 from vector<1xi32>
        %all_reduce_population_count3A_1152 = tpu.all_reduce %lt3A_1149 {dim = 0 : i64, kind = #tpu.reduction_kind<sum>} : vector<16xi1> -> vector<16xi32>
        %add3A_1153 = arith.addi %min3A_1088, %all_reduce_population_count3A_1152 : vector<16xi32>
        %min3A_1154 = arith.minsi %add3A_1153, %broadcast_in_dim3A_88 : vector<16xi32>
        %mul3A_1155 = arith.mulf %broadcast_in_dim3A_215, %get3A_1133 : vector<16xf32>
        %mul3A_1156 = arith.mulf %broadcast_in_dim3A_227, %get3A_1135 : vector<16xf32>
        %add3A_1157 = arith.addf %mul3A_1155, %mul3A_1156 : vector<16xf32>
        %mul3A_1158 = arith.mulf %broadcast_in_dim3A_239, %get3A_1137 : vector<16xf32>
        %add3A_1159 = arith.addf %add3A_1157, %mul3A_1158 : vector<16xf32>
        %add3A_1160 = arith.addf %broadcast_in_dim3A_251, %get3A_1139 : vector<16xf32>
        %sub3A_1161 = arith.subf %add3A_1160, %add3A_1159 : vector<16xf32>
        %lt3A_1162 = arith.cmpf olt, %sub3A_1161, %get3A_79 : vector<16xf32>
        %slice3A_1163 = vector.extract_strided_slice %min3A_1101 {offsets = [0], sizes = [1], strides = [1]} : vector<16xi32> to vector<1xi32>
        %squeeze3A_1164 = vector.extract %slice3A_1163[0] : i32 from vector<1xi32>
        %all_reduce_population_count3A_1165 = tpu.all_reduce %lt3A_1162 {dim = 0 : i64, kind = #tpu.reduction_kind<sum>} : vector<16xi1> -> vector<16xi32>
        %add3A_1166 = arith.addi %min3A_1101, %all_reduce_population_count3A_1165 : vector<16xi32>
        %min3A_1167 = arith.minsi %add3A_1166, %broadcast_in_dim3A_88 : vector<16xi32>
        %mul3A_1168 = arith.mulf %broadcast_in_dim3A_218, %get3A_1133 : vector<16xf32>
        %mul3A_1169 = arith.mulf %broadcast_in_dim3A_230, %get3A_1135 : vector<16xf32>
        %add3A_1170 = arith.addf %mul3A_1168, %mul3A_1169 : vector<16xf32>
        %mul3A_1171 = arith.mulf %broadcast_in_dim3A_242, %get3A_1137 : vector<16xf32>
        %add3A_1172 = arith.addf %add3A_1170, %mul3A_1171 : vector<16xf32>
        %add3A_1173 = arith.addf %broadcast_in_dim3A_254, %get3A_1139 : vector<16xf32>
        %sub3A_1174 = arith.subf %add3A_1173, %add3A_1172 : vector<16xf32>
        %lt3A_1175 = arith.cmpf olt, %sub3A_1174, %get3A_79 : vector<16xf32>
        %slice3A_1176 = vector.extract_strided_slice %min3A_1114 {offsets = [0], sizes = [1], strides = [1]} : vector<16xi32> to vector<1xi32>
        %squeeze3A_1177 = vector.extract %slice3A_1176[0] : i32 from vector<1xi32>
        %all_reduce_population_count3A_1178 = tpu.all_reduce %lt3A_1175 {dim = 0 : i64, kind = #tpu.reduction_kind<sum>} : vector<16xi1> -> vector<16xi32>
        %add3A_1179 = arith.addi %min3A_1114, %all_reduce_population_count3A_1178 : vector<16xi32>
        %min3A_1180 = arith.minsi %add3A_1179, %broadcast_in_dim3A_88 : vector<16xi32>
        %mul3A_1181 = arith.mulf %broadcast_in_dim3A_221, %get3A_1133 : vector<16xf32>
        %mul3A_1182 = arith.mulf %broadcast_in_dim3A_233, %get3A_1135 : vector<16xf32>
        %add3A_1183 = arith.addf %mul3A_1181, %mul3A_1182 : vector<16xf32>
        %mul3A_1184 = arith.mulf %broadcast_in_dim3A_245, %get3A_1137 : vector<16xf32>
        %add3A_1185 = arith.addf %add3A_1183, %mul3A_1184 : vector<16xf32>
        %add3A_1186 = arith.addf %broadcast_in_dim3A_257, %get3A_1139 : vector<16xf32>
        %sub3A_1187 = arith.subf %add3A_1186, %add3A_1185 : vector<16xf32>
        %lt3A_1188 = arith.cmpf olt, %sub3A_1187, %get3A_79 : vector<16xf32>
        %slice3A_1189 = vector.extract_strided_slice %min3A_1127 {offsets = [0], sizes = [1], strides = [1]} : vector<16xi32> to vector<1xi32>
        %squeeze3A_1190 = vector.extract %slice3A_1189[0] : i32 from vector<1xi32>
        %all_reduce_population_count3A_1191 = tpu.all_reduce %lt3A_1188 {dim = 0 : i64, kind = #tpu.reduction_kind<sum>} : vector<16xi1> -> vector<16xi32>
        %add3A_1192 = arith.addi %min3A_1127, %all_reduce_population_count3A_1191 : vector<16xi32>
        %min3A_1193 = arith.minsi %add3A_1192, %broadcast_in_dim3A_88 : vector<16xi32>
        %add3A_1194 = arith.constant 3 : i32
        %add3A_1195 = arith.addi %while3A_975, %add3A_1194 : i32
        %mul3A_1196 = arith.constant 16 : i32
        %mul3A_1197 = arith.muli %add3A_1195, %mul3A_1196 : i32
        %get3A_1198 = arith.index_cast %mul3A_1197 : i32 to index
        %get3A_1199 = tpu.vector_load %arg6[%get3A_1198] {strides = array<i32>} : memref<16384xf32, #tpu.memory_space<vmem>>, vector<16xf32>,
        %get3A_1200 = arith.index_cast %mul3A_1197 : i32 to index
        %get3A_1201 = tpu.vector_load %arg7[%get3A_1200] {strides = array<i32>} : memref<16384xf32, #tpu.memory_space<vmem>>, vector<16xf32>,
        %get3A_1202 = arith.index_cast %mul3A_1197 : i32 to index
        %get3A_1203 = tpu.vector_load %arg8[%get3A_1202] {strides = array<i32>} : memref<16384xf32, #tpu.memory_space<vmem>>, vector<16xf32>,
        %get3A_1204 = arith.index_cast %mul3A_1197 : i32 to index
        %get3A_1205 = tpu.vector_load %arg9[%get3A_1204] {strides = array<i32>} : memref<16384xf32, #tpu.memory_space<vmem>>, vector<16xf32>,
        %add3A_1206 = vector.broadcast %mul3A_1197 : i32 to vector<16xi32>
        %add3A_1207 = arith.addi %iota3A, %add3A_1206 : vector<16xi32>
        %mul3A_1208 = arith.mulf %broadcast_in_dim3A_212, %get3A_1199 : vector<16xf32>
        %mul3A_1209 = arith.mulf %broadcast_in_dim3A_224, %get3A_1201 : vector<16xf32>
        %add3A_1210 = arith.addf %mul3A_1208, %mul3A_1209 : vector<16xf32>
        %mul3A_1211 = arith.mulf %broadcast_in_dim3A_236, %get3A_1203 : vector<16xf32>
        %add3A_1212 = arith.addf %add3A_1210, %mul3A_1211 : vector<16xf32>
        %add3A_1213 = arith.addf %broadcast_in_dim3A_248, %get3A_1205 : vector<16xf32>
        %sub3A_1214 = arith.subf %add3A_1213, %add3A_1212 : vector<16xf32>
        %lt3A_1215 = arith.cmpf olt, %sub3A_1214, %get3A_79 : vector<16xf32>
        %slice3A_1216 = vector.extract_strided_slice %min3A_1154 {offsets = [0], sizes = [1], strides = [1]} : vector<16xi32> to vector<1xi32>
        %squeeze3A_1217 = vector.extract %slice3A_1216[0] : i32 from vector<1xi32>
        %all_reduce_population_count3A_1218 = tpu.all_reduce %lt3A_1215 {dim = 0 : i64, kind = #tpu.reduction_kind<sum>} : vector<16xi1> -> vector<16xi32>
        %add3A_1219 = arith.addi %min3A_1154, %all_reduce_population_count3A_1218 : vector<16xi32>
        %min3A_1220 = arith.minsi %add3A_1219, %broadcast_in_dim3A_88 : vector<16xi32>
        %mul3A_1221 = arith.mulf %broadcast_in_dim3A_215, %get3A_1199 : vector<16xf32>
        %mul3A_1222 = arith.mulf %broadcast_in_dim3A_227, %get3A_1201 : vector<16xf32>
        %add3A_1223 = arith.addf %mul3A_1221, %mul3A_1222 : vector<16xf32>
        %mul3A_1224 = arith.mulf %broadcast_in_dim3A_239, %get3A_1203 : vector<16xf32>
        %add3A_1225 = arith.addf %add3A_1223, %mul3A_1224 : vector<16xf32>
        %add3A_1226 = arith.addf %broadcast_in_dim3A_251, %get3A_1205 : vector<16xf32>
        %sub3A_1227 = arith.subf %add3A_1226, %add3A_1225 : vector<16xf32>
        %lt3A_1228 = arith.cmpf olt, %sub3A_1227, %get3A_79 : vector<16xf32>
        %slice3A_1229 = vector.extract_strided_slice %min3A_1167 {offsets = [0], sizes = [1], strides = [1]} : vector<16xi32> to vector<1xi32>
        %squeeze3A_1230 = vector.extract %slice3A_1229[0] : i32 from vector<1xi32>
        %all_reduce_population_count3A_1231 = tpu.all_reduce %lt3A_1228 {dim = 0 : i64, kind = #tpu.reduction_kind<sum>} : vector<16xi1> -> vector<16xi32>
        %add3A_1232 = arith.addi %min3A_1167, %all_reduce_population_count3A_1231 : vector<16xi32>
        %min3A_1233 = arith.minsi %add3A_1232, %broadcast_in_dim3A_88 : vector<16xi32>
        %mul3A_1234 = arith.mulf %broadcast_in_dim3A_218, %get3A_1199 : vector<16xf32>
        %mul3A_1235 = arith.mulf %broadcast_in_dim3A_230, %get3A_1201 : vector<16xf32>
        %add3A_1236 = arith.addf %mul3A_1234, %mul3A_1235 : vector<16xf32>
        %mul3A_1237 = arith.mulf %broadcast_in_dim3A_242, %get3A_1203 : vector<16xf32>
        %add3A_1238 = arith.addf %add3A_1236, %mul3A_1237 : vector<16xf32>
        %add3A_1239 = arith.addf %broadcast_in_dim3A_254, %get3A_1205 : vector<16xf32>
        %sub3A_1240 = arith.subf %add3A_1239, %add3A_1238 : vector<16xf32>
        %lt3A_1241 = arith.cmpf olt, %sub3A_1240, %get3A_79 : vector<16xf32>
        %slice3A_1242 = vector.extract_strided_slice %min3A_1180 {offsets = [0], sizes = [1], strides = [1]} : vector<16xi32> to vector<1xi32>
        %squeeze3A_1243 = vector.extract %slice3A_1242[0] : i32 from vector<1xi32>
        %all_reduce_population_count3A_1244 = tpu.all_reduce %lt3A_1241 {dim = 0 : i64, kind = #tpu.reduction_kind<sum>} : vector<16xi1> -> vector<16xi32>
        %add3A_1245 = arith.addi %min3A_1180, %all_reduce_population_count3A_1244 : vector<16xi32>
        %min3A_1246 = arith.minsi %add3A_1245, %broadcast_in_dim3A_88 : vector<16xi32>
        %mul3A_1247 = arith.mulf %broadcast_in_dim3A_221, %get3A_1199 : vector<16xf32>
        %mul3A_1248 = arith.mulf %broadcast_in_dim3A_233, %get3A_1201 : vector<16xf32>
        %add3A_1249 = arith.addf %mul3A_1247, %mul3A_1248 : vector<16xf32>
        %mul3A_1250 = arith.mulf %broadcast_in_dim3A_245, %get3A_1203 : vector<16xf32>
        %add3A_1251 = arith.addf %add3A_1249, %mul3A_1250 : vector<16xf32>
        %add3A_1252 = arith.addf %broadcast_in_dim3A_257, %get3A_1205 : vector<16xf32>
        %sub3A_1253 = arith.subf %add3A_1252, %add3A_1251 : vector<16xf32>
        %lt3A_1254 = arith.cmpf olt, %sub3A_1253, %get3A_79 : vector<16xf32>
        %slice3A_1255 = vector.extract_strided_slice %min3A_1193 {offsets = [0], sizes = [1], strides = [1]} : vector<16xi32> to vector<1xi32>
        %squeeze3A_1256 = vector.extract %slice3A_1255[0] : i32 from vector<1xi32>
        %all_reduce_population_count3A_1257 = tpu.all_reduce %lt3A_1254 {dim = 0 : i64, kind = #tpu.reduction_kind<sum>} : vector<16xi1> -> vector<16xi32>
        %add3A_1258 = arith.addi %min3A_1193, %all_reduce_population_count3A_1257 : vector<16xi32>
        %min3A_1259 = arith.minsi %add3A_1258, %broadcast_in_dim3A_88 : vector<16xi32>
        %add3A_1260 = arith.constant 0 : i32
        %add3A_1261 = arith.addi %add3A_1260, %squeeze3A_1021 : i32
        %swap3A_1262 = arith.index_cast %add3A_1261 : i32 to index
        %swap3A_1263 = tpu.vector_load %arg12[%swap3A_1262] masked %lt3A_1019 {strides = array<i32>} : memref<1280xi32, #tpu.memory_space<vmem>>, vector<16xi32>, vector<16xi1>
        tpu.vector_store %arg12[%swap3A_1262], %add3A_1011 masked %lt3A_1019 {strides = array<i32>} : memref<1280xi32, #tpu.memory_space<vmem>>, vector<16xi32>, vector<16xi1>
        %add3A_1264 = arith.constant 320 : i32
        %add3A_1265 = arith.addi %add3A_1264, %squeeze3A_1032 : i32
        %swap3A_1266 = arith.index_cast %add3A_1265 : i32 to index
        %swap3A_1267 = tpu.vector_load %arg12[%swap3A_1266] masked %lt3A_1030 {strides = array<i32>} : memref<1280xi32, #tpu.memory_space<vmem>>, vector<16xi32>, vector<16xi1>
        tpu.vector_store %arg12[%swap3A_1266], %add3A_1011 masked %lt3A_1030 {strides = array<i32>} : memref<1280xi32, #tpu.memory_space<vmem>>, vector<16xi32>, vector<16xi1>
        %add3A_1268 = arith.constant 640 : i32
        %add3A_1269 = arith.addi %add3A_1268, %squeeze3A_1045 : i32
        %swap3A_1270 = arith.index_cast %add3A_1269 : i32 to index
        %swap3A_1271 = tpu.vector_load %arg12[%swap3A_1270] masked %lt3A_1043 {strides = array<i32>} : memref<1280xi32, #tpu.memory_space<vmem>>, vector<16xi32>, vector<16xi1>
        tpu.vector_store %arg12[%swap3A_1270], %add3A_1011 masked %lt3A_1043 {strides = array<i32>} : memref<1280xi32, #tpu.memory_space<vmem>>, vector<16xi32>, vector<16xi1>
        %add3A_1272 = arith.constant 960 : i32
        %add3A_1273 = arith.addi %add3A_1272, %squeeze3A_1058 : i32
        %swap3A_1274 = arith.index_cast %add3A_1273 : i32 to index
        %swap3A_1275 = tpu.vector_load %arg12[%swap3A_1274] masked %lt3A_1056 {strides = array<i32>} : memref<1280xi32, #tpu.memory_space<vmem>>, vector<16xi32>, vector<16xi1>
        tpu.vector_store %arg12[%swap3A_1274], %add3A_1011 masked %lt3A_1056 {strides = array<i32>} : memref<1280xi32, #tpu.memory_space<vmem>>, vector<16xi32>, vector<16xi1>
        %add3A_1276 = arith.constant 0 : i32
        %add3A_1277 = arith.addi %add3A_1276, %squeeze3A_1085 : i32
        %swap3A_1278 = arith.index_cast %add3A_1277 : i32 to index
        %swap3A_1279 = tpu.vector_load %arg12[%swap3A_1278] masked %lt3A_1083 {strides = array<i32>} : memref<1280xi32, #tpu.memory_space<vmem>>, vector<16xi32>, vector<16xi1>
        tpu.vector_store %arg12[%swap3A_1278], %add3A_1075 masked %lt3A_1083 {strides = array<i32>} : memref<1280xi32, #tpu.memory_space<vmem>>, vector<16xi32>, vector<16xi1>
        %add3A_1280 = arith.constant 320 : i32
        %add3A_1281 = arith.addi %add3A_1280, %squeeze3A_1098 : i32
        %swap3A_1282 = arith.index_cast %add3A_1281 : i32 to index
        %swap3A_1283 = tpu.vector_load %arg12[%swap3A_1282] masked %lt3A_1096 {strides = array<i32>} : memref<1280xi32, #tpu.memory_space<vmem>>, vector<16xi32>, vector<16xi1>
        tpu.vector_store %arg12[%swap3A_1282], %add3A_1075 masked %lt3A_1096 {strides = array<i32>} : memref<1280xi32, #tpu.memory_space<vmem>>, vector<16xi32>, vector<16xi1>
        %add3A_1284 = arith.constant 640 : i32
        %add3A_1285 = arith.addi %add3A_1284, %squeeze3A_1111 : i32
        %swap3A_1286 = arith.index_cast %add3A_1285 : i32 to index
        %swap3A_1287 = tpu.vector_load %arg12[%swap3A_1286] masked %lt3A_1109 {strides = array<i32>} : memref<1280xi32, #tpu.memory_space<vmem>>, vector<16xi32>, vector<16xi1>
        tpu.vector_store %arg12[%swap3A_1286], %add3A_1075 masked %lt3A_1109 {strides = array<i32>} : memref<1280xi32, #tpu.memory_space<vmem>>, vector<16xi32>, vector<16xi1>
        %add3A_1288 = arith.constant 960 : i32
        %add3A_1289 = arith.addi %add3A_1288, %squeeze3A_1124 : i32
        %swap3A_1290 = arith.index_cast %add3A_1289 : i32 to index
        %swap3A_1291 = tpu.vector_load %arg12[%swap3A_1290] masked %lt3A_1122 {strides = array<i32>} : memref<1280xi32, #tpu.memory_space<vmem>>, vector<16xi32>, vector<16xi1>
        tpu.vector_store %arg12[%swap3A_1290], %add3A_1075 masked %lt3A_1122 {strides = array<i32>} : memref<1280xi32, #tpu.memory_space<vmem>>, vector<16xi32>, vector<16xi1>
        %add3A_1292 = arith.constant 0 : i32
        %add3A_1293 = arith.addi %add3A_1292, %squeeze3A_1151 : i32
        %swap3A_1294 = arith.index_cast %add3A_1293 : i32 to index
        %swap3A_1295 = tpu.vector_load %arg12[%swap3A_1294] masked %lt3A_1149 {strides = array<i32>} : memref<1280xi32, #tpu.memory_space<vmem>>, vector<16xi32>, vector<16xi1>
        tpu.vector_store %arg12[%swap3A_1294], %add3A_1141 masked %lt3A_1149 {strides = array<i32>} : memref<1280xi32, #tpu.memory_space<vmem>>, vector<16xi32>, vector<16xi1>
        %add3A_1296 = arith.constant 320 : i32
        %add3A_1297 = arith.addi %add3A_1296, %squeeze3A_1164 : i32
        %swap3A_1298 = arith.index_cast %add3A_1297 : i32 to index
        %swap3A_1299 = tpu.vector_load %arg12[%swap3A_1298] masked %lt3A_1162 {strides = array<i32>} : memref<1280xi32, #tpu.memory_space<vmem>>, vector<16xi32>, vector<16xi1>
        tpu.vector_store %arg12[%swap3A_1298], %add3A_1141 masked %lt3A_1162 {strides = array<i32>} : memref<1280xi32, #tpu.memory_space<vmem>>, vector<16xi32>, vector<16xi1>
        %add3A_1300 = arith.constant 640 : i32
        %add3A_1301 = arith.addi %add3A_1300, %squeeze3A_1177 : i32
        %swap3A_1302 = arith.index_cast %add3A_1301 : i32 to index
        %swap3A_1303 = tpu.vector_load %arg12[%swap3A_1302] masked %lt3A_1175 {strides = array<i32>} : memref<1280xi32, #tpu.memory_space<vmem>>, vector<16xi32>, vector<16xi1>
        tpu.vector_store %arg12[%swap3A_1302], %add3A_1141 masked %lt3A_1175 {strides = array<i32>} : memref<1280xi32, #tpu.memory_space<vmem>>, vector<16xi32>, vector<16xi1>
        %add3A_1304 = arith.constant 960 : i32
        %add3A_1305 = arith.addi %add3A_1304, %squeeze3A_1190 : i32
        %swap3A_1306 = arith.index_cast %add3A_1305 : i32 to index
        %swap3A_1307 = tpu.vector_load %arg12[%swap3A_1306] masked %lt3A_1188 {strides = array<i32>} : memref<1280xi32, #tpu.memory_space<vmem>>, vector<16xi32>, vector<16xi1>
        tpu.vector_store %arg12[%swap3A_1306], %add3A_1141 masked %lt3A_1188 {strides = array<i32>} : memref<1280xi32, #tpu.memory_space<vmem>>, vector<16xi32>, vector<16xi1>
        %add3A_1308 = arith.constant 0 : i32
        %add3A_1309 = arith.addi %add3A_1308, %squeeze3A_1217 : i32
        %swap3A_1310 = arith.index_cast %add3A_1309 : i32 to index
        %swap3A_1311 = tpu.vector_load %arg12[%swap3A_1310] masked %lt3A_1215 {strides = array<i32>} : memref<1280xi32, #tpu.memory_space<vmem>>, vector<16xi32>, vector<16xi1>
        tpu.vector_store %arg12[%swap3A_1310], %add3A_1207 masked %lt3A_1215 {strides = array<i32>} : memref<1280xi32, #tpu.memory_space<vmem>>, vector<16xi32>, vector<16xi1>
        %add3A_1312 = arith.constant 320 : i32
        %add3A_1313 = arith.addi %add3A_1312, %squeeze3A_1230 : i32
        %swap3A_1314 = arith.index_cast %add3A_1313 : i32 to index
        %swap3A_1315 = tpu.vector_load %arg12[%swap3A_1314] masked %lt3A_1228 {strides = array<i32>} : memref<1280xi32, #tpu.memory_space<vmem>>, vector<16xi32>, vector<16xi1>
        tpu.vector_store %arg12[%swap3A_1314], %add3A_1207 masked %lt3A_1228 {strides = array<i32>} : memref<1280xi32, #tpu.memory_space<vmem>>, vector<16xi32>, vector<16xi1>
        %add3A_1316 = arith.constant 640 : i32
        %add3A_1317 = arith.addi %add3A_1316, %squeeze3A_1243 : i32
        %swap3A_1318 = arith.index_cast %add3A_1317 : i32 to index
        %swap3A_1319 = tpu.vector_load %arg12[%swap3A_1318] masked %lt3A_1241 {strides = array<i32>} : memref<1280xi32, #tpu.memory_space<vmem>>, vector<16xi32>, vector<16xi1>
        tpu.vector_store %arg12[%swap3A_1318], %add3A_1207 masked %lt3A_1241 {strides = array<i32>} : memref<1280xi32, #tpu.memory_space<vmem>>, vector<16xi32>, vector<16xi1>
        %add3A_1320 = arith.constant 960 : i32
        %add3A_1321 = arith.addi %add3A_1320, %squeeze3A_1256 : i32
        %swap3A_1322 = arith.index_cast %add3A_1321 : i32 to index
        %swap3A_1323 = tpu.vector_load %arg12[%swap3A_1322] masked %lt3A_1254 {strides = array<i32>} : memref<1280xi32, #tpu.memory_space<vmem>>, vector<16xi32>, vector<16xi1>
        tpu.vector_store %arg12[%swap3A_1322], %add3A_1207 masked %lt3A_1254 {strides = array<i32>} : memref<1280xi32, #tpu.memory_space<vmem>>, vector<16xi32>, vector<16xi1>
        %add3A_1324 = arith.constant 4 : i32
        %add3A_1325 = arith.addi %while3A_975, %add3A_1324 : i32
        scf.yield %add3A_1325, %or3A_997, %min3A_1220, %min3A_1233, %min3A_1246, %min3A_1259 : i32, i1, vector<16xi32>, vector<16xi32>, vector<16xi32>, vector<16xi32>
      }
      %swap3A_261 = arith.constant 80 : index
      %swap3A_262 = tpu.vector_load %arg12[%swap3A_261] {strides = array<i32>} : memref<1280xi32, #tpu.memory_space<vmem>>, vector<16xi32>,
      tpu.vector_store %arg12[%swap3A_261], %broadcast_in_dim3A_80 {strides = array<i32>} : memref<1280xi32, #tpu.memory_space<vmem>>, vector<16xi32>,
      %swap3A_263 = arith.constant 96 : index
      %swap3A_264 = tpu.vector_load %arg12[%swap3A_263] {strides = array<i32>} : memref<1280xi32, #tpu.memory_space<vmem>>, vector<16xi32>,
      tpu.vector_store %arg12[%swap3A_263], %broadcast_in_dim3A_80 {strides = array<i32>} : memref<1280xi32, #tpu.memory_space<vmem>>, vector<16xi32>,
      %swap3A_265 = arith.constant 112 : index
      %swap3A_266 = tpu.vector_load %arg12[%swap3A_265] {strides = array<i32>} : memref<1280xi32, #tpu.memory_space<vmem>>, vector<16xi32>,
      tpu.vector_store %arg12[%swap3A_265], %broadcast_in_dim3A_80 {strides = array<i32>} : memref<1280xi32, #tpu.memory_space<vmem>>, vector<16xi32>,
      %swap3A_267 = arith.constant 128 : index
      %swap3A_268 = tpu.vector_load %arg12[%swap3A_267] {strides = array<i32>} : memref<1280xi32, #tpu.memory_space<vmem>>, vector<16xi32>,
      tpu.vector_store %arg12[%swap3A_267], %broadcast_in_dim3A_80 {strides = array<i32>} : memref<1280xi32, #tpu.memory_space<vmem>>, vector<16xi32>,
      %swap3A_269 = arith.constant 400 : index
      %swap3A_270 = tpu.vector_load %arg12[%swap3A_269] {strides = array<i32>} : memref<1280xi32, #tpu.memory_space<vmem>>, vector<16xi32>,
      tpu.vector_store %arg12[%swap3A_269], %broadcast_in_dim3A_80 {strides = array<i32>} : memref<1280xi32, #tpu.memory_space<vmem>>, vector<16xi32>,
      %swap3A_271 = arith.constant 416 : index
      %swap3A_272 = tpu.vector_load %arg12[%swap3A_271] {strides = array<i32>} : memref<1280xi32, #tpu.memory_space<vmem>>, vector<16xi32>,
      tpu.vector_store %arg12[%swap3A_271], %broadcast_in_dim3A_80 {strides = array<i32>} : memref<1280xi32, #tpu.memory_space<vmem>>, vector<16xi32>,
      %swap3A_273 = arith.constant 432 : index
      %swap3A_274 = tpu.vector_load %arg12[%swap3A_273] {strides = array<i32>} : memref<1280xi32, #tpu.memory_space<vmem>>, vector<16xi32>,
      tpu.vector_store %arg12[%swap3A_273], %broadcast_in_dim3A_80 {strides = array<i32>} : memref<1280xi32, #tpu.memory_space<vmem>>, vector<16xi32>,
      %swap3A_275 = arith.constant 448 : index
      %swap3A_276 = tpu.vector_load %arg12[%swap3A_275] {strides = array<i32>} : memref<1280xi32, #tpu.memory_space<vmem>>, vector<16xi32>,
      tpu.vector_store %arg12[%swap3A_275], %broadcast_in_dim3A_80 {strides = array<i32>} : memref<1280xi32, #tpu.memory_space<vmem>>, vector<16xi32>,
      %swap3A_277 = arith.constant 720 : index
      %swap3A_278 = tpu.vector_load %arg12[%swap3A_277] {strides = array<i32>} : memref<1280xi32, #tpu.memory_space<vmem>>, vector<16xi32>,
      tpu.vector_store %arg12[%swap3A_277], %broadcast_in_dim3A_80 {strides = array<i32>} : memref<1280xi32, #tpu.memory_space<vmem>>, vector<16xi32>,
      %swap3A_279 = arith.constant 736 : index
      %swap3A_280 = tpu.vector_load %arg12[%swap3A_279] {strides = array<i32>} : memref<1280xi32, #tpu.memory_space<vmem>>, vector<16xi32>,
      tpu.vector_store %arg12[%swap3A_279], %broadcast_in_dim3A_80 {strides = array<i32>} : memref<1280xi32, #tpu.memory_space<vmem>>, vector<16xi32>,
      %swap3A_281 = arith.constant 752 : index
      %swap3A_282 = tpu.vector_load %arg12[%swap3A_281] {strides = array<i32>} : memref<1280xi32, #tpu.memory_space<vmem>>, vector<16xi32>,
      tpu.vector_store %arg12[%swap3A_281], %broadcast_in_dim3A_80 {strides = array<i32>} : memref<1280xi32, #tpu.memory_space<vmem>>, vector<16xi32>,
      %swap3A_283 = arith.constant 768 : index
      %swap3A_284 = tpu.vector_load %arg12[%swap3A_283] {strides = array<i32>} : memref<1280xi32, #tpu.memory_space<vmem>>, vector<16xi32>,
      tpu.vector_store %arg12[%swap3A_283], %broadcast_in_dim3A_80 {strides = array<i32>} : memref<1280xi32, #tpu.memory_space<vmem>>, vector<16xi32>,
      %swap3A_285 = arith.constant 1040 : index
      %swap3A_286 = tpu.vector_load %arg12[%swap3A_285] {strides = array<i32>} : memref<1280xi32, #tpu.memory_space<vmem>>, vector<16xi32>,
      tpu.vector_store %arg12[%swap3A_285], %broadcast_in_dim3A_80 {strides = array<i32>} : memref<1280xi32, #tpu.memory_space<vmem>>, vector<16xi32>,
      %swap3A_287 = arith.constant 1056 : index
      %swap3A_288 = tpu.vector_load %arg12[%swap3A_287] {strides = array<i32>} : memref<1280xi32, #tpu.memory_space<vmem>>, vector<16xi32>,
      tpu.vector_store %arg12[%swap3A_287], %broadcast_in_dim3A_80 {strides = array<i32>} : memref<1280xi32, #tpu.memory_space<vmem>>, vector<16xi32>,
      %swap3A_289 = arith.constant 1072 : index
      %swap3A_290 = tpu.vector_load %arg12[%swap3A_289] {strides = array<i32>} : memref<1280xi32, #tpu.memory_space<vmem>>, vector<16xi32>,
      tpu.vector_store %arg12[%swap3A_289], %broadcast_in_dim3A_80 {strides = array<i32>} : memref<1280xi32, #tpu.memory_space<vmem>>, vector<16xi32>,
      %swap3A_291 = arith.constant 1088 : index
      %swap3A_292 = tpu.vector_load %arg12[%swap3A_291] {strides = array<i32>} : memref<1280xi32, #tpu.memory_space<vmem>>, vector<16xi32>,
      tpu.vector_store %arg12[%swap3A_291], %broadcast_in_dim3A_80 {strides = array<i32>} : memref<1280xi32, #tpu.memory_space<vmem>>, vector<16xi32>,
      %slice3A_293 = vector.extract_strided_slice %add3A_147 {offsets = [1], sizes = [1], strides = [1]} : vector<16xf32> to vector<1xf32>
      %squeeze3A_294 = vector.extract %slice3A_293[0] : f32 from vector<1xf32>
      %broadcast_in_dim3A_295 = vector.broadcast %squeeze3A_294 : f32 to vector<16xf32>
      %slice3A_296 = vector.extract_strided_slice %add3A_147 {offsets = [5], sizes = [1], strides = [1]} : vector<16xf32> to vector<1xf32>
      %squeeze3A_297 = vector.extract %slice3A_296[0] : f32 from vector<1xf32>
      %broadcast_in_dim3A_298 = vector.broadcast %squeeze3A_297 : f32 to vector<16xf32>
      %slice3A_299 = vector.extract_strided_slice %add3A_147 {offsets = [9], sizes = [1], strides = [1]} : vector<16xf32> to vector<1xf32>
      %squeeze3A_300 = vector.extract %slice3A_299[0] : f32 from vector<1xf32>
      %broadcast_in_dim3A_301 = vector.broadcast %squeeze3A_300 : f32 to vector<16xf32>
      %slice3A_302 = vector.extract_strided_slice %add3A_147 {offsets = [13], sizes = [1], strides = [1]} : vector<16xf32> to vector<1xf32>
      %squeeze3A_303 = vector.extract %slice3A_302[0] : f32 from vector<1xf32>
      %broadcast_in_dim3A_304 = vector.broadcast %squeeze3A_303 : f32 to vector<16xf32>
      %slice3A_305 = vector.extract_strided_slice %add3A_163 {offsets = [1], sizes = [1], strides = [1]} : vector<16xf32> to vector<1xf32>
      %squeeze3A_306 = vector.extract %slice3A_305[0] : f32 from vector<1xf32>
      %broadcast_in_dim3A_307 = vector.broadcast %squeeze3A_306 : f32 to vector<16xf32>
      %slice3A_308 = vector.extract_strided_slice %add3A_163 {offsets = [5], sizes = [1], strides = [1]} : vector<16xf32> to vector<1xf32>
      %squeeze3A_309 = vector.extract %slice3A_308[0] : f32 from vector<1xf32>
      %broadcast_in_dim3A_310 = vector.broadcast %squeeze3A_309 : f32 to vector<16xf32>
      %slice3A_311 = vector.extract_strided_slice %add3A_163 {offsets = [9], sizes = [1], strides = [1]} : vector<16xf32> to vector<1xf32>
      %squeeze3A_312 = vector.extract %slice3A_311[0] : f32 from vector<1xf32>
      %broadcast_in_dim3A_313 = vector.broadcast %squeeze3A_312 : f32 to vector<16xf32>
      %slice3A_314 = vector.extract_strided_slice %add3A_163 {offsets = [13], sizes = [1], strides = [1]} : vector<16xf32> to vector<1xf32>
      %squeeze3A_315 = vector.extract %slice3A_314[0] : f32 from vector<1xf32>
      %broadcast_in_dim3A_316 = vector.broadcast %squeeze3A_315 : f32 to vector<16xf32>
      %slice3A_317 = vector.extract_strided_slice %add3A_179 {offsets = [1], sizes = [1], strides = [1]} : vector<16xf32> to vector<1xf32>
      %squeeze3A_318 = vector.extract %slice3A_317[0] : f32 from vector<1xf32>
      %broadcast_in_dim3A_319 = vector.broadcast %squeeze3A_318 : f32 to vector<16xf32>
      %slice3A_320 = vector.extract_strided_slice %add3A_179 {offsets = [5], sizes = [1], strides = [1]} : vector<16xf32> to vector<1xf32>
      %squeeze3A_321 = vector.extract %slice3A_320[0] : f32 from vector<1xf32>
      %broadcast_in_dim3A_322 = vector.broadcast %squeeze3A_321 : f32 to vector<16xf32>
      %slice3A_323 = vector.extract_strided_slice %add3A_179 {offsets = [9], sizes = [1], strides = [1]} : vector<16xf32> to vector<1xf32>
      %squeeze3A_324 = vector.extract %slice3A_323[0] : f32 from vector<1xf32>
      %broadcast_in_dim3A_325 = vector.broadcast %squeeze3A_324 : f32 to vector<16xf32>
      %slice3A_326 = vector.extract_strided_slice %add3A_179 {offsets = [13], sizes = [1], strides = [1]} : vector<16xf32> to vector<1xf32>
      %squeeze3A_327 = vector.extract %slice3A_326[0] : f32 from vector<1xf32>
      %broadcast_in_dim3A_328 = vector.broadcast %squeeze3A_327 : f32 to vector<16xf32>
      %slice3A_329 = vector.extract_strided_slice %add3A_133 {offsets = [1], sizes = [1], strides = [1]} : vector<16xf32> to vector<1xf32>
      %squeeze3A_330 = vector.extract %slice3A_329[0] : f32 from vector<1xf32>
      %broadcast_in_dim3A_331 = vector.broadcast %squeeze3A_330 : f32 to vector<16xf32>
      %slice3A_332 = vector.extract_strided_slice %add3A_133 {offsets = [5], sizes = [1], strides = [1]} : vector<16xf32> to vector<1xf32>
      %squeeze3A_333 = vector.extract %slice3A_332[0] : f32 from vector<1xf32>
      %broadcast_in_dim3A_334 = vector.broadcast %squeeze3A_333 : f32 to vector<16xf32>
      %slice3A_335 = vector.extract_strided_slice %add3A_133 {offsets = [9], sizes = [1], strides = [1]} : vector<16xf32> to vector<1xf32>
      %squeeze3A_336 = vector.extract %slice3A_335[0] : f32 from vector<1xf32>
      %broadcast_in_dim3A_337 = vector.broadcast %squeeze3A_336 : f32 to vector<16xf32>
      %slice3A_338 = vector.extract_strided_slice %add3A_133 {offsets = [13], sizes = [1], strides = [1]} : vector<16xf32> to vector<1xf32>
      %squeeze3A_339 = vector.extract %slice3A_338[0] : f32 from vector<1xf32>
      %broadcast_in_dim3A_340 = vector.broadcast %squeeze3A_339 : f32 to vector<16xf32>
      %while3A_341 = arith.constant 0 : i32
      %while3A_342 = arith.constant true
      %while3A_343:6 = scf.while (%while3A_975 = %while3A_341, %while3A_976 = %while3A_342, %while3A_977 = %broadcast_in_dim3A_80, %while3A_978 = %broadcast_in_dim3A_80, %while3A_979 = %broadcast_in_dim3A_80, %while3A_980 = %broadcast_in_dim3A_80) : (i32, i1, vector<16xi32>, vector<16xi32>, vector<16xi32>, vector<16xi32>) -> (i32, i1, vector<16xi32>, vector<16xi32>, vector<16xi32>, vector<16xi32>) {
        %lt3A = arith.constant 1024 : i32
        %lt3A_981 = arith.cmpi slt, %while3A_975, %lt3A : i32
        %and3A_982 = arith.andi %lt3A_981, %while3A_976 : i1
        scf.condition(%and3A_982) %while3A_975, %while3A_976, %while3A_977, %while3A_978, %while3A_979, %while3A_980 : i32, i1, vector<16xi32>, vector<16xi32>, vector<16xi32>, vector<16xi32>
      } do {
      ^bb0(%while3A_975: i32, %while3A_976: i1, %while3A_977: vector<16xi32>, %while3A_978: vector<16xi32>, %while3A_979: vector<16xi32>, %while3A_980: vector<16xi32>):
        %slice3A_981 = vector.extract_strided_slice %while3A_977 {offsets = [0], sizes = [1], strides = [1]} : vector<16xi32> to vector<1xi32>
        %squeeze3A_982 = vector.extract %slice3A_981[0] : i32 from vector<1xi32>
        %lt3A = arith.constant 64 : i32
        %lt3A_983 = arith.cmpi slt, %squeeze3A_982, %lt3A : i32
        %slice3A_984 = vector.extract_strided_slice %while3A_978 {offsets = [0], sizes = [1], strides = [1]} : vector<16xi32> to vector<1xi32>
        %squeeze3A_985 = vector.extract %slice3A_984[0] : i32 from vector<1xi32>
        %lt3A_986 = arith.constant 64 : i32
        %lt3A_987 = arith.cmpi slt, %squeeze3A_985, %lt3A_986 : i32
        %or3A = arith.ori %lt3A_983, %lt3A_987 : i1
        %slice3A_988 = vector.extract_strided_slice %while3A_979 {offsets = [0], sizes = [1], strides = [1]} : vector<16xi32> to vector<1xi32>
        %squeeze3A_989 = vector.extract %slice3A_988[0] : i32 from vector<1xi32>
        %lt3A_990 = arith.constant 64 : i32
        %lt3A_991 = arith.cmpi slt, %squeeze3A_989, %lt3A_990 : i32
        %or3A_992 = arith.ori %or3A, %lt3A_991 : i1
        %slice3A_993 = vector.extract_strided_slice %while3A_980 {offsets = [0], sizes = [1], strides = [1]} : vector<16xi32> to vector<1xi32>
        %squeeze3A_994 = vector.extract %slice3A_993[0] : i32 from vector<1xi32>
        %lt3A_995 = arith.constant 64 : i32
        %lt3A_996 = arith.cmpi slt, %squeeze3A_994, %lt3A_995 : i32
        %or3A_997 = arith.ori %or3A_992, %lt3A_996 : i1
        %add3A_998 = arith.constant 0 : i32
        %add3A_999 = arith.addi %while3A_975, %add3A_998 : i32
        %mul3A_1000 = arith.constant 16 : i32
        %mul3A_1001 = arith.muli %add3A_999, %mul3A_1000 : i32
        %get3A_1002 = arith.index_cast %mul3A_1001 : i32 to index
        %get3A_1003 = tpu.vector_load %arg6[%get3A_1002] {strides = array<i32>} : memref<16384xf32, #tpu.memory_space<vmem>>, vector<16xf32>,
        %get3A_1004 = arith.index_cast %mul3A_1001 : i32 to index
        %get3A_1005 = tpu.vector_load %arg7[%get3A_1004] {strides = array<i32>} : memref<16384xf32, #tpu.memory_space<vmem>>, vector<16xf32>,
        %get3A_1006 = arith.index_cast %mul3A_1001 : i32 to index
        %get3A_1007 = tpu.vector_load %arg8[%get3A_1006] {strides = array<i32>} : memref<16384xf32, #tpu.memory_space<vmem>>, vector<16xf32>,
        %get3A_1008 = arith.index_cast %mul3A_1001 : i32 to index
        %get3A_1009 = tpu.vector_load %arg9[%get3A_1008] {strides = array<i32>} : memref<16384xf32, #tpu.memory_space<vmem>>, vector<16xf32>,
        %add3A_1010 = vector.broadcast %mul3A_1001 : i32 to vector<16xi32>
        %add3A_1011 = arith.addi %iota3A, %add3A_1010 : vector<16xi32>
        %mul3A_1012 = arith.mulf %broadcast_in_dim3A_295, %get3A_1003 : vector<16xf32>
        %mul3A_1013 = arith.mulf %broadcast_in_dim3A_307, %get3A_1005 : vector<16xf32>
        %add3A_1014 = arith.addf %mul3A_1012, %mul3A_1013 : vector<16xf32>
        %mul3A_1015 = arith.mulf %broadcast_in_dim3A_319, %get3A_1007 : vector<16xf32>
        %add3A_1016 = arith.addf %add3A_1014, %mul3A_1015 : vector<16xf32>
        %add3A_1017 = arith.addf %broadcast_in_dim3A_331, %get3A_1009 : vector<16xf32>
        %sub3A_1018 = arith.subf %add3A_1017, %add3A_1016 : vector<16xf32>
        %lt3A_1019 = arith.cmpf olt, %sub3A_1018, %get3A_79 : vector<16xf32>
        %slice3A_1020 = vector.extract_strided_slice %while3A_977 {offsets = [0], sizes = [1], strides = [1]} : vector<16xi32> to vector<1xi32>
        %squeeze3A_1021 = vector.extract %slice3A_1020[0] : i32 from vector<1xi32>
        %all_reduce_population_count3A = tpu.all_reduce %lt3A_1019 {dim = 0 : i64, kind = #tpu.reduction_kind<sum>} : vector<16xi1> -> vector<16xi32>
        %add3A_1022 = arith.addi %while3A_977, %all_reduce_population_count3A : vector<16xi32>
        %min3A = arith.minsi %add3A_1022, %broadcast_in_dim3A_88 : vector<16xi32>
        %mul3A_1023 = arith.mulf %broadcast_in_dim3A_298, %get3A_1003 : vector<16xf32>
        %mul3A_1024 = arith.mulf %broadcast_in_dim3A_310, %get3A_1005 : vector<16xf32>
        %add3A_1025 = arith.addf %mul3A_1023, %mul3A_1024 : vector<16xf32>
        %mul3A_1026 = arith.mulf %broadcast_in_dim3A_322, %get3A_1007 : vector<16xf32>
        %add3A_1027 = arith.addf %add3A_1025, %mul3A_1026 : vector<16xf32>
        %add3A_1028 = arith.addf %broadcast_in_dim3A_334, %get3A_1009 : vector<16xf32>
        %sub3A_1029 = arith.subf %add3A_1028, %add3A_1027 : vector<16xf32>
        %lt3A_1030 = arith.cmpf olt, %sub3A_1029, %get3A_79 : vector<16xf32>
        %slice3A_1031 = vector.extract_strided_slice %while3A_978 {offsets = [0], sizes = [1], strides = [1]} : vector<16xi32> to vector<1xi32>
        %squeeze3A_1032 = vector.extract %slice3A_1031[0] : i32 from vector<1xi32>
        %all_reduce_population_count3A_1033 = tpu.all_reduce %lt3A_1030 {dim = 0 : i64, kind = #tpu.reduction_kind<sum>} : vector<16xi1> -> vector<16xi32>
        %add3A_1034 = arith.addi %while3A_978, %all_reduce_population_count3A_1033 : vector<16xi32>
        %min3A_1035 = arith.minsi %add3A_1034, %broadcast_in_dim3A_88 : vector<16xi32>
        %mul3A_1036 = arith.mulf %broadcast_in_dim3A_301, %get3A_1003 : vector<16xf32>
        %mul3A_1037 = arith.mulf %broadcast_in_dim3A_313, %get3A_1005 : vector<16xf32>
        %add3A_1038 = arith.addf %mul3A_1036, %mul3A_1037 : vector<16xf32>
        %mul3A_1039 = arith.mulf %broadcast_in_dim3A_325, %get3A_1007 : vector<16xf32>
        %add3A_1040 = arith.addf %add3A_1038, %mul3A_1039 : vector<16xf32>
        %add3A_1041 = arith.addf %broadcast_in_dim3A_337, %get3A_1009 : vector<16xf32>
        %sub3A_1042 = arith.subf %add3A_1041, %add3A_1040 : vector<16xf32>
        %lt3A_1043 = arith.cmpf olt, %sub3A_1042, %get3A_79 : vector<16xf32>
        %slice3A_1044 = vector.extract_strided_slice %while3A_979 {offsets = [0], sizes = [1], strides = [1]} : vector<16xi32> to vector<1xi32>
        %squeeze3A_1045 = vector.extract %slice3A_1044[0] : i32 from vector<1xi32>
        %all_reduce_population_count3A_1046 = tpu.all_reduce %lt3A_1043 {dim = 0 : i64, kind = #tpu.reduction_kind<sum>} : vector<16xi1> -> vector<16xi32>
        %add3A_1047 = arith.addi %while3A_979, %all_reduce_population_count3A_1046 : vector<16xi32>
        %min3A_1048 = arith.minsi %add3A_1047, %broadcast_in_dim3A_88 : vector<16xi32>
        %mul3A_1049 = arith.mulf %broadcast_in_dim3A_304, %get3A_1003 : vector<16xf32>
        %mul3A_1050 = arith.mulf %broadcast_in_dim3A_316, %get3A_1005 : vector<16xf32>
        %add3A_1051 = arith.addf %mul3A_1049, %mul3A_1050 : vector<16xf32>
        %mul3A_1052 = arith.mulf %broadcast_in_dim3A_328, %get3A_1007 : vector<16xf32>
        %add3A_1053 = arith.addf %add3A_1051, %mul3A_1052 : vector<16xf32>
        %add3A_1054 = arith.addf %broadcast_in_dim3A_340, %get3A_1009 : vector<16xf32>
        %sub3A_1055 = arith.subf %add3A_1054, %add3A_1053 : vector<16xf32>
        %lt3A_1056 = arith.cmpf olt, %sub3A_1055, %get3A_79 : vector<16xf32>
        %slice3A_1057 = vector.extract_strided_slice %while3A_980 {offsets = [0], sizes = [1], strides = [1]} : vector<16xi32> to vector<1xi32>
        %squeeze3A_1058 = vector.extract %slice3A_1057[0] : i32 from vector<1xi32>
        %all_reduce_population_count3A_1059 = tpu.all_reduce %lt3A_1056 {dim = 0 : i64, kind = #tpu.reduction_kind<sum>} : vector<16xi1> -> vector<16xi32>
        %add3A_1060 = arith.addi %while3A_980, %all_reduce_population_count3A_1059 : vector<16xi32>
        %min3A_1061 = arith.minsi %add3A_1060, %broadcast_in_dim3A_88 : vector<16xi32>
        %add3A_1062 = arith.constant 1 : i32
        %add3A_1063 = arith.addi %while3A_975, %add3A_1062 : i32
        %mul3A_1064 = arith.constant 16 : i32
        %mul3A_1065 = arith.muli %add3A_1063, %mul3A_1064 : i32
        %get3A_1066 = arith.index_cast %mul3A_1065 : i32 to index
        %get3A_1067 = tpu.vector_load %arg6[%get3A_1066] {strides = array<i32>} : memref<16384xf32, #tpu.memory_space<vmem>>, vector<16xf32>,
        %get3A_1068 = arith.index_cast %mul3A_1065 : i32 to index
        %get3A_1069 = tpu.vector_load %arg7[%get3A_1068] {strides = array<i32>} : memref<16384xf32, #tpu.memory_space<vmem>>, vector<16xf32>,
        %get3A_1070 = arith.index_cast %mul3A_1065 : i32 to index
        %get3A_1071 = tpu.vector_load %arg8[%get3A_1070] {strides = array<i32>} : memref<16384xf32, #tpu.memory_space<vmem>>, vector<16xf32>,
        %get3A_1072 = arith.index_cast %mul3A_1065 : i32 to index
        %get3A_1073 = tpu.vector_load %arg9[%get3A_1072] {strides = array<i32>} : memref<16384xf32, #tpu.memory_space<vmem>>, vector<16xf32>,
        %add3A_1074 = vector.broadcast %mul3A_1065 : i32 to vector<16xi32>
        %add3A_1075 = arith.addi %iota3A, %add3A_1074 : vector<16xi32>
        %mul3A_1076 = arith.mulf %broadcast_in_dim3A_295, %get3A_1067 : vector<16xf32>
        %mul3A_1077 = arith.mulf %broadcast_in_dim3A_307, %get3A_1069 : vector<16xf32>
        %add3A_1078 = arith.addf %mul3A_1076, %mul3A_1077 : vector<16xf32>
        %mul3A_1079 = arith.mulf %broadcast_in_dim3A_319, %get3A_1071 : vector<16xf32>
        %add3A_1080 = arith.addf %add3A_1078, %mul3A_1079 : vector<16xf32>
        %add3A_1081 = arith.addf %broadcast_in_dim3A_331, %get3A_1073 : vector<16xf32>
        %sub3A_1082 = arith.subf %add3A_1081, %add3A_1080 : vector<16xf32>
        %lt3A_1083 = arith.cmpf olt, %sub3A_1082, %get3A_79 : vector<16xf32>
        %slice3A_1084 = vector.extract_strided_slice %min3A {offsets = [0], sizes = [1], strides = [1]} : vector<16xi32> to vector<1xi32>
        %squeeze3A_1085 = vector.extract %slice3A_1084[0] : i32 from vector<1xi32>
        %all_reduce_population_count3A_1086 = tpu.all_reduce %lt3A_1083 {dim = 0 : i64, kind = #tpu.reduction_kind<sum>} : vector<16xi1> -> vector<16xi32>
        %add3A_1087 = arith.addi %min3A, %all_reduce_population_count3A_1086 : vector<16xi32>
        %min3A_1088 = arith.minsi %add3A_1087, %broadcast_in_dim3A_88 : vector<16xi32>
        %mul3A_1089 = arith.mulf %broadcast_in_dim3A_298, %get3A_1067 : vector<16xf32>
        %mul3A_1090 = arith.mulf %broadcast_in_dim3A_310, %get3A_1069 : vector<16xf32>
        %add3A_1091 = arith.addf %mul3A_1089, %mul3A_1090 : vector<16xf32>
        %mul3A_1092 = arith.mulf %broadcast_in_dim3A_322, %get3A_1071 : vector<16xf32>
        %add3A_1093 = arith.addf %add3A_1091, %mul3A_1092 : vector<16xf32>
        %add3A_1094 = arith.addf %broadcast_in_dim3A_334, %get3A_1073 : vector<16xf32>
        %sub3A_1095 = arith.subf %add3A_1094, %add3A_1093 : vector<16xf32>
        %lt3A_1096 = arith.cmpf olt, %sub3A_1095, %get3A_79 : vector<16xf32>
        %slice3A_1097 = vector.extract_strided_slice %min3A_1035 {offsets = [0], sizes = [1], strides = [1]} : vector<16xi32> to vector<1xi32>
        %squeeze3A_1098 = vector.extract %slice3A_1097[0] : i32 from vector<1xi32>
        %all_reduce_population_count3A_1099 = tpu.all_reduce %lt3A_1096 {dim = 0 : i64, kind = #tpu.reduction_kind<sum>} : vector<16xi1> -> vector<16xi32>
        %add3A_1100 = arith.addi %min3A_1035, %all_reduce_population_count3A_1099 : vector<16xi32>
        %min3A_1101 = arith.minsi %add3A_1100, %broadcast_in_dim3A_88 : vector<16xi32>
        %mul3A_1102 = arith.mulf %broadcast_in_dim3A_301, %get3A_1067 : vector<16xf32>
        %mul3A_1103 = arith.mulf %broadcast_in_dim3A_313, %get3A_1069 : vector<16xf32>
        %add3A_1104 = arith.addf %mul3A_1102, %mul3A_1103 : vector<16xf32>
        %mul3A_1105 = arith.mulf %broadcast_in_dim3A_325, %get3A_1071 : vector<16xf32>
        %add3A_1106 = arith.addf %add3A_1104, %mul3A_1105 : vector<16xf32>
        %add3A_1107 = arith.addf %broadcast_in_dim3A_337, %get3A_1073 : vector<16xf32>
        %sub3A_1108 = arith.subf %add3A_1107, %add3A_1106 : vector<16xf32>
        %lt3A_1109 = arith.cmpf olt, %sub3A_1108, %get3A_79 : vector<16xf32>
        %slice3A_1110 = vector.extract_strided_slice %min3A_1048 {offsets = [0], sizes = [1], strides = [1]} : vector<16xi32> to vector<1xi32>
        %squeeze3A_1111 = vector.extract %slice3A_1110[0] : i32 from vector<1xi32>
        %all_reduce_population_count3A_1112 = tpu.all_reduce %lt3A_1109 {dim = 0 : i64, kind = #tpu.reduction_kind<sum>} : vector<16xi1> -> vector<16xi32>
        %add3A_1113 = arith.addi %min3A_1048, %all_reduce_population_count3A_1112 : vector<16xi32>
        %min3A_1114 = arith.minsi %add3A_1113, %broadcast_in_dim3A_88 : vector<16xi32>
        %mul3A_1115 = arith.mulf %broadcast_in_dim3A_304, %get3A_1067 : vector<16xf32>
        %mul3A_1116 = arith.mulf %broadcast_in_dim3A_316, %get3A_1069 : vector<16xf32>
        %add3A_1117 = arith.addf %mul3A_1115, %mul3A_1116 : vector<16xf32>
        %mul3A_1118 = arith.mulf %broadcast_in_dim3A_328, %get3A_1071 : vector<16xf32>
        %add3A_1119 = arith.addf %add3A_1117, %mul3A_1118 : vector<16xf32>
        %add3A_1120 = arith.addf %broadcast_in_dim3A_340, %get3A_1073 : vector<16xf32>
        %sub3A_1121 = arith.subf %add3A_1120, %add3A_1119 : vector<16xf32>
        %lt3A_1122 = arith.cmpf olt, %sub3A_1121, %get3A_79 : vector<16xf32>
        %slice3A_1123 = vector.extract_strided_slice %min3A_1061 {offsets = [0], sizes = [1], strides = [1]} : vector<16xi32> to vector<1xi32>
        %squeeze3A_1124 = vector.extract %slice3A_1123[0] : i32 from vector<1xi32>
        %all_reduce_population_count3A_1125 = tpu.all_reduce %lt3A_1122 {dim = 0 : i64, kind = #tpu.reduction_kind<sum>} : vector<16xi1> -> vector<16xi32>
        %add3A_1126 = arith.addi %min3A_1061, %all_reduce_population_count3A_1125 : vector<16xi32>
        %min3A_1127 = arith.minsi %add3A_1126, %broadcast_in_dim3A_88 : vector<16xi32>
        %add3A_1128 = arith.constant 2 : i32
        %add3A_1129 = arith.addi %while3A_975, %add3A_1128 : i32
        %mul3A_1130 = arith.constant 16 : i32
        %mul3A_1131 = arith.muli %add3A_1129, %mul3A_1130 : i32
        %get3A_1132 = arith.index_cast %mul3A_1131 : i32 to index
        %get3A_1133 = tpu.vector_load %arg6[%get3A_1132] {strides = array<i32>} : memref<16384xf32, #tpu.memory_space<vmem>>, vector<16xf32>,
        %get3A_1134 = arith.index_cast %mul3A_1131 : i32 to index
        %get3A_1135 = tpu.vector_load %arg7[%get3A_1134] {strides = array<i32>} : memref<16384xf32, #tpu.memory_space<vmem>>, vector<16xf32>,
        %get3A_1136 = arith.index_cast %mul3A_1131 : i32 to index
        %get3A_1137 = tpu.vector_load %arg8[%get3A_1136] {strides = array<i32>} : memref<16384xf32, #tpu.memory_space<vmem>>, vector<16xf32>,
        %get3A_1138 = arith.index_cast %mul3A_1131 : i32 to index
        %get3A_1139 = tpu.vector_load %arg9[%get3A_1138] {strides = array<i32>} : memref<16384xf32, #tpu.memory_space<vmem>>, vector<16xf32>,
        %add3A_1140 = vector.broadcast %mul3A_1131 : i32 to vector<16xi32>
        %add3A_1141 = arith.addi %iota3A, %add3A_1140 : vector<16xi32>
        %mul3A_1142 = arith.mulf %broadcast_in_dim3A_295, %get3A_1133 : vector<16xf32>
        %mul3A_1143 = arith.mulf %broadcast_in_dim3A_307, %get3A_1135 : vector<16xf32>
        %add3A_1144 = arith.addf %mul3A_1142, %mul3A_1143 : vector<16xf32>
        %mul3A_1145 = arith.mulf %broadcast_in_dim3A_319, %get3A_1137 : vector<16xf32>
        %add3A_1146 = arith.addf %add3A_1144, %mul3A_1145 : vector<16xf32>
        %add3A_1147 = arith.addf %broadcast_in_dim3A_331, %get3A_1139 : vector<16xf32>
        %sub3A_1148 = arith.subf %add3A_1147, %add3A_1146 : vector<16xf32>
        %lt3A_1149 = arith.cmpf olt, %sub3A_1148, %get3A_79 : vector<16xf32>
        %slice3A_1150 = vector.extract_strided_slice %min3A_1088 {offsets = [0], sizes = [1], strides = [1]} : vector<16xi32> to vector<1xi32>
        %squeeze3A_1151 = vector.extract %slice3A_1150[0] : i32 from vector<1xi32>
        %all_reduce_population_count3A_1152 = tpu.all_reduce %lt3A_1149 {dim = 0 : i64, kind = #tpu.reduction_kind<sum>} : vector<16xi1> -> vector<16xi32>
        %add3A_1153 = arith.addi %min3A_1088, %all_reduce_population_count3A_1152 : vector<16xi32>
        %min3A_1154 = arith.minsi %add3A_1153, %broadcast_in_dim3A_88 : vector<16xi32>
        %mul3A_1155 = arith.mulf %broadcast_in_dim3A_298, %get3A_1133 : vector<16xf32>
        %mul3A_1156 = arith.mulf %broadcast_in_dim3A_310, %get3A_1135 : vector<16xf32>
        %add3A_1157 = arith.addf %mul3A_1155, %mul3A_1156 : vector<16xf32>
        %mul3A_1158 = arith.mulf %broadcast_in_dim3A_322, %get3A_1137 : vector<16xf32>
        %add3A_1159 = arith.addf %add3A_1157, %mul3A_1158 : vector<16xf32>
        %add3A_1160 = arith.addf %broadcast_in_dim3A_334, %get3A_1139 : vector<16xf32>
        %sub3A_1161 = arith.subf %add3A_1160, %add3A_1159 : vector<16xf32>
        %lt3A_1162 = arith.cmpf olt, %sub3A_1161, %get3A_79 : vector<16xf32>
        %slice3A_1163 = vector.extract_strided_slice %min3A_1101 {offsets = [0], sizes = [1], strides = [1]} : vector<16xi32> to vector<1xi32>
        %squeeze3A_1164 = vector.extract %slice3A_1163[0] : i32 from vector<1xi32>
        %all_reduce_population_count3A_1165 = tpu.all_reduce %lt3A_1162 {dim = 0 : i64, kind = #tpu.reduction_kind<sum>} : vector<16xi1> -> vector<16xi32>
        %add3A_1166 = arith.addi %min3A_1101, %all_reduce_population_count3A_1165 : vector<16xi32>
        %min3A_1167 = arith.minsi %add3A_1166, %broadcast_in_dim3A_88 : vector<16xi32>
        %mul3A_1168 = arith.mulf %broadcast_in_dim3A_301, %get3A_1133 : vector<16xf32>
        %mul3A_1169 = arith.mulf %broadcast_in_dim3A_313, %get3A_1135 : vector<16xf32>
        %add3A_1170 = arith.addf %mul3A_1168, %mul3A_1169 : vector<16xf32>
        %mul3A_1171 = arith.mulf %broadcast_in_dim3A_325, %get3A_1137 : vector<16xf32>
        %add3A_1172 = arith.addf %add3A_1170, %mul3A_1171 : vector<16xf32>
        %add3A_1173 = arith.addf %broadcast_in_dim3A_337, %get3A_1139 : vector<16xf32>
        %sub3A_1174 = arith.subf %add3A_1173, %add3A_1172 : vector<16xf32>
        %lt3A_1175 = arith.cmpf olt, %sub3A_1174, %get3A_79 : vector<16xf32>
        %slice3A_1176 = vector.extract_strided_slice %min3A_1114 {offsets = [0], sizes = [1], strides = [1]} : vector<16xi32> to vector<1xi32>
        %squeeze3A_1177 = vector.extract %slice3A_1176[0] : i32 from vector<1xi32>
        %all_reduce_population_count3A_1178 = tpu.all_reduce %lt3A_1175 {dim = 0 : i64, kind = #tpu.reduction_kind<sum>} : vector<16xi1> -> vector<16xi32>
        %add3A_1179 = arith.addi %min3A_1114, %all_reduce_population_count3A_1178 : vector<16xi32>
        %min3A_1180 = arith.minsi %add3A_1179, %broadcast_in_dim3A_88 : vector<16xi32>
        %mul3A_1181 = arith.mulf %broadcast_in_dim3A_304, %get3A_1133 : vector<16xf32>
        %mul3A_1182 = arith.mulf %broadcast_in_dim3A_316, %get3A_1135 : vector<16xf32>
        %add3A_1183 = arith.addf %mul3A_1181, %mul3A_1182 : vector<16xf32>
        %mul3A_1184 = arith.mulf %broadcast_in_dim3A_328, %get3A_1137 : vector<16xf32>
        %add3A_1185 = arith.addf %add3A_1183, %mul3A_1184 : vector<16xf32>
        %add3A_1186 = arith.addf %broadcast_in_dim3A_340, %get3A_1139 : vector<16xf32>
        %sub3A_1187 = arith.subf %add3A_1186, %add3A_1185 : vector<16xf32>
        %lt3A_1188 = arith.cmpf olt, %sub3A_1187, %get3A_79 : vector<16xf32>
        %slice3A_1189 = vector.extract_strided_slice %min3A_1127 {offsets = [0], sizes = [1], strides = [1]} : vector<16xi32> to vector<1xi32>
        %squeeze3A_1190 = vector.extract %slice3A_1189[0] : i32 from vector<1xi32>
        %all_reduce_population_count3A_1191 = tpu.all_reduce %lt3A_1188 {dim = 0 : i64, kind = #tpu.reduction_kind<sum>} : vector<16xi1> -> vector<16xi32>
        %add3A_1192 = arith.addi %min3A_1127, %all_reduce_population_count3A_1191 : vector<16xi32>
        %min3A_1193 = arith.minsi %add3A_1192, %broadcast_in_dim3A_88 : vector<16xi32>
        %add3A_1194 = arith.constant 3 : i32
        %add3A_1195 = arith.addi %while3A_975, %add3A_1194 : i32
        %mul3A_1196 = arith.constant 16 : i32
        %mul3A_1197 = arith.muli %add3A_1195, %mul3A_1196 : i32
        %get3A_1198 = arith.index_cast %mul3A_1197 : i32 to index
        %get3A_1199 = tpu.vector_load %arg6[%get3A_1198] {strides = array<i32>} : memref<16384xf32, #tpu.memory_space<vmem>>, vector<16xf32>,
        %get3A_1200 = arith.index_cast %mul3A_1197 : i32 to index
        %get3A_1201 = tpu.vector_load %arg7[%get3A_1200] {strides = array<i32>} : memref<16384xf32, #tpu.memory_space<vmem>>, vector<16xf32>,
        %get3A_1202 = arith.index_cast %mul3A_1197 : i32 to index
        %get3A_1203 = tpu.vector_load %arg8[%get3A_1202] {strides = array<i32>} : memref<16384xf32, #tpu.memory_space<vmem>>, vector<16xf32>,
        %get3A_1204 = arith.index_cast %mul3A_1197 : i32 to index
        %get3A_1205 = tpu.vector_load %arg9[%get3A_1204] {strides = array<i32>} : memref<16384xf32, #tpu.memory_space<vmem>>, vector<16xf32>,
        %add3A_1206 = vector.broadcast %mul3A_1197 : i32 to vector<16xi32>
        %add3A_1207 = arith.addi %iota3A, %add3A_1206 : vector<16xi32>
        %mul3A_1208 = arith.mulf %broadcast_in_dim3A_295, %get3A_1199 : vector<16xf32>
        %mul3A_1209 = arith.mulf %broadcast_in_dim3A_307, %get3A_1201 : vector<16xf32>
        %add3A_1210 = arith.addf %mul3A_1208, %mul3A_1209 : vector<16xf32>
        %mul3A_1211 = arith.mulf %broadcast_in_dim3A_319, %get3A_1203 : vector<16xf32>
        %add3A_1212 = arith.addf %add3A_1210, %mul3A_1211 : vector<16xf32>
        %add3A_1213 = arith.addf %broadcast_in_dim3A_331, %get3A_1205 : vector<16xf32>
        %sub3A_1214 = arith.subf %add3A_1213, %add3A_1212 : vector<16xf32>
        %lt3A_1215 = arith.cmpf olt, %sub3A_1214, %get3A_79 : vector<16xf32>
        %slice3A_1216 = vector.extract_strided_slice %min3A_1154 {offsets = [0], sizes = [1], strides = [1]} : vector<16xi32> to vector<1xi32>
        %squeeze3A_1217 = vector.extract %slice3A_1216[0] : i32 from vector<1xi32>
        %all_reduce_population_count3A_1218 = tpu.all_reduce %lt3A_1215 {dim = 0 : i64, kind = #tpu.reduction_kind<sum>} : vector<16xi1> -> vector<16xi32>
        %add3A_1219 = arith.addi %min3A_1154, %all_reduce_population_count3A_1218 : vector<16xi32>
        %min3A_1220 = arith.minsi %add3A_1219, %broadcast_in_dim3A_88 : vector<16xi32>
        %mul3A_1221 = arith.mulf %broadcast_in_dim3A_298, %get3A_1199 : vector<16xf32>
        %mul3A_1222 = arith.mulf %broadcast_in_dim3A_310, %get3A_1201 : vector<16xf32>
        %add3A_1223 = arith.addf %mul3A_1221, %mul3A_1222 : vector<16xf32>
        %mul3A_1224 = arith.mulf %broadcast_in_dim3A_322, %get3A_1203 : vector<16xf32>
        %add3A_1225 = arith.addf %add3A_1223, %mul3A_1224 : vector<16xf32>
        %add3A_1226 = arith.addf %broadcast_in_dim3A_334, %get3A_1205 : vector<16xf32>
        %sub3A_1227 = arith.subf %add3A_1226, %add3A_1225 : vector<16xf32>
        %lt3A_1228 = arith.cmpf olt, %sub3A_1227, %get3A_79 : vector<16xf32>
        %slice3A_1229 = vector.extract_strided_slice %min3A_1167 {offsets = [0], sizes = [1], strides = [1]} : vector<16xi32> to vector<1xi32>
        %squeeze3A_1230 = vector.extract %slice3A_1229[0] : i32 from vector<1xi32>
        %all_reduce_population_count3A_1231 = tpu.all_reduce %lt3A_1228 {dim = 0 : i64, kind = #tpu.reduction_kind<sum>} : vector<16xi1> -> vector<16xi32>
        %add3A_1232 = arith.addi %min3A_1167, %all_reduce_population_count3A_1231 : vector<16xi32>
        %min3A_1233 = arith.minsi %add3A_1232, %broadcast_in_dim3A_88 : vector<16xi32>
        %mul3A_1234 = arith.mulf %broadcast_in_dim3A_301, %get3A_1199 : vector<16xf32>
        %mul3A_1235 = arith.mulf %broadcast_in_dim3A_313, %get3A_1201 : vector<16xf32>
        %add3A_1236 = arith.addf %mul3A_1234, %mul3A_1235 : vector<16xf32>
        %mul3A_1237 = arith.mulf %broadcast_in_dim3A_325, %get3A_1203 : vector<16xf32>
        %add3A_1238 = arith.addf %add3A_1236, %mul3A_1237 : vector<16xf32>
        %add3A_1239 = arith.addf %broadcast_in_dim3A_337, %get3A_1205 : vector<16xf32>
        %sub3A_1240 = arith.subf %add3A_1239, %add3A_1238 : vector<16xf32>
        %lt3A_1241 = arith.cmpf olt, %sub3A_1240, %get3A_79 : vector<16xf32>
        %slice3A_1242 = vector.extract_strided_slice %min3A_1180 {offsets = [0], sizes = [1], strides = [1]} : vector<16xi32> to vector<1xi32>
        %squeeze3A_1243 = vector.extract %slice3A_1242[0] : i32 from vector<1xi32>
        %all_reduce_population_count3A_1244 = tpu.all_reduce %lt3A_1241 {dim = 0 : i64, kind = #tpu.reduction_kind<sum>} : vector<16xi1> -> vector<16xi32>
        %add3A_1245 = arith.addi %min3A_1180, %all_reduce_population_count3A_1244 : vector<16xi32>
        %min3A_1246 = arith.minsi %add3A_1245, %broadcast_in_dim3A_88 : vector<16xi32>
        %mul3A_1247 = arith.mulf %broadcast_in_dim3A_304, %get3A_1199 : vector<16xf32>
        %mul3A_1248 = arith.mulf %broadcast_in_dim3A_316, %get3A_1201 : vector<16xf32>
        %add3A_1249 = arith.addf %mul3A_1247, %mul3A_1248 : vector<16xf32>
        %mul3A_1250 = arith.mulf %broadcast_in_dim3A_328, %get3A_1203 : vector<16xf32>
        %add3A_1251 = arith.addf %add3A_1249, %mul3A_1250 : vector<16xf32>
        %add3A_1252 = arith.addf %broadcast_in_dim3A_340, %get3A_1205 : vector<16xf32>
        %sub3A_1253 = arith.subf %add3A_1252, %add3A_1251 : vector<16xf32>
        %lt3A_1254 = arith.cmpf olt, %sub3A_1253, %get3A_79 : vector<16xf32>
        %slice3A_1255 = vector.extract_strided_slice %min3A_1193 {offsets = [0], sizes = [1], strides = [1]} : vector<16xi32> to vector<1xi32>
        %squeeze3A_1256 = vector.extract %slice3A_1255[0] : i32 from vector<1xi32>
        %all_reduce_population_count3A_1257 = tpu.all_reduce %lt3A_1254 {dim = 0 : i64, kind = #tpu.reduction_kind<sum>} : vector<16xi1> -> vector<16xi32>
        %add3A_1258 = arith.addi %min3A_1193, %all_reduce_population_count3A_1257 : vector<16xi32>
        %min3A_1259 = arith.minsi %add3A_1258, %broadcast_in_dim3A_88 : vector<16xi32>
        %add3A_1260 = arith.constant 80 : i32
        %add3A_1261 = arith.addi %add3A_1260, %squeeze3A_1021 : i32
        %swap3A_1262 = arith.index_cast %add3A_1261 : i32 to index
        %swap3A_1263 = tpu.vector_load %arg12[%swap3A_1262] masked %lt3A_1019 {strides = array<i32>} : memref<1280xi32, #tpu.memory_space<vmem>>, vector<16xi32>, vector<16xi1>
        tpu.vector_store %arg12[%swap3A_1262], %add3A_1011 masked %lt3A_1019 {strides = array<i32>} : memref<1280xi32, #tpu.memory_space<vmem>>, vector<16xi32>, vector<16xi1>
        %add3A_1264 = arith.constant 400 : i32
        %add3A_1265 = arith.addi %add3A_1264, %squeeze3A_1032 : i32
        %swap3A_1266 = arith.index_cast %add3A_1265 : i32 to index
        %swap3A_1267 = tpu.vector_load %arg12[%swap3A_1266] masked %lt3A_1030 {strides = array<i32>} : memref<1280xi32, #tpu.memory_space<vmem>>, vector<16xi32>, vector<16xi1>
        tpu.vector_store %arg12[%swap3A_1266], %add3A_1011 masked %lt3A_1030 {strides = array<i32>} : memref<1280xi32, #tpu.memory_space<vmem>>, vector<16xi32>, vector<16xi1>
        %add3A_1268 = arith.constant 720 : i32
        %add3A_1269 = arith.addi %add3A_1268, %squeeze3A_1045 : i32
        %swap3A_1270 = arith.index_cast %add3A_1269 : i32 to index
        %swap3A_1271 = tpu.vector_load %arg12[%swap3A_1270] masked %lt3A_1043 {strides = array<i32>} : memref<1280xi32, #tpu.memory_space<vmem>>, vector<16xi32>, vector<16xi1>
        tpu.vector_store %arg12[%swap3A_1270], %add3A_1011 masked %lt3A_1043 {strides = array<i32>} : memref<1280xi32, #tpu.memory_space<vmem>>, vector<16xi32>, vector<16xi1>
        %add3A_1272 = arith.constant 1040 : i32
        %add3A_1273 = arith.addi %add3A_1272, %squeeze3A_1058 : i32
        %swap3A_1274 = arith.index_cast %add3A_1273 : i32 to index
        %swap3A_1275 = tpu.vector_load %arg12[%swap3A_1274] masked %lt3A_1056 {strides = array<i32>} : memref<1280xi32, #tpu.memory_space<vmem>>, vector<16xi32>, vector<16xi1>
        tpu.vector_store %arg12[%swap3A_1274], %add3A_1011 masked %lt3A_1056 {strides = array<i32>} : memref<1280xi32, #tpu.memory_space<vmem>>, vector<16xi32>, vector<16xi1>
        %add3A_1276 = arith.constant 80 : i32
        %add3A_1277 = arith.addi %add3A_1276, %squeeze3A_1085 : i32
        %swap3A_1278 = arith.index_cast %add3A_1277 : i32 to index
        %swap3A_1279 = tpu.vector_load %arg12[%swap3A_1278] masked %lt3A_1083 {strides = array<i32>} : memref<1280xi32, #tpu.memory_space<vmem>>, vector<16xi32>, vector<16xi1>
        tpu.vector_store %arg12[%swap3A_1278], %add3A_1075 masked %lt3A_1083 {strides = array<i32>} : memref<1280xi32, #tpu.memory_space<vmem>>, vector<16xi32>, vector<16xi1>
        %add3A_1280 = arith.constant 400 : i32
        %add3A_1281 = arith.addi %add3A_1280, %squeeze3A_1098 : i32
        %swap3A_1282 = arith.index_cast %add3A_1281 : i32 to index
        %swap3A_1283 = tpu.vector_load %arg12[%swap3A_1282] masked %lt3A_1096 {strides = array<i32>} : memref<1280xi32, #tpu.memory_space<vmem>>, vector<16xi32>, vector<16xi1>
        tpu.vector_store %arg12[%swap3A_1282], %add3A_1075 masked %lt3A_1096 {strides = array<i32>} : memref<1280xi32, #tpu.memory_space<vmem>>, vector<16xi32>, vector<16xi1>
        %add3A_1284 = arith.constant 720 : i32
        %add3A_1285 = arith.addi %add3A_1284, %squeeze3A_1111 : i32
        %swap3A_1286 = arith.index_cast %add3A_1285 : i32 to index
        %swap3A_1287 = tpu.vector_load %arg12[%swap3A_1286] masked %lt3A_1109 {strides = array<i32>} : memref<1280xi32, #tpu.memory_space<vmem>>, vector<16xi32>, vector<16xi1>
        tpu.vector_store %arg12[%swap3A_1286], %add3A_1075 masked %lt3A_1109 {strides = array<i32>} : memref<1280xi32, #tpu.memory_space<vmem>>, vector<16xi32>, vector<16xi1>
        %add3A_1288 = arith.constant 1040 : i32
        %add3A_1289 = arith.addi %add3A_1288, %squeeze3A_1124 : i32
        %swap3A_1290 = arith.index_cast %add3A_1289 : i32 to index
        %swap3A_1291 = tpu.vector_load %arg12[%swap3A_1290] masked %lt3A_1122 {strides = array<i32>} : memref<1280xi32, #tpu.memory_space<vmem>>, vector<16xi32>, vector<16xi1>
        tpu.vector_store %arg12[%swap3A_1290], %add3A_1075 masked %lt3A_1122 {strides = array<i32>} : memref<1280xi32, #tpu.memory_space<vmem>>, vector<16xi32>, vector<16xi1>
        %add3A_1292 = arith.constant 80 : i32
        %add3A_1293 = arith.addi %add3A_1292, %squeeze3A_1151 : i32
        %swap3A_1294 = arith.index_cast %add3A_1293 : i32 to index
        %swap3A_1295 = tpu.vector_load %arg12[%swap3A_1294] masked %lt3A_1149 {strides = array<i32>} : memref<1280xi32, #tpu.memory_space<vmem>>, vector<16xi32>, vector<16xi1>
        tpu.vector_store %arg12[%swap3A_1294], %add3A_1141 masked %lt3A_1149 {strides = array<i32>} : memref<1280xi32, #tpu.memory_space<vmem>>, vector<16xi32>, vector<16xi1>
        %add3A_1296 = arith.constant 400 : i32
        %add3A_1297 = arith.addi %add3A_1296, %squeeze3A_1164 : i32
        %swap3A_1298 = arith.index_cast %add3A_1297 : i32 to index
        %swap3A_1299 = tpu.vector_load %arg12[%swap3A_1298] masked %lt3A_1162 {strides = array<i32>} : memref<1280xi32, #tpu.memory_space<vmem>>, vector<16xi32>, vector<16xi1>
        tpu.vector_store %arg12[%swap3A_1298], %add3A_1141 masked %lt3A_1162 {strides = array<i32>} : memref<1280xi32, #tpu.memory_space<vmem>>, vector<16xi32>, vector<16xi1>
        %add3A_1300 = arith.constant 720 : i32
        %add3A_1301 = arith.addi %add3A_1300, %squeeze3A_1177 : i32
        %swap3A_1302 = arith.index_cast %add3A_1301 : i32 to index
        %swap3A_1303 = tpu.vector_load %arg12[%swap3A_1302] masked %lt3A_1175 {strides = array<i32>} : memref<1280xi32, #tpu.memory_space<vmem>>, vector<16xi32>, vector<16xi1>
        tpu.vector_store %arg12[%swap3A_1302], %add3A_1141 masked %lt3A_1175 {strides = array<i32>} : memref<1280xi32, #tpu.memory_space<vmem>>, vector<16xi32>, vector<16xi1>
        %add3A_1304 = arith.constant 1040 : i32
        %add3A_1305 = arith.addi %add3A_1304, %squeeze3A_1190 : i32
        %swap3A_1306 = arith.index_cast %add3A_1305 : i32 to index
        %swap3A_1307 = tpu.vector_load %arg12[%swap3A_1306] masked %lt3A_1188 {strides = array<i32>} : memref<1280xi32, #tpu.memory_space<vmem>>, vector<16xi32>, vector<16xi1>
        tpu.vector_store %arg12[%swap3A_1306], %add3A_1141 masked %lt3A_1188 {strides = array<i32>} : memref<1280xi32, #tpu.memory_space<vmem>>, vector<16xi32>, vector<16xi1>
        %add3A_1308 = arith.constant 80 : i32
        %add3A_1309 = arith.addi %add3A_1308, %squeeze3A_1217 : i32
        %swap3A_1310 = arith.index_cast %add3A_1309 : i32 to index
        %swap3A_1311 = tpu.vector_load %arg12[%swap3A_1310] masked %lt3A_1215 {strides = array<i32>} : memref<1280xi32, #tpu.memory_space<vmem>>, vector<16xi32>, vector<16xi1>
        tpu.vector_store %arg12[%swap3A_1310], %add3A_1207 masked %lt3A_1215 {strides = array<i32>} : memref<1280xi32, #tpu.memory_space<vmem>>, vector<16xi32>, vector<16xi1>
        %add3A_1312 = arith.constant 400 : i32
        %add3A_1313 = arith.addi %add3A_1312, %squeeze3A_1230 : i32
        %swap3A_1314 = arith.index_cast %add3A_1313 : i32 to index
        %swap3A_1315 = tpu.vector_load %arg12[%swap3A_1314] masked %lt3A_1228 {strides = array<i32>} : memref<1280xi32, #tpu.memory_space<vmem>>, vector<16xi32>, vector<16xi1>
        tpu.vector_store %arg12[%swap3A_1314], %add3A_1207 masked %lt3A_1228 {strides = array<i32>} : memref<1280xi32, #tpu.memory_space<vmem>>, vector<16xi32>, vector<16xi1>
        %add3A_1316 = arith.constant 720 : i32
        %add3A_1317 = arith.addi %add3A_1316, %squeeze3A_1243 : i32
        %swap3A_1318 = arith.index_cast %add3A_1317 : i32 to index
        %swap3A_1319 = tpu.vector_load %arg12[%swap3A_1318] masked %lt3A_1241 {strides = array<i32>} : memref<1280xi32, #tpu.memory_space<vmem>>, vector<16xi32>, vector<16xi1>
        tpu.vector_store %arg12[%swap3A_1318], %add3A_1207 masked %lt3A_1241 {strides = array<i32>} : memref<1280xi32, #tpu.memory_space<vmem>>, vector<16xi32>, vector<16xi1>
        %add3A_1320 = arith.constant 1040 : i32
        %add3A_1321 = arith.addi %add3A_1320, %squeeze3A_1256 : i32
        %swap3A_1322 = arith.index_cast %add3A_1321 : i32 to index
        %swap3A_1323 = tpu.vector_load %arg12[%swap3A_1322] masked %lt3A_1254 {strides = array<i32>} : memref<1280xi32, #tpu.memory_space<vmem>>, vector<16xi32>, vector<16xi1>
        tpu.vector_store %arg12[%swap3A_1322], %add3A_1207 masked %lt3A_1254 {strides = array<i32>} : memref<1280xi32, #tpu.memory_space<vmem>>, vector<16xi32>, vector<16xi1>
        %add3A_1324 = arith.constant 4 : i32
        %add3A_1325 = arith.addi %while3A_975, %add3A_1324 : i32
        scf.yield %add3A_1325, %or3A_997, %min3A_1220, %min3A_1233, %min3A_1246, %min3A_1259 : i32, i1, vector<16xi32>, vector<16xi32>, vector<16xi32>, vector<16xi32>
      }
      %swap3A_344 = arith.constant 160 : index
      %swap3A_345 = tpu.vector_load %arg12[%swap3A_344] {strides = array<i32>} : memref<1280xi32, #tpu.memory_space<vmem>>, vector<16xi32>,
      tpu.vector_store %arg12[%swap3A_344], %broadcast_in_dim3A_80 {strides = array<i32>} : memref<1280xi32, #tpu.memory_space<vmem>>, vector<16xi32>,
      %swap3A_346 = arith.constant 176 : index
      %swap3A_347 = tpu.vector_load %arg12[%swap3A_346] {strides = array<i32>} : memref<1280xi32, #tpu.memory_space<vmem>>, vector<16xi32>,
      tpu.vector_store %arg12[%swap3A_346], %broadcast_in_dim3A_80 {strides = array<i32>} : memref<1280xi32, #tpu.memory_space<vmem>>, vector<16xi32>,
      %swap3A_348 = arith.constant 192 : index
      %swap3A_349 = tpu.vector_load %arg12[%swap3A_348] {strides = array<i32>} : memref<1280xi32, #tpu.memory_space<vmem>>, vector<16xi32>,
      tpu.vector_store %arg12[%swap3A_348], %broadcast_in_dim3A_80 {strides = array<i32>} : memref<1280xi32, #tpu.memory_space<vmem>>, vector<16xi32>,
      %swap3A_350 = arith.constant 208 : index
      %swap3A_351 = tpu.vector_load %arg12[%swap3A_350] {strides = array<i32>} : memref<1280xi32, #tpu.memory_space<vmem>>, vector<16xi32>,
      tpu.vector_store %arg12[%swap3A_350], %broadcast_in_dim3A_80 {strides = array<i32>} : memref<1280xi32, #tpu.memory_space<vmem>>, vector<16xi32>,
      %swap3A_352 = arith.constant 480 : index
      %swap3A_353 = tpu.vector_load %arg12[%swap3A_352] {strides = array<i32>} : memref<1280xi32, #tpu.memory_space<vmem>>, vector<16xi32>,
      tpu.vector_store %arg12[%swap3A_352], %broadcast_in_dim3A_80 {strides = array<i32>} : memref<1280xi32, #tpu.memory_space<vmem>>, vector<16xi32>,
      %swap3A_354 = arith.constant 496 : index
      %swap3A_355 = tpu.vector_load %arg12[%swap3A_354] {strides = array<i32>} : memref<1280xi32, #tpu.memory_space<vmem>>, vector<16xi32>,
      tpu.vector_store %arg12[%swap3A_354], %broadcast_in_dim3A_80 {strides = array<i32>} : memref<1280xi32, #tpu.memory_space<vmem>>, vector<16xi32>,
      %swap3A_356 = arith.constant 512 : index
      %swap3A_357 = tpu.vector_load %arg12[%swap3A_356] {strides = array<i32>} : memref<1280xi32, #tpu.memory_space<vmem>>, vector<16xi32>,
      tpu.vector_store %arg12[%swap3A_356], %broadcast_in_dim3A_80 {strides = array<i32>} : memref<1280xi32, #tpu.memory_space<vmem>>, vector<16xi32>,
      %swap3A_358 = arith.constant 528 : index
      %swap3A_359 = tpu.vector_load %arg12[%swap3A_358] {strides = array<i32>} : memref<1280xi32, #tpu.memory_space<vmem>>, vector<16xi32>,
      tpu.vector_store %arg12[%swap3A_358], %broadcast_in_dim3A_80 {strides = array<i32>} : memref<1280xi32, #tpu.memory_space<vmem>>, vector<16xi32>,
      %swap3A_360 = arith.constant 800 : index
      %swap3A_361 = tpu.vector_load %arg12[%swap3A_360] {strides = array<i32>} : memref<1280xi32, #tpu.memory_space<vmem>>, vector<16xi32>,
      tpu.vector_store %arg12[%swap3A_360], %broadcast_in_dim3A_80 {strides = array<i32>} : memref<1280xi32, #tpu.memory_space<vmem>>, vector<16xi32>,
      %swap3A_362 = arith.constant 816 : index
      %swap3A_363 = tpu.vector_load %arg12[%swap3A_362] {strides = array<i32>} : memref<1280xi32, #tpu.memory_space<vmem>>, vector<16xi32>,
      tpu.vector_store %arg12[%swap3A_362], %broadcast_in_dim3A_80 {strides = array<i32>} : memref<1280xi32, #tpu.memory_space<vmem>>, vector<16xi32>,
      %swap3A_364 = arith.constant 832 : index
      %swap3A_365 = tpu.vector_load %arg12[%swap3A_364] {strides = array<i32>} : memref<1280xi32, #tpu.memory_space<vmem>>, vector<16xi32>,
      tpu.vector_store %arg12[%swap3A_364], %broadcast_in_dim3A_80 {strides = array<i32>} : memref<1280xi32, #tpu.memory_space<vmem>>, vector<16xi32>,
      %swap3A_366 = arith.constant 848 : index
      %swap3A_367 = tpu.vector_load %arg12[%swap3A_366] {strides = array<i32>} : memref<1280xi32, #tpu.memory_space<vmem>>, vector<16xi32>,
      tpu.vector_store %arg12[%swap3A_366], %broadcast_in_dim3A_80 {strides = array<i32>} : memref<1280xi32, #tpu.memory_space<vmem>>, vector<16xi32>,
      %swap3A_368 = arith.constant 1120 : index
      %swap3A_369 = tpu.vector_load %arg12[%swap3A_368] {strides = array<i32>} : memref<1280xi32, #tpu.memory_space<vmem>>, vector<16xi32>,
      tpu.vector_store %arg12[%swap3A_368], %broadcast_in_dim3A_80 {strides = array<i32>} : memref<1280xi32, #tpu.memory_space<vmem>>, vector<16xi32>,
      %swap3A_370 = arith.constant 1136 : index
      %swap3A_371 = tpu.vector_load %arg12[%swap3A_370] {strides = array<i32>} : memref<1280xi32, #tpu.memory_space<vmem>>, vector<16xi32>,
      tpu.vector_store %arg12[%swap3A_370], %broadcast_in_dim3A_80 {strides = array<i32>} : memref<1280xi32, #tpu.memory_space<vmem>>, vector<16xi32>,
      %swap3A_372 = arith.constant 1152 : index
      %swap3A_373 = tpu.vector_load %arg12[%swap3A_372] {strides = array<i32>} : memref<1280xi32, #tpu.memory_space<vmem>>, vector<16xi32>,
      tpu.vector_store %arg12[%swap3A_372], %broadcast_in_dim3A_80 {strides = array<i32>} : memref<1280xi32, #tpu.memory_space<vmem>>, vector<16xi32>,
      %swap3A_374 = arith.constant 1168 : index
      %swap3A_375 = tpu.vector_load %arg12[%swap3A_374] {strides = array<i32>} : memref<1280xi32, #tpu.memory_space<vmem>>, vector<16xi32>,
      tpu.vector_store %arg12[%swap3A_374], %broadcast_in_dim3A_80 {strides = array<i32>} : memref<1280xi32, #tpu.memory_space<vmem>>, vector<16xi32>,
      %slice3A_376 = vector.extract_strided_slice %add3A_147 {offsets = [2], sizes = [1], strides = [1]} : vector<16xf32> to vector<1xf32>
      %squeeze3A_377 = vector.extract %slice3A_376[0] : f32 from vector<1xf32>
      %broadcast_in_dim3A_378 = vector.broadcast %squeeze3A_377 : f32 to vector<16xf32>
      %slice3A_379 = vector.extract_strided_slice %add3A_147 {offsets = [6], sizes = [1], strides = [1]} : vector<16xf32> to vector<1xf32>
      %squeeze3A_380 = vector.extract %slice3A_379[0] : f32 from vector<1xf32>
      %broadcast_in_dim3A_381 = vector.broadcast %squeeze3A_380 : f32 to vector<16xf32>
      %slice3A_382 = vector.extract_strided_slice %add3A_147 {offsets = [10], sizes = [1], strides = [1]} : vector<16xf32> to vector<1xf32>
      %squeeze3A_383 = vector.extract %slice3A_382[0] : f32 from vector<1xf32>
      %broadcast_in_dim3A_384 = vector.broadcast %squeeze3A_383 : f32 to vector<16xf32>
      %slice3A_385 = vector.extract_strided_slice %add3A_147 {offsets = [14], sizes = [1], strides = [1]} : vector<16xf32> to vector<1xf32>
      %squeeze3A_386 = vector.extract %slice3A_385[0] : f32 from vector<1xf32>
      %broadcast_in_dim3A_387 = vector.broadcast %squeeze3A_386 : f32 to vector<16xf32>
      %slice3A_388 = vector.extract_strided_slice %add3A_163 {offsets = [2], sizes = [1], strides = [1]} : vector<16xf32> to vector<1xf32>
      %squeeze3A_389 = vector.extract %slice3A_388[0] : f32 from vector<1xf32>
      %broadcast_in_dim3A_390 = vector.broadcast %squeeze3A_389 : f32 to vector<16xf32>
      %slice3A_391 = vector.extract_strided_slice %add3A_163 {offsets = [6], sizes = [1], strides = [1]} : vector<16xf32> to vector<1xf32>
      %squeeze3A_392 = vector.extract %slice3A_391[0] : f32 from vector<1xf32>
      %broadcast_in_dim3A_393 = vector.broadcast %squeeze3A_392 : f32 to vector<16xf32>
      %slice3A_394 = vector.extract_strided_slice %add3A_163 {offsets = [10], sizes = [1], strides = [1]} : vector<16xf32> to vector<1xf32>
      %squeeze3A_395 = vector.extract %slice3A_394[0] : f32 from vector<1xf32>
      %broadcast_in_dim3A_396 = vector.broadcast %squeeze3A_395 : f32 to vector<16xf32>
      %slice3A_397 = vector.extract_strided_slice %add3A_163 {offsets = [14], sizes = [1], strides = [1]} : vector<16xf32> to vector<1xf32>
      %squeeze3A_398 = vector.extract %slice3A_397[0] : f32 from vector<1xf32>
      %broadcast_in_dim3A_399 = vector.broadcast %squeeze3A_398 : f32 to vector<16xf32>
      %slice3A_400 = vector.extract_strided_slice %add3A_179 {offsets = [2], sizes = [1], strides = [1]} : vector<16xf32> to vector<1xf32>
      %squeeze3A_401 = vector.extract %slice3A_400[0] : f32 from vector<1xf32>
      %broadcast_in_dim3A_402 = vector.broadcast %squeeze3A_401 : f32 to vector<16xf32>
      %slice3A_403 = vector.extract_strided_slice %add3A_179 {offsets = [6], sizes = [1], strides = [1]} : vector<16xf32> to vector<1xf32>
      %squeeze3A_404 = vector.extract %slice3A_403[0] : f32 from vector<1xf32>
      %broadcast_in_dim3A_405 = vector.broadcast %squeeze3A_404 : f32 to vector<16xf32>
      %slice3A_406 = vector.extract_strided_slice %add3A_179 {offsets = [10], sizes = [1], strides = [1]} : vector<16xf32> to vector<1xf32>
      %squeeze3A_407 = vector.extract %slice3A_406[0] : f32 from vector<1xf32>
      %broadcast_in_dim3A_408 = vector.broadcast %squeeze3A_407 : f32 to vector<16xf32>
      %slice3A_409 = vector.extract_strided_slice %add3A_179 {offsets = [14], sizes = [1], strides = [1]} : vector<16xf32> to vector<1xf32>
      %squeeze3A_410 = vector.extract %slice3A_409[0] : f32 from vector<1xf32>
      %broadcast_in_dim3A_411 = vector.broadcast %squeeze3A_410 : f32 to vector<16xf32>
      %slice3A_412 = vector.extract_strided_slice %add3A_133 {offsets = [2], sizes = [1], strides = [1]} : vector<16xf32> to vector<1xf32>
      %squeeze3A_413 = vector.extract %slice3A_412[0] : f32 from vector<1xf32>
      %broadcast_in_dim3A_414 = vector.broadcast %squeeze3A_413 : f32 to vector<16xf32>
      %slice3A_415 = vector.extract_strided_slice %add3A_133 {offsets = [6], sizes = [1], strides = [1]} : vector<16xf32> to vector<1xf32>
      %squeeze3A_416 = vector.extract %slice3A_415[0] : f32 from vector<1xf32>
      %broadcast_in_dim3A_417 = vector.broadcast %squeeze3A_416 : f32 to vector<16xf32>
      %slice3A_418 = vector.extract_strided_slice %add3A_133 {offsets = [10], sizes = [1], strides = [1]} : vector<16xf32> to vector<1xf32>
      %squeeze3A_419 = vector.extract %slice3A_418[0] : f32 from vector<1xf32>
      %broadcast_in_dim3A_420 = vector.broadcast %squeeze3A_419 : f32 to vector<16xf32>
      %slice3A_421 = vector.extract_strided_slice %add3A_133 {offsets = [14], sizes = [1], strides = [1]} : vector<16xf32> to vector<1xf32>
      %squeeze3A_422 = vector.extract %slice3A_421[0] : f32 from vector<1xf32>
      %broadcast_in_dim3A_423 = vector.broadcast %squeeze3A_422 : f32 to vector<16xf32>
      %while3A_424 = arith.constant 0 : i32
      %while3A_425 = arith.constant true
      %while3A_426:6 = scf.while (%while3A_975 = %while3A_424, %while3A_976 = %while3A_425, %while3A_977 = %broadcast_in_dim3A_80, %while3A_978 = %broadcast_in_dim3A_80, %while3A_979 = %broadcast_in_dim3A_80, %while3A_980 = %broadcast_in_dim3A_80) : (i32, i1, vector<16xi32>, vector<16xi32>, vector<16xi32>, vector<16xi32>) -> (i32, i1, vector<16xi32>, vector<16xi32>, vector<16xi32>, vector<16xi32>) {
        %lt3A = arith.constant 1024 : i32
        %lt3A_981 = arith.cmpi slt, %while3A_975, %lt3A : i32
        %and3A_982 = arith.andi %lt3A_981, %while3A_976 : i1
        scf.condition(%and3A_982) %while3A_975, %while3A_976, %while3A_977, %while3A_978, %while3A_979, %while3A_980 : i32, i1, vector<16xi32>, vector<16xi32>, vector<16xi32>, vector<16xi32>
      } do {
      ^bb0(%while3A_975: i32, %while3A_976: i1, %while3A_977: vector<16xi32>, %while3A_978: vector<16xi32>, %while3A_979: vector<16xi32>, %while3A_980: vector<16xi32>):
        %slice3A_981 = vector.extract_strided_slice %while3A_977 {offsets = [0], sizes = [1], strides = [1]} : vector<16xi32> to vector<1xi32>
        %squeeze3A_982 = vector.extract %slice3A_981[0] : i32 from vector<1xi32>
        %lt3A = arith.constant 64 : i32
        %lt3A_983 = arith.cmpi slt, %squeeze3A_982, %lt3A : i32
        %slice3A_984 = vector.extract_strided_slice %while3A_978 {offsets = [0], sizes = [1], strides = [1]} : vector<16xi32> to vector<1xi32>
        %squeeze3A_985 = vector.extract %slice3A_984[0] : i32 from vector<1xi32>
        %lt3A_986 = arith.constant 64 : i32
        %lt3A_987 = arith.cmpi slt, %squeeze3A_985, %lt3A_986 : i32
        %or3A = arith.ori %lt3A_983, %lt3A_987 : i1
        %slice3A_988 = vector.extract_strided_slice %while3A_979 {offsets = [0], sizes = [1], strides = [1]} : vector<16xi32> to vector<1xi32>
        %squeeze3A_989 = vector.extract %slice3A_988[0] : i32 from vector<1xi32>
        %lt3A_990 = arith.constant 64 : i32
        %lt3A_991 = arith.cmpi slt, %squeeze3A_989, %lt3A_990 : i32
        %or3A_992 = arith.ori %or3A, %lt3A_991 : i1
        %slice3A_993 = vector.extract_strided_slice %while3A_980 {offsets = [0], sizes = [1], strides = [1]} : vector<16xi32> to vector<1xi32>
        %squeeze3A_994 = vector.extract %slice3A_993[0] : i32 from vector<1xi32>
        %lt3A_995 = arith.constant 64 : i32
        %lt3A_996 = arith.cmpi slt, %squeeze3A_994, %lt3A_995 : i32
        %or3A_997 = arith.ori %or3A_992, %lt3A_996 : i1
        %add3A_998 = arith.constant 0 : i32
        %add3A_999 = arith.addi %while3A_975, %add3A_998 : i32
        %mul3A_1000 = arith.constant 16 : i32
        %mul3A_1001 = arith.muli %add3A_999, %mul3A_1000 : i32
        %get3A_1002 = arith.index_cast %mul3A_1001 : i32 to index
        %get3A_1003 = tpu.vector_load %arg6[%get3A_1002] {strides = array<i32>} : memref<16384xf32, #tpu.memory_space<vmem>>, vector<16xf32>,
        %get3A_1004 = arith.index_cast %mul3A_1001 : i32 to index
        %get3A_1005 = tpu.vector_load %arg7[%get3A_1004] {strides = array<i32>} : memref<16384xf32, #tpu.memory_space<vmem>>, vector<16xf32>,
        %get3A_1006 = arith.index_cast %mul3A_1001 : i32 to index
        %get3A_1007 = tpu.vector_load %arg8[%get3A_1006] {strides = array<i32>} : memref<16384xf32, #tpu.memory_space<vmem>>, vector<16xf32>,
        %get3A_1008 = arith.index_cast %mul3A_1001 : i32 to index
        %get3A_1009 = tpu.vector_load %arg9[%get3A_1008] {strides = array<i32>} : memref<16384xf32, #tpu.memory_space<vmem>>, vector<16xf32>,
        %add3A_1010 = vector.broadcast %mul3A_1001 : i32 to vector<16xi32>
        %add3A_1011 = arith.addi %iota3A, %add3A_1010 : vector<16xi32>
        %mul3A_1012 = arith.mulf %broadcast_in_dim3A_378, %get3A_1003 : vector<16xf32>
        %mul3A_1013 = arith.mulf %broadcast_in_dim3A_390, %get3A_1005 : vector<16xf32>
        %add3A_1014 = arith.addf %mul3A_1012, %mul3A_1013 : vector<16xf32>
        %mul3A_1015 = arith.mulf %broadcast_in_dim3A_402, %get3A_1007 : vector<16xf32>
        %add3A_1016 = arith.addf %add3A_1014, %mul3A_1015 : vector<16xf32>
        %add3A_1017 = arith.addf %broadcast_in_dim3A_414, %get3A_1009 : vector<16xf32>
        %sub3A_1018 = arith.subf %add3A_1017, %add3A_1016 : vector<16xf32>
        %lt3A_1019 = arith.cmpf olt, %sub3A_1018, %get3A_79 : vector<16xf32>
        %slice3A_1020 = vector.extract_strided_slice %while3A_977 {offsets = [0], sizes = [1], strides = [1]} : vector<16xi32> to vector<1xi32>
        %squeeze3A_1021 = vector.extract %slice3A_1020[0] : i32 from vector<1xi32>
        %all_reduce_population_count3A = tpu.all_reduce %lt3A_1019 {dim = 0 : i64, kind = #tpu.reduction_kind<sum>} : vector<16xi1> -> vector<16xi32>
        %add3A_1022 = arith.addi %while3A_977, %all_reduce_population_count3A : vector<16xi32>
        %min3A = arith.minsi %add3A_1022, %broadcast_in_dim3A_88 : vector<16xi32>
        %mul3A_1023 = arith.mulf %broadcast_in_dim3A_381, %get3A_1003 : vector<16xf32>
        %mul3A_1024 = arith.mulf %broadcast_in_dim3A_393, %get3A_1005 : vector<16xf32>
        %add3A_1025 = arith.addf %mul3A_1023, %mul3A_1024 : vector<16xf32>
        %mul3A_1026 = arith.mulf %broadcast_in_dim3A_405, %get3A_1007 : vector<16xf32>
        %add3A_1027 = arith.addf %add3A_1025, %mul3A_1026 : vector<16xf32>
        %add3A_1028 = arith.addf %broadcast_in_dim3A_417, %get3A_1009 : vector<16xf32>
        %sub3A_1029 = arith.subf %add3A_1028, %add3A_1027 : vector<16xf32>
        %lt3A_1030 = arith.cmpf olt, %sub3A_1029, %get3A_79 : vector<16xf32>
        %slice3A_1031 = vector.extract_strided_slice %while3A_978 {offsets = [0], sizes = [1], strides = [1]} : vector<16xi32> to vector<1xi32>
        %squeeze3A_1032 = vector.extract %slice3A_1031[0] : i32 from vector<1xi32>
        %all_reduce_population_count3A_1033 = tpu.all_reduce %lt3A_1030 {dim = 0 : i64, kind = #tpu.reduction_kind<sum>} : vector<16xi1> -> vector<16xi32>
        %add3A_1034 = arith.addi %while3A_978, %all_reduce_population_count3A_1033 : vector<16xi32>
        %min3A_1035 = arith.minsi %add3A_1034, %broadcast_in_dim3A_88 : vector<16xi32>
        %mul3A_1036 = arith.mulf %broadcast_in_dim3A_384, %get3A_1003 : vector<16xf32>
        %mul3A_1037 = arith.mulf %broadcast_in_dim3A_396, %get3A_1005 : vector<16xf32>
        %add3A_1038 = arith.addf %mul3A_1036, %mul3A_1037 : vector<16xf32>
        %mul3A_1039 = arith.mulf %broadcast_in_dim3A_408, %get3A_1007 : vector<16xf32>
        %add3A_1040 = arith.addf %add3A_1038, %mul3A_1039 : vector<16xf32>
        %add3A_1041 = arith.addf %broadcast_in_dim3A_420, %get3A_1009 : vector<16xf32>
        %sub3A_1042 = arith.subf %add3A_1041, %add3A_1040 : vector<16xf32>
        %lt3A_1043 = arith.cmpf olt, %sub3A_1042, %get3A_79 : vector<16xf32>
        %slice3A_1044 = vector.extract_strided_slice %while3A_979 {offsets = [0], sizes = [1], strides = [1]} : vector<16xi32> to vector<1xi32>
        %squeeze3A_1045 = vector.extract %slice3A_1044[0] : i32 from vector<1xi32>
        %all_reduce_population_count3A_1046 = tpu.all_reduce %lt3A_1043 {dim = 0 : i64, kind = #tpu.reduction_kind<sum>} : vector<16xi1> -> vector<16xi32>
        %add3A_1047 = arith.addi %while3A_979, %all_reduce_population_count3A_1046 : vector<16xi32>
        %min3A_1048 = arith.minsi %add3A_1047, %broadcast_in_dim3A_88 : vector<16xi32>
        %mul3A_1049 = arith.mulf %broadcast_in_dim3A_387, %get3A_1003 : vector<16xf32>
        %mul3A_1050 = arith.mulf %broadcast_in_dim3A_399, %get3A_1005 : vector<16xf32>
        %add3A_1051 = arith.addf %mul3A_1049, %mul3A_1050 : vector<16xf32>
        %mul3A_1052 = arith.mulf %broadcast_in_dim3A_411, %get3A_1007 : vector<16xf32>
        %add3A_1053 = arith.addf %add3A_1051, %mul3A_1052 : vector<16xf32>
        %add3A_1054 = arith.addf %broadcast_in_dim3A_423, %get3A_1009 : vector<16xf32>
        %sub3A_1055 = arith.subf %add3A_1054, %add3A_1053 : vector<16xf32>
        %lt3A_1056 = arith.cmpf olt, %sub3A_1055, %get3A_79 : vector<16xf32>
        %slice3A_1057 = vector.extract_strided_slice %while3A_980 {offsets = [0], sizes = [1], strides = [1]} : vector<16xi32> to vector<1xi32>
        %squeeze3A_1058 = vector.extract %slice3A_1057[0] : i32 from vector<1xi32>
        %all_reduce_population_count3A_1059 = tpu.all_reduce %lt3A_1056 {dim = 0 : i64, kind = #tpu.reduction_kind<sum>} : vector<16xi1> -> vector<16xi32>
        %add3A_1060 = arith.addi %while3A_980, %all_reduce_population_count3A_1059 : vector<16xi32>
        %min3A_1061 = arith.minsi %add3A_1060, %broadcast_in_dim3A_88 : vector<16xi32>
        %add3A_1062 = arith.constant 1 : i32
        %add3A_1063 = arith.addi %while3A_975, %add3A_1062 : i32
        %mul3A_1064 = arith.constant 16 : i32
        %mul3A_1065 = arith.muli %add3A_1063, %mul3A_1064 : i32
        %get3A_1066 = arith.index_cast %mul3A_1065 : i32 to index
        %get3A_1067 = tpu.vector_load %arg6[%get3A_1066] {strides = array<i32>} : memref<16384xf32, #tpu.memory_space<vmem>>, vector<16xf32>,
        %get3A_1068 = arith.index_cast %mul3A_1065 : i32 to index
        %get3A_1069 = tpu.vector_load %arg7[%get3A_1068] {strides = array<i32>} : memref<16384xf32, #tpu.memory_space<vmem>>, vector<16xf32>,
        %get3A_1070 = arith.index_cast %mul3A_1065 : i32 to index
        %get3A_1071 = tpu.vector_load %arg8[%get3A_1070] {strides = array<i32>} : memref<16384xf32, #tpu.memory_space<vmem>>, vector<16xf32>,
        %get3A_1072 = arith.index_cast %mul3A_1065 : i32 to index
        %get3A_1073 = tpu.vector_load %arg9[%get3A_1072] {strides = array<i32>} : memref<16384xf32, #tpu.memory_space<vmem>>, vector<16xf32>,
        %add3A_1074 = vector.broadcast %mul3A_1065 : i32 to vector<16xi32>
        %add3A_1075 = arith.addi %iota3A, %add3A_1074 : vector<16xi32>
        %mul3A_1076 = arith.mulf %broadcast_in_dim3A_378, %get3A_1067 : vector<16xf32>
        %mul3A_1077 = arith.mulf %broadcast_in_dim3A_390, %get3A_1069 : vector<16xf32>
        %add3A_1078 = arith.addf %mul3A_1076, %mul3A_1077 : vector<16xf32>
        %mul3A_1079 = arith.mulf %broadcast_in_dim3A_402, %get3A_1071 : vector<16xf32>
        %add3A_1080 = arith.addf %add3A_1078, %mul3A_1079 : vector<16xf32>
        %add3A_1081 = arith.addf %broadcast_in_dim3A_414, %get3A_1073 : vector<16xf32>
        %sub3A_1082 = arith.subf %add3A_1081, %add3A_1080 : vector<16xf32>
        %lt3A_1083 = arith.cmpf olt, %sub3A_1082, %get3A_79 : vector<16xf32>
        %slice3A_1084 = vector.extract_strided_slice %min3A {offsets = [0], sizes = [1], strides = [1]} : vector<16xi32> to vector<1xi32>
        %squeeze3A_1085 = vector.extract %slice3A_1084[0] : i32 from vector<1xi32>
        %all_reduce_population_count3A_1086 = tpu.all_reduce %lt3A_1083 {dim = 0 : i64, kind = #tpu.reduction_kind<sum>} : vector<16xi1> -> vector<16xi32>
        %add3A_1087 = arith.addi %min3A, %all_reduce_population_count3A_1086 : vector<16xi32>
        %min3A_1088 = arith.minsi %add3A_1087, %broadcast_in_dim3A_88 : vector<16xi32>
        %mul3A_1089 = arith.mulf %broadcast_in_dim3A_381, %get3A_1067 : vector<16xf32>
        %mul3A_1090 = arith.mulf %broadcast_in_dim3A_393, %get3A_1069 : vector<16xf32>
        %add3A_1091 = arith.addf %mul3A_1089, %mul3A_1090 : vector<16xf32>
        %mul3A_1092 = arith.mulf %broadcast_in_dim3A_405, %get3A_1071 : vector<16xf32>
        %add3A_1093 = arith.addf %add3A_1091, %mul3A_1092 : vector<16xf32>
        %add3A_1094 = arith.addf %broadcast_in_dim3A_417, %get3A_1073 : vector<16xf32>
        %sub3A_1095 = arith.subf %add3A_1094, %add3A_1093 : vector<16xf32>
        %lt3A_1096 = arith.cmpf olt, %sub3A_1095, %get3A_79 : vector<16xf32>
        %slice3A_1097 = vector.extract_strided_slice %min3A_1035 {offsets = [0], sizes = [1], strides = [1]} : vector<16xi32> to vector<1xi32>
        %squeeze3A_1098 = vector.extract %slice3A_1097[0] : i32 from vector<1xi32>
        %all_reduce_population_count3A_1099 = tpu.all_reduce %lt3A_1096 {dim = 0 : i64, kind = #tpu.reduction_kind<sum>} : vector<16xi1> -> vector<16xi32>
        %add3A_1100 = arith.addi %min3A_1035, %all_reduce_population_count3A_1099 : vector<16xi32>
        %min3A_1101 = arith.minsi %add3A_1100, %broadcast_in_dim3A_88 : vector<16xi32>
        %mul3A_1102 = arith.mulf %broadcast_in_dim3A_384, %get3A_1067 : vector<16xf32>
        %mul3A_1103 = arith.mulf %broadcast_in_dim3A_396, %get3A_1069 : vector<16xf32>
        %add3A_1104 = arith.addf %mul3A_1102, %mul3A_1103 : vector<16xf32>
        %mul3A_1105 = arith.mulf %broadcast_in_dim3A_408, %get3A_1071 : vector<16xf32>
        %add3A_1106 = arith.addf %add3A_1104, %mul3A_1105 : vector<16xf32>
        %add3A_1107 = arith.addf %broadcast_in_dim3A_420, %get3A_1073 : vector<16xf32>
        %sub3A_1108 = arith.subf %add3A_1107, %add3A_1106 : vector<16xf32>
        %lt3A_1109 = arith.cmpf olt, %sub3A_1108, %get3A_79 : vector<16xf32>
        %slice3A_1110 = vector.extract_strided_slice %min3A_1048 {offsets = [0], sizes = [1], strides = [1]} : vector<16xi32> to vector<1xi32>
        %squeeze3A_1111 = vector.extract %slice3A_1110[0] : i32 from vector<1xi32>
        %all_reduce_population_count3A_1112 = tpu.all_reduce %lt3A_1109 {dim = 0 : i64, kind = #tpu.reduction_kind<sum>} : vector<16xi1> -> vector<16xi32>
        %add3A_1113 = arith.addi %min3A_1048, %all_reduce_population_count3A_1112 : vector<16xi32>
        %min3A_1114 = arith.minsi %add3A_1113, %broadcast_in_dim3A_88 : vector<16xi32>
        %mul3A_1115 = arith.mulf %broadcast_in_dim3A_387, %get3A_1067 : vector<16xf32>
        %mul3A_1116 = arith.mulf %broadcast_in_dim3A_399, %get3A_1069 : vector<16xf32>
        %add3A_1117 = arith.addf %mul3A_1115, %mul3A_1116 : vector<16xf32>
        %mul3A_1118 = arith.mulf %broadcast_in_dim3A_411, %get3A_1071 : vector<16xf32>
        %add3A_1119 = arith.addf %add3A_1117, %mul3A_1118 : vector<16xf32>
        %add3A_1120 = arith.addf %broadcast_in_dim3A_423, %get3A_1073 : vector<16xf32>
        %sub3A_1121 = arith.subf %add3A_1120, %add3A_1119 : vector<16xf32>
        %lt3A_1122 = arith.cmpf olt, %sub3A_1121, %get3A_79 : vector<16xf32>
        %slice3A_1123 = vector.extract_strided_slice %min3A_1061 {offsets = [0], sizes = [1], strides = [1]} : vector<16xi32> to vector<1xi32>
        %squeeze3A_1124 = vector.extract %slice3A_1123[0] : i32 from vector<1xi32>
        %all_reduce_population_count3A_1125 = tpu.all_reduce %lt3A_1122 {dim = 0 : i64, kind = #tpu.reduction_kind<sum>} : vector<16xi1> -> vector<16xi32>
        %add3A_1126 = arith.addi %min3A_1061, %all_reduce_population_count3A_1125 : vector<16xi32>
        %min3A_1127 = arith.minsi %add3A_1126, %broadcast_in_dim3A_88 : vector<16xi32>
        %add3A_1128 = arith.constant 2 : i32
        %add3A_1129 = arith.addi %while3A_975, %add3A_1128 : i32
        %mul3A_1130 = arith.constant 16 : i32
        %mul3A_1131 = arith.muli %add3A_1129, %mul3A_1130 : i32
        %get3A_1132 = arith.index_cast %mul3A_1131 : i32 to index
        %get3A_1133 = tpu.vector_load %arg6[%get3A_1132] {strides = array<i32>} : memref<16384xf32, #tpu.memory_space<vmem>>, vector<16xf32>,
        %get3A_1134 = arith.index_cast %mul3A_1131 : i32 to index
        %get3A_1135 = tpu.vector_load %arg7[%get3A_1134] {strides = array<i32>} : memref<16384xf32, #tpu.memory_space<vmem>>, vector<16xf32>,
        %get3A_1136 = arith.index_cast %mul3A_1131 : i32 to index
        %get3A_1137 = tpu.vector_load %arg8[%get3A_1136] {strides = array<i32>} : memref<16384xf32, #tpu.memory_space<vmem>>, vector<16xf32>,
        %get3A_1138 = arith.index_cast %mul3A_1131 : i32 to index
        %get3A_1139 = tpu.vector_load %arg9[%get3A_1138] {strides = array<i32>} : memref<16384xf32, #tpu.memory_space<vmem>>, vector<16xf32>,
        %add3A_1140 = vector.broadcast %mul3A_1131 : i32 to vector<16xi32>
        %add3A_1141 = arith.addi %iota3A, %add3A_1140 : vector<16xi32>
        %mul3A_1142 = arith.mulf %broadcast_in_dim3A_378, %get3A_1133 : vector<16xf32>
        %mul3A_1143 = arith.mulf %broadcast_in_dim3A_390, %get3A_1135 : vector<16xf32>
        %add3A_1144 = arith.addf %mul3A_1142, %mul3A_1143 : vector<16xf32>
        %mul3A_1145 = arith.mulf %broadcast_in_dim3A_402, %get3A_1137 : vector<16xf32>
        %add3A_1146 = arith.addf %add3A_1144, %mul3A_1145 : vector<16xf32>
        %add3A_1147 = arith.addf %broadcast_in_dim3A_414, %get3A_1139 : vector<16xf32>
        %sub3A_1148 = arith.subf %add3A_1147, %add3A_1146 : vector<16xf32>
        %lt3A_1149 = arith.cmpf olt, %sub3A_1148, %get3A_79 : vector<16xf32>
        %slice3A_1150 = vector.extract_strided_slice %min3A_1088 {offsets = [0], sizes = [1], strides = [1]} : vector<16xi32> to vector<1xi32>
        %squeeze3A_1151 = vector.extract %slice3A_1150[0] : i32 from vector<1xi32>
        %all_reduce_population_count3A_1152 = tpu.all_reduce %lt3A_1149 {dim = 0 : i64, kind = #tpu.reduction_kind<sum>} : vector<16xi1> -> vector<16xi32>
        %add3A_1153 = arith.addi %min3A_1088, %all_reduce_population_count3A_1152 : vector<16xi32>
        %min3A_1154 = arith.minsi %add3A_1153, %broadcast_in_dim3A_88 : vector<16xi32>
        %mul3A_1155 = arith.mulf %broadcast_in_dim3A_381, %get3A_1133 : vector<16xf32>
        %mul3A_1156 = arith.mulf %broadcast_in_dim3A_393, %get3A_1135 : vector<16xf32>
        %add3A_1157 = arith.addf %mul3A_1155, %mul3A_1156 : vector<16xf32>
        %mul3A_1158 = arith.mulf %broadcast_in_dim3A_405, %get3A_1137 : vector<16xf32>
        %add3A_1159 = arith.addf %add3A_1157, %mul3A_1158 : vector<16xf32>
        %add3A_1160 = arith.addf %broadcast_in_dim3A_417, %get3A_1139 : vector<16xf32>
        %sub3A_1161 = arith.subf %add3A_1160, %add3A_1159 : vector<16xf32>
        %lt3A_1162 = arith.cmpf olt, %sub3A_1161, %get3A_79 : vector<16xf32>
        %slice3A_1163 = vector.extract_strided_slice %min3A_1101 {offsets = [0], sizes = [1], strides = [1]} : vector<16xi32> to vector<1xi32>
        %squeeze3A_1164 = vector.extract %slice3A_1163[0] : i32 from vector<1xi32>
        %all_reduce_population_count3A_1165 = tpu.all_reduce %lt3A_1162 {dim = 0 : i64, kind = #tpu.reduction_kind<sum>} : vector<16xi1> -> vector<16xi32>
        %add3A_1166 = arith.addi %min3A_1101, %all_reduce_population_count3A_1165 : vector<16xi32>
        %min3A_1167 = arith.minsi %add3A_1166, %broadcast_in_dim3A_88 : vector<16xi32>
        %mul3A_1168 = arith.mulf %broadcast_in_dim3A_384, %get3A_1133 : vector<16xf32>
        %mul3A_1169 = arith.mulf %broadcast_in_dim3A_396, %get3A_1135 : vector<16xf32>
        %add3A_1170 = arith.addf %mul3A_1168, %mul3A_1169 : vector<16xf32>
        %mul3A_1171 = arith.mulf %broadcast_in_dim3A_408, %get3A_1137 : vector<16xf32>
        %add3A_1172 = arith.addf %add3A_1170, %mul3A_1171 : vector<16xf32>
        %add3A_1173 = arith.addf %broadcast_in_dim3A_420, %get3A_1139 : vector<16xf32>
        %sub3A_1174 = arith.subf %add3A_1173, %add3A_1172 : vector<16xf32>
        %lt3A_1175 = arith.cmpf olt, %sub3A_1174, %get3A_79 : vector<16xf32>
        %slice3A_1176 = vector.extract_strided_slice %min3A_1114 {offsets = [0], sizes = [1], strides = [1]} : vector<16xi32> to vector<1xi32>
        %squeeze3A_1177 = vector.extract %slice3A_1176[0] : i32 from vector<1xi32>
        %all_reduce_population_count3A_1178 = tpu.all_reduce %lt3A_1175 {dim = 0 : i64, kind = #tpu.reduction_kind<sum>} : vector<16xi1> -> vector<16xi32>
        %add3A_1179 = arith.addi %min3A_1114, %all_reduce_population_count3A_1178 : vector<16xi32>
        %min3A_1180 = arith.minsi %add3A_1179, %broadcast_in_dim3A_88 : vector<16xi32>
        %mul3A_1181 = arith.mulf %broadcast_in_dim3A_387, %get3A_1133 : vector<16xf32>
        %mul3A_1182 = arith.mulf %broadcast_in_dim3A_399, %get3A_1135 : vector<16xf32>
        %add3A_1183 = arith.addf %mul3A_1181, %mul3A_1182 : vector<16xf32>
        %mul3A_1184 = arith.mulf %broadcast_in_dim3A_411, %get3A_1137 : vector<16xf32>
        %add3A_1185 = arith.addf %add3A_1183, %mul3A_1184 : vector<16xf32>
        %add3A_1186 = arith.addf %broadcast_in_dim3A_423, %get3A_1139 : vector<16xf32>
        %sub3A_1187 = arith.subf %add3A_1186, %add3A_1185 : vector<16xf32>
        %lt3A_1188 = arith.cmpf olt, %sub3A_1187, %get3A_79 : vector<16xf32>
        %slice3A_1189 = vector.extract_strided_slice %min3A_1127 {offsets = [0], sizes = [1], strides = [1]} : vector<16xi32> to vector<1xi32>
        %squeeze3A_1190 = vector.extract %slice3A_1189[0] : i32 from vector<1xi32>
        %all_reduce_population_count3A_1191 = tpu.all_reduce %lt3A_1188 {dim = 0 : i64, kind = #tpu.reduction_kind<sum>} : vector<16xi1> -> vector<16xi32>
        %add3A_1192 = arith.addi %min3A_1127, %all_reduce_population_count3A_1191 : vector<16xi32>
        %min3A_1193 = arith.minsi %add3A_1192, %broadcast_in_dim3A_88 : vector<16xi32>
        %add3A_1194 = arith.constant 3 : i32
        %add3A_1195 = arith.addi %while3A_975, %add3A_1194 : i32
        %mul3A_1196 = arith.constant 16 : i32
        %mul3A_1197 = arith.muli %add3A_1195, %mul3A_1196 : i32
        %get3A_1198 = arith.index_cast %mul3A_1197 : i32 to index
        %get3A_1199 = tpu.vector_load %arg6[%get3A_1198] {strides = array<i32>} : memref<16384xf32, #tpu.memory_space<vmem>>, vector<16xf32>,
        %get3A_1200 = arith.index_cast %mul3A_1197 : i32 to index
        %get3A_1201 = tpu.vector_load %arg7[%get3A_1200] {strides = array<i32>} : memref<16384xf32, #tpu.memory_space<vmem>>, vector<16xf32>,
        %get3A_1202 = arith.index_cast %mul3A_1197 : i32 to index
        %get3A_1203 = tpu.vector_load %arg8[%get3A_1202] {strides = array<i32>} : memref<16384xf32, #tpu.memory_space<vmem>>, vector<16xf32>,
        %get3A_1204 = arith.index_cast %mul3A_1197 : i32 to index
        %get3A_1205 = tpu.vector_load %arg9[%get3A_1204] {strides = array<i32>} : memref<16384xf32, #tpu.memory_space<vmem>>, vector<16xf32>,
        %add3A_1206 = vector.broadcast %mul3A_1197 : i32 to vector<16xi32>
        %add3A_1207 = arith.addi %iota3A, %add3A_1206 : vector<16xi32>
        %mul3A_1208 = arith.mulf %broadcast_in_dim3A_378, %get3A_1199 : vector<16xf32>
        %mul3A_1209 = arith.mulf %broadcast_in_dim3A_390, %get3A_1201 : vector<16xf32>
        %add3A_1210 = arith.addf %mul3A_1208, %mul3A_1209 : vector<16xf32>
        %mul3A_1211 = arith.mulf %broadcast_in_dim3A_402, %get3A_1203 : vector<16xf32>
        %add3A_1212 = arith.addf %add3A_1210, %mul3A_1211 : vector<16xf32>
        %add3A_1213 = arith.addf %broadcast_in_dim3A_414, %get3A_1205 : vector<16xf32>
        %sub3A_1214 = arith.subf %add3A_1213, %add3A_1212 : vector<16xf32>
        %lt3A_1215 = arith.cmpf olt, %sub3A_1214, %get3A_79 : vector<16xf32>
        %slice3A_1216 = vector.extract_strided_slice %min3A_1154 {offsets = [0], sizes = [1], strides = [1]} : vector<16xi32> to vector<1xi32>
        %squeeze3A_1217 = vector.extract %slice3A_1216[0] : i32 from vector<1xi32>
        %all_reduce_population_count3A_1218 = tpu.all_reduce %lt3A_1215 {dim = 0 : i64, kind = #tpu.reduction_kind<sum>} : vector<16xi1> -> vector<16xi32>
        %add3A_1219 = arith.addi %min3A_1154, %all_reduce_population_count3A_1218 : vector<16xi32>
        %min3A_1220 = arith.minsi %add3A_1219, %broadcast_in_dim3A_88 : vector<16xi32>
        %mul3A_1221 = arith.mulf %broadcast_in_dim3A_381, %get3A_1199 : vector<16xf32>
        %mul3A_1222 = arith.mulf %broadcast_in_dim3A_393, %get3A_1201 : vector<16xf32>
        %add3A_1223 = arith.addf %mul3A_1221, %mul3A_1222 : vector<16xf32>
        %mul3A_1224 = arith.mulf %broadcast_in_dim3A_405, %get3A_1203 : vector<16xf32>
        %add3A_1225 = arith.addf %add3A_1223, %mul3A_1224 : vector<16xf32>
        %add3A_1226 = arith.addf %broadcast_in_dim3A_417, %get3A_1205 : vector<16xf32>
        %sub3A_1227 = arith.subf %add3A_1226, %add3A_1225 : vector<16xf32>
        %lt3A_1228 = arith.cmpf olt, %sub3A_1227, %get3A_79 : vector<16xf32>
        %slice3A_1229 = vector.extract_strided_slice %min3A_1167 {offsets = [0], sizes = [1], strides = [1]} : vector<16xi32> to vector<1xi32>
        %squeeze3A_1230 = vector.extract %slice3A_1229[0] : i32 from vector<1xi32>
        %all_reduce_population_count3A_1231 = tpu.all_reduce %lt3A_1228 {dim = 0 : i64, kind = #tpu.reduction_kind<sum>} : vector<16xi1> -> vector<16xi32>
        %add3A_1232 = arith.addi %min3A_1167, %all_reduce_population_count3A_1231 : vector<16xi32>
        %min3A_1233 = arith.minsi %add3A_1232, %broadcast_in_dim3A_88 : vector<16xi32>
        %mul3A_1234 = arith.mulf %broadcast_in_dim3A_384, %get3A_1199 : vector<16xf32>
        %mul3A_1235 = arith.mulf %broadcast_in_dim3A_396, %get3A_1201 : vector<16xf32>
        %add3A_1236 = arith.addf %mul3A_1234, %mul3A_1235 : vector<16xf32>
        %mul3A_1237 = arith.mulf %broadcast_in_dim3A_408, %get3A_1203 : vector<16xf32>
        %add3A_1238 = arith.addf %add3A_1236, %mul3A_1237 : vector<16xf32>
        %add3A_1239 = arith.addf %broadcast_in_dim3A_420, %get3A_1205 : vector<16xf32>
        %sub3A_1240 = arith.subf %add3A_1239, %add3A_1238 : vector<16xf32>
        %lt3A_1241 = arith.cmpf olt, %sub3A_1240, %get3A_79 : vector<16xf32>
        %slice3A_1242 = vector.extract_strided_slice %min3A_1180 {offsets = [0], sizes = [1], strides = [1]} : vector<16xi32> to vector<1xi32>
        %squeeze3A_1243 = vector.extract %slice3A_1242[0] : i32 from vector<1xi32>
        %all_reduce_population_count3A_1244 = tpu.all_reduce %lt3A_1241 {dim = 0 : i64, kind = #tpu.reduction_kind<sum>} : vector<16xi1> -> vector<16xi32>
        %add3A_1245 = arith.addi %min3A_1180, %all_reduce_population_count3A_1244 : vector<16xi32>
        %min3A_1246 = arith.minsi %add3A_1245, %broadcast_in_dim3A_88 : vector<16xi32>
        %mul3A_1247 = arith.mulf %broadcast_in_dim3A_387, %get3A_1199 : vector<16xf32>
        %mul3A_1248 = arith.mulf %broadcast_in_dim3A_399, %get3A_1201 : vector<16xf32>
        %add3A_1249 = arith.addf %mul3A_1247, %mul3A_1248 : vector<16xf32>
        %mul3A_1250 = arith.mulf %broadcast_in_dim3A_411, %get3A_1203 : vector<16xf32>
        %add3A_1251 = arith.addf %add3A_1249, %mul3A_1250 : vector<16xf32>
        %add3A_1252 = arith.addf %broadcast_in_dim3A_423, %get3A_1205 : vector<16xf32>
        %sub3A_1253 = arith.subf %add3A_1252, %add3A_1251 : vector<16xf32>
        %lt3A_1254 = arith.cmpf olt, %sub3A_1253, %get3A_79 : vector<16xf32>
        %slice3A_1255 = vector.extract_strided_slice %min3A_1193 {offsets = [0], sizes = [1], strides = [1]} : vector<16xi32> to vector<1xi32>
        %squeeze3A_1256 = vector.extract %slice3A_1255[0] : i32 from vector<1xi32>
        %all_reduce_population_count3A_1257 = tpu.all_reduce %lt3A_1254 {dim = 0 : i64, kind = #tpu.reduction_kind<sum>} : vector<16xi1> -> vector<16xi32>
        %add3A_1258 = arith.addi %min3A_1193, %all_reduce_population_count3A_1257 : vector<16xi32>
        %min3A_1259 = arith.minsi %add3A_1258, %broadcast_in_dim3A_88 : vector<16xi32>
        %add3A_1260 = arith.constant 160 : i32
        %add3A_1261 = arith.addi %add3A_1260, %squeeze3A_1021 : i32
        %swap3A_1262 = arith.index_cast %add3A_1261 : i32 to index
        %swap3A_1263 = tpu.vector_load %arg12[%swap3A_1262] masked %lt3A_1019 {strides = array<i32>} : memref<1280xi32, #tpu.memory_space<vmem>>, vector<16xi32>, vector<16xi1>
        tpu.vector_store %arg12[%swap3A_1262], %add3A_1011 masked %lt3A_1019 {strides = array<i32>} : memref<1280xi32, #tpu.memory_space<vmem>>, vector<16xi32>, vector<16xi1>
        %add3A_1264 = arith.constant 480 : i32
        %add3A_1265 = arith.addi %add3A_1264, %squeeze3A_1032 : i32
        %swap3A_1266 = arith.index_cast %add3A_1265 : i32 to index
        %swap3A_1267 = tpu.vector_load %arg12[%swap3A_1266] masked %lt3A_1030 {strides = array<i32>} : memref<1280xi32, #tpu.memory_space<vmem>>, vector<16xi32>, vector<16xi1>
        tpu.vector_store %arg12[%swap3A_1266], %add3A_1011 masked %lt3A_1030 {strides = array<i32>} : memref<1280xi32, #tpu.memory_space<vmem>>, vector<16xi32>, vector<16xi1>
        %add3A_1268 = arith.constant 800 : i32
        %add3A_1269 = arith.addi %add3A_1268, %squeeze3A_1045 : i32
        %swap3A_1270 = arith.index_cast %add3A_1269 : i32 to index
        %swap3A_1271 = tpu.vector_load %arg12[%swap3A_1270] masked %lt3A_1043 {strides = array<i32>} : memref<1280xi32, #tpu.memory_space<vmem>>, vector<16xi32>, vector<16xi1>
        tpu.vector_store %arg12[%swap3A_1270], %add3A_1011 masked %lt3A_1043 {strides = array<i32>} : memref<1280xi32, #tpu.memory_space<vmem>>, vector<16xi32>, vector<16xi1>
        %add3A_1272 = arith.constant 1120 : i32
        %add3A_1273 = arith.addi %add3A_1272, %squeeze3A_1058 : i32
        %swap3A_1274 = arith.index_cast %add3A_1273 : i32 to index
        %swap3A_1275 = tpu.vector_load %arg12[%swap3A_1274] masked %lt3A_1056 {strides = array<i32>} : memref<1280xi32, #tpu.memory_space<vmem>>, vector<16xi32>, vector<16xi1>
        tpu.vector_store %arg12[%swap3A_1274], %add3A_1011 masked %lt3A_1056 {strides = array<i32>} : memref<1280xi32, #tpu.memory_space<vmem>>, vector<16xi32>, vector<16xi1>
        %add3A_1276 = arith.constant 160 : i32
        %add3A_1277 = arith.addi %add3A_1276, %squeeze3A_1085 : i32
        %swap3A_1278 = arith.index_cast %add3A_1277 : i32 to index
        %swap3A_1279 = tpu.vector_load %arg12[%swap3A_1278] masked %lt3A_1083 {strides = array<i32>} : memref<1280xi32, #tpu.memory_space<vmem>>, vector<16xi32>, vector<16xi1>
        tpu.vector_store %arg12[%swap3A_1278], %add3A_1075 masked %lt3A_1083 {strides = array<i32>} : memref<1280xi32, #tpu.memory_space<vmem>>, vector<16xi32>, vector<16xi1>
        %add3A_1280 = arith.constant 480 : i32
        %add3A_1281 = arith.addi %add3A_1280, %squeeze3A_1098 : i32
        %swap3A_1282 = arith.index_cast %add3A_1281 : i32 to index
        %swap3A_1283 = tpu.vector_load %arg12[%swap3A_1282] masked %lt3A_1096 {strides = array<i32>} : memref<1280xi32, #tpu.memory_space<vmem>>, vector<16xi32>, vector<16xi1>
        tpu.vector_store %arg12[%swap3A_1282], %add3A_1075 masked %lt3A_1096 {strides = array<i32>} : memref<1280xi32, #tpu.memory_space<vmem>>, vector<16xi32>, vector<16xi1>
        %add3A_1284 = arith.constant 800 : i32
        %add3A_1285 = arith.addi %add3A_1284, %squeeze3A_1111 : i32
        %swap3A_1286 = arith.index_cast %add3A_1285 : i32 to index
        %swap3A_1287 = tpu.vector_load %arg12[%swap3A_1286] masked %lt3A_1109 {strides = array<i32>} : memref<1280xi32, #tpu.memory_space<vmem>>, vector<16xi32>, vector<16xi1>
        tpu.vector_store %arg12[%swap3A_1286], %add3A_1075 masked %lt3A_1109 {strides = array<i32>} : memref<1280xi32, #tpu.memory_space<vmem>>, vector<16xi32>, vector<16xi1>
        %add3A_1288 = arith.constant 1120 : i32
        %add3A_1289 = arith.addi %add3A_1288, %squeeze3A_1124 : i32
        %swap3A_1290 = arith.index_cast %add3A_1289 : i32 to index
        %swap3A_1291 = tpu.vector_load %arg12[%swap3A_1290] masked %lt3A_1122 {strides = array<i32>} : memref<1280xi32, #tpu.memory_space<vmem>>, vector<16xi32>, vector<16xi1>
        tpu.vector_store %arg12[%swap3A_1290], %add3A_1075 masked %lt3A_1122 {strides = array<i32>} : memref<1280xi32, #tpu.memory_space<vmem>>, vector<16xi32>, vector<16xi1>
        %add3A_1292 = arith.constant 160 : i32
        %add3A_1293 = arith.addi %add3A_1292, %squeeze3A_1151 : i32
        %swap3A_1294 = arith.index_cast %add3A_1293 : i32 to index
        %swap3A_1295 = tpu.vector_load %arg12[%swap3A_1294] masked %lt3A_1149 {strides = array<i32>} : memref<1280xi32, #tpu.memory_space<vmem>>, vector<16xi32>, vector<16xi1>
        tpu.vector_store %arg12[%swap3A_1294], %add3A_1141 masked %lt3A_1149 {strides = array<i32>} : memref<1280xi32, #tpu.memory_space<vmem>>, vector<16xi32>, vector<16xi1>
        %add3A_1296 = arith.constant 480 : i32
        %add3A_1297 = arith.addi %add3A_1296, %squeeze3A_1164 : i32
        %swap3A_1298 = arith.index_cast %add3A_1297 : i32 to index
        %swap3A_1299 = tpu.vector_load %arg12[%swap3A_1298] masked %lt3A_1162 {strides = array<i32>} : memref<1280xi32, #tpu.memory_space<vmem>>, vector<16xi32>, vector<16xi1>
        tpu.vector_store %arg12[%swap3A_1298], %add3A_1141 masked %lt3A_1162 {strides = array<i32>} : memref<1280xi32, #tpu.memory_space<vmem>>, vector<16xi32>, vector<16xi1>
        %add3A_1300 = arith.constant 800 : i32
        %add3A_1301 = arith.addi %add3A_1300, %squeeze3A_1177 : i32
        %swap3A_1302 = arith.index_cast %add3A_1301 : i32 to index
        %swap3A_1303 = tpu.vector_load %arg12[%swap3A_1302] masked %lt3A_1175 {strides = array<i32>} : memref<1280xi32, #tpu.memory_space<vmem>>, vector<16xi32>, vector<16xi1>
        tpu.vector_store %arg12[%swap3A_1302], %add3A_1141 masked %lt3A_1175 {strides = array<i32>} : memref<1280xi32, #tpu.memory_space<vmem>>, vector<16xi32>, vector<16xi1>
        %add3A_1304 = arith.constant 1120 : i32
        %add3A_1305 = arith.addi %add3A_1304, %squeeze3A_1190 : i32
        %swap3A_1306 = arith.index_cast %add3A_1305 : i32 to index
        %swap3A_1307 = tpu.vector_load %arg12[%swap3A_1306] masked %lt3A_1188 {strides = array<i32>} : memref<1280xi32, #tpu.memory_space<vmem>>, vector<16xi32>, vector<16xi1>
        tpu.vector_store %arg12[%swap3A_1306], %add3A_1141 masked %lt3A_1188 {strides = array<i32>} : memref<1280xi32, #tpu.memory_space<vmem>>, vector<16xi32>, vector<16xi1>
        %add3A_1308 = arith.constant 160 : i32
        %add3A_1309 = arith.addi %add3A_1308, %squeeze3A_1217 : i32
        %swap3A_1310 = arith.index_cast %add3A_1309 : i32 to index
        %swap3A_1311 = tpu.vector_load %arg12[%swap3A_1310] masked %lt3A_1215 {strides = array<i32>} : memref<1280xi32, #tpu.memory_space<vmem>>, vector<16xi32>, vector<16xi1>
        tpu.vector_store %arg12[%swap3A_1310], %add3A_1207 masked %lt3A_1215 {strides = array<i32>} : memref<1280xi32, #tpu.memory_space<vmem>>, vector<16xi32>, vector<16xi1>
        %add3A_1312 = arith.constant 480 : i32
        %add3A_1313 = arith.addi %add3A_1312, %squeeze3A_1230 : i32
        %swap3A_1314 = arith.index_cast %add3A_1313 : i32 to index
        %swap3A_1315 = tpu.vector_load %arg12[%swap3A_1314] masked %lt3A_1228 {strides = array<i32>} : memref<1280xi32, #tpu.memory_space<vmem>>, vector<16xi32>, vector<16xi1>
        tpu.vector_store %arg12[%swap3A_1314], %add3A_1207 masked %lt3A_1228 {strides = array<i32>} : memref<1280xi32, #tpu.memory_space<vmem>>, vector<16xi32>, vector<16xi1>
        %add3A_1316 = arith.constant 800 : i32
        %add3A_1317 = arith.addi %add3A_1316, %squeeze3A_1243 : i32
        %swap3A_1318 = arith.index_cast %add3A_1317 : i32 to index
        %swap3A_1319 = tpu.vector_load %arg12[%swap3A_1318] masked %lt3A_1241 {strides = array<i32>} : memref<1280xi32, #tpu.memory_space<vmem>>, vector<16xi32>, vector<16xi1>
        tpu.vector_store %arg12[%swap3A_1318], %add3A_1207 masked %lt3A_1241 {strides = array<i32>} : memref<1280xi32, #tpu.memory_space<vmem>>, vector<16xi32>, vector<16xi1>
        %add3A_1320 = arith.constant 1120 : i32
        %add3A_1321 = arith.addi %add3A_1320, %squeeze3A_1256 : i32
        %swap3A_1322 = arith.index_cast %add3A_1321 : i32 to index
        %swap3A_1323 = tpu.vector_load %arg12[%swap3A_1322] masked %lt3A_1254 {strides = array<i32>} : memref<1280xi32, #tpu.memory_space<vmem>>, vector<16xi32>, vector<16xi1>
        tpu.vector_store %arg12[%swap3A_1322], %add3A_1207 masked %lt3A_1254 {strides = array<i32>} : memref<1280xi32, #tpu.memory_space<vmem>>, vector<16xi32>, vector<16xi1>
        %add3A_1324 = arith.constant 4 : i32
        %add3A_1325 = arith.addi %while3A_975, %add3A_1324 : i32
        scf.yield %add3A_1325, %or3A_997, %min3A_1220, %min3A_1233, %min3A_1246, %min3A_1259 : i32, i1, vector<16xi32>, vector<16xi32>, vector<16xi32>, vector<16xi32>
      }
      %swap3A_427 = arith.constant 240 : index
      %swap3A_428 = tpu.vector_load %arg12[%swap3A_427] {strides = array<i32>} : memref<1280xi32, #tpu.memory_space<vmem>>, vector<16xi32>,
      tpu.vector_store %arg12[%swap3A_427], %broadcast_in_dim3A_80 {strides = array<i32>} : memref<1280xi32, #tpu.memory_space<vmem>>, vector<16xi32>,
      %swap3A_429 = arith.constant 256 : index
      %swap3A_430 = tpu.vector_load %arg12[%swap3A_429] {strides = array<i32>} : memref<1280xi32, #tpu.memory_space<vmem>>, vector<16xi32>,
      tpu.vector_store %arg12[%swap3A_429], %broadcast_in_dim3A_80 {strides = array<i32>} : memref<1280xi32, #tpu.memory_space<vmem>>, vector<16xi32>,
      %swap3A_431 = arith.constant 272 : index
      %swap3A_432 = tpu.vector_load %arg12[%swap3A_431] {strides = array<i32>} : memref<1280xi32, #tpu.memory_space<vmem>>, vector<16xi32>,
      tpu.vector_store %arg12[%swap3A_431], %broadcast_in_dim3A_80 {strides = array<i32>} : memref<1280xi32, #tpu.memory_space<vmem>>, vector<16xi32>,
      %swap3A_433 = arith.constant 288 : index
      %swap3A_434 = tpu.vector_load %arg12[%swap3A_433] {strides = array<i32>} : memref<1280xi32, #tpu.memory_space<vmem>>, vector<16xi32>,
      tpu.vector_store %arg12[%swap3A_433], %broadcast_in_dim3A_80 {strides = array<i32>} : memref<1280xi32, #tpu.memory_space<vmem>>, vector<16xi32>,
      %swap3A_435 = arith.constant 560 : index
      %swap3A_436 = tpu.vector_load %arg12[%swap3A_435] {strides = array<i32>} : memref<1280xi32, #tpu.memory_space<vmem>>, vector<16xi32>,
      tpu.vector_store %arg12[%swap3A_435], %broadcast_in_dim3A_80 {strides = array<i32>} : memref<1280xi32, #tpu.memory_space<vmem>>, vector<16xi32>,
      %swap3A_437 = arith.constant 576 : index
      %swap3A_438 = tpu.vector_load %arg12[%swap3A_437] {strides = array<i32>} : memref<1280xi32, #tpu.memory_space<vmem>>, vector<16xi32>,
      tpu.vector_store %arg12[%swap3A_437], %broadcast_in_dim3A_80 {strides = array<i32>} : memref<1280xi32, #tpu.memory_space<vmem>>, vector<16xi32>,
      %swap3A_439 = arith.constant 592 : index
      %swap3A_440 = tpu.vector_load %arg12[%swap3A_439] {strides = array<i32>} : memref<1280xi32, #tpu.memory_space<vmem>>, vector<16xi32>,
      tpu.vector_store %arg12[%swap3A_439], %broadcast_in_dim3A_80 {strides = array<i32>} : memref<1280xi32, #tpu.memory_space<vmem>>, vector<16xi32>,
      %swap3A_441 = arith.constant 608 : index
      %swap3A_442 = tpu.vector_load %arg12[%swap3A_441] {strides = array<i32>} : memref<1280xi32, #tpu.memory_space<vmem>>, vector<16xi32>,
      tpu.vector_store %arg12[%swap3A_441], %broadcast_in_dim3A_80 {strides = array<i32>} : memref<1280xi32, #tpu.memory_space<vmem>>, vector<16xi32>,
      %swap3A_443 = arith.constant 880 : index
      %swap3A_444 = tpu.vector_load %arg12[%swap3A_443] {strides = array<i32>} : memref<1280xi32, #tpu.memory_space<vmem>>, vector<16xi32>,
      tpu.vector_store %arg12[%swap3A_443], %broadcast_in_dim3A_80 {strides = array<i32>} : memref<1280xi32, #tpu.memory_space<vmem>>, vector<16xi32>,
      %swap3A_445 = arith.constant 896 : index
      %swap3A_446 = tpu.vector_load %arg12[%swap3A_445] {strides = array<i32>} : memref<1280xi32, #tpu.memory_space<vmem>>, vector<16xi32>,
      tpu.vector_store %arg12[%swap3A_445], %broadcast_in_dim3A_80 {strides = array<i32>} : memref<1280xi32, #tpu.memory_space<vmem>>, vector<16xi32>,
      %swap3A_447 = arith.constant 912 : index
      %swap3A_448 = tpu.vector_load %arg12[%swap3A_447] {strides = array<i32>} : memref<1280xi32, #tpu.memory_space<vmem>>, vector<16xi32>,
      tpu.vector_store %arg12[%swap3A_447], %broadcast_in_dim3A_80 {strides = array<i32>} : memref<1280xi32, #tpu.memory_space<vmem>>, vector<16xi32>,
      %swap3A_449 = arith.constant 928 : index
      %swap3A_450 = tpu.vector_load %arg12[%swap3A_449] {strides = array<i32>} : memref<1280xi32, #tpu.memory_space<vmem>>, vector<16xi32>,
      tpu.vector_store %arg12[%swap3A_449], %broadcast_in_dim3A_80 {strides = array<i32>} : memref<1280xi32, #tpu.memory_space<vmem>>, vector<16xi32>,
      %swap3A_451 = arith.constant 1200 : index
      %swap3A_452 = tpu.vector_load %arg12[%swap3A_451] {strides = array<i32>} : memref<1280xi32, #tpu.memory_space<vmem>>, vector<16xi32>,
      tpu.vector_store %arg12[%swap3A_451], %broadcast_in_dim3A_80 {strides = array<i32>} : memref<1280xi32, #tpu.memory_space<vmem>>, vector<16xi32>,
      %swap3A_453 = arith.constant 1216 : index
      %swap3A_454 = tpu.vector_load %arg12[%swap3A_453] {strides = array<i32>} : memref<1280xi32, #tpu.memory_space<vmem>>, vector<16xi32>,
      tpu.vector_store %arg12[%swap3A_453], %broadcast_in_dim3A_80 {strides = array<i32>} : memref<1280xi32, #tpu.memory_space<vmem>>, vector<16xi32>,
      %swap3A_455 = arith.constant 1232 : index
      %swap3A_456 = tpu.vector_load %arg12[%swap3A_455] {strides = array<i32>} : memref<1280xi32, #tpu.memory_space<vmem>>, vector<16xi32>,
      tpu.vector_store %arg12[%swap3A_455], %broadcast_in_dim3A_80 {strides = array<i32>} : memref<1280xi32, #tpu.memory_space<vmem>>, vector<16xi32>,
      %swap3A_457 = arith.constant 1248 : index
      %swap3A_458 = tpu.vector_load %arg12[%swap3A_457] {strides = array<i32>} : memref<1280xi32, #tpu.memory_space<vmem>>, vector<16xi32>,
      tpu.vector_store %arg12[%swap3A_457], %broadcast_in_dim3A_80 {strides = array<i32>} : memref<1280xi32, #tpu.memory_space<vmem>>, vector<16xi32>,
      %slice3A_459 = vector.extract_strided_slice %add3A_147 {offsets = [3], sizes = [1], strides = [1]} : vector<16xf32> to vector<1xf32>
      %squeeze3A_460 = vector.extract %slice3A_459[0] : f32 from vector<1xf32>
      %broadcast_in_dim3A_461 = vector.broadcast %squeeze3A_460 : f32 to vector<16xf32>
      %slice3A_462 = vector.extract_strided_slice %add3A_147 {offsets = [7], sizes = [1], strides = [1]} : vector<16xf32> to vector<1xf32>
      %squeeze3A_463 = vector.extract %slice3A_462[0] : f32 from vector<1xf32>
      %broadcast_in_dim3A_464 = vector.broadcast %squeeze3A_463 : f32 to vector<16xf32>
      %slice3A_465 = vector.extract_strided_slice %add3A_147 {offsets = [11], sizes = [1], strides = [1]} : vector<16xf32> to vector<1xf32>
      %squeeze3A_466 = vector.extract %slice3A_465[0] : f32 from vector<1xf32>
      %broadcast_in_dim3A_467 = vector.broadcast %squeeze3A_466 : f32 to vector<16xf32>
      %slice3A_468 = vector.extract_strided_slice %add3A_147 {offsets = [15], sizes = [1], strides = [1]} : vector<16xf32> to vector<1xf32>
      %squeeze3A_469 = vector.extract %slice3A_468[0] : f32 from vector<1xf32>
      %broadcast_in_dim3A_470 = vector.broadcast %squeeze3A_469 : f32 to vector<16xf32>
      %slice3A_471 = vector.extract_strided_slice %add3A_163 {offsets = [3], sizes = [1], strides = [1]} : vector<16xf32> to vector<1xf32>
      %squeeze3A_472 = vector.extract %slice3A_471[0] : f32 from vector<1xf32>
      %broadcast_in_dim3A_473 = vector.broadcast %squeeze3A_472 : f32 to vector<16xf32>
      %slice3A_474 = vector.extract_strided_slice %add3A_163 {offsets = [7], sizes = [1], strides = [1]} : vector<16xf32> to vector<1xf32>
      %squeeze3A_475 = vector.extract %slice3A_474[0] : f32 from vector<1xf32>
      %broadcast_in_dim3A_476 = vector.broadcast %squeeze3A_475 : f32 to vector<16xf32>
      %slice3A_477 = vector.extract_strided_slice %add3A_163 {offsets = [11], sizes = [1], strides = [1]} : vector<16xf32> to vector<1xf32>
      %squeeze3A_478 = vector.extract %slice3A_477[0] : f32 from vector<1xf32>
      %broadcast_in_dim3A_479 = vector.broadcast %squeeze3A_478 : f32 to vector<16xf32>
      %slice3A_480 = vector.extract_strided_slice %add3A_163 {offsets = [15], sizes = [1], strides = [1]} : vector<16xf32> to vector<1xf32>
      %squeeze3A_481 = vector.extract %slice3A_480[0] : f32 from vector<1xf32>
      %broadcast_in_dim3A_482 = vector.broadcast %squeeze3A_481 : f32 to vector<16xf32>
      %slice3A_483 = vector.extract_strided_slice %add3A_179 {offsets = [3], sizes = [1], strides = [1]} : vector<16xf32> to vector<1xf32>
      %squeeze3A_484 = vector.extract %slice3A_483[0] : f32 from vector<1xf32>
      %broadcast_in_dim3A_485 = vector.broadcast %squeeze3A_484 : f32 to vector<16xf32>
      %slice3A_486 = vector.extract_strided_slice %add3A_179 {offsets = [7], sizes = [1], strides = [1]} : vector<16xf32> to vector<1xf32>
      %squeeze3A_487 = vector.extract %slice3A_486[0] : f32 from vector<1xf32>
      %broadcast_in_dim3A_488 = vector.broadcast %squeeze3A_487 : f32 to vector<16xf32>
      %slice3A_489 = vector.extract_strided_slice %add3A_179 {offsets = [11], sizes = [1], strides = [1]} : vector<16xf32> to vector<1xf32>
      %squeeze3A_490 = vector.extract %slice3A_489[0] : f32 from vector<1xf32>
      %broadcast_in_dim3A_491 = vector.broadcast %squeeze3A_490 : f32 to vector<16xf32>
      %slice3A_492 = vector.extract_strided_slice %add3A_179 {offsets = [15], sizes = [1], strides = [1]} : vector<16xf32> to vector<1xf32>
      %squeeze3A_493 = vector.extract %slice3A_492[0] : f32 from vector<1xf32>
      %broadcast_in_dim3A_494 = vector.broadcast %squeeze3A_493 : f32 to vector<16xf32>
      %slice3A_495 = vector.extract_strided_slice %add3A_133 {offsets = [3], sizes = [1], strides = [1]} : vector<16xf32> to vector<1xf32>
      %squeeze3A_496 = vector.extract %slice3A_495[0] : f32 from vector<1xf32>
      %broadcast_in_dim3A_497 = vector.broadcast %squeeze3A_496 : f32 to vector<16xf32>
      %slice3A_498 = vector.extract_strided_slice %add3A_133 {offsets = [7], sizes = [1], strides = [1]} : vector<16xf32> to vector<1xf32>
      %squeeze3A_499 = vector.extract %slice3A_498[0] : f32 from vector<1xf32>
      %broadcast_in_dim3A_500 = vector.broadcast %squeeze3A_499 : f32 to vector<16xf32>
      %slice3A_501 = vector.extract_strided_slice %add3A_133 {offsets = [11], sizes = [1], strides = [1]} : vector<16xf32> to vector<1xf32>
      %squeeze3A_502 = vector.extract %slice3A_501[0] : f32 from vector<1xf32>
      %broadcast_in_dim3A_503 = vector.broadcast %squeeze3A_502 : f32 to vector<16xf32>
      %slice3A_504 = vector.extract_strided_slice %add3A_133 {offsets = [15], sizes = [1], strides = [1]} : vector<16xf32> to vector<1xf32>
      %squeeze3A_505 = vector.extract %slice3A_504[0] : f32 from vector<1xf32>
      %broadcast_in_dim3A_506 = vector.broadcast %squeeze3A_505 : f32 to vector<16xf32>
      %while3A_507 = arith.constant 0 : i32
      %while3A_508 = arith.constant true
      %while3A_509:6 = scf.while (%while3A_975 = %while3A_507, %while3A_976 = %while3A_508, %while3A_977 = %broadcast_in_dim3A_80, %while3A_978 = %broadcast_in_dim3A_80, %while3A_979 = %broadcast_in_dim3A_80, %while3A_980 = %broadcast_in_dim3A_80) : (i32, i1, vector<16xi32>, vector<16xi32>, vector<16xi32>, vector<16xi32>) -> (i32, i1, vector<16xi32>, vector<16xi32>, vector<16xi32>, vector<16xi32>) {
        %lt3A = arith.constant 1024 : i32
        %lt3A_981 = arith.cmpi slt, %while3A_975, %lt3A : i32
        %and3A_982 = arith.andi %lt3A_981, %while3A_976 : i1
        scf.condition(%and3A_982) %while3A_975, %while3A_976, %while3A_977, %while3A_978, %while3A_979, %while3A_980 : i32, i1, vector<16xi32>, vector<16xi32>, vector<16xi32>, vector<16xi32>
      } do {
      ^bb0(%while3A_975: i32, %while3A_976: i1, %while3A_977: vector<16xi32>, %while3A_978: vector<16xi32>, %while3A_979: vector<16xi32>, %while3A_980: vector<16xi32>):
        %slice3A_981 = vector.extract_strided_slice %while3A_977 {offsets = [0], sizes = [1], strides = [1]} : vector<16xi32> to vector<1xi32>
        %squeeze3A_982 = vector.extract %slice3A_981[0] : i32 from vector<1xi32>
        %lt3A = arith.constant 64 : i32
        %lt3A_983 = arith.cmpi slt, %squeeze3A_982, %lt3A : i32
        %slice3A_984 = vector.extract_strided_slice %while3A_978 {offsets = [0], sizes = [1], strides = [1]} : vector<16xi32> to vector<1xi32>
        %squeeze3A_985 = vector.extract %slice3A_984[0] : i32 from vector<1xi32>
        %lt3A_986 = arith.constant 64 : i32
        %lt3A_987 = arith.cmpi slt, %squeeze3A_985, %lt3A_986 : i32
        %or3A = arith.ori %lt3A_983, %lt3A_987 : i1
        %slice3A_988 = vector.extract_strided_slice %while3A_979 {offsets = [0], sizes = [1], strides = [1]} : vector<16xi32> to vector<1xi32>
        %squeeze3A_989 = vector.extract %slice3A_988[0] : i32 from vector<1xi32>
        %lt3A_990 = arith.constant 64 : i32
        %lt3A_991 = arith.cmpi slt, %squeeze3A_989, %lt3A_990 : i32
        %or3A_992 = arith.ori %or3A, %lt3A_991 : i1
        %slice3A_993 = vector.extract_strided_slice %while3A_980 {offsets = [0], sizes = [1], strides = [1]} : vector<16xi32> to vector<1xi32>
        %squeeze3A_994 = vector.extract %slice3A_993[0] : i32 from vector<1xi32>
        %lt3A_995 = arith.constant 64 : i32
        %lt3A_996 = arith.cmpi slt, %squeeze3A_994, %lt3A_995 : i32
        %or3A_997 = arith.ori %or3A_992, %lt3A_996 : i1
        %add3A_998 = arith.constant 0 : i32
        %add3A_999 = arith.addi %while3A_975, %add3A_998 : i32
        %mul3A_1000 = arith.constant 16 : i32
        %mul3A_1001 = arith.muli %add3A_999, %mul3A_1000 : i32
        %get3A_1002 = arith.index_cast %mul3A_1001 : i32 to index
        %get3A_1003 = tpu.vector_load %arg6[%get3A_1002] {strides = array<i32>} : memref<16384xf32, #tpu.memory_space<vmem>>, vector<16xf32>,
        %get3A_1004 = arith.index_cast %mul3A_1001 : i32 to index
        %get3A_1005 = tpu.vector_load %arg7[%get3A_1004] {strides = array<i32>} : memref<16384xf32, #tpu.memory_space<vmem>>, vector<16xf32>,
        %get3A_1006 = arith.index_cast %mul3A_1001 : i32 to index
        %get3A_1007 = tpu.vector_load %arg8[%get3A_1006] {strides = array<i32>} : memref<16384xf32, #tpu.memory_space<vmem>>, vector<16xf32>,
        %get3A_1008 = arith.index_cast %mul3A_1001 : i32 to index
        %get3A_1009 = tpu.vector_load %arg9[%get3A_1008] {strides = array<i32>} : memref<16384xf32, #tpu.memory_space<vmem>>, vector<16xf32>,
        %add3A_1010 = vector.broadcast %mul3A_1001 : i32 to vector<16xi32>
        %add3A_1011 = arith.addi %iota3A, %add3A_1010 : vector<16xi32>
        %mul3A_1012 = arith.mulf %broadcast_in_dim3A_461, %get3A_1003 : vector<16xf32>
        %mul3A_1013 = arith.mulf %broadcast_in_dim3A_473, %get3A_1005 : vector<16xf32>
        %add3A_1014 = arith.addf %mul3A_1012, %mul3A_1013 : vector<16xf32>
        %mul3A_1015 = arith.mulf %broadcast_in_dim3A_485, %get3A_1007 : vector<16xf32>
        %add3A_1016 = arith.addf %add3A_1014, %mul3A_1015 : vector<16xf32>
        %add3A_1017 = arith.addf %broadcast_in_dim3A_497, %get3A_1009 : vector<16xf32>
        %sub3A_1018 = arith.subf %add3A_1017, %add3A_1016 : vector<16xf32>
        %lt3A_1019 = arith.cmpf olt, %sub3A_1018, %get3A_79 : vector<16xf32>
        %slice3A_1020 = vector.extract_strided_slice %while3A_977 {offsets = [0], sizes = [1], strides = [1]} : vector<16xi32> to vector<1xi32>
        %squeeze3A_1021 = vector.extract %slice3A_1020[0] : i32 from vector<1xi32>
        %all_reduce_population_count3A = tpu.all_reduce %lt3A_1019 {dim = 0 : i64, kind = #tpu.reduction_kind<sum>} : vector<16xi1> -> vector<16xi32>
        %add3A_1022 = arith.addi %while3A_977, %all_reduce_population_count3A : vector<16xi32>
        %min3A = arith.minsi %add3A_1022, %broadcast_in_dim3A_88 : vector<16xi32>
        %mul3A_1023 = arith.mulf %broadcast_in_dim3A_464, %get3A_1003 : vector<16xf32>
        %mul3A_1024 = arith.mulf %broadcast_in_dim3A_476, %get3A_1005 : vector<16xf32>
        %add3A_1025 = arith.addf %mul3A_1023, %mul3A_1024 : vector<16xf32>
        %mul3A_1026 = arith.mulf %broadcast_in_dim3A_488, %get3A_1007 : vector<16xf32>
        %add3A_1027 = arith.addf %add3A_1025, %mul3A_1026 : vector<16xf32>
        %add3A_1028 = arith.addf %broadcast_in_dim3A_500, %get3A_1009 : vector<16xf32>
        %sub3A_1029 = arith.subf %add3A_1028, %add3A_1027 : vector<16xf32>
        %lt3A_1030 = arith.cmpf olt, %sub3A_1029, %get3A_79 : vector<16xf32>
        %slice3A_1031 = vector.extract_strided_slice %while3A_978 {offsets = [0], sizes = [1], strides = [1]} : vector<16xi32> to vector<1xi32>
        %squeeze3A_1032 = vector.extract %slice3A_1031[0] : i32 from vector<1xi32>
        %all_reduce_population_count3A_1033 = tpu.all_reduce %lt3A_1030 {dim = 0 : i64, kind = #tpu.reduction_kind<sum>} : vector<16xi1> -> vector<16xi32>
        %add3A_1034 = arith.addi %while3A_978, %all_reduce_population_count3A_1033 : vector<16xi32>
        %min3A_1035 = arith.minsi %add3A_1034, %broadcast_in_dim3A_88 : vector<16xi32>
        %mul3A_1036 = arith.mulf %broadcast_in_dim3A_467, %get3A_1003 : vector<16xf32>
        %mul3A_1037 = arith.mulf %broadcast_in_dim3A_479, %get3A_1005 : vector<16xf32>
        %add3A_1038 = arith.addf %mul3A_1036, %mul3A_1037 : vector<16xf32>
        %mul3A_1039 = arith.mulf %broadcast_in_dim3A_491, %get3A_1007 : vector<16xf32>
        %add3A_1040 = arith.addf %add3A_1038, %mul3A_1039 : vector<16xf32>
        %add3A_1041 = arith.addf %broadcast_in_dim3A_503, %get3A_1009 : vector<16xf32>
        %sub3A_1042 = arith.subf %add3A_1041, %add3A_1040 : vector<16xf32>
        %lt3A_1043 = arith.cmpf olt, %sub3A_1042, %get3A_79 : vector<16xf32>
        %slice3A_1044 = vector.extract_strided_slice %while3A_979 {offsets = [0], sizes = [1], strides = [1]} : vector<16xi32> to vector<1xi32>
        %squeeze3A_1045 = vector.extract %slice3A_1044[0] : i32 from vector<1xi32>
        %all_reduce_population_count3A_1046 = tpu.all_reduce %lt3A_1043 {dim = 0 : i64, kind = #tpu.reduction_kind<sum>} : vector<16xi1> -> vector<16xi32>
        %add3A_1047 = arith.addi %while3A_979, %all_reduce_population_count3A_1046 : vector<16xi32>
        %min3A_1048 = arith.minsi %add3A_1047, %broadcast_in_dim3A_88 : vector<16xi32>
        %mul3A_1049 = arith.mulf %broadcast_in_dim3A_470, %get3A_1003 : vector<16xf32>
        %mul3A_1050 = arith.mulf %broadcast_in_dim3A_482, %get3A_1005 : vector<16xf32>
        %add3A_1051 = arith.addf %mul3A_1049, %mul3A_1050 : vector<16xf32>
        %mul3A_1052 = arith.mulf %broadcast_in_dim3A_494, %get3A_1007 : vector<16xf32>
        %add3A_1053 = arith.addf %add3A_1051, %mul3A_1052 : vector<16xf32>
        %add3A_1054 = arith.addf %broadcast_in_dim3A_506, %get3A_1009 : vector<16xf32>
        %sub3A_1055 = arith.subf %add3A_1054, %add3A_1053 : vector<16xf32>
        %lt3A_1056 = arith.cmpf olt, %sub3A_1055, %get3A_79 : vector<16xf32>
        %slice3A_1057 = vector.extract_strided_slice %while3A_980 {offsets = [0], sizes = [1], strides = [1]} : vector<16xi32> to vector<1xi32>
        %squeeze3A_1058 = vector.extract %slice3A_1057[0] : i32 from vector<1xi32>
        %all_reduce_population_count3A_1059 = tpu.all_reduce %lt3A_1056 {dim = 0 : i64, kind = #tpu.reduction_kind<sum>} : vector<16xi1> -> vector<16xi32>
        %add3A_1060 = arith.addi %while3A_980, %all_reduce_population_count3A_1059 : vector<16xi32>
        %min3A_1061 = arith.minsi %add3A_1060, %broadcast_in_dim3A_88 : vector<16xi32>
        %add3A_1062 = arith.constant 1 : i32
        %add3A_1063 = arith.addi %while3A_975, %add3A_1062 : i32
        %mul3A_1064 = arith.constant 16 : i32
        %mul3A_1065 = arith.muli %add3A_1063, %mul3A_1064 : i32
        %get3A_1066 = arith.index_cast %mul3A_1065 : i32 to index
        %get3A_1067 = tpu.vector_load %arg6[%get3A_1066] {strides = array<i32>} : memref<16384xf32, #tpu.memory_space<vmem>>, vector<16xf32>,
        %get3A_1068 = arith.index_cast %mul3A_1065 : i32 to index
        %get3A_1069 = tpu.vector_load %arg7[%get3A_1068] {strides = array<i32>} : memref<16384xf32, #tpu.memory_space<vmem>>, vector<16xf32>,
        %get3A_1070 = arith.index_cast %mul3A_1065 : i32 to index
        %get3A_1071 = tpu.vector_load %arg8[%get3A_1070] {strides = array<i32>} : memref<16384xf32, #tpu.memory_space<vmem>>, vector<16xf32>,
        %get3A_1072 = arith.index_cast %mul3A_1065 : i32 to index
        %get3A_1073 = tpu.vector_load %arg9[%get3A_1072] {strides = array<i32>} : memref<16384xf32, #tpu.memory_space<vmem>>, vector<16xf32>,
        %add3A_1074 = vector.broadcast %mul3A_1065 : i32 to vector<16xi32>
        %add3A_1075 = arith.addi %iota3A, %add3A_1074 : vector<16xi32>
        %mul3A_1076 = arith.mulf %broadcast_in_dim3A_461, %get3A_1067 : vector<16xf32>
        %mul3A_1077 = arith.mulf %broadcast_in_dim3A_473, %get3A_1069 : vector<16xf32>
        %add3A_1078 = arith.addf %mul3A_1076, %mul3A_1077 : vector<16xf32>
        %mul3A_1079 = arith.mulf %broadcast_in_dim3A_485, %get3A_1071 : vector<16xf32>
        %add3A_1080 = arith.addf %add3A_1078, %mul3A_1079 : vector<16xf32>
        %add3A_1081 = arith.addf %broadcast_in_dim3A_497, %get3A_1073 : vector<16xf32>
        %sub3A_1082 = arith.subf %add3A_1081, %add3A_1080 : vector<16xf32>
        %lt3A_1083 = arith.cmpf olt, %sub3A_1082, %get3A_79 : vector<16xf32>
        %slice3A_1084 = vector.extract_strided_slice %min3A {offsets = [0], sizes = [1], strides = [1]} : vector<16xi32> to vector<1xi32>
        %squeeze3A_1085 = vector.extract %slice3A_1084[0] : i32 from vector<1xi32>
        %all_reduce_population_count3A_1086 = tpu.all_reduce %lt3A_1083 {dim = 0 : i64, kind = #tpu.reduction_kind<sum>} : vector<16xi1> -> vector<16xi32>
        %add3A_1087 = arith.addi %min3A, %all_reduce_population_count3A_1086 : vector<16xi32>
        %min3A_1088 = arith.minsi %add3A_1087, %broadcast_in_dim3A_88 : vector<16xi32>
        %mul3A_1089 = arith.mulf %broadcast_in_dim3A_464, %get3A_1067 : vector<16xf32>
        %mul3A_1090 = arith.mulf %broadcast_in_dim3A_476, %get3A_1069 : vector<16xf32>
        %add3A_1091 = arith.addf %mul3A_1089, %mul3A_1090 : vector<16xf32>
        %mul3A_1092 = arith.mulf %broadcast_in_dim3A_488, %get3A_1071 : vector<16xf32>
        %add3A_1093 = arith.addf %add3A_1091, %mul3A_1092 : vector<16xf32>
        %add3A_1094 = arith.addf %broadcast_in_dim3A_500, %get3A_1073 : vector<16xf32>
        %sub3A_1095 = arith.subf %add3A_1094, %add3A_1093 : vector<16xf32>
        %lt3A_1096 = arith.cmpf olt, %sub3A_1095, %get3A_79 : vector<16xf32>
        %slice3A_1097 = vector.extract_strided_slice %min3A_1035 {offsets = [0], sizes = [1], strides = [1]} : vector<16xi32> to vector<1xi32>
        %squeeze3A_1098 = vector.extract %slice3A_1097[0] : i32 from vector<1xi32>
        %all_reduce_population_count3A_1099 = tpu.all_reduce %lt3A_1096 {dim = 0 : i64, kind = #tpu.reduction_kind<sum>} : vector<16xi1> -> vector<16xi32>
        %add3A_1100 = arith.addi %min3A_1035, %all_reduce_population_count3A_1099 : vector<16xi32>
        %min3A_1101 = arith.minsi %add3A_1100, %broadcast_in_dim3A_88 : vector<16xi32>
        %mul3A_1102 = arith.mulf %broadcast_in_dim3A_467, %get3A_1067 : vector<16xf32>
        %mul3A_1103 = arith.mulf %broadcast_in_dim3A_479, %get3A_1069 : vector<16xf32>
        %add3A_1104 = arith.addf %mul3A_1102, %mul3A_1103 : vector<16xf32>
        %mul3A_1105 = arith.mulf %broadcast_in_dim3A_491, %get3A_1071 : vector<16xf32>
        %add3A_1106 = arith.addf %add3A_1104, %mul3A_1105 : vector<16xf32>
        %add3A_1107 = arith.addf %broadcast_in_dim3A_503, %get3A_1073 : vector<16xf32>
        %sub3A_1108 = arith.subf %add3A_1107, %add3A_1106 : vector<16xf32>
        %lt3A_1109 = arith.cmpf olt, %sub3A_1108, %get3A_79 : vector<16xf32>
        %slice3A_1110 = vector.extract_strided_slice %min3A_1048 {offsets = [0], sizes = [1], strides = [1]} : vector<16xi32> to vector<1xi32>
        %squeeze3A_1111 = vector.extract %slice3A_1110[0] : i32 from vector<1xi32>
        %all_reduce_population_count3A_1112 = tpu.all_reduce %lt3A_1109 {dim = 0 : i64, kind = #tpu.reduction_kind<sum>} : vector<16xi1> -> vector<16xi32>
        %add3A_1113 = arith.addi %min3A_1048, %all_reduce_population_count3A_1112 : vector<16xi32>
        %min3A_1114 = arith.minsi %add3A_1113, %broadcast_in_dim3A_88 : vector<16xi32>
        %mul3A_1115 = arith.mulf %broadcast_in_dim3A_470, %get3A_1067 : vector<16xf32>
        %mul3A_1116 = arith.mulf %broadcast_in_dim3A_482, %get3A_1069 : vector<16xf32>
        %add3A_1117 = arith.addf %mul3A_1115, %mul3A_1116 : vector<16xf32>
        %mul3A_1118 = arith.mulf %broadcast_in_dim3A_494, %get3A_1071 : vector<16xf32>
        %add3A_1119 = arith.addf %add3A_1117, %mul3A_1118 : vector<16xf32>
        %add3A_1120 = arith.addf %broadcast_in_dim3A_506, %get3A_1073 : vector<16xf32>
        %sub3A_1121 = arith.subf %add3A_1120, %add3A_1119 : vector<16xf32>
        %lt3A_1122 = arith.cmpf olt, %sub3A_1121, %get3A_79 : vector<16xf32>
        %slice3A_1123 = vector.extract_strided_slice %min3A_1061 {offsets = [0], sizes = [1], strides = [1]} : vector<16xi32> to vector<1xi32>
        %squeeze3A_1124 = vector.extract %slice3A_1123[0] : i32 from vector<1xi32>
        %all_reduce_population_count3A_1125 = tpu.all_reduce %lt3A_1122 {dim = 0 : i64, kind = #tpu.reduction_kind<sum>} : vector<16xi1> -> vector<16xi32>
        %add3A_1126 = arith.addi %min3A_1061, %all_reduce_population_count3A_1125 : vector<16xi32>
        %min3A_1127 = arith.minsi %add3A_1126, %broadcast_in_dim3A_88 : vector<16xi32>
        %add3A_1128 = arith.constant 2 : i32
        %add3A_1129 = arith.addi %while3A_975, %add3A_1128 : i32
        %mul3A_1130 = arith.constant 16 : i32
        %mul3A_1131 = arith.muli %add3A_1129, %mul3A_1130 : i32
        %get3A_1132 = arith.index_cast %mul3A_1131 : i32 to index
        %get3A_1133 = tpu.vector_load %arg6[%get3A_1132] {strides = array<i32>} : memref<16384xf32, #tpu.memory_space<vmem>>, vector<16xf32>,
        %get3A_1134 = arith.index_cast %mul3A_1131 : i32 to index
        %get3A_1135 = tpu.vector_load %arg7[%get3A_1134] {strides = array<i32>} : memref<16384xf32, #tpu.memory_space<vmem>>, vector<16xf32>,
        %get3A_1136 = arith.index_cast %mul3A_1131 : i32 to index
        %get3A_1137 = tpu.vector_load %arg8[%get3A_1136] {strides = array<i32>} : memref<16384xf32, #tpu.memory_space<vmem>>, vector<16xf32>,
        %get3A_1138 = arith.index_cast %mul3A_1131 : i32 to index
        %get3A_1139 = tpu.vector_load %arg9[%get3A_1138] {strides = array<i32>} : memref<16384xf32, #tpu.memory_space<vmem>>, vector<16xf32>,
        %add3A_1140 = vector.broadcast %mul3A_1131 : i32 to vector<16xi32>
        %add3A_1141 = arith.addi %iota3A, %add3A_1140 : vector<16xi32>
        %mul3A_1142 = arith.mulf %broadcast_in_dim3A_461, %get3A_1133 : vector<16xf32>
        %mul3A_1143 = arith.mulf %broadcast_in_dim3A_473, %get3A_1135 : vector<16xf32>
        %add3A_1144 = arith.addf %mul3A_1142, %mul3A_1143 : vector<16xf32>
        %mul3A_1145 = arith.mulf %broadcast_in_dim3A_485, %get3A_1137 : vector<16xf32>
        %add3A_1146 = arith.addf %add3A_1144, %mul3A_1145 : vector<16xf32>
        %add3A_1147 = arith.addf %broadcast_in_dim3A_497, %get3A_1139 : vector<16xf32>
        %sub3A_1148 = arith.subf %add3A_1147, %add3A_1146 : vector<16xf32>
        %lt3A_1149 = arith.cmpf olt, %sub3A_1148, %get3A_79 : vector<16xf32>
        %slice3A_1150 = vector.extract_strided_slice %min3A_1088 {offsets = [0], sizes = [1], strides = [1]} : vector<16xi32> to vector<1xi32>
        %squeeze3A_1151 = vector.extract %slice3A_1150[0] : i32 from vector<1xi32>
        %all_reduce_population_count3A_1152 = tpu.all_reduce %lt3A_1149 {dim = 0 : i64, kind = #tpu.reduction_kind<sum>} : vector<16xi1> -> vector<16xi32>
        %add3A_1153 = arith.addi %min3A_1088, %all_reduce_population_count3A_1152 : vector<16xi32>
        %min3A_1154 = arith.minsi %add3A_1153, %broadcast_in_dim3A_88 : vector<16xi32>
        %mul3A_1155 = arith.mulf %broadcast_in_dim3A_464, %get3A_1133 : vector<16xf32>
        %mul3A_1156 = arith.mulf %broadcast_in_dim3A_476, %get3A_1135 : vector<16xf32>
        %add3A_1157 = arith.addf %mul3A_1155, %mul3A_1156 : vector<16xf32>
        %mul3A_1158 = arith.mulf %broadcast_in_dim3A_488, %get3A_1137 : vector<16xf32>
        %add3A_1159 = arith.addf %add3A_1157, %mul3A_1158 : vector<16xf32>
        %add3A_1160 = arith.addf %broadcast_in_dim3A_500, %get3A_1139 : vector<16xf32>
        %sub3A_1161 = arith.subf %add3A_1160, %add3A_1159 : vector<16xf32>
        %lt3A_1162 = arith.cmpf olt, %sub3A_1161, %get3A_79 : vector<16xf32>
        %slice3A_1163 = vector.extract_strided_slice %min3A_1101 {offsets = [0], sizes = [1], strides = [1]} : vector<16xi32> to vector<1xi32>
        %squeeze3A_1164 = vector.extract %slice3A_1163[0] : i32 from vector<1xi32>
        %all_reduce_population_count3A_1165 = tpu.all_reduce %lt3A_1162 {dim = 0 : i64, kind = #tpu.reduction_kind<sum>} : vector<16xi1> -> vector<16xi32>
        %add3A_1166 = arith.addi %min3A_1101, %all_reduce_population_count3A_1165 : vector<16xi32>
        %min3A_1167 = arith.minsi %add3A_1166, %broadcast_in_dim3A_88 : vector<16xi32>
        %mul3A_1168 = arith.mulf %broadcast_in_dim3A_467, %get3A_1133 : vector<16xf32>
        %mul3A_1169 = arith.mulf %broadcast_in_dim3A_479, %get3A_1135 : vector<16xf32>
        %add3A_1170 = arith.addf %mul3A_1168, %mul3A_1169 : vector<16xf32>
        %mul3A_1171 = arith.mulf %broadcast_in_dim3A_491, %get3A_1137 : vector<16xf32>
        %add3A_1172 = arith.addf %add3A_1170, %mul3A_1171 : vector<16xf32>
        %add3A_1173 = arith.addf %broadcast_in_dim3A_503, %get3A_1139 : vector<16xf32>
        %sub3A_1174 = arith.subf %add3A_1173, %add3A_1172 : vector<16xf32>
        %lt3A_1175 = arith.cmpf olt, %sub3A_1174, %get3A_79 : vector<16xf32>
        %slice3A_1176 = vector.extract_strided_slice %min3A_1114 {offsets = [0], sizes = [1], strides = [1]} : vector<16xi32> to vector<1xi32>
        %squeeze3A_1177 = vector.extract %slice3A_1176[0] : i32 from vector<1xi32>
        %all_reduce_population_count3A_1178 = tpu.all_reduce %lt3A_1175 {dim = 0 : i64, kind = #tpu.reduction_kind<sum>} : vector<16xi1> -> vector<16xi32>
        %add3A_1179 = arith.addi %min3A_1114, %all_reduce_population_count3A_1178 : vector<16xi32>
        %min3A_1180 = arith.minsi %add3A_1179, %broadcast_in_dim3A_88 : vector<16xi32>
        %mul3A_1181 = arith.mulf %broadcast_in_dim3A_470, %get3A_1133 : vector<16xf32>
        %mul3A_1182 = arith.mulf %broadcast_in_dim3A_482, %get3A_1135 : vector<16xf32>
        %add3A_1183 = arith.addf %mul3A_1181, %mul3A_1182 : vector<16xf32>
        %mul3A_1184 = arith.mulf %broadcast_in_dim3A_494, %get3A_1137 : vector<16xf32>
        %add3A_1185 = arith.addf %add3A_1183, %mul3A_1184 : vector<16xf32>
        %add3A_1186 = arith.addf %broadcast_in_dim3A_506, %get3A_1139 : vector<16xf32>
        %sub3A_1187 = arith.subf %add3A_1186, %add3A_1185 : vector<16xf32>
        %lt3A_1188 = arith.cmpf olt, %sub3A_1187, %get3A_79 : vector<16xf32>
        %slice3A_1189 = vector.extract_strided_slice %min3A_1127 {offsets = [0], sizes = [1], strides = [1]} : vector<16xi32> to vector<1xi32>
        %squeeze3A_1190 = vector.extract %slice3A_1189[0] : i32 from vector<1xi32>
        %all_reduce_population_count3A_1191 = tpu.all_reduce %lt3A_1188 {dim = 0 : i64, kind = #tpu.reduction_kind<sum>} : vector<16xi1> -> vector<16xi32>
        %add3A_1192 = arith.addi %min3A_1127, %all_reduce_population_count3A_1191 : vector<16xi32>
        %min3A_1193 = arith.minsi %add3A_1192, %broadcast_in_dim3A_88 : vector<16xi32>
        %add3A_1194 = arith.constant 3 : i32
        %add3A_1195 = arith.addi %while3A_975, %add3A_1194 : i32
        %mul3A_1196 = arith.constant 16 : i32
        %mul3A_1197 = arith.muli %add3A_1195, %mul3A_1196 : i32
        %get3A_1198 = arith.index_cast %mul3A_1197 : i32 to index
        %get3A_1199 = tpu.vector_load %arg6[%get3A_1198] {strides = array<i32>} : memref<16384xf32, #tpu.memory_space<vmem>>, vector<16xf32>,
        %get3A_1200 = arith.index_cast %mul3A_1197 : i32 to index
        %get3A_1201 = tpu.vector_load %arg7[%get3A_1200] {strides = array<i32>} : memref<16384xf32, #tpu.memory_space<vmem>>, vector<16xf32>,
        %get3A_1202 = arith.index_cast %mul3A_1197 : i32 to index
        %get3A_1203 = tpu.vector_load %arg8[%get3A_1202] {strides = array<i32>} : memref<16384xf32, #tpu.memory_space<vmem>>, vector<16xf32>,
        %get3A_1204 = arith.index_cast %mul3A_1197 : i32 to index
        %get3A_1205 = tpu.vector_load %arg9[%get3A_1204] {strides = array<i32>} : memref<16384xf32, #tpu.memory_space<vmem>>, vector<16xf32>,
        %add3A_1206 = vector.broadcast %mul3A_1197 : i32 to vector<16xi32>
        %add3A_1207 = arith.addi %iota3A, %add3A_1206 : vector<16xi32>
        %mul3A_1208 = arith.mulf %broadcast_in_dim3A_461, %get3A_1199 : vector<16xf32>
        %mul3A_1209 = arith.mulf %broadcast_in_dim3A_473, %get3A_1201 : vector<16xf32>
        %add3A_1210 = arith.addf %mul3A_1208, %mul3A_1209 : vector<16xf32>
        %mul3A_1211 = arith.mulf %broadcast_in_dim3A_485, %get3A_1203 : vector<16xf32>
        %add3A_1212 = arith.addf %add3A_1210, %mul3A_1211 : vector<16xf32>
        %add3A_1213 = arith.addf %broadcast_in_dim3A_497, %get3A_1205 : vector<16xf32>
        %sub3A_1214 = arith.subf %add3A_1213, %add3A_1212 : vector<16xf32>
        %lt3A_1215 = arith.cmpf olt, %sub3A_1214, %get3A_79 : vector<16xf32>
        %slice3A_1216 = vector.extract_strided_slice %min3A_1154 {offsets = [0], sizes = [1], strides = [1]} : vector<16xi32> to vector<1xi32>
        %squeeze3A_1217 = vector.extract %slice3A_1216[0] : i32 from vector<1xi32>
        %all_reduce_population_count3A_1218 = tpu.all_reduce %lt3A_1215 {dim = 0 : i64, kind = #tpu.reduction_kind<sum>} : vector<16xi1> -> vector<16xi32>
        %add3A_1219 = arith.addi %min3A_1154, %all_reduce_population_count3A_1218 : vector<16xi32>
        %min3A_1220 = arith.minsi %add3A_1219, %broadcast_in_dim3A_88 : vector<16xi32>
        %mul3A_1221 = arith.mulf %broadcast_in_dim3A_464, %get3A_1199 : vector<16xf32>
        %mul3A_1222 = arith.mulf %broadcast_in_dim3A_476, %get3A_1201 : vector<16xf32>
        %add3A_1223 = arith.addf %mul3A_1221, %mul3A_1222 : vector<16xf32>
        %mul3A_1224 = arith.mulf %broadcast_in_dim3A_488, %get3A_1203 : vector<16xf32>
        %add3A_1225 = arith.addf %add3A_1223, %mul3A_1224 : vector<16xf32>
        %add3A_1226 = arith.addf %broadcast_in_dim3A_500, %get3A_1205 : vector<16xf32>
        %sub3A_1227 = arith.subf %add3A_1226, %add3A_1225 : vector<16xf32>
        %lt3A_1228 = arith.cmpf olt, %sub3A_1227, %get3A_79 : vector<16xf32>
        %slice3A_1229 = vector.extract_strided_slice %min3A_1167 {offsets = [0], sizes = [1], strides = [1]} : vector<16xi32> to vector<1xi32>
        %squeeze3A_1230 = vector.extract %slice3A_1229[0] : i32 from vector<1xi32>
        %all_reduce_population_count3A_1231 = tpu.all_reduce %lt3A_1228 {dim = 0 : i64, kind = #tpu.reduction_kind<sum>} : vector<16xi1> -> vector<16xi32>
        %add3A_1232 = arith.addi %min3A_1167, %all_reduce_population_count3A_1231 : vector<16xi32>
        %min3A_1233 = arith.minsi %add3A_1232, %broadcast_in_dim3A_88 : vector<16xi32>
        %mul3A_1234 = arith.mulf %broadcast_in_dim3A_467, %get3A_1199 : vector<16xf32>
        %mul3A_1235 = arith.mulf %broadcast_in_dim3A_479, %get3A_1201 : vector<16xf32>
        %add3A_1236 = arith.addf %mul3A_1234, %mul3A_1235 : vector<16xf32>
        %mul3A_1237 = arith.mulf %broadcast_in_dim3A_491, %get3A_1203 : vector<16xf32>
        %add3A_1238 = arith.addf %add3A_1236, %mul3A_1237 : vector<16xf32>
        %add3A_1239 = arith.addf %broadcast_in_dim3A_503, %get3A_1205 : vector<16xf32>
        %sub3A_1240 = arith.subf %add3A_1239, %add3A_1238 : vector<16xf32>
        %lt3A_1241 = arith.cmpf olt, %sub3A_1240, %get3A_79 : vector<16xf32>
        %slice3A_1242 = vector.extract_strided_slice %min3A_1180 {offsets = [0], sizes = [1], strides = [1]} : vector<16xi32> to vector<1xi32>
        %squeeze3A_1243 = vector.extract %slice3A_1242[0] : i32 from vector<1xi32>
        %all_reduce_population_count3A_1244 = tpu.all_reduce %lt3A_1241 {dim = 0 : i64, kind = #tpu.reduction_kind<sum>} : vector<16xi1> -> vector<16xi32>
        %add3A_1245 = arith.addi %min3A_1180, %all_reduce_population_count3A_1244 : vector<16xi32>
        %min3A_1246 = arith.minsi %add3A_1245, %broadcast_in_dim3A_88 : vector<16xi32>
        %mul3A_1247 = arith.mulf %broadcast_in_dim3A_470, %get3A_1199 : vector<16xf32>
        %mul3A_1248 = arith.mulf %broadcast_in_dim3A_482, %get3A_1201 : vector<16xf32>
        %add3A_1249 = arith.addf %mul3A_1247, %mul3A_1248 : vector<16xf32>
        %mul3A_1250 = arith.mulf %broadcast_in_dim3A_494, %get3A_1203 : vector<16xf32>
        %add3A_1251 = arith.addf %add3A_1249, %mul3A_1250 : vector<16xf32>
        %add3A_1252 = arith.addf %broadcast_in_dim3A_506, %get3A_1205 : vector<16xf32>
        %sub3A_1253 = arith.subf %add3A_1252, %add3A_1251 : vector<16xf32>
        %lt3A_1254 = arith.cmpf olt, %sub3A_1253, %get3A_79 : vector<16xf32>
        %slice3A_1255 = vector.extract_strided_slice %min3A_1193 {offsets = [0], sizes = [1], strides = [1]} : vector<16xi32> to vector<1xi32>
        %squeeze3A_1256 = vector.extract %slice3A_1255[0] : i32 from vector<1xi32>
        %all_reduce_population_count3A_1257 = tpu.all_reduce %lt3A_1254 {dim = 0 : i64, kind = #tpu.reduction_kind<sum>} : vector<16xi1> -> vector<16xi32>
        %add3A_1258 = arith.addi %min3A_1193, %all_reduce_population_count3A_1257 : vector<16xi32>
        %min3A_1259 = arith.minsi %add3A_1258, %broadcast_in_dim3A_88 : vector<16xi32>
        %add3A_1260 = arith.constant 240 : i32
        %add3A_1261 = arith.addi %add3A_1260, %squeeze3A_1021 : i32
        %swap3A_1262 = arith.index_cast %add3A_1261 : i32 to index
        %swap3A_1263 = tpu.vector_load %arg12[%swap3A_1262] masked %lt3A_1019 {strides = array<i32>} : memref<1280xi32, #tpu.memory_space<vmem>>, vector<16xi32>, vector<16xi1>
        tpu.vector_store %arg12[%swap3A_1262], %add3A_1011 masked %lt3A_1019 {strides = array<i32>} : memref<1280xi32, #tpu.memory_space<vmem>>, vector<16xi32>, vector<16xi1>
        %add3A_1264 = arith.constant 560 : i32
        %add3A_1265 = arith.addi %add3A_1264, %squeeze3A_1032 : i32
        %swap3A_1266 = arith.index_cast %add3A_1265 : i32 to index
        %swap3A_1267 = tpu.vector_load %arg12[%swap3A_1266] masked %lt3A_1030 {strides = array<i32>} : memref<1280xi32, #tpu.memory_space<vmem>>, vector<16xi32>, vector<16xi1>
        tpu.vector_store %arg12[%swap3A_1266], %add3A_1011 masked %lt3A_1030 {strides = array<i32>} : memref<1280xi32, #tpu.memory_space<vmem>>, vector<16xi32>, vector<16xi1>
        %add3A_1268 = arith.constant 880 : i32
        %add3A_1269 = arith.addi %add3A_1268, %squeeze3A_1045 : i32
        %swap3A_1270 = arith.index_cast %add3A_1269 : i32 to index
        %swap3A_1271 = tpu.vector_load %arg12[%swap3A_1270] masked %lt3A_1043 {strides = array<i32>} : memref<1280xi32, #tpu.memory_space<vmem>>, vector<16xi32>, vector<16xi1>
        tpu.vector_store %arg12[%swap3A_1270], %add3A_1011 masked %lt3A_1043 {strides = array<i32>} : memref<1280xi32, #tpu.memory_space<vmem>>, vector<16xi32>, vector<16xi1>
        %add3A_1272 = arith.constant 1200 : i32
        %add3A_1273 = arith.addi %add3A_1272, %squeeze3A_1058 : i32
        %swap3A_1274 = arith.index_cast %add3A_1273 : i32 to index
        %swap3A_1275 = tpu.vector_load %arg12[%swap3A_1274] masked %lt3A_1056 {strides = array<i32>} : memref<1280xi32, #tpu.memory_space<vmem>>, vector<16xi32>, vector<16xi1>
        tpu.vector_store %arg12[%swap3A_1274], %add3A_1011 masked %lt3A_1056 {strides = array<i32>} : memref<1280xi32, #tpu.memory_space<vmem>>, vector<16xi32>, vector<16xi1>
        %add3A_1276 = arith.constant 240 : i32
        %add3A_1277 = arith.addi %add3A_1276, %squeeze3A_1085 : i32
        %swap3A_1278 = arith.index_cast %add3A_1277 : i32 to index
        %swap3A_1279 = tpu.vector_load %arg12[%swap3A_1278] masked %lt3A_1083 {strides = array<i32>} : memref<1280xi32, #tpu.memory_space<vmem>>, vector<16xi32>, vector<16xi1>
        tpu.vector_store %arg12[%swap3A_1278], %add3A_1075 masked %lt3A_1083 {strides = array<i32>} : memref<1280xi32, #tpu.memory_space<vmem>>, vector<16xi32>, vector<16xi1>
        %add3A_1280 = arith.constant 560 : i32
        %add3A_1281 = arith.addi %add3A_1280, %squeeze3A_1098 : i32
        %swap3A_1282 = arith.index_cast %add3A_1281 : i32 to index
        %swap3A_1283 = tpu.vector_load %arg12[%swap3A_1282] masked %lt3A_1096 {strides = array<i32>} : memref<1280xi32, #tpu.memory_space<vmem>>, vector<16xi32>, vector<16xi1>
        tpu.vector_store %arg12[%swap3A_1282], %add3A_1075 masked %lt3A_1096 {strides = array<i32>} : memref<1280xi32, #tpu.memory_space<vmem>>, vector<16xi32>, vector<16xi1>
        %add3A_1284 = arith.constant 880 : i32
        %add3A_1285 = arith.addi %add3A_1284, %squeeze3A_1111 : i32
        %swap3A_1286 = arith.index_cast %add3A_1285 : i32 to index
        %swap3A_1287 = tpu.vector_load %arg12[%swap3A_1286] masked %lt3A_1109 {strides = array<i32>} : memref<1280xi32, #tpu.memory_space<vmem>>, vector<16xi32>, vector<16xi1>
        tpu.vector_store %arg12[%swap3A_1286], %add3A_1075 masked %lt3A_1109 {strides = array<i32>} : memref<1280xi32, #tpu.memory_space<vmem>>, vector<16xi32>, vector<16xi1>
        %add3A_1288 = arith.constant 1200 : i32
        %add3A_1289 = arith.addi %add3A_1288, %squeeze3A_1124 : i32
        %swap3A_1290 = arith.index_cast %add3A_1289 : i32 to index
        %swap3A_1291 = tpu.vector_load %arg12[%swap3A_1290] masked %lt3A_1122 {strides = array<i32>} : memref<1280xi32, #tpu.memory_space<vmem>>, vector<16xi32>, vector<16xi1>
        tpu.vector_store %arg12[%swap3A_1290], %add3A_1075 masked %lt3A_1122 {strides = array<i32>} : memref<1280xi32, #tpu.memory_space<vmem>>, vector<16xi32>, vector<16xi1>
        %add3A_1292 = arith.constant 240 : i32
        %add3A_1293 = arith.addi %add3A_1292, %squeeze3A_1151 : i32
        %swap3A_1294 = arith.index_cast %add3A_1293 : i32 to index
        %swap3A_1295 = tpu.vector_load %arg12[%swap3A_1294] masked %lt3A_1149 {strides = array<i32>} : memref<1280xi32, #tpu.memory_space<vmem>>, vector<16xi32>, vector<16xi1>
        tpu.vector_store %arg12[%swap3A_1294], %add3A_1141 masked %lt3A_1149 {strides = array<i32>} : memref<1280xi32, #tpu.memory_space<vmem>>, vector<16xi32>, vector<16xi1>
        %add3A_1296 = arith.constant 560 : i32
        %add3A_1297 = arith.addi %add3A_1296, %squeeze3A_1164 : i32
        %swap3A_1298 = arith.index_cast %add3A_1297 : i32 to index
        %swap3A_1299 = tpu.vector_load %arg12[%swap3A_1298] masked %lt3A_1162 {strides = array<i32>} : memref<1280xi32, #tpu.memory_space<vmem>>, vector<16xi32>, vector<16xi1>
        tpu.vector_store %arg12[%swap3A_1298], %add3A_1141 masked %lt3A_1162 {strides = array<i32>} : memref<1280xi32, #tpu.memory_space<vmem>>, vector<16xi32>, vector<16xi1>
        %add3A_1300 = arith.constant 880 : i32
        %add3A_1301 = arith.addi %add3A_1300, %squeeze3A_1177 : i32
        %swap3A_1302 = arith.index_cast %add3A_1301 : i32 to index
        %swap3A_1303 = tpu.vector_load %arg12[%swap3A_1302] masked %lt3A_1175 {strides = array<i32>} : memref<1280xi32, #tpu.memory_space<vmem>>, vector<16xi32>, vector<16xi1>
        tpu.vector_store %arg12[%swap3A_1302], %add3A_1141 masked %lt3A_1175 {strides = array<i32>} : memref<1280xi32, #tpu.memory_space<vmem>>, vector<16xi32>, vector<16xi1>
        %add3A_1304 = arith.constant 1200 : i32
        %add3A_1305 = arith.addi %add3A_1304, %squeeze3A_1190 : i32
        %swap3A_1306 = arith.index_cast %add3A_1305 : i32 to index
        %swap3A_1307 = tpu.vector_load %arg12[%swap3A_1306] masked %lt3A_1188 {strides = array<i32>} : memref<1280xi32, #tpu.memory_space<vmem>>, vector<16xi32>, vector<16xi1>
        tpu.vector_store %arg12[%swap3A_1306], %add3A_1141 masked %lt3A_1188 {strides = array<i32>} : memref<1280xi32, #tpu.memory_space<vmem>>, vector<16xi32>, vector<16xi1>
        %add3A_1308 = arith.constant 240 : i32
        %add3A_1309 = arith.addi %add3A_1308, %squeeze3A_1217 : i32
        %swap3A_1310 = arith.index_cast %add3A_1309 : i32 to index
        %swap3A_1311 = tpu.vector_load %arg12[%swap3A_1310] masked %lt3A_1215 {strides = array<i32>} : memref<1280xi32, #tpu.memory_space<vmem>>, vector<16xi32>, vector<16xi1>
        tpu.vector_store %arg12[%swap3A_1310], %add3A_1207 masked %lt3A_1215 {strides = array<i32>} : memref<1280xi32, #tpu.memory_space<vmem>>, vector<16xi32>, vector<16xi1>
        %add3A_1312 = arith.constant 560 : i32
        %add3A_1313 = arith.addi %add3A_1312, %squeeze3A_1230 : i32
        %swap3A_1314 = arith.index_cast %add3A_1313 : i32 to index
        %swap3A_1315 = tpu.vector_load %arg12[%swap3A_1314] masked %lt3A_1228 {strides = array<i32>} : memref<1280xi32, #tpu.memory_space<vmem>>, vector<16xi32>, vector<16xi1>
        tpu.vector_store %arg12[%swap3A_1314], %add3A_1207 masked %lt3A_1228 {strides = array<i32>} : memref<1280xi32, #tpu.memory_space<vmem>>, vector<16xi32>, vector<16xi1>
        %add3A_1316 = arith.constant 880 : i32
        %add3A_1317 = arith.addi %add3A_1316, %squeeze3A_1243 : i32
        %swap3A_1318 = arith.index_cast %add3A_1317 : i32 to index
        %swap3A_1319 = tpu.vector_load %arg12[%swap3A_1318] masked %lt3A_1241 {strides = array<i32>} : memref<1280xi32, #tpu.memory_space<vmem>>, vector<16xi32>, vector<16xi1>
        tpu.vector_store %arg12[%swap3A_1318], %add3A_1207 masked %lt3A_1241 {strides = array<i32>} : memref<1280xi32, #tpu.memory_space<vmem>>, vector<16xi32>, vector<16xi1>
        %add3A_1320 = arith.constant 1200 : i32
        %add3A_1321 = arith.addi %add3A_1320, %squeeze3A_1256 : i32
        %swap3A_1322 = arith.index_cast %add3A_1321 : i32 to index
        %swap3A_1323 = tpu.vector_load %arg12[%swap3A_1322] masked %lt3A_1254 {strides = array<i32>} : memref<1280xi32, #tpu.memory_space<vmem>>, vector<16xi32>, vector<16xi1>
        tpu.vector_store %arg12[%swap3A_1322], %add3A_1207 masked %lt3A_1254 {strides = array<i32>} : memref<1280xi32, #tpu.memory_space<vmem>>, vector<16xi32>, vector<16xi1>
        %add3A_1324 = arith.constant 4 : i32
        %add3A_1325 = arith.addi %while3A_975, %add3A_1324 : i32
        scf.yield %add3A_1325, %or3A_997, %min3A_1220, %min3A_1233, %min3A_1246, %min3A_1259 : i32, i1, vector<16xi32>, vector<16xi32>, vector<16xi32>, vector<16xi32>
      }
      %mul3A_510 = arith.constant 1024 : i32
      %mul3A_511 = arith.muli %and3A_105, %mul3A_510 : i32
      %add3A_512 = arith.constant 0 : i32
      %add3A_513 = arith.addi %mul3A_511, %add3A_512 : i32
      %get3A_514 = arith.constant 0 : index
      %get3A_515 = tpu.vector_load %arg12[%get3A_514] {strides = array<i32>} : memref<1280xi32, #tpu.memory_space<vmem>>, vector<16xi32>,
      %add3A_516 = arith.constant 0 : i32
      %add3A_517 = arith.addi %add3A_513, %add3A_516 : i32
      %swap3A_518 = arith.index_cast %add3A_517 : i32 to index
      %swap3A_519 = tpu.vector_load %arg13[%swap3A_518] {strides = array<i32>} : memref<2048xi32, #tpu.memory_space<vmem>>, vector<16xi32>,
      tpu.vector_store %arg13[%swap3A_518], %get3A_515 {strides = array<i32>} : memref<2048xi32, #tpu.memory_space<vmem>>, vector<16xi32>,
      %get3A_520 = arith.constant 16 : index
      %get3A_521 = tpu.vector_load %arg12[%get3A_520] {strides = array<i32>} : memref<1280xi32, #tpu.memory_space<vmem>>, vector<16xi32>,
      %add3A_522 = arith.constant 16 : i32
      %add3A_523 = arith.addi %add3A_513, %add3A_522 : i32
      %swap3A_524 = arith.index_cast %add3A_523 : i32 to index
      %swap3A_525 = tpu.vector_load %arg13[%swap3A_524] {strides = array<i32>} : memref<2048xi32, #tpu.memory_space<vmem>>, vector<16xi32>,
      tpu.vector_store %arg13[%swap3A_524], %get3A_521 {strides = array<i32>} : memref<2048xi32, #tpu.memory_space<vmem>>, vector<16xi32>,
      %get3A_526 = arith.constant 32 : index
      %get3A_527 = tpu.vector_load %arg12[%get3A_526] {strides = array<i32>} : memref<1280xi32, #tpu.memory_space<vmem>>, vector<16xi32>,
      %add3A_528 = arith.constant 32 : i32
      %add3A_529 = arith.addi %add3A_513, %add3A_528 : i32
      %swap3A_530 = arith.index_cast %add3A_529 : i32 to index
      %swap3A_531 = tpu.vector_load %arg13[%swap3A_530] {strides = array<i32>} : memref<2048xi32, #tpu.memory_space<vmem>>, vector<16xi32>,
      tpu.vector_store %arg13[%swap3A_530], %get3A_527 {strides = array<i32>} : memref<2048xi32, #tpu.memory_space<vmem>>, vector<16xi32>,
      %get3A_532 = arith.constant 48 : index
      %get3A_533 = tpu.vector_load %arg12[%get3A_532] {strides = array<i32>} : memref<1280xi32, #tpu.memory_space<vmem>>, vector<16xi32>,
      %add3A_534 = arith.constant 48 : i32
      %add3A_535 = arith.addi %add3A_513, %add3A_534 : i32
      %swap3A_536 = arith.index_cast %add3A_535 : i32 to index
      %swap3A_537 = tpu.vector_load %arg13[%swap3A_536] {strides = array<i32>} : memref<2048xi32, #tpu.memory_space<vmem>>, vector<16xi32>,
      tpu.vector_store %arg13[%swap3A_536], %get3A_533 {strides = array<i32>} : memref<2048xi32, #tpu.memory_space<vmem>>, vector<16xi32>,
      %mul3A_538 = arith.constant 1024 : i32
      %mul3A_539 = arith.muli %and3A_105, %mul3A_538 : i32
      %add3A_540 = arith.constant 64 : i32
      %add3A_541 = arith.addi %mul3A_539, %add3A_540 : i32
      %get3A_542 = arith.constant 80 : index
      %get3A_543 = tpu.vector_load %arg12[%get3A_542] {strides = array<i32>} : memref<1280xi32, #tpu.memory_space<vmem>>, vector<16xi32>,
      %add3A_544 = arith.constant 0 : i32
      %add3A_545 = arith.addi %add3A_541, %add3A_544 : i32
      %swap3A_546 = arith.index_cast %add3A_545 : i32 to index
      %swap3A_547 = tpu.vector_load %arg13[%swap3A_546] {strides = array<i32>} : memref<2048xi32, #tpu.memory_space<vmem>>, vector<16xi32>,
      tpu.vector_store %arg13[%swap3A_546], %get3A_543 {strides = array<i32>} : memref<2048xi32, #tpu.memory_space<vmem>>, vector<16xi32>,
      %get3A_548 = arith.constant 96 : index
      %get3A_549 = tpu.vector_load %arg12[%get3A_548] {strides = array<i32>} : memref<1280xi32, #tpu.memory_space<vmem>>, vector<16xi32>,
      %add3A_550 = arith.constant 16 : i32
      %add3A_551 = arith.addi %add3A_541, %add3A_550 : i32
      %swap3A_552 = arith.index_cast %add3A_551 : i32 to index
      %swap3A_553 = tpu.vector_load %arg13[%swap3A_552] {strides = array<i32>} : memref<2048xi32, #tpu.memory_space<vmem>>, vector<16xi32>,
      tpu.vector_store %arg13[%swap3A_552], %get3A_549 {strides = array<i32>} : memref<2048xi32, #tpu.memory_space<vmem>>, vector<16xi32>,
      %get3A_554 = arith.constant 112 : index
      %get3A_555 = tpu.vector_load %arg12[%get3A_554] {strides = array<i32>} : memref<1280xi32, #tpu.memory_space<vmem>>, vector<16xi32>,
      %add3A_556 = arith.constant 32 : i32
      %add3A_557 = arith.addi %add3A_541, %add3A_556 : i32
      %swap3A_558 = arith.index_cast %add3A_557 : i32 to index
      %swap3A_559 = tpu.vector_load %arg13[%swap3A_558] {strides = array<i32>} : memref<2048xi32, #tpu.memory_space<vmem>>, vector<16xi32>,
      tpu.vector_store %arg13[%swap3A_558], %get3A_555 {strides = array<i32>} : memref<2048xi32, #tpu.memory_space<vmem>>, vector<16xi32>,
      %get3A_560 = arith.constant 128 : index
      %get3A_561 = tpu.vector_load %arg12[%get3A_560] {strides = array<i32>} : memref<1280xi32, #tpu.memory_space<vmem>>, vector<16xi32>,
      %add3A_562 = arith.constant 48 : i32
      %add3A_563 = arith.addi %add3A_541, %add3A_562 : i32
      %swap3A_564 = arith.index_cast %add3A_563 : i32 to index
      %swap3A_565 = tpu.vector_load %arg13[%swap3A_564] {strides = array<i32>} : memref<2048xi32, #tpu.memory_space<vmem>>, vector<16xi32>,
      tpu.vector_store %arg13[%swap3A_564], %get3A_561 {strides = array<i32>} : memref<2048xi32, #tpu.memory_space<vmem>>, vector<16xi32>,
      %mul3A_566 = arith.constant 1024 : i32
      %mul3A_567 = arith.muli %and3A_105, %mul3A_566 : i32
      %add3A_568 = arith.constant 128 : i32
      %add3A_569 = arith.addi %mul3A_567, %add3A_568 : i32
      %get3A_570 = arith.constant 160 : index
      %get3A_571 = tpu.vector_load %arg12[%get3A_570] {strides = array<i32>} : memref<1280xi32, #tpu.memory_space<vmem>>, vector<16xi32>,
      %add3A_572 = arith.constant 0 : i32
      %add3A_573 = arith.addi %add3A_569, %add3A_572 : i32
      %swap3A_574 = arith.index_cast %add3A_573 : i32 to index
      %swap3A_575 = tpu.vector_load %arg13[%swap3A_574] {strides = array<i32>} : memref<2048xi32, #tpu.memory_space<vmem>>, vector<16xi32>,
      tpu.vector_store %arg13[%swap3A_574], %get3A_571 {strides = array<i32>} : memref<2048xi32, #tpu.memory_space<vmem>>, vector<16xi32>,
      %get3A_576 = arith.constant 176 : index
      %get3A_577 = tpu.vector_load %arg12[%get3A_576] {strides = array<i32>} : memref<1280xi32, #tpu.memory_space<vmem>>, vector<16xi32>,
      %add3A_578 = arith.constant 16 : i32
      %add3A_579 = arith.addi %add3A_569, %add3A_578 : i32
      %swap3A_580 = arith.index_cast %add3A_579 : i32 to index
      %swap3A_581 = tpu.vector_load %arg13[%swap3A_580] {strides = array<i32>} : memref<2048xi32, #tpu.memory_space<vmem>>, vector<16xi32>,
      tpu.vector_store %arg13[%swap3A_580], %get3A_577 {strides = array<i32>} : memref<2048xi32, #tpu.memory_space<vmem>>, vector<16xi32>,
      %get3A_582 = arith.constant 192 : index
      %get3A_583 = tpu.vector_load %arg12[%get3A_582] {strides = array<i32>} : memref<1280xi32, #tpu.memory_space<vmem>>, vector<16xi32>,
      %add3A_584 = arith.constant 32 : i32
      %add3A_585 = arith.addi %add3A_569, %add3A_584 : i32
      %swap3A_586 = arith.index_cast %add3A_585 : i32 to index
      %swap3A_587 = tpu.vector_load %arg13[%swap3A_586] {strides = array<i32>} : memref<2048xi32, #tpu.memory_space<vmem>>, vector<16xi32>,
      tpu.vector_store %arg13[%swap3A_586], %get3A_583 {strides = array<i32>} : memref<2048xi32, #tpu.memory_space<vmem>>, vector<16xi32>,
      %get3A_588 = arith.constant 208 : index
      %get3A_589 = tpu.vector_load %arg12[%get3A_588] {strides = array<i32>} : memref<1280xi32, #tpu.memory_space<vmem>>, vector<16xi32>,
      %add3A_590 = arith.constant 48 : i32
      %add3A_591 = arith.addi %add3A_569, %add3A_590 : i32
      %swap3A_592 = arith.index_cast %add3A_591 : i32 to index
      %swap3A_593 = tpu.vector_load %arg13[%swap3A_592] {strides = array<i32>} : memref<2048xi32, #tpu.memory_space<vmem>>, vector<16xi32>,
      tpu.vector_store %arg13[%swap3A_592], %get3A_589 {strides = array<i32>} : memref<2048xi32, #tpu.memory_space<vmem>>, vector<16xi32>,
      %mul3A_594 = arith.constant 1024 : i32
      %mul3A_595 = arith.muli %and3A_105, %mul3A_594 : i32
      %add3A_596 = arith.constant 192 : i32
      %add3A_597 = arith.addi %mul3A_595, %add3A_596 : i32
      %get3A_598 = arith.constant 240 : index
      %get3A_599 = tpu.vector_load %arg12[%get3A_598] {strides = array<i32>} : memref<1280xi32, #tpu.memory_space<vmem>>, vector<16xi32>,
      %add3A_600 = arith.constant 0 : i32
      %add3A_601 = arith.addi %add3A_597, %add3A_600 : i32
      %swap3A_602 = arith.index_cast %add3A_601 : i32 to index
      %swap3A_603 = tpu.vector_load %arg13[%swap3A_602] {strides = array<i32>} : memref<2048xi32, #tpu.memory_space<vmem>>, vector<16xi32>,
      tpu.vector_store %arg13[%swap3A_602], %get3A_599 {strides = array<i32>} : memref<2048xi32, #tpu.memory_space<vmem>>, vector<16xi32>,
      %get3A_604 = arith.constant 256 : index
      %get3A_605 = tpu.vector_load %arg12[%get3A_604] {strides = array<i32>} : memref<1280xi32, #tpu.memory_space<vmem>>, vector<16xi32>,
      %add3A_606 = arith.constant 16 : i32
      %add3A_607 = arith.addi %add3A_597, %add3A_606 : i32
      %swap3A_608 = arith.index_cast %add3A_607 : i32 to index
      %swap3A_609 = tpu.vector_load %arg13[%swap3A_608] {strides = array<i32>} : memref<2048xi32, #tpu.memory_space<vmem>>, vector<16xi32>,
      tpu.vector_store %arg13[%swap3A_608], %get3A_605 {strides = array<i32>} : memref<2048xi32, #tpu.memory_space<vmem>>, vector<16xi32>,
      %get3A_610 = arith.constant 272 : index
      %get3A_611 = tpu.vector_load %arg12[%get3A_610] {strides = array<i32>} : memref<1280xi32, #tpu.memory_space<vmem>>, vector<16xi32>,
      %add3A_612 = arith.constant 32 : i32
      %add3A_613 = arith.addi %add3A_597, %add3A_612 : i32
      %swap3A_614 = arith.index_cast %add3A_613 : i32 to index
      %swap3A_615 = tpu.vector_load %arg13[%swap3A_614] {strides = array<i32>} : memref<2048xi32, #tpu.memory_space<vmem>>, vector<16xi32>,
      tpu.vector_store %arg13[%swap3A_614], %get3A_611 {strides = array<i32>} : memref<2048xi32, #tpu.memory_space<vmem>>, vector<16xi32>,
      %get3A_616 = arith.constant 288 : index
      %get3A_617 = tpu.vector_load %arg12[%get3A_616] {strides = array<i32>} : memref<1280xi32, #tpu.memory_space<vmem>>, vector<16xi32>,
      %add3A_618 = arith.constant 48 : i32
      %add3A_619 = arith.addi %add3A_597, %add3A_618 : i32
      %swap3A_620 = arith.index_cast %add3A_619 : i32 to index
      %swap3A_621 = tpu.vector_load %arg13[%swap3A_620] {strides = array<i32>} : memref<2048xi32, #tpu.memory_space<vmem>>, vector<16xi32>,
      tpu.vector_store %arg13[%swap3A_620], %get3A_617 {strides = array<i32>} : memref<2048xi32, #tpu.memory_space<vmem>>, vector<16xi32>,
      %mul3A_622 = arith.constant 1024 : i32
      %mul3A_623 = arith.muli %and3A_105, %mul3A_622 : i32
      %add3A_624 = arith.constant 256 : i32
      %add3A_625 = arith.addi %mul3A_623, %add3A_624 : i32
      %get3A_626 = arith.constant 320 : index
      %get3A_627 = tpu.vector_load %arg12[%get3A_626] {strides = array<i32>} : memref<1280xi32, #tpu.memory_space<vmem>>, vector<16xi32>,
      %add3A_628 = arith.constant 0 : i32
      %add3A_629 = arith.addi %add3A_625, %add3A_628 : i32
      %swap3A_630 = arith.index_cast %add3A_629 : i32 to index
      %swap3A_631 = tpu.vector_load %arg13[%swap3A_630] {strides = array<i32>} : memref<2048xi32, #tpu.memory_space<vmem>>, vector<16xi32>,
      tpu.vector_store %arg13[%swap3A_630], %get3A_627 {strides = array<i32>} : memref<2048xi32, #tpu.memory_space<vmem>>, vector<16xi32>,
      %get3A_632 = arith.constant 336 : index
      %get3A_633 = tpu.vector_load %arg12[%get3A_632] {strides = array<i32>} : memref<1280xi32, #tpu.memory_space<vmem>>, vector<16xi32>,
      %add3A_634 = arith.constant 16 : i32
      %add3A_635 = arith.addi %add3A_625, %add3A_634 : i32
      %swap3A_636 = arith.index_cast %add3A_635 : i32 to index
      %swap3A_637 = tpu.vector_load %arg13[%swap3A_636] {strides = array<i32>} : memref<2048xi32, #tpu.memory_space<vmem>>, vector<16xi32>,
      tpu.vector_store %arg13[%swap3A_636], %get3A_633 {strides = array<i32>} : memref<2048xi32, #tpu.memory_space<vmem>>, vector<16xi32>,
      %get3A_638 = arith.constant 352 : index
      %get3A_639 = tpu.vector_load %arg12[%get3A_638] {strides = array<i32>} : memref<1280xi32, #tpu.memory_space<vmem>>, vector<16xi32>,
      %add3A_640 = arith.constant 32 : i32
      %add3A_641 = arith.addi %add3A_625, %add3A_640 : i32
      %swap3A_642 = arith.index_cast %add3A_641 : i32 to index
      %swap3A_643 = tpu.vector_load %arg13[%swap3A_642] {strides = array<i32>} : memref<2048xi32, #tpu.memory_space<vmem>>, vector<16xi32>,
      tpu.vector_store %arg13[%swap3A_642], %get3A_639 {strides = array<i32>} : memref<2048xi32, #tpu.memory_space<vmem>>, vector<16xi32>,
      %get3A_644 = arith.constant 368 : index
      %get3A_645 = tpu.vector_load %arg12[%get3A_644] {strides = array<i32>} : memref<1280xi32, #tpu.memory_space<vmem>>, vector<16xi32>,
      %add3A_646 = arith.constant 48 : i32
      %add3A_647 = arith.addi %add3A_625, %add3A_646 : i32
      %swap3A_648 = arith.index_cast %add3A_647 : i32 to index
      %swap3A_649 = tpu.vector_load %arg13[%swap3A_648] {strides = array<i32>} : memref<2048xi32, #tpu.memory_space<vmem>>, vector<16xi32>,
      tpu.vector_store %arg13[%swap3A_648], %get3A_645 {strides = array<i32>} : memref<2048xi32, #tpu.memory_space<vmem>>, vector<16xi32>,
      %mul3A_650 = arith.constant 1024 : i32
      %mul3A_651 = arith.muli %and3A_105, %mul3A_650 : i32
      %add3A_652 = arith.constant 320 : i32
      %add3A_653 = arith.addi %mul3A_651, %add3A_652 : i32
      %get3A_654 = arith.constant 400 : index
      %get3A_655 = tpu.vector_load %arg12[%get3A_654] {strides = array<i32>} : memref<1280xi32, #tpu.memory_space<vmem>>, vector<16xi32>,
      %add3A_656 = arith.constant 0 : i32
      %add3A_657 = arith.addi %add3A_653, %add3A_656 : i32
      %swap3A_658 = arith.index_cast %add3A_657 : i32 to index
      %swap3A_659 = tpu.vector_load %arg13[%swap3A_658] {strides = array<i32>} : memref<2048xi32, #tpu.memory_space<vmem>>, vector<16xi32>,
      tpu.vector_store %arg13[%swap3A_658], %get3A_655 {strides = array<i32>} : memref<2048xi32, #tpu.memory_space<vmem>>, vector<16xi32>,
      %get3A_660 = arith.constant 416 : index
      %get3A_661 = tpu.vector_load %arg12[%get3A_660] {strides = array<i32>} : memref<1280xi32, #tpu.memory_space<vmem>>, vector<16xi32>,
      %add3A_662 = arith.constant 16 : i32
      %add3A_663 = arith.addi %add3A_653, %add3A_662 : i32
      %swap3A_664 = arith.index_cast %add3A_663 : i32 to index
      %swap3A_665 = tpu.vector_load %arg13[%swap3A_664] {strides = array<i32>} : memref<2048xi32, #tpu.memory_space<vmem>>, vector<16xi32>,
      tpu.vector_store %arg13[%swap3A_664], %get3A_661 {strides = array<i32>} : memref<2048xi32, #tpu.memory_space<vmem>>, vector<16xi32>,
      %get3A_666 = arith.constant 432 : index
      %get3A_667 = tpu.vector_load %arg12[%get3A_666] {strides = array<i32>} : memref<1280xi32, #tpu.memory_space<vmem>>, vector<16xi32>,
      %add3A_668 = arith.constant 32 : i32
      %add3A_669 = arith.addi %add3A_653, %add3A_668 : i32
      %swap3A_670 = arith.index_cast %add3A_669 : i32 to index
      %swap3A_671 = tpu.vector_load %arg13[%swap3A_670] {strides = array<i32>} : memref<2048xi32, #tpu.memory_space<vmem>>, vector<16xi32>,
      tpu.vector_store %arg13[%swap3A_670], %get3A_667 {strides = array<i32>} : memref<2048xi32, #tpu.memory_space<vmem>>, vector<16xi32>,
      %get3A_672 = arith.constant 448 : index
      %get3A_673 = tpu.vector_load %arg12[%get3A_672] {strides = array<i32>} : memref<1280xi32, #tpu.memory_space<vmem>>, vector<16xi32>,
      %add3A_674 = arith.constant 48 : i32
      %add3A_675 = arith.addi %add3A_653, %add3A_674 : i32
      %swap3A_676 = arith.index_cast %add3A_675 : i32 to index
      %swap3A_677 = tpu.vector_load %arg13[%swap3A_676] {strides = array<i32>} : memref<2048xi32, #tpu.memory_space<vmem>>, vector<16xi32>,
      tpu.vector_store %arg13[%swap3A_676], %get3A_673 {strides = array<i32>} : memref<2048xi32, #tpu.memory_space<vmem>>, vector<16xi32>,
      %mul3A_678 = arith.constant 1024 : i32
      %mul3A_679 = arith.muli %and3A_105, %mul3A_678 : i32
      %add3A_680 = arith.constant 384 : i32
      %add3A_681 = arith.addi %mul3A_679, %add3A_680 : i32
      %get3A_682 = arith.constant 480 : index
      %get3A_683 = tpu.vector_load %arg12[%get3A_682] {strides = array<i32>} : memref<1280xi32, #tpu.memory_space<vmem>>, vector<16xi32>,
      %add3A_684 = arith.constant 0 : i32
      %add3A_685 = arith.addi %add3A_681, %add3A_684 : i32
      %swap3A_686 = arith.index_cast %add3A_685 : i32 to index
      %swap3A_687 = tpu.vector_load %arg13[%swap3A_686] {strides = array<i32>} : memref<2048xi32, #tpu.memory_space<vmem>>, vector<16xi32>,
      tpu.vector_store %arg13[%swap3A_686], %get3A_683 {strides = array<i32>} : memref<2048xi32, #tpu.memory_space<vmem>>, vector<16xi32>,
      %get3A_688 = arith.constant 496 : index
      %get3A_689 = tpu.vector_load %arg12[%get3A_688] {strides = array<i32>} : memref<1280xi32, #tpu.memory_space<vmem>>, vector<16xi32>,
      %add3A_690 = arith.constant 16 : i32
      %add3A_691 = arith.addi %add3A_681, %add3A_690 : i32
      %swap3A_692 = arith.index_cast %add3A_691 : i32 to index
      %swap3A_693 = tpu.vector_load %arg13[%swap3A_692] {strides = array<i32>} : memref<2048xi32, #tpu.memory_space<vmem>>, vector<16xi32>,
      tpu.vector_store %arg13[%swap3A_692], %get3A_689 {strides = array<i32>} : memref<2048xi32, #tpu.memory_space<vmem>>, vector<16xi32>,
      %get3A_694 = arith.constant 512 : index
      %get3A_695 = tpu.vector_load %arg12[%get3A_694] {strides = array<i32>} : memref<1280xi32, #tpu.memory_space<vmem>>, vector<16xi32>,
      %add3A_696 = arith.constant 32 : i32
      %add3A_697 = arith.addi %add3A_681, %add3A_696 : i32
      %swap3A_698 = arith.index_cast %add3A_697 : i32 to index
      %swap3A_699 = tpu.vector_load %arg13[%swap3A_698] {strides = array<i32>} : memref<2048xi32, #tpu.memory_space<vmem>>, vector<16xi32>,
      tpu.vector_store %arg13[%swap3A_698], %get3A_695 {strides = array<i32>} : memref<2048xi32, #tpu.memory_space<vmem>>, vector<16xi32>,
      %get3A_700 = arith.constant 528 : index
      %get3A_701 = tpu.vector_load %arg12[%get3A_700] {strides = array<i32>} : memref<1280xi32, #tpu.memory_space<vmem>>, vector<16xi32>,
      %add3A_702 = arith.constant 48 : i32
      %add3A_703 = arith.addi %add3A_681, %add3A_702 : i32
      %swap3A_704 = arith.index_cast %add3A_703 : i32 to index
      %swap3A_705 = tpu.vector_load %arg13[%swap3A_704] {strides = array<i32>} : memref<2048xi32, #tpu.memory_space<vmem>>, vector<16xi32>,
      tpu.vector_store %arg13[%swap3A_704], %get3A_701 {strides = array<i32>} : memref<2048xi32, #tpu.memory_space<vmem>>, vector<16xi32>,
      %mul3A_706 = arith.constant 1024 : i32
      %mul3A_707 = arith.muli %and3A_105, %mul3A_706 : i32
      %add3A_708 = arith.constant 448 : i32
      %add3A_709 = arith.addi %mul3A_707, %add3A_708 : i32
      %get3A_710 = arith.constant 560 : index
      %get3A_711 = tpu.vector_load %arg12[%get3A_710] {strides = array<i32>} : memref<1280xi32, #tpu.memory_space<vmem>>, vector<16xi32>,
      %add3A_712 = arith.constant 0 : i32
      %add3A_713 = arith.addi %add3A_709, %add3A_712 : i32
      %swap3A_714 = arith.index_cast %add3A_713 : i32 to index
      %swap3A_715 = tpu.vector_load %arg13[%swap3A_714] {strides = array<i32>} : memref<2048xi32, #tpu.memory_space<vmem>>, vector<16xi32>,
      tpu.vector_store %arg13[%swap3A_714], %get3A_711 {strides = array<i32>} : memref<2048xi32, #tpu.memory_space<vmem>>, vector<16xi32>,
      %get3A_716 = arith.constant 576 : index
      %get3A_717 = tpu.vector_load %arg12[%get3A_716] {strides = array<i32>} : memref<1280xi32, #tpu.memory_space<vmem>>, vector<16xi32>,
      %add3A_718 = arith.constant 16 : i32
      %add3A_719 = arith.addi %add3A_709, %add3A_718 : i32
      %swap3A_720 = arith.index_cast %add3A_719 : i32 to index
      %swap3A_721 = tpu.vector_load %arg13[%swap3A_720] {strides = array<i32>} : memref<2048xi32, #tpu.memory_space<vmem>>, vector<16xi32>,
      tpu.vector_store %arg13[%swap3A_720], %get3A_717 {strides = array<i32>} : memref<2048xi32, #tpu.memory_space<vmem>>, vector<16xi32>,
      %get3A_722 = arith.constant 592 : index
      %get3A_723 = tpu.vector_load %arg12[%get3A_722] {strides = array<i32>} : memref<1280xi32, #tpu.memory_space<vmem>>, vector<16xi32>,
      %add3A_724 = arith.constant 32 : i32
      %add3A_725 = arith.addi %add3A_709, %add3A_724 : i32
      %swap3A_726 = arith.index_cast %add3A_725 : i32 to index
      %swap3A_727 = tpu.vector_load %arg13[%swap3A_726] {strides = array<i32>} : memref<2048xi32, #tpu.memory_space<vmem>>, vector<16xi32>,
      tpu.vector_store %arg13[%swap3A_726], %get3A_723 {strides = array<i32>} : memref<2048xi32, #tpu.memory_space<vmem>>, vector<16xi32>,
      %get3A_728 = arith.constant 608 : index
      %get3A_729 = tpu.vector_load %arg12[%get3A_728] {strides = array<i32>} : memref<1280xi32, #tpu.memory_space<vmem>>, vector<16xi32>,
      %add3A_730 = arith.constant 48 : i32
      %add3A_731 = arith.addi %add3A_709, %add3A_730 : i32
      %swap3A_732 = arith.index_cast %add3A_731 : i32 to index
      %swap3A_733 = tpu.vector_load %arg13[%swap3A_732] {strides = array<i32>} : memref<2048xi32, #tpu.memory_space<vmem>>, vector<16xi32>,
      tpu.vector_store %arg13[%swap3A_732], %get3A_729 {strides = array<i32>} : memref<2048xi32, #tpu.memory_space<vmem>>, vector<16xi32>,
      %mul3A_734 = arith.constant 1024 : i32
      %mul3A_735 = arith.muli %and3A_105, %mul3A_734 : i32
      %add3A_736 = arith.constant 512 : i32
      %add3A_737 = arith.addi %mul3A_735, %add3A_736 : i32
      %get3A_738 = arith.constant 640 : index
      %get3A_739 = tpu.vector_load %arg12[%get3A_738] {strides = array<i32>} : memref<1280xi32, #tpu.memory_space<vmem>>, vector<16xi32>,
      %add3A_740 = arith.constant 0 : i32
      %add3A_741 = arith.addi %add3A_737, %add3A_740 : i32
      %swap3A_742 = arith.index_cast %add3A_741 : i32 to index
      %swap3A_743 = tpu.vector_load %arg13[%swap3A_742] {strides = array<i32>} : memref<2048xi32, #tpu.memory_space<vmem>>, vector<16xi32>,
      tpu.vector_store %arg13[%swap3A_742], %get3A_739 {strides = array<i32>} : memref<2048xi32, #tpu.memory_space<vmem>>, vector<16xi32>,
      %get3A_744 = arith.constant 656 : index
      %get3A_745 = tpu.vector_load %arg12[%get3A_744] {strides = array<i32>} : memref<1280xi32, #tpu.memory_space<vmem>>, vector<16xi32>,
      %add3A_746 = arith.constant 16 : i32
      %add3A_747 = arith.addi %add3A_737, %add3A_746 : i32
      %swap3A_748 = arith.index_cast %add3A_747 : i32 to index
      %swap3A_749 = tpu.vector_load %arg13[%swap3A_748] {strides = array<i32>} : memref<2048xi32, #tpu.memory_space<vmem>>, vector<16xi32>,
      tpu.vector_store %arg13[%swap3A_748], %get3A_745 {strides = array<i32>} : memref<2048xi32, #tpu.memory_space<vmem>>, vector<16xi32>,
      %get3A_750 = arith.constant 672 : index
      %get3A_751 = tpu.vector_load %arg12[%get3A_750] {strides = array<i32>} : memref<1280xi32, #tpu.memory_space<vmem>>, vector<16xi32>,
      %add3A_752 = arith.constant 32 : i32
      %add3A_753 = arith.addi %add3A_737, %add3A_752 : i32
      %swap3A_754 = arith.index_cast %add3A_753 : i32 to index
      %swap3A_755 = tpu.vector_load %arg13[%swap3A_754] {strides = array<i32>} : memref<2048xi32, #tpu.memory_space<vmem>>, vector<16xi32>,
      tpu.vector_store %arg13[%swap3A_754], %get3A_751 {strides = array<i32>} : memref<2048xi32, #tpu.memory_space<vmem>>, vector<16xi32>,
      %get3A_756 = arith.constant 688 : index
      %get3A_757 = tpu.vector_load %arg12[%get3A_756] {strides = array<i32>} : memref<1280xi32, #tpu.memory_space<vmem>>, vector<16xi32>,
      %add3A_758 = arith.constant 48 : i32
      %add3A_759 = arith.addi %add3A_737, %add3A_758 : i32
      %swap3A_760 = arith.index_cast %add3A_759 : i32 to index
      %swap3A_761 = tpu.vector_load %arg13[%swap3A_760] {strides = array<i32>} : memref<2048xi32, #tpu.memory_space<vmem>>, vector<16xi32>,
      tpu.vector_store %arg13[%swap3A_760], %get3A_757 {strides = array<i32>} : memref<2048xi32, #tpu.memory_space<vmem>>, vector<16xi32>,
      %mul3A_762 = arith.constant 1024 : i32
      %mul3A_763 = arith.muli %and3A_105, %mul3A_762 : i32
      %add3A_764 = arith.constant 576 : i32
      %add3A_765 = arith.addi %mul3A_763, %add3A_764 : i32
      %get3A_766 = arith.constant 720 : index
      %get3A_767 = tpu.vector_load %arg12[%get3A_766] {strides = array<i32>} : memref<1280xi32, #tpu.memory_space<vmem>>, vector<16xi32>,
      %add3A_768 = arith.constant 0 : i32
      %add3A_769 = arith.addi %add3A_765, %add3A_768 : i32
      %swap3A_770 = arith.index_cast %add3A_769 : i32 to index
      %swap3A_771 = tpu.vector_load %arg13[%swap3A_770] {strides = array<i32>} : memref<2048xi32, #tpu.memory_space<vmem>>, vector<16xi32>,
      tpu.vector_store %arg13[%swap3A_770], %get3A_767 {strides = array<i32>} : memref<2048xi32, #tpu.memory_space<vmem>>, vector<16xi32>,
      %get3A_772 = arith.constant 736 : index
      %get3A_773 = tpu.vector_load %arg12[%get3A_772] {strides = array<i32>} : memref<1280xi32, #tpu.memory_space<vmem>>, vector<16xi32>,
      %add3A_774 = arith.constant 16 : i32
      %add3A_775 = arith.addi %add3A_765, %add3A_774 : i32
      %swap3A_776 = arith.index_cast %add3A_775 : i32 to index
      %swap3A_777 = tpu.vector_load %arg13[%swap3A_776] {strides = array<i32>} : memref<2048xi32, #tpu.memory_space<vmem>>, vector<16xi32>,
      tpu.vector_store %arg13[%swap3A_776], %get3A_773 {strides = array<i32>} : memref<2048xi32, #tpu.memory_space<vmem>>, vector<16xi32>,
      %get3A_778 = arith.constant 752 : index
      %get3A_779 = tpu.vector_load %arg12[%get3A_778] {strides = array<i32>} : memref<1280xi32, #tpu.memory_space<vmem>>, vector<16xi32>,
      %add3A_780 = arith.constant 32 : i32
      %add3A_781 = arith.addi %add3A_765, %add3A_780 : i32
      %swap3A_782 = arith.index_cast %add3A_781 : i32 to index
      %swap3A_783 = tpu.vector_load %arg13[%swap3A_782] {strides = array<i32>} : memref<2048xi32, #tpu.memory_space<vmem>>, vector<16xi32>,
      tpu.vector_store %arg13[%swap3A_782], %get3A_779 {strides = array<i32>} : memref<2048xi32, #tpu.memory_space<vmem>>, vector<16xi32>,
      %get3A_784 = arith.constant 768 : index
      %get3A_785 = tpu.vector_load %arg12[%get3A_784] {strides = array<i32>} : memref<1280xi32, #tpu.memory_space<vmem>>, vector<16xi32>,
      %add3A_786 = arith.constant 48 : i32
      %add3A_787 = arith.addi %add3A_765, %add3A_786 : i32
      %swap3A_788 = arith.index_cast %add3A_787 : i32 to index
      %swap3A_789 = tpu.vector_load %arg13[%swap3A_788] {strides = array<i32>} : memref<2048xi32, #tpu.memory_space<vmem>>, vector<16xi32>,
      tpu.vector_store %arg13[%swap3A_788], %get3A_785 {strides = array<i32>} : memref<2048xi32, #tpu.memory_space<vmem>>, vector<16xi32>,
      %mul3A_790 = arith.constant 1024 : i32
      %mul3A_791 = arith.muli %and3A_105, %mul3A_790 : i32
      %add3A_792 = arith.constant 640 : i32
      %add3A_793 = arith.addi %mul3A_791, %add3A_792 : i32
      %get3A_794 = arith.constant 800 : index
      %get3A_795 = tpu.vector_load %arg12[%get3A_794] {strides = array<i32>} : memref<1280xi32, #tpu.memory_space<vmem>>, vector<16xi32>,
      %add3A_796 = arith.constant 0 : i32
      %add3A_797 = arith.addi %add3A_793, %add3A_796 : i32
      %swap3A_798 = arith.index_cast %add3A_797 : i32 to index
      %swap3A_799 = tpu.vector_load %arg13[%swap3A_798] {strides = array<i32>} : memref<2048xi32, #tpu.memory_space<vmem>>, vector<16xi32>,
      tpu.vector_store %arg13[%swap3A_798], %get3A_795 {strides = array<i32>} : memref<2048xi32, #tpu.memory_space<vmem>>, vector<16xi32>,
      %get3A_800 = arith.constant 816 : index
      %get3A_801 = tpu.vector_load %arg12[%get3A_800] {strides = array<i32>} : memref<1280xi32, #tpu.memory_space<vmem>>, vector<16xi32>,
      %add3A_802 = arith.constant 16 : i32
      %add3A_803 = arith.addi %add3A_793, %add3A_802 : i32
      %swap3A_804 = arith.index_cast %add3A_803 : i32 to index
      %swap3A_805 = tpu.vector_load %arg13[%swap3A_804] {strides = array<i32>} : memref<2048xi32, #tpu.memory_space<vmem>>, vector<16xi32>,
      tpu.vector_store %arg13[%swap3A_804], %get3A_801 {strides = array<i32>} : memref<2048xi32, #tpu.memory_space<vmem>>, vector<16xi32>,
      %get3A_806 = arith.constant 832 : index
      %get3A_807 = tpu.vector_load %arg12[%get3A_806] {strides = array<i32>} : memref<1280xi32, #tpu.memory_space<vmem>>, vector<16xi32>,
      %add3A_808 = arith.constant 32 : i32
      %add3A_809 = arith.addi %add3A_793, %add3A_808 : i32
      %swap3A_810 = arith.index_cast %add3A_809 : i32 to index
      %swap3A_811 = tpu.vector_load %arg13[%swap3A_810] {strides = array<i32>} : memref<2048xi32, #tpu.memory_space<vmem>>, vector<16xi32>,
      tpu.vector_store %arg13[%swap3A_810], %get3A_807 {strides = array<i32>} : memref<2048xi32, #tpu.memory_space<vmem>>, vector<16xi32>,
      %get3A_812 = arith.constant 848 : index
      %get3A_813 = tpu.vector_load %arg12[%get3A_812] {strides = array<i32>} : memref<1280xi32, #tpu.memory_space<vmem>>, vector<16xi32>,
      %add3A_814 = arith.constant 48 : i32
      %add3A_815 = arith.addi %add3A_793, %add3A_814 : i32
      %swap3A_816 = arith.index_cast %add3A_815 : i32 to index
      %swap3A_817 = tpu.vector_load %arg13[%swap3A_816] {strides = array<i32>} : memref<2048xi32, #tpu.memory_space<vmem>>, vector<16xi32>,
      tpu.vector_store %arg13[%swap3A_816], %get3A_813 {strides = array<i32>} : memref<2048xi32, #tpu.memory_space<vmem>>, vector<16xi32>,
      %mul3A_818 = arith.constant 1024 : i32
      %mul3A_819 = arith.muli %and3A_105, %mul3A_818 : i32
      %add3A_820 = arith.constant 704 : i32
      %add3A_821 = arith.addi %mul3A_819, %add3A_820 : i32
      %get3A_822 = arith.constant 880 : index
      %get3A_823 = tpu.vector_load %arg12[%get3A_822] {strides = array<i32>} : memref<1280xi32, #tpu.memory_space<vmem>>, vector<16xi32>,
      %add3A_824 = arith.constant 0 : i32
      %add3A_825 = arith.addi %add3A_821, %add3A_824 : i32
      %swap3A_826 = arith.index_cast %add3A_825 : i32 to index
      %swap3A_827 = tpu.vector_load %arg13[%swap3A_826] {strides = array<i32>} : memref<2048xi32, #tpu.memory_space<vmem>>, vector<16xi32>,
      tpu.vector_store %arg13[%swap3A_826], %get3A_823 {strides = array<i32>} : memref<2048xi32, #tpu.memory_space<vmem>>, vector<16xi32>,
      %get3A_828 = arith.constant 896 : index
      %get3A_829 = tpu.vector_load %arg12[%get3A_828] {strides = array<i32>} : memref<1280xi32, #tpu.memory_space<vmem>>, vector<16xi32>,
      %add3A_830 = arith.constant 16 : i32
      %add3A_831 = arith.addi %add3A_821, %add3A_830 : i32
      %swap3A_832 = arith.index_cast %add3A_831 : i32 to index
      %swap3A_833 = tpu.vector_load %arg13[%swap3A_832] {strides = array<i32>} : memref<2048xi32, #tpu.memory_space<vmem>>, vector<16xi32>,
      tpu.vector_store %arg13[%swap3A_832], %get3A_829 {strides = array<i32>} : memref<2048xi32, #tpu.memory_space<vmem>>, vector<16xi32>,
      %get3A_834 = arith.constant 912 : index
      %get3A_835 = tpu.vector_load %arg12[%get3A_834] {strides = array<i32>} : memref<1280xi32, #tpu.memory_space<vmem>>, vector<16xi32>,
      %add3A_836 = arith.constant 32 : i32
      %add3A_837 = arith.addi %add3A_821, %add3A_836 : i32
      %swap3A_838 = arith.index_cast %add3A_837 : i32 to index
      %swap3A_839 = tpu.vector_load %arg13[%swap3A_838] {strides = array<i32>} : memref<2048xi32, #tpu.memory_space<vmem>>, vector<16xi32>,
      tpu.vector_store %arg13[%swap3A_838], %get3A_835 {strides = array<i32>} : memref<2048xi32, #tpu.memory_space<vmem>>, vector<16xi32>,
      %get3A_840 = arith.constant 928 : index
      %get3A_841 = tpu.vector_load %arg12[%get3A_840] {strides = array<i32>} : memref<1280xi32, #tpu.memory_space<vmem>>, vector<16xi32>,
      %add3A_842 = arith.constant 48 : i32
      %add3A_843 = arith.addi %add3A_821, %add3A_842 : i32
      %swap3A_844 = arith.index_cast %add3A_843 : i32 to index
      %swap3A_845 = tpu.vector_load %arg13[%swap3A_844] {strides = array<i32>} : memref<2048xi32, #tpu.memory_space<vmem>>, vector<16xi32>,
      tpu.vector_store %arg13[%swap3A_844], %get3A_841 {strides = array<i32>} : memref<2048xi32, #tpu.memory_space<vmem>>, vector<16xi32>,
      %mul3A_846 = arith.constant 1024 : i32
      %mul3A_847 = arith.muli %and3A_105, %mul3A_846 : i32
      %add3A_848 = arith.constant 768 : i32
      %add3A_849 = arith.addi %mul3A_847, %add3A_848 : i32
      %get3A_850 = arith.constant 960 : index
      %get3A_851 = tpu.vector_load %arg12[%get3A_850] {strides = array<i32>} : memref<1280xi32, #tpu.memory_space<vmem>>, vector<16xi32>,
      %add3A_852 = arith.constant 0 : i32
      %add3A_853 = arith.addi %add3A_849, %add3A_852 : i32
      %swap3A_854 = arith.index_cast %add3A_853 : i32 to index
      %swap3A_855 = tpu.vector_load %arg13[%swap3A_854] {strides = array<i32>} : memref<2048xi32, #tpu.memory_space<vmem>>, vector<16xi32>,
      tpu.vector_store %arg13[%swap3A_854], %get3A_851 {strides = array<i32>} : memref<2048xi32, #tpu.memory_space<vmem>>, vector<16xi32>,
      %get3A_856 = arith.constant 976 : index
      %get3A_857 = tpu.vector_load %arg12[%get3A_856] {strides = array<i32>} : memref<1280xi32, #tpu.memory_space<vmem>>, vector<16xi32>,
      %add3A_858 = arith.constant 16 : i32
      %add3A_859 = arith.addi %add3A_849, %add3A_858 : i32
      %swap3A_860 = arith.index_cast %add3A_859 : i32 to index
      %swap3A_861 = tpu.vector_load %arg13[%swap3A_860] {strides = array<i32>} : memref<2048xi32, #tpu.memory_space<vmem>>, vector<16xi32>,
      tpu.vector_store %arg13[%swap3A_860], %get3A_857 {strides = array<i32>} : memref<2048xi32, #tpu.memory_space<vmem>>, vector<16xi32>,
      %get3A_862 = arith.constant 992 : index
      %get3A_863 = tpu.vector_load %arg12[%get3A_862] {strides = array<i32>} : memref<1280xi32, #tpu.memory_space<vmem>>, vector<16xi32>,
      %add3A_864 = arith.constant 32 : i32
      %add3A_865 = arith.addi %add3A_849, %add3A_864 : i32
      %swap3A_866 = arith.index_cast %add3A_865 : i32 to index
      %swap3A_867 = tpu.vector_load %arg13[%swap3A_866] {strides = array<i32>} : memref<2048xi32, #tpu.memory_space<vmem>>, vector<16xi32>,
      tpu.vector_store %arg13[%swap3A_866], %get3A_863 {strides = array<i32>} : memref<2048xi32, #tpu.memory_space<vmem>>, vector<16xi32>,
      %get3A_868 = arith.constant 1008 : index
      %get3A_869 = tpu.vector_load %arg12[%get3A_868] {strides = array<i32>} : memref<1280xi32, #tpu.memory_space<vmem>>, vector<16xi32>,
      %add3A_870 = arith.constant 48 : i32
      %add3A_871 = arith.addi %add3A_849, %add3A_870 : i32
      %swap3A_872 = arith.index_cast %add3A_871 : i32 to index
      %swap3A_873 = tpu.vector_load %arg13[%swap3A_872] {strides = array<i32>} : memref<2048xi32, #tpu.memory_space<vmem>>, vector<16xi32>,
      tpu.vector_store %arg13[%swap3A_872], %get3A_869 {strides = array<i32>} : memref<2048xi32, #tpu.memory_space<vmem>>, vector<16xi32>,
      %mul3A_874 = arith.constant 1024 : i32
      %mul3A_875 = arith.muli %and3A_105, %mul3A_874 : i32
      %add3A_876 = arith.constant 832 : i32
      %add3A_877 = arith.addi %mul3A_875, %add3A_876 : i32
      %get3A_878 = arith.constant 1040 : index
      %get3A_879 = tpu.vector_load %arg12[%get3A_878] {strides = array<i32>} : memref<1280xi32, #tpu.memory_space<vmem>>, vector<16xi32>,
      %add3A_880 = arith.constant 0 : i32
      %add3A_881 = arith.addi %add3A_877, %add3A_880 : i32
      %swap3A_882 = arith.index_cast %add3A_881 : i32 to index
      %swap3A_883 = tpu.vector_load %arg13[%swap3A_882] {strides = array<i32>} : memref<2048xi32, #tpu.memory_space<vmem>>, vector<16xi32>,
      tpu.vector_store %arg13[%swap3A_882], %get3A_879 {strides = array<i32>} : memref<2048xi32, #tpu.memory_space<vmem>>, vector<16xi32>,
      %get3A_884 = arith.constant 1056 : index
      %get3A_885 = tpu.vector_load %arg12[%get3A_884] {strides = array<i32>} : memref<1280xi32, #tpu.memory_space<vmem>>, vector<16xi32>,
      %add3A_886 = arith.constant 16 : i32
      %add3A_887 = arith.addi %add3A_877, %add3A_886 : i32
      %swap3A_888 = arith.index_cast %add3A_887 : i32 to index
      %swap3A_889 = tpu.vector_load %arg13[%swap3A_888] {strides = array<i32>} : memref<2048xi32, #tpu.memory_space<vmem>>, vector<16xi32>,
      tpu.vector_store %arg13[%swap3A_888], %get3A_885 {strides = array<i32>} : memref<2048xi32, #tpu.memory_space<vmem>>, vector<16xi32>,
      %get3A_890 = arith.constant 1072 : index
      %get3A_891 = tpu.vector_load %arg12[%get3A_890] {strides = array<i32>} : memref<1280xi32, #tpu.memory_space<vmem>>, vector<16xi32>,
      %add3A_892 = arith.constant 32 : i32
      %add3A_893 = arith.addi %add3A_877, %add3A_892 : i32
      %swap3A_894 = arith.index_cast %add3A_893 : i32 to index
      %swap3A_895 = tpu.vector_load %arg13[%swap3A_894] {strides = array<i32>} : memref<2048xi32, #tpu.memory_space<vmem>>, vector<16xi32>,
      tpu.vector_store %arg13[%swap3A_894], %get3A_891 {strides = array<i32>} : memref<2048xi32, #tpu.memory_space<vmem>>, vector<16xi32>,
      %get3A_896 = arith.constant 1088 : index
      %get3A_897 = tpu.vector_load %arg12[%get3A_896] {strides = array<i32>} : memref<1280xi32, #tpu.memory_space<vmem>>, vector<16xi32>,
      %add3A_898 = arith.constant 48 : i32
      %add3A_899 = arith.addi %add3A_877, %add3A_898 : i32
      %swap3A_900 = arith.index_cast %add3A_899 : i32 to index
      %swap3A_901 = tpu.vector_load %arg13[%swap3A_900] {strides = array<i32>} : memref<2048xi32, #tpu.memory_space<vmem>>, vector<16xi32>,
      tpu.vector_store %arg13[%swap3A_900], %get3A_897 {strides = array<i32>} : memref<2048xi32, #tpu.memory_space<vmem>>, vector<16xi32>,
      %mul3A_902 = arith.constant 1024 : i32
      %mul3A_903 = arith.muli %and3A_105, %mul3A_902 : i32
      %add3A_904 = arith.constant 896 : i32
      %add3A_905 = arith.addi %mul3A_903, %add3A_904 : i32
      %get3A_906 = arith.constant 1120 : index
      %get3A_907 = tpu.vector_load %arg12[%get3A_906] {strides = array<i32>} : memref<1280xi32, #tpu.memory_space<vmem>>, vector<16xi32>,
      %add3A_908 = arith.constant 0 : i32
      %add3A_909 = arith.addi %add3A_905, %add3A_908 : i32
      %swap3A_910 = arith.index_cast %add3A_909 : i32 to index
      %swap3A_911 = tpu.vector_load %arg13[%swap3A_910] {strides = array<i32>} : memref<2048xi32, #tpu.memory_space<vmem>>, vector<16xi32>,
      tpu.vector_store %arg13[%swap3A_910], %get3A_907 {strides = array<i32>} : memref<2048xi32, #tpu.memory_space<vmem>>, vector<16xi32>,
      %get3A_912 = arith.constant 1136 : index
      %get3A_913 = tpu.vector_load %arg12[%get3A_912] {strides = array<i32>} : memref<1280xi32, #tpu.memory_space<vmem>>, vector<16xi32>,
      %add3A_914 = arith.constant 16 : i32
      %add3A_915 = arith.addi %add3A_905, %add3A_914 : i32
      %swap3A_916 = arith.index_cast %add3A_915 : i32 to index
      %swap3A_917 = tpu.vector_load %arg13[%swap3A_916] {strides = array<i32>} : memref<2048xi32, #tpu.memory_space<vmem>>, vector<16xi32>,
      tpu.vector_store %arg13[%swap3A_916], %get3A_913 {strides = array<i32>} : memref<2048xi32, #tpu.memory_space<vmem>>, vector<16xi32>,
      %get3A_918 = arith.constant 1152 : index
      %get3A_919 = tpu.vector_load %arg12[%get3A_918] {strides = array<i32>} : memref<1280xi32, #tpu.memory_space<vmem>>, vector<16xi32>,
      %add3A_920 = arith.constant 32 : i32
      %add3A_921 = arith.addi %add3A_905, %add3A_920 : i32
      %swap3A_922 = arith.index_cast %add3A_921 : i32 to index
      %swap3A_923 = tpu.vector_load %arg13[%swap3A_922] {strides = array<i32>} : memref<2048xi32, #tpu.memory_space<vmem>>, vector<16xi32>,
      tpu.vector_store %arg13[%swap3A_922], %get3A_919 {strides = array<i32>} : memref<2048xi32, #tpu.memory_space<vmem>>, vector<16xi32>,
      %get3A_924 = arith.constant 1168 : index
      %get3A_925 = tpu.vector_load %arg12[%get3A_924] {strides = array<i32>} : memref<1280xi32, #tpu.memory_space<vmem>>, vector<16xi32>,
      %add3A_926 = arith.constant 48 : i32
      %add3A_927 = arith.addi %add3A_905, %add3A_926 : i32
      %swap3A_928 = arith.index_cast %add3A_927 : i32 to index
      %swap3A_929 = tpu.vector_load %arg13[%swap3A_928] {strides = array<i32>} : memref<2048xi32, #tpu.memory_space<vmem>>, vector<16xi32>,
      tpu.vector_store %arg13[%swap3A_928], %get3A_925 {strides = array<i32>} : memref<2048xi32, #tpu.memory_space<vmem>>, vector<16xi32>,
      %mul3A_930 = arith.constant 1024 : i32
      %mul3A_931 = arith.muli %and3A_105, %mul3A_930 : i32
      %add3A_932 = arith.constant 960 : i32
      %add3A_933 = arith.addi %mul3A_931, %add3A_932 : i32
      %get3A_934 = arith.constant 1200 : index
      %get3A_935 = tpu.vector_load %arg12[%get3A_934] {strides = array<i32>} : memref<1280xi32, #tpu.memory_space<vmem>>, vector<16xi32>,
      %add3A_936 = arith.constant 0 : i32
      %add3A_937 = arith.addi %add3A_933, %add3A_936 : i32
      %swap3A_938 = arith.index_cast %add3A_937 : i32 to index
      %swap3A_939 = tpu.vector_load %arg13[%swap3A_938] {strides = array<i32>} : memref<2048xi32, #tpu.memory_space<vmem>>, vector<16xi32>,
      tpu.vector_store %arg13[%swap3A_938], %get3A_935 {strides = array<i32>} : memref<2048xi32, #tpu.memory_space<vmem>>, vector<16xi32>,
      %get3A_940 = arith.constant 1216 : index
      %get3A_941 = tpu.vector_load %arg12[%get3A_940] {strides = array<i32>} : memref<1280xi32, #tpu.memory_space<vmem>>, vector<16xi32>,
      %add3A_942 = arith.constant 16 : i32
      %add3A_943 = arith.addi %add3A_933, %add3A_942 : i32
      %swap3A_944 = arith.index_cast %add3A_943 : i32 to index
      %swap3A_945 = tpu.vector_load %arg13[%swap3A_944] {strides = array<i32>} : memref<2048xi32, #tpu.memory_space<vmem>>, vector<16xi32>,
      tpu.vector_store %arg13[%swap3A_944], %get3A_941 {strides = array<i32>} : memref<2048xi32, #tpu.memory_space<vmem>>, vector<16xi32>,
      %get3A_946 = arith.constant 1232 : index
      %get3A_947 = tpu.vector_load %arg12[%get3A_946] {strides = array<i32>} : memref<1280xi32, #tpu.memory_space<vmem>>, vector<16xi32>,
      %add3A_948 = arith.constant 32 : i32
      %add3A_949 = arith.addi %add3A_933, %add3A_948 : i32
      %swap3A_950 = arith.index_cast %add3A_949 : i32 to index
      %swap3A_951 = tpu.vector_load %arg13[%swap3A_950] {strides = array<i32>} : memref<2048xi32, #tpu.memory_space<vmem>>, vector<16xi32>,
      tpu.vector_store %arg13[%swap3A_950], %get3A_947 {strides = array<i32>} : memref<2048xi32, #tpu.memory_space<vmem>>, vector<16xi32>,
      %get3A_952 = arith.constant 1248 : index
      %get3A_953 = tpu.vector_load %arg12[%get3A_952] {strides = array<i32>} : memref<1280xi32, #tpu.memory_space<vmem>>, vector<16xi32>,
      %add3A_954 = arith.constant 48 : i32
      %add3A_955 = arith.addi %add3A_933, %add3A_954 : i32
      %swap3A_956 = arith.index_cast %add3A_955 : i32 to index
      %swap3A_957 = tpu.vector_load %arg13[%swap3A_956] {strides = array<i32>} : memref<2048xi32, #tpu.memory_space<vmem>>, vector<16xi32>,
      tpu.vector_store %arg13[%swap3A_956], %get3A_953 {strides = array<i32>} : memref<2048xi32, #tpu.memory_space<vmem>>, vector<16xi32>,
      %mul3A_958 = arith.constant 1024 : i32
      %mul3A_959 = arith.muli %and3A_105, %mul3A_958 : i32
      %mul3A_960 = arith.constant 1024 : i32
      %mul3A_961 = arith.muli %select_n3A, %mul3A_960 : i32
      %mul3A_962 = arith.constant 16 : i32
      %mul3A_963 = arith.muli %while3A_102, %mul3A_962 : i32
      %add3A_964 = arith.addi %mul3A_961, %mul3A_963 : i32
      %mul3A_965 = arith.constant 64 : i32
      %mul3A_966 = arith.muli %add3A_964, %mul3A_965 : i32
      %dma_start3A = tpu.memref_slice %arg13[%mul3A_959] : memref<2048xi32, #tpu.memory_space<vmem>> -> memref<1024xi32, #tpu.memory_space<vmem>>
      %dma_start3A_967 = tpu.memref_slice %arg5[%mul3A_966] : memref<262144xi32, #tpu.memory_space<hbm>> -> memref<1024xi32, #tpu.memory_space<hbm>>
      %dma_start3A_968 = tpu.memref_slice %arg5[%mul3A_966] : memref<262144xi32, #tpu.memory_space<hbm>> -> memref<1024xi32, #tpu.memory_space<hbm>>
      %dma_start3A_969 = tpu.memref_slice %arg13[%mul3A_959] : memref<2048xi32, #tpu.memory_space<vmem>> -> memref<1024xi32, #tpu.memory_space<vmem>>
      tpu.enqueue_dma source(%dma_start3A_969 : memref<1024xi32, #tpu.memory_space<vmem>>) target(%dma_start3A_968 : memref<1024xi32, #tpu.memory_space<hbm>>) target_semaphore(%arg15 : memref<!tpu.dma_semaphore, #tpu.memory_space<semaphore_mem>>)
      %sc_fetch_and_add3A_970 = arith.constant 1 : i32
      %sc_fetch_and_add3A_971 = arith.constant 0 : i32
      %sc_fetch_and_add3A_972 = tpu.fetch_and_add_sync %arg14[%sc_fetch_and_add3A_971], %sc_fetch_and_add3A_970, %mul3A_42 : memref<1xi32, #tpu.memory_space<smem>>, i32 -> i32
      %add3A_973 = arith.constant 1 : i32
      %add3A_974 = arith.addi %while3A_103, %add3A_973 : i32
      scf.yield %sc_fetch_and_add3A_972, %add3A_974 : i32, i32
    }
    %ge3A = arith.constant 1 : i32
    %ge3A_95 = arith.cmpi sge, %while3A_94#1, %ge3A : i32
    %convert_element_type3A = arith.extui %ge3A_95 : i1 to i32
    %cond3A = arith.constant 0 : i32
    %cond3A_96 = arith.cmpi ne, %convert_element_type3A, %cond3A : i32
    scf.if %cond3A_96 {
      %and3A_102 = arith.constant 0 : i32
      %and3A_103 = arith.constant 1 : i32
      %and3A_104 = arith.andi %and3A_102, %and3A_103 : i32
      %mul3A_105 = arith.constant 1024 : i32
      %mul3A_106 = arith.muli %and3A_104, %mul3A_105 : i32
      %dma_wait3A = tpu.memref_slice %arg13[%mul3A_106] : memref<2048xi32, #tpu.memory_space<vmem>> -> memref<1024xi32, #tpu.memory_space<vmem>>
      %dma_wait3A_107 = arith.constant 0 : i32
      %dma_wait3A_108 = tpu.memref_slice %arg5[%dma_wait3A_107] : memref<262144xi32, #tpu.memory_space<hbm>> -> memref<1024xi32, #tpu.memory_space<hbm>>
      %dma_wait3A_109 = tpu.memref_slice %arg13[%mul3A_106] : memref<2048xi32, #tpu.memory_space<vmem>> -> memref<1024xi32, #tpu.memory_space<vmem>>
      %dma_wait3A_110 = arith.constant 0 : i32
      %dma_wait3A_111 = tpu.memref_slice %arg5[%dma_wait3A_110] : memref<262144xi32, #tpu.memory_space<hbm>> -> memref<1024xi32, #tpu.memory_space<hbm>>
      tpu.wait_dma2 semaphore(%arg15 : memref<!tpu.dma_semaphore, #tpu.memory_space<semaphore_mem>>) src(%dma_wait3A_111 : memref<1024xi32, #tpu.memory_space<hbm>>) dst(%dma_wait3A_109 : memref<1024xi32, #tpu.memory_space<vmem>>)
    } else {
    }
    %ge3A_97 = arith.constant 2 : i32
    %ge3A_98 = arith.cmpi sge, %while3A_94#1, %ge3A_97 : i32
    %convert_element_type3A_99 = arith.extui %ge3A_98 : i1 to i32
    %cond3A_100 = arith.constant 0 : i32
    %cond3A_101 = arith.cmpi ne, %convert_element_type3A_99, %cond3A_100 : i32
    scf.if %cond3A_101 {
      %mul3A_102 = arith.constant 1 : i32
      %mul3A_103 = arith.constant 1024 : i32
      %mul3A_104 = arith.muli %mul3A_102, %mul3A_103 : i32
      %dma_wait3A = tpu.memref_slice %arg13[%mul3A_104] : memref<2048xi32, #tpu.memory_space<vmem>> -> memref<1024xi32, #tpu.memory_space<vmem>>
      %dma_wait3A_105 = arith.constant 0 : i32
      %dma_wait3A_106 = tpu.memref_slice %arg5[%dma_wait3A_105] : memref<262144xi32, #tpu.memory_space<hbm>> -> memref<1024xi32, #tpu.memory_space<hbm>>
      %dma_wait3A_107 = tpu.memref_slice %arg13[%mul3A_104] : memref<2048xi32, #tpu.memory_space<vmem>> -> memref<1024xi32, #tpu.memory_space<vmem>>
      %dma_wait3A_108 = arith.constant 0 : i32
      %dma_wait3A_109 = tpu.memref_slice %arg5[%dma_wait3A_108] : memref<262144xi32, #tpu.memory_space<hbm>> -> memref<1024xi32, #tpu.memory_space<hbm>>
      tpu.wait_dma2 semaphore(%arg15 : memref<!tpu.dma_semaphore, #tpu.memory_space<semaphore_mem>>) src(%dma_wait3A_109 : memref<1024xi32, #tpu.memory_space<hbm>>) dst(%dma_wait3A_107 : memref<1024xi32, #tpu.memory_space<vmem>>)
    } else {
    }
    return
  }
}

</mosaic_0001>

<sc_bundles>
// kernel: kernel.3.cloned.1.call-start
scs
__scs_entry_jumppad:
0x0: {  	(pc) =	sbr.rel $0x88, $3  }
0x1: {  	(tag) =	ssettag $0x0;
	lr =	simm.s32 $0x1  }
0x2: {  	[smem:$0x3F9D] =	sst lr;
	_ =	strace $0xD0000000  }
0x3: {  	_ = 	snop  }
0x4: {  	_ = 	snop  }
0x5: {  	_ = 	snop  }
0x6: {  	_ = 	snop  }
0x7: {  	_ = 	snop  }
__scs_overlays_trampoline_lowered:
0x8: {  	[smem:$0x3FAC] =	sst s0  }
0x9: {  	[smem:$0x3FAD] =	sst s1  }
0xa: {  	[smem:$0x3FAE] =	sst s2  }
0xb: {  	[smem:$0x3FAF] =	sst s3  }
0xc: {  	[smem:$0x3FB0] =	sst s4  }
0xd: {  	[smem:$0x3FB1] =	sst s5  }
0xe: {  	[smem:$0x3FB2] =	sst s6  }
0xf: {  	[smem:$0x3FB3] =	sst s7  }
0x10: {  	[smem:$0x3FB4] =	sst s8  }
0x11: {  	[smem:$0x3FB5] =	sst s9;
	s0 =	simm.s32 @!p0 $0x0  }
0x12: {  	s1 =	sld [smem:$0x3F9B];
	s0 =	simm.s32 @p0 $0x1  }
0x13: {  	[smem:$0x3FB6] =	sst s0;
	s0 =	simm.s32 @!p1 $0x0  }
0x14: {  	s2 =	sld [smem:$0x3F9A];
	s0 =	simm.s32 @p1 $0x1  }
0x15: {  	[smem:$0x3FB7] =	sst s0;
	s0 =	simm.s32 @!p2 $0x0  }
0x16: {  	s3 =	sld [smem:$0x3FDB];
	s0 =	simm.s32 @p2 $0x1  }
0x17: {  	s4 =	simm.s32 $0x1BF5;
	[smem:$0x3FB9] =	sst s0  }
0x18: {  	s0 =	sld [smem:$0x3F9C];
	_ =	swait.ge [sflag:s4], $0x0  }
0x19: {  	s7 =	sld [smem:$0x3F9D]  }
0x1a: {  	s8 =	sadd.s32 $0xFFFFE003, lr  }
0x1b: {  	s9 =	sadd.s32 $0xFFFFFEF7, lr;
	s5 =	simm.s32 $0xFFFFFFFF;
	p2 =	slt.u32 s8, $0xFFFFF086  }
0x1c: {  	p1 =	slt.u32 s9, $0xF7A;
	s5 =	simm.s32 @!p2 $0x0  }
0x1d: {  	s5 =	simm.s32 @p1 $0x1;
	p0 =	seq.s32 s7, s2  }
0x1e: {  	s7 =	smul.u32 @!p0 $0xF7A, s2;
	p2 =	seq.s32 @!p0 s5, $0x0  }
0x1f: {  	s9 =	smul.u32 $0xF7A, s1;
	s8 =	simm.s32 @!p0 $0x1BF5;
	p2 =	por !p2, p0  }
0x20: {  	[sflag:s8] =	ssyncset.s32 @!p0 $0xFFFFF086;
	s6 =	sadd.s32 @!p0 s3, s7;
	s7 =	simm.s32 @!p0 $0x108  }
0x21: {  	s3 =	sadd.s32 s3, s9;
	s6 =	sadd.s32 @!p0 $0x88, s6;
	s7 =	simm.s32 @p2 $0x1082  }
0x22: {  	[simem:s7], [sflag:s8] =	dma.local @!p0 [hbm:s6], $0xF7A  }
0x23: {  	s9 =	sor.u32 $0xD0000000, s2;
	s6 =	simm.s32 $0x108;
	_ =	swait.ge @!p0 [sflag:s8], $0x0  }
0x24: {  	s3 =	sadd.s32 $0x88, s3;
	s6 =	simm.s32 @!p1 $0x1082;
	[sflag:s4] =	ssyncset.s32 $0xFFFFF086  }
0x25: {  	[simem:s6], [sflag:s4] =	dma.local [hbm:s3], $0xF7A  }
0x26: {  	[smem:$0x3F9D] =	sst s1;
	(tag) =	ssettag s2;
	_ =	strace s9  }
0x27: {  	s1 =	sld [smem:$0x3FAD]  }
0x28: {  	s2 =	sld [smem:$0x3FAE]  }
0x29: {  	s4 =	sld [smem:$0x3FB0]  }
0x2a: {  	p0 =	seq.s32 s5, $0x0;
	s5 =	sld [smem:$0x3FB1]  }
0x2b: {  	s6 =	sld [smem:$0x3FB2]  }
0x2c: {  	s7 =	sld [smem:$0x3FB3]  }
0x2d: {  	s3 =	simm.s32 $0x108;
	s8 =	sld [smem:$0x3FB4]  }
0x2e: {  	s3 =	simm.s32 @!p0 $0x1082;
	s9 =	sld [smem:$0x3FB5]  }
0x2f: {  	lr =	sadd.s32 s0, s3;
	s0 =	sld [smem:$0x3FAC]  }
0x30: {  	s3 =	sld [smem:$0x3FAF]  }
0x31: {  	[smem:$0x3FB8] =	sst s10  }
0x32: {  	s10 =	sld [smem:$0x3FB6];
	_ =	sdelay $0x3  }
0x33: {  	p0 =	seq.s32 s10, $0x1;
	s10 =	sld [smem:$0x3FB8];
	_ =	sdelay $0x3  }
0x34: {  	[smem:$0x3FB8] =	sst s10  }
0x35: {  	s10 =	sld [smem:$0x3FB7];
	_ =	sdelay $0x3  }
0x36: {  	p1 =	seq.s32 s10, $0x1;
	s10 =	sld [smem:$0x3FB8];
	_ =	sdelay $0x3  }
0x37: {  	[smem:$0x3FB8] =	sst s10  }
0x38: {  	s10 =	sld [smem:$0x3FB9]  }
0x39: {  	_ = 	snop;
	(pc) =	sbr.ind lr, $3  }
0x3a: {  	_ = 	snop  }
0x3b: {  	_ = 	snop  }
0x3c: {  	p2 =	seq.s32 s10, $0x1;
	s10 =	sld [smem:$0x3FB8]  }
0x3d: {  	_ =	shalt  }
0x3e: {  	_ =	shalt  }
0x3f: {  	_ =	shalt  }
0x40: {  	_ =	shalt  }
0x41: {  	_ =	shalt  }
0x42: {  	_ =	shalt  }
0x43: {  	_ =	shalt  }
0x44: {  	_ =	shalt  }
0x45: {  	_ =	shalt  }
0x46: {  	_ =	shalt  }
0x47: {  	_ =	shalt  }
0x48: {  	_ =	shalt  }
0x49: {  	_ =	shalt  }
0x4a: {  	_ =	shalt  }
0x4b: {  	_ =	shalt  }
0x4c: {  	_ =	shalt  }
0x4d: {  	_ =	shalt  }
0x4e: {  	_ =	shalt  }
0x4f: {  	_ =	shalt  }
0x50: {  	_ =	shalt  }
0x51: {  	_ =	shalt  }
0x52: {  	_ =	shalt  }
0x53: {  	_ =	shalt  }
0x54: {  	_ =	shalt  }
0x55: {  	_ =	shalt  }
0x56: {  	_ =	shalt  }
0x57: {  	_ =	shalt  }
0x58: {  	_ =	shalt  }
0x59: {  	_ =	shalt  }
0x5a: {  	_ =	shalt  }
0x5b: {  	_ =	shalt  }
0x5c: {  	_ =	shalt  }
0x5d: {  	_ =	shalt  }
0x5e: {  	_ =	shalt  }
0x5f: {  	_ =	shalt  }
0x60: {  	_ =	shalt  }
0x61: {  	_ =	shalt  }
0x62: {  	_ =	shalt  }
0x63: {  	_ =	shalt  }
0x64: {  	_ =	shalt  }
0x65: {  	_ =	shalt  }
0x66: {  	_ =	shalt  }
0x67: {  	_ =	shalt  }
0x68: {  	_ =	shalt  }
0x69: {  	_ =	shalt  }
0x6a: {  	_ =	shalt  }
0x6b: {  	_ =	shalt  }
0x6c: {  	_ =	shalt  }
0x6d: {  	_ =	shalt  }
0x6e: {  	_ =	shalt  }
0x6f: {  	_ =	shalt  }
0x70: {  	_ =	shalt  }
0x71: {  	_ =	shalt  }
0x72: {  	_ =	shalt  }
0x73: {  	_ =	shalt  }
0x74: {  	_ =	shalt  }
0x75: {  	_ =	shalt  }
0x76: {  	_ =	shalt  }
0x77: {  	_ =	shalt  }
0x78: {  	_ =	shalt  }
0x79: {  	_ =	shalt  }
0x7a: {  	_ =	shalt  }
0x7b: {  	_ =	shalt  }
0x7c: {  	_ =	shalt  }
0x7d: {  	_ =	shalt  }
0x7e: {  	_ =	shalt  }
0x7f: {  	_ =	shalt  }
0x80: {  	_ =	shalt  }
0x81: {  	_ =	shalt  }
0x82: {  	_ =	shalt  }
0x83: {  	_ =	shalt  }
0x84: {  	_ =	shalt  }
0x85: {  	_ =	shalt  }
0x86: {  	_ =	shalt  }
0x87: {  	_ =	shalt  }
.Lfunc_end0:
.L_simem_size_0:
called_computation_lowered:
.L_overlay_start_0:
0x88: {  	s2 =	sld [smem:$0x3FD9]  }
0x89: {  	s3 =	sld [smem:$0x3FFE];
	_ =	sdelay $0x1  }
0x8a: {  	s1 =	srdreg.scid  }
0x8b: {  	s0 =	sand.u32 $0x1, s1  }
0x8c: {  	s17 =	sshll.u32 s0, $0xA;
	s2 =	sadd.s32 s3, s2  }
0x8d: {  	s2 =	sadd.s32 s2, s17  }
0x8e: {  	[smem:$0x3FC4] =	sst s2  }
0x8f: {  	_ = 	snop  }
0x90: {  	s2 =	sld [smem:$0x3FD0];
	(tm) =	ssettm $0x1  }
0x91: {  	s18 =	sld [smem:$0x3FFB];
	_ =	sdelay $0x3  }
0x92: {  	_ =	strace s18  }
0x93: {  	s3 =	sld [smem:$0x3FFC];
	_ =	sdelay $0x3  }
0x94: {  	_ =	strace s3  }
0x95: {  	s3 =	sld [smem:$0x3FFD];
	_ =	sdelay $0x3  }
0x96: {  	_ =	strace s3  }
0x97: {  	_ =	strace $0x8FFFFFFF  }
0x98: {  	s19 =	sld [smem:$0x3FDB];
	_ =	sdelay $0x1  }
0x99: {  	s4 =	simm.s32 $_scs_section_size  }
0x9a: {  	s5 =	simm.s32 $_size__tile_overlayer_lowered;
	s6 =	simm.s32 $_tile_overlayer_lowered  }
0x9b: {  	s22 =	simm.s32 $0x1BFF;
	s21 =	sshll.u32 s6, $0x1;
	s3 =	sadd.s32 s4, s19  }
0x9c: {  	s7 =	simm.s32 $0x0;
	s20 =	sshll.u32 s5, $0x1;
	s5 =	sadd.s32 s21, s3  }
0x9d: {  	[timem:s7], [sflag:s22] =	dma.local [hbm:s5], s20  }
0x9e: {  	_ =	swait.ge [sflag:s22], s20  }
0x9f: {  	s4 =	ssub.s32 $0x0, s20;
	[sflag:s22] =	ssyncset.done $0x0  }
0xa0: {  	[sflag:s22] =	ssyncadd.s32 s4;
	_ =	sdelay $0x1  }
0xa1: {  	s23 =	simm.s32 $0x1B8B  }
0xa2: {  	_ =	swait.ge [sflag:s23], $0x1  }
0xa3: {  	[sflag:s23] =	ssyncset.done $0x0  }
0xa4: {  	s25 =	simm.s32 $0x1B8E;
	s24 =	sld [smem:$0x3FFE];
	[sflag:s23] =	ssyncadd.s32 $0xFFFFFFFF  }
0xa5: {  	s26 =	simm.s32 $execute0_lowered;
	[smem:$0x3FD2] =	sst s25  }
0xa6: {  	s5 =	sshll.u32 s26, $0x1;
	_ =	strace $0x80000046;
	[dreg:$0x1] =	wrdreg $0xFFFFFFFF  }
0xa7: {  	s28 =	simm.s32 $_size_execute0_lowered;
	s3 =	sadd.s32 s3, s5;
	[dreg:$0x0] =	wrdreg $0x0  }
0xa8: {  	s5 =	sshll.u32 s28, $0x1;
	[dreg:$0x2] =	wrdreg s3  }
0xa9: {  	[dreg:$0x3] =	wrdreg s5  }
0xaa: {  	[dreg:$0x4] =	wrdreg $0xC0  }
0xab: {  	_ =	task [dreg:s7], $0x5FFFF  }
0xac: {  	[dreg:$0x1] =	wrdreg $0xFFFFFFFF  }
0xad: {  	[dreg:$0x0] =	wrdreg $0x60  }
0xae: {  	[dreg:$0x2] =	wrdreg s24  }
0xaf: {  	[dreg:$0x3] =	wrdreg s2  }
0xb0: {  	[dreg:$0x4] =	wrdreg $0x9  }
0xb1: {  	_ =	task.clear_ibuf [dreg:s7], $0x5FFFF;
	_ =	strace $0x90000046  }
0xb2: {  	s29 =	simm.s32 $0x9;
	_ =	strace $0x80000048  }
0xb3: {  	_ =	swait.ge [sflag:s29], $0x1  }
0xb4: {  	[sflag:s29] =	ssyncadd.s32 $0xFFFFFFFF  }
0xb5: {  	_ =	strace $0x90000048  }
0xb6: {  	_ =	sfence  }
0xb7: {  	s30 =	sld [smem:$0x0];
	_ =	sdelay $0x2  }
0xb8: {  	s31 =	sshll.u32 s1, $0xD;
	s1 =	sshrl.u32 s1, $0x2  }
0xb9: {  	s3 =	sand.u32 $0x4000, s31;
	s1 =	sadd.s32 s1, s30  }
0xba: {  	s0 =	sor.u32 s3, s0;
	s1 =	sshll.u32 s1, $0x11  }
0xbb: {  	s0 =	sor.u32 s1, s0  }
0xbc: {  	s0 =	sadd.s32 $0x8F2B, s0  }
0xbd: {  	[sflag:s0] =	ssyncadd.remote.s32 $0x1  }
0xbe: {  	_ =	sfence.sel $0xFFFF  }
0xbf: {  	[dreg:$0x0] =	wrdreg $0xFFFFFFFF;
	(pc) =	sbr.abs _section_cstart, $3  }
0xc0: {  	[dreg:$0x1] =	wrdreg $0xFFFFFFFF  }
0xc1: {  	_ =	task.clear_ibuf [dreg:s7], $0x2FFFF;
	_ =	strace $0x9FFFFFFF  }
0xc2: {  	(tm) =	ssettm $0x7FFFFFFF  }
0xc3: {  	_ =	shalt  }
tec
execute0_lowered:
.L_overlay_start_1:
0x0: {  	(tag) =	ssettag $0x1  }
0x1: {  	s0 =	srdreg.scid;
	s23 =	stileid.u32  }
0x2: {  	s4 =	rddreg [dreg:$0x0];
	s6 =	simm.s32 $0x1;
	s1 =	sand.u32 $0x1, s0  }
0x3: {  	s20 =	simm.s32 $0x2;
	s22 =	simm.s32 $0x3;
	s2 =	sshll.u32 s1, $0x4  }
0x4: {  	s3 =	sand.u32 $0x7, s23;
	s7 =	sadd.s32 $0x600, s4;
	s5 =	sor.u32 s23, s2  }
0x5: {  	s10 =	sadd.s32 $0x6600, s4;
	p1 =	sne.s32 s3, $0x0;
	p0 =	seq.s32 s5, $0x0  }
0x6: {  	s4 =	sadd.s32 $0x6C00, s4;
	s21 =	sand.u32 $0x8, s23;
	p0 =	por !p1, !p0  }
0x7: {  	s3 =	simm.s32 $0x0;
	s1 =	ssub.s32 $0x2, s1;
	p0 =	por !p0, !p0  }
0x8: {  	s2 =	rddreg [dreg:$0x1];
	s5 =	sshrl.u32 s5, $0x3;
	s6 =	simm.s32 @!p0 $0x0  }
0x9: {  	s21 =	sshll.u32 s21, $0x10;
	[smem:$0x7FF] =	sst s3;
	s11 =	ssub.s32 s5, s6  }
0xa: {  	s24 =	sshrl.u32 s1, $0x1;
	s23 =	simm.s32 $0x0;
	s6 =	smul.u32 $0x3, s11  }
0xb: {  	_ =	strace $0x80000047;
	[dreg:$0x3] =	wrdreg s4;
	s25 =	smul.u32 $0xC000, s11  }
0xc: {  	s1 =	ssub.s32 s1, s24;
	s13 =	smul.u32 $0xC00, s11;
	s11 =	sshll.u32 s11, $0x10  }
0xd: {  	s8 =	sadd.s32 $0x1, s6;
	s9 =	sadd.s32 $0x2, s6;
	s5 =	sshrl.u32 s25, $0x3  }
0xe: {  	s28 =	sshrl.u32 s13, $0x3;
	s13 =	simm.s32 $0x4;
	s26 =	sshll.u32 s8, $0xB  }
.Ltmp0:
0xf: {  	s12 =	sshll.u32 s9, $0xB;
	s5 =	sadd.s32 s7, s5;
	(pc) =	sbr.rel .LBB2_1-.Ltmp0, $4  }
0x10: {  	s29 =	sshll.u32 s8, $0x7;
	s9 =	sshll.u32 s9, $0x7;
	s8 =	sadd.s32 s10, s28  }
0x11: {  	s6 =	sand.u32 $0x1FFFF800, s26;
	s12 =	sand.u32 $0x1FFFF800, s12;
	s30 =	sand.u32 $0x1FFFFF80, s29  }
0x12: {  	s31 =	sand.u32 $0x1FFFFF80, s9;
	s6 =	sadd.s32 s7, s6;
	s7 =	sadd.s32 s7, s12  }
0x13: {  	v0 =	vlaneseq.u32;
	s9 =	sadd.s32 s10, s30;
	s10 =	sadd.s32 s10, s31;
	s12 =	smax.u32 s1, $0x1  }
.LBB2_14:
0x14: {  	s23 =	sadd.s32 $0x1, s23  }
0x15: {  	p0 =	sne.s32 s23, s12  }
.Ltmp1:
0x16: {  	_ = 	snop;
	(pc) =	sbr.rel @!p0 .LBB2_15-.Ltmp1, $1  }
0x17: {  	_ =	sdelay $0x3  }
.LBB2_1:
0x18: {  	[tilespmem:s3], [sflag:$0x4] =	stream.linear.gather [hbm4b:s5+s3], $0x4000, $0x38;
	[tilespmem:$0x11980] =	vst v63  }
0x19: {  	_ =	swait.ge [sflag:s13], $0x4000  }
0x1a: {  	[sflag:s13] =	ssyncset.done $0x0  }
0x1b: {  	s0 =	simm.s32 $0x4000;
	[sflag:s13] =	ssyncadd.s32 $0xFFFFC000  }
0x1c: {  	[tilespmem:s0], [sflag:$0x4] =	stream.linear.gather [hbm4b:s6+s3], $0x4000, $0x38;
	[tilespmem:$0x11980] =	vst v63  }
0x1d: {  	_ =	swait.ge [sflag:s13], $0x4000  }
0x1e: {  	[sflag:s13] =	ssyncset.done $0x0  }
0x1f: {  	s26 =	simm.s32 $0x8000;
	[sflag:s13] =	ssyncadd.s32 $0xFFFFC000  }
0x20: {  	[tilespmem:s26], [sflag:$0x4] =	stream.linear.gather [hbm4b:s7+s3], $0x4000, $0x38;
	[tilespmem:$0x11980] =	vst v63  }
0x21: {  	_ =	swait.ge [sflag:s13], $0x4000  }
0x22: {  	[sflag:s13] =	ssyncset.done $0x0  }
0x23: {  	s28 =	simm.s32 $0x10000;
	[sflag:s13] =	ssyncadd.s32 $0xFFFFC000  }
0x24: {  	[tilespmem:s28], [sflag:$0x4] =	stream.linear.gather [hbm4b:s8+s3], $0x400, $0x38;
	[tilespmem:$0x11980] =	vst v63  }
0x25: {  	_ =	swait.ge [sflag:s13], $0x400  }
0x26: {  	[sflag:s13] =	ssyncset.done $0x0  }
0x27: {  	s29 =	simm.s32 $0x10400;
	[sflag:s13] =	ssyncadd.s32 $0xFFFFFC00  }
0x28: {  	[tilespmem:s29], [sflag:$0x4] =	stream.linear.gather [hbm4b:s9+s3], $0x400, $0x38;
	[tilespmem:$0x11980] =	vst v63  }
0x29: {  	_ =	swait.ge [sflag:s13], $0x400  }
0x2a: {  	[sflag:s13] =	ssyncset.done $0x0  }
0x2b: {  	s30 =	simm.s32 $0x10800;
	[sflag:s13] =	ssyncadd.s32 $0xFFFFFC00  }
0x2c: {  	[tilespmem:s30], [sflag:$0x4] =	stream.linear.gather [hbm4b:s10+s3], $0x400, $0x38;
	[tilespmem:$0x11980] =	vst v63  }
0x2d: {  	_ =	swait.ge [sflag:s13], $0x400  }
0x2e: {  	[sflag:s13] =	ssyncset.done $0x0  }
0x2f: {  	s1 =	simm.s32 $0x10C00;
	s31 =	rddreg [dreg:$0x3];
	[sflag:s13] =	ssyncadd.s32 $0xFFFFFC00  }
0x30: {  	[tilespmem:s1], [sflag:$0x4] =	stream.linear.gather [hbm4b:s31+s3], $0x80, $0x38;
	[tilespmem:$0x11980] =	vst v63  }
0x31: {  	_ =	swait.ge [sflag:s13], $0x80  }
0x32: {  	[sflag:s13] =	ssyncset.done $0x0  }
0x33: {  	s1 =	simm.s32 $0x0;
	[sflag:s13] =	ssyncadd.s32 $0xFFFFFF80  }
0x34: {  	v1 =	vld [tilespmem:s1+$0x0]  }
0x35: {  	v2 =	vld [tilespmem:s1+$0x4000]  }
0x36: {  	v4 =	vld [tilespmem:s1+$0x8000];
	_ =	sdelay $0x2  }
0x37: {  	v3 =	vshrl.u32 v1, $0x10;
	v5 =	vmul.f32 v1, v1  }
0x38: {  	v6 =	vshrl.u32 v2, $0x10;
	v8 =	vmul.f32 v2, v2;
	v3 =	vand.u32 $0x1, v3  }
0x39: {  	v1 =	vadd.s32 v3, v1;
	v3 =	vand.u32 $0x1, v6;
	v6 =	vshrl.u32 v4, $0x10  }
0x3a: {  	v7 =	vadd.s32 $0x7FFF, v1;
	v3 =	vadd.s32 v3, v2;
	v6 =	vand.u32 $0x1, v6  }
0x3b: {  	v7 =	vand.u32 $0xFFFF0000, v7;
	v2 =	vadd.s32 $0x7FFF, v3;
	v3 =	vadd.s32 v6, v4  }
0x3c: {  	s24 =	simm.s32 $0x10;
	v1 =	vld [tilespmem:$0x10C00];
	[tilespmem:s1+$0x0] =	vst v7;
	v6 =	vand.u32 $0xFFFF0000, v2;
	v7 =	vadd.s32 $0x7FFF, v3  }
0x3d: {  	s25 =	simm.s32 $0x80;
	v4 =	vmul.f32 v4, v4;
	v3 =	vadd.f32 v8, v5;
	v2 =	vld [tilespmem:s24+$0x0];
	[tilespmem:s1+$0x4000] =	vst v6;
	v5 =	vand.u32 $0xFFFF0000, v7  }
.LBB2_2:
0x3e: {  	p0 =	sne.s32 s25, $0xFFC0;
	v6 =	vld [tilespmem:s24+$0x4000];
	[tilespmem:s1+$0x8000] =	vst v5  }
0x3f: {  	v5 =	vld [tilespmem:s24+$0x8000];
	v3 =	vadd.f32 v4, v3;
	_ =	sdelay $0x1  }
0x40: {  	[tilespmem:s1+$0xC000] =	vst v3;
	s1 =	smov.u32 s24  }
0x41: {  	v3 =	vmul.f32 v2, v2;
	v4 =	vshrl.u32 v2, $0x10  }
0x42: {  	v7 =	vmul.f32 v6, v6;
	v4 =	vand.u32 $0x1, v4;
	v8 =	vshrl.u32 v6, $0x10  }
.Ltmp2:
0x43: {  	v2 =	vadd.s32 v4, v2;
	v4 =	vand.u32 $0x1, v8;
	v8 =	vshrl.u32 v5, $0x10;
	(pc) =	sbr.rel @p0 .LBB2_2-.Ltmp2, $4  }
0x44: {  	v2 =	vadd.s32 $0x7FFF, v2;
	v4 =	vadd.s32 v4, v6;
	v6 =	vand.u32 $0x1, v8  }
0x45: {  	v2 =	vand.u32 $0xFFFF0000, v2;
	v4 =	vadd.s32 $0x7FFF, v4;
	v6 =	vadd.s32 v6, v5  }
0x46: {  	s24 =	sshra.s32 s25, $0x2;
	v3 =	vadd.f32 v7, v3;
	[tilespmem:s1+$0x0] =	vst v2;
	v7 =	vand.u32 $0xFFFF0000, v4;
	v6 =	vadd.s32 $0x7FFF, v6  }
0x47: {  	s25 =	sadd.s32 $0x40, s25;
	v4 =	vmul.f32 v5, v5;
	v2 =	vld [tilespmem:s24+$0x0];
	[tilespmem:s1+$0x4000] =	vst v7;
	v5 =	vand.u32 $0xFFFF0000, v6  }
0x48: {  	v6 =	vld [tilespmem:s24+$0x4000]  }
0x49: {  	[tilespmem:s1+$0x8000] =	vst v5  }
0x4a: {  	v5 =	vld [tilespmem:s24+$0x8000];
	_ =	sdelay $0x1  }
0x4b: {  	v3 =	vadd.f32 v4, v3;
	v61 =	vshrl.u32 v2, $0x10  }
0x4c: {  	v7 =	vmul.f32 v2, v2;
	v4 =	vand.u32 $0x1, v61;
	v8 =	vshrl.u32 v6, $0x10  }
0x4d: {  	v62 =	vmul.f32 v6, v6;
	v2 =	vadd.s32 v4, v2;
	v8 =	vand.u32 $0x1, v8  }
0x4e: {  	v63 =	vshrl.u32 v5, $0x10;
	v6 =	vadd.s32 v8, v6;
	v2 =	vadd.s32 $0x7FFF, v2  }
0x4f: {  	v8 =	vand.u32 $0x1, v63;
	v4 =	vadd.f32 v62, v7;
	v2 =	vand.u32 $0xFFFF0000, v2  }
0x50: {  	[tilespmem:s1+$0xC000] =	vst v3;
	v6 =	vadd.s32 $0x7FFF, v6;
	v3 =	vadd.s32 v8, v5;
	v5 =	vmul.f32 v5, v5  }
0x51: {  	[tilespmem:s24+$0x0] =	vst v2;
	v2 =	vand.u32 $0xFFFF0000, v6;
	v3 =	vadd.s32 $0x7FFF, v3  }
0x52: {  	[tilespmem:s24+$0x4000] =	vst v2;
	v2 =	vand.u32 $0xFFFF0000, v3;
	v3 =	vadd.f32 v5, v4  }
0x53: {  	s1 =	simm.s32 $0x0;
	[tilespmem:s24+$0x8000] =	vst v2  }
0x54: {  	[smem:$0x0] =	sst s1;
	[tilespmem:s24+$0xC000] =	vst v3  }
0x55: {  	[bflag:$0x0] =	sbarrier.arrive $0xFFFF  }
0x56: {  	[sflag:s20] =	ssyncset.done $0x0  }
0x57: {  	[smem:s21], [sflag:$0x2] =	smem.add.s32 $0x1  }
0x58: {  	_ =	swait.done [sflag:s20]  }
0x59: {  	s25 =	ssyncread [sflag:$0x2];
	_ =	sdelay $0x2  }
0x5a: {  	p0 =	sgt.s32 s25, $0x3F  }
.Ltmp3:
0x5b: {  	_ = 	snop;
	(pc) =	sbr.rel @p0 .LBB2_14-.Ltmp3, $3  }
0x5c: {  	_ =	sdelay $0x1  }
0x5d: {  	[sflag:s20] =	ssyncset.s32 $0x0  }
0x5e: {  	[sflag:s20] =	ssyncset.done $0x0  }
.LBB2_4:
0x5f: {  	p0 =	slt.s32 s1, $0x2  }
0x60: {  	s24 =	smov.u32 s1;
	s1 =	simm.s32 @!p0 $0x1  }
0x61: {  	_ =	swait.ge @!p0 [sflag:s1], $0x400  }
0x62: {  	[sflag:s1] =	ssyncset.done @!p0 $0x0  }
0x63: {  	s26 =	sshll.u32 s25, $0x4;
	[sflag:s1] =	ssyncadd.s32 @!p0 $0xFFFFFC00  }
0x64: {  	v2 =	vld [tilespmem:s26+$0x10000]  }
0x65: {  	v3 =	vld [tilespmem:s26+$0x10400]  }
0x66: {  	v4 =	vld [tilespmem:s26+$0x10800]  }
0x67: {  	v22 =	vimm.s32 $0x0  }
0x68: {  	[tilespmem:$0x10C80] =	vst v22  }
0x69: {  	[tilespmem:$0x10C90] =	vst v22  }
0x6a: {  	[tilespmem:$0x10CA0] =	vst v22;
	v5 =	vmul.f32 v2, v2;
	v6 =	vshrl.u32 v2, $0x10;
	v7 =	vmul.f32 v3, v3  }
0x6b: {  	[tilespmem:$0x10CB0] =	vst v22;
	v8 =	vshrl.u32 v3, $0x10;
	v14 =	vmul.f32 v4, v4;
	v6 =	vand.u32 $0x1, v6  }
0x6c: {  	[tilespmem:$0x10DC0] =	vst v22;
	v2 =	vadd.s32 v6, v2;
	v6 =	vand.u32 $0x1, v8;
	v5 =	vadd.f32 v7, v5  }
0x6d: {  	[tilespmem:$0x10DD0] =	vst v22;
	v7 =	vshrl.u32 v4, $0x10;
	v2 =	vadd.s32 $0x7FFF, v2;
	v3 =	vadd.s32 v6, v3  }
0x6e: {  	[tilespmem:$0x10DE0] =	vst v22;
	v2 =	vand.u32 $0xFFFF0000, v2;
	v6 =	vadd.s32 $0x7FFF, v3;
	v5 =	vadd.f32 v14, v5  }
0x6f: {  	[tilespmem:$0x10DF0] =	vst v22;
	v3 =	vadd.f32 v2, v2;
	v2 =	vand.u32 $0xFFFF0000, v6;
	v6 =	vand.u32 $0x1, v7  }
0x70: {  	[tilespmem:$0x10F00] =	vst v22;
	v2 =	vadd.f32 v2, v2;
	v18 =	vbroadcast v5, $0x0;
	v19 =	vbroadcast v5, $0x4  }
0x71: {  	[tilespmem:$0x10F10] =	vst v22;
	v4 =	vadd.s32 v6, v4;
	v20 =	vbroadcast v5, $0x8;
	v21 =	vbroadcast v5, $0xC  }
0x72: {  	[tilespmem:$0x10F20] =	vst v22;
	v4 =	vadd.s32 $0x7FFF, v4;
	v6 =	vbroadcast v3, $0x0;
	v7 =	vbroadcast v3, $0x4  }
0x73: {  	[tilespmem:$0x10F30] =	vst v22;
	v8 =	vbroadcast v3, $0x8;
	v9 =	vbroadcast v3, $0xC;
	v4 =	vand.u32 $0xFFFF0000, v4  }
0x74: {  	[tilespmem:$0x11040] =	vst v22;
	v10 =	vbroadcast v2, $0x0;
	v11 =	vbroadcast v2, $0x4;
	v4 =	vadd.f32 v4, v4  }
0x75: {  	v23 =	vimm.s32 $0x0;
	[tilespmem:$0x11050] =	vst v22;
	v12 =	vbroadcast v2, $0x8;
	v13 =	vbroadcast v2, $0xC  }
0x76: {  	s28 =	simm.s32 $0x20;
	s29 =	simm.s32 $0x4020;
	s30 =	simm.s32 $0x8020;
	v24 =	vimm.s32 $0x0;
	[tilespmem:$0x11060] =	vst v22;
	v14 =	vbroadcast v4, $0x0;
	v15 =	vbroadcast v4, $0x4  }
0x77: {  	s31 =	simm.s32 $0x0;
	v25 =	vimm.s32 $0x0;
	s1 =	simm.s32 $0x0;
	s26 =	simm.s32 $0xC020;
	[tilespmem:$0x11070] =	vst v22;
	v16 =	vbroadcast v4, $0x8;
	v17 =	vbroadcast v4, $0xC  }
.LBB2_5:
0x78: {  	v26 =	vld [tilespmem:s28+$0xFFFFFFE0]  }
0x79: {  	v27 =	vld [tilespmem:s29+$0xFFFFFFE0]  }
0x7a: {  	v28 =	vld [tilespmem:s30+$0xFFFFFFE0]  }
0x7b: {  	v29 =	vld [tilespmem:s26+$0xFFFFFFE0]  }
0x7c: {  	(v2sf) =	vpush v25, $0x0  }
0x7d: {  	(v2sf) =	vpush v24, $0x0  }
0x7e: {  	v34 =	vld [tilespmem:s28+$0xFFFFFFF0];
	(v2sf) =	vpush v23, $0x0  }
0x7f: {  	v35 =	vld [tilespmem:s29+$0xFFFFFFF0];
	(v2sf) =	vpush v22, $0x0;
	v30 =	vmul.f32 v26, v6;
	v31 =	vmul.f32 v27, v10  }
0x80: {  	v52 =	vld [tilespmem:s30+$0xFFFFFFF0];
	v43 =	vmul.f32 v28, v14;
	v44 =	vadd.f32 v29, v18;
	v45 =	vmul.f32 v26, v7  }
0x81: {  	v56 =	vld [tilespmem:s26+$0xFFFFFFF0];
	v32 =	vmul.f32 v27, v11;
	v46 =	vmul.f32 v28, v15;
	v30 =	vadd.f32 v31, v30  }
0x82: {  	v48 =	vadd.f32 v29, v19;
	v49 =	vmul.f32 v26, v8;
	v33 =	vmul.f32 v27, v12  }
0x83: {  	v51 =	vmul.f32 v28, v16;
	v26 =	vmul.f32 v26, v9;
	v30 =	vadd.f32 v43, v30  }
0x84: {  	v27 =	vmul.f32 v27, v13;
	v54 =	vadd.f32 v29, v20;
	v57 =	vmul.f32 v34, v6  }
0x85: {  	v36 =	vmul.f32 v35, v10;
	v59 =	vmul.f32 v52, v14;
	v30 =	vsub.f32 v44, v30  }
0x86: {  	v60 =	vadd.f32 v56, v18;
	v61 =	vmul.f32 v35, v11;
	v31 =	vadd.f32 v32, v45  }
0x87: {  	v62 =	vmul.f32 v52, v15;
	v37 =	vmul.f32 v35, v12;
	vm0 =	vlt.f32 v30, v1  }
0x88: {  	v38 =	vmul.f32 v52, v16;
	v47 =	vadd.f32 v46, v31;
	v30 =	vmpcnt.ones.xlane vm0  }
0x89: {  	v63 =	vadd.f32 v56, v19;
	v40 =	vmul.f32 v34, v9;
	v41 =	vmul.f32 v35, v13  }
0x8a: {  	v42 =	vld [tilespmem:s29+$0x0];
	v50 =	vadd.f32 v33, v49;
	v25 =	vadd.s32 v25, v30;
	v30 =	vsub.f32 v48, v47  }
0x8b: {  	v26 =	vadd.f32 v27, v26;
	v27 =	vmul.f32 v28, v17;
	vm1 =	vlt.s32 v25, $0x40  }
0x8c: {  	v58 =	vadd.f32 v36, v57;
	v25 =	vnsel vm1, $0x40, v25;
	vm1 =	vlt.f32 v30, v1  }
0x8d: {  	v28 =	vadd.f32 v56, v21;
	v53 =	vadd.f32 v51, v50;
	v55 =	vmpcnt.ones.xlane vm1  }
0x8e: {  	v39 =	vld [tilespmem:s28+$0x0];
	v36 =	vmul.f32 v34, v8;
	v26 =	vadd.f32 v27, v26;
	v27 =	vadd.f32 v29, v21  }
0x8f: {  	v57 =	vmul.f32 v42, v13;
	v30 =	vsub.f32 v54, v53;
	v24 =	vadd.s32 v24, v55  }
0x90: {  	v45 =	vld [tilespmem:s30+$0x0];
	v29 =	vadd.f32 v59, v58;
	v26 =	vsub.f32 v27, v26;
	vm2 =	vlt.s32 v24, $0x40  }
0x91: {  	v31 =	vadd.f32 v41, v40;
	v24 =	vnsel vm2, $0x40, v24;
	vm2 =	vlt.f32 v30, v1  }
0x92: {  	vm3 =	vlt.f32 v26, v1;
	v26 =	vmul.f32 v34, v7;
	v27 =	vmpcnt.ones.xlane vm2  }
0x93: {  	v51 =	vmul.f32 v39, v7;
	v29 =	vsub.f32 v60, v29;
	v44 =	vmul.f32 v52, v17  }
0x94: {  	v52 =	vmul.f32 v42, v11;
	v26 =	vadd.f32 v61, v26;
	v23 =	vadd.s32 v23, v27  }
0x95: {  	v46 =	vld [tilespmem:s26+$0x0];
	v49 =	vmul.f32 v45, v14;
	v27 =	vmpcnt.ones.xlane vm3;
	vm4 =	vlt.s32 v23, $0x40  }
0x96: {  	v26 =	vadd.f32 v62, v26;
	v23 =	vnsel vm4, $0x40, v23;
	vm4 =	vlt.f32 v29, v1  }
0x97: {  	v59 =	vmul.f32 v45, v16;
	v22 =	vadd.s32 v22, v27;
	v27 =	vmpcnt.ones.xlane vm4  }
0x98: {  	v60 =	vmul.f32 v45, v17;
	(v2sf) =	vpush v25, $0x0;
	v26 =	vsub.f32 v63, v26  }
0x99: {  	vm5 =	vlt.s32 v22, $0x40;
	v25 =	vadd.s32 v25, v27;
	v27 =	vadd.f32 v37, v36  }
0x9a: {  	v50 =	vadd.f32 v46, v18;
	v47 =	vmul.f32 v42, v10;
	v22 =	vnsel vm5, $0x40, v22  }
0x9b: {  	vm5 =	vlt.f32 v26, v1;
	v26 =	vadd.f32 v38, v27;
	v27 =	vadd.f32 v56, v20  }
0x9c: {  	v62 =	vadd.f32 v46, v20;
	v53 =	vadd.f32 v52, v51;
	v43 =	vmpcnt.ones.xlane vm5  }
0x9d: {  	vm6 =	vlt.s32 v25, $0x40;
	v26 =	vsub.f32 v27, v26;
	v27 =	vadd.f32 v44, v31  }
0x9e: {  	(v2sf) =	vpush v24, $0x0;
	v25 =	vnsel vm6, $0x40, v25;
	v24 =	vadd.s32 v24, v43  }
0x9f: {  	vm6 =	vlt.f32 v26, v1;
	v26 =	vmul.f32 v39, v6;
	v27 =	vsub.f32 v28, v27  }
0xa0: {  	v54 =	vmul.f32 v45, v15;
	v30 =	vmul.f32 v39, v9;
	vm7 =	vlt.s32 v24, $0x40  }
0xa1: {  	v24 =	vnsel vm7, $0x40, v24;
	v26 =	vadd.f32 v47, v26;
	vm7 =	vlt.f32 v27, v1  }
0xa2: {  	v55 =	vmul.f32 v42, v12;
	v30 =	vadd.f32 v57, v30;
	v27 =	vmpcnt.ones.xlane vm7  }
0xa3: {  	v41 =	vld [tilespmem:s29+$0x10];
	(v2sf) =	vpush v23, $0x0;
	v48 =	vmpcnt.ones.xlane vm6;
	v26 =	vadd.f32 v49, v26  }
0xa4: {  	v63 =	vld [tilespmem:s28+$0x10];
	(v2sf) =	vpush v22, $0x0;
	v56 =	vadd.f32 v46, v19;
	v27 =	vadd.s32 v22, v27  }
0xa5: {  	v23 =	vadd.s32 v23, v48;
	v26 =	vsub.f32 v50, v26;
	vm14 =	vlt.s32 v27, $0x40  }
0xa6: {  	vm8 =	vlt.s32 v23, $0x40;
	v22 =	vnsel vm14, $0x40, v27;
	v27 =	vmul.f32 v39, v8  }
0xa7: {  	v43 =	vld [tilespmem:s26+$0x10];
	v23 =	vnsel vm8, $0x40, v23;
	vm8 =	vlt.f32 v26, v1;
	v26 =	vadd.f32 v54, v53  }
0xa8: {  	v45 =	vmul.f32 v41, v10;
	v29 =	vadd.f32 v46, v21;
	v27 =	vadd.f32 v55, v27  }
0xa9: {  	v52 =	vmul.f32 v63, v8;
	(v2sf) =	vpush v25, $0x0;
	v26 =	vsub.f32 v56, v26  }
0xaa: {  	v44 =	vmul.f32 v63, v6;
	(v2sf) =	vpush v24, $0x0;
	v27 =	vadd.f32 v59, v27  }
0xab: {  	v58 =	vmpcnt.ones.xlane vm8;
	vm9 =	vlt.f32 v26, v1;
	v26 =	vadd.f32 v60, v30  }
0xac: {  	v28 =	vmul.f32 v41, v13;
	v57 =	vadd.f32 v43, v19;
	v27 =	vsub.f32 v62, v27  }
0xad: {  	(v2sf) =	vpush v23, $0x0;
	v61 =	vadd.s32 v25, v58;
	v26 =	vsub.f32 v29, v26  }
0xae: {  	vm10 =	vlt.s32 v61, $0x40;
	v40 =	vmpcnt.ones.xlane vm9;
	vm11 =	vlt.f32 v27, v1  }
0xaf: {  	v25 =	vnsel vm10, $0x40, v61;
	v42 =	vmpcnt.ones.xlane vm11;
	vm10 =	vlt.f32 v26, v1  }
0xb0: {  	(v2sf) =	vpush v22, $0x0;
	v24 =	vadd.s32 v24, v40;
	v26 =	vmpcnt.ones.xlane vm10  }
0xb1: {  	(v2sf) =	vpush v25, $0x0;
	v27 =	vld [tilespmem:s30+$0x10];
	vm12 =	vlt.s32 v24, $0x40;
	v23 =	vadd.s32 v23, v42  }
0xb2: {  	v24 =	vnsel vm12, $0x40, v24;
	vm12 =	vlt.s32 v23, $0x40;
	v22 =	vadd.s32 v22, v26  }
0xb3: {  	(v2sf) =	vpush v24, $0x0;
	v23 =	vnsel vm12, $0x40, v23;
	vm12 =	vlt.s32 v22, $0x40  }
0xb4: {  	v48 =	vor.u32 s31, v0;
	v22 =	vnsel vm12, $0x40, v22;
	(v2sf) =	vpush v23, $0x0  }
0xb5: {  	s0 =	spop (v2sf);
	v49 =	vmul.f32 v63, v7;
	v50 =	vmul.f32 v41, v11;
	(v2sf) =	vpush v22, $0x0  }
0xb6: {  	s17 =	sadd.s32 $0x10, s31;
	s14 =	spop (v2sf);
	v53 =	vmul.f32 v41, v12;
	[tilespmem:s0+$0x10C80] =	vst.msk vm0, v48;
	v26 =	vadd.f32 v45, v44;
	v46 =	vmul.f32 v27, v14  }
0xb7: {  	s15 =	spop (v2sf);
	v47 =	vadd.f32 v43, v18;
	v33 =	vadd.f32 v50, v49;
	v54 =	vor.u32 s17, v0;
	[tilespmem:s14+$0x10DC0] =	vst.msk vm1, v48  }
0xb8: {  	s16 =	spop (v2sf);
	v55 =	vadd.f32 v53, v52;
	v30 =	vmul.f32 v63, v9;
	[tilespmem:s15+$0x10F00] =	vst.msk vm2, v48;
	v26 =	vadd.f32 v46, v26  }
0xb9: {  	s18 =	spop (v2sf);
	v59 =	vadd.f32 v43, v20;
	[tilespmem:s16+$0x11040] =	vst.msk vm3, v48;
	v51 =	vmul.f32 v27, v15;
	v56 =	vmul.f32 v27, v16  }
0xba: {  	s4 =	spop (v2sf);
	v28 =	vadd.f32 v28, v30;
	[tilespmem:s18+$0x10C80] =	vst.msk vm4, v54;
	v27 =	vmul.f32 v27, v17;
	v26 =	vsub.f32 v47, v26  }
0xbb: {  	p6 =	sgt.u32 s1, $0x3FB;
	p0 =	slt.s32 s0, $0x40;
	s18 =	spop (v2sf);
	[tilespmem:s4+$0x10DC0] =	vst.msk vm5, v54;
	v31 =	vadd.f32 v51, v33;
	v58 =	vadd.f32 v56, v55  }
0xbc: {  	p1 =	slt.s32 s14, $0x40;
	s17 =	spop (v2sf);
	s4 =	sadd.s32 $0x20, s31;
	[tilespmem:s18+$0x10F00] =	vst.msk vm6, v54;
	vm15 =	vlt.f32 v26, v1;
	v26 =	vadd.f32 v27, v28;
	v27 =	vadd.f32 v43, v21  }
0xbd: {  	p0 =	por p0, p1;
	p4 =	slt.s32 s15, $0x40;
	s19 =	spop (v2sf);
	v60 =	vor.u32 s4, v0;
	[tilespmem:s17+$0x11040] =	vst.msk vm7, v54;
	v31 =	vsub.f32 v57, v31;
	v30 =	vsub.f32 v59, v58  }
0xbe: {  	p0 =	por p0, p4;
	p5 =	slt.s32 s16, $0x40;
	s17 =	spop (v2sf);
	[tilespmem:s19+$0x10C80] =	vst.msk vm8, v60;
	v26 =	vsub.f32 v27, v26  }
0xbf: {  	p0 =	por p0, p5;
	s18 =	sadd.s32 $0x30, s31;
	s4 =	spop (v2sf);
	[tilespmem:s17+$0x10DC0] =	vst.msk vm9, v60;
	vm8 =	vlt.f32 v31, v1;
	vm9 =	vlt.f32 v30, v1;
	v61 =	vmpcnt.ones.xlane vm15  }
0xc0: {  	p0 =	por p6, !p0;
	s19 =	spop (v2sf);
	[tilespmem:s4+$0x10F00] =	vst.msk vm11, v60;
	v62 =	vmpcnt.ones.xlane vm8;
	v27 =	vor.u32 s18, v0;
	vm11 =	vlt.f32 v26, v1  }
.Ltmp4:
0xc1: {  	[tilespmem:s19+$0x11040] =	vst.msk vm10, v60;
	v25 =	vadd.s32 v25, v61;
	s14 =	spop (v2sf);
	v26 =	vmpcnt.ones.xlane vm9;
	v63 =	vmpcnt.ones.xlane vm11;
	(pc) =	sbr.rel @!p0 .LBB2_5-.Ltmp4, $4  }
0xc2: {  	v24 =	vadd.s32 v24, v62;
	vm12 =	vlt.s32 v25, $0x40;
	[tilespmem:s14+$0x10C80] =	vst.msk vm15, v27;
	s15 =	spop (v2sf)  }
0xc3: {  	s29 =	sadd.s32 $0x40, s29;
	s28 =	sadd.s32 $0x40, s28;
	vm13 =	vlt.s32 v24, $0x40;
	v23 =	vadd.s32 v23, v26;
	v22 =	vadd.s32 v22, v63;
	[tilespmem:s15+$0x10DC0] =	vst.msk vm8, v27;
	s17 =	spop (v2sf)  }
0xc4: {  	s26 =	sadd.s32 $0x40, s26;
	s19 =	sadd.s32 $0x4, s1;
	v25 =	vnsel vm12, $0x40, v25;
	vm14 =	vlt.s32 v23, $0x40;
	vm15 =	vlt.s32 v22, $0x40;
	s18 =	spop (v2sf);
	[tilespmem:s17+$0x10F00] =	vst.msk vm9, v27  }
0xc5: {  	s30 =	sadd.s32 $0x40, s30;
	s31 =	sadd.s32 $0x40, s31;
	s1 =	smov.u32 s19;
	v24 =	vnsel vm13, $0x40, v24;
	v23 =	vnsel vm14, $0x40, v23;
	v22 =	vnsel vm15, $0x40, v22;
	[tilespmem:s18+$0x11040] =	vst.msk vm11, v27  }
0xc6: {  	v22 =	vimm.s32 $0x0  }
0xc7: {  	[tilespmem:$0x10CD0] =	vst v22  }
0xc8: {  	[tilespmem:$0x10CE0] =	vst v22  }
0xc9: {  	[tilespmem:$0x10CF0] =	vst v22  }
0xca: {  	[tilespmem:$0x10D00] =	vst v22  }
0xcb: {  	[tilespmem:$0x10E10] =	vst v22  }
0xcc: {  	[tilespmem:$0x10E20] =	vst v22  }
0xcd: {  	[tilespmem:$0x10E30] =	vst v22  }
0xce: {  	v6 =	vbroadcast v3, $0x1;
	v7 =	vbroadcast v3, $0x5;
	[tilespmem:$0x10E40] =	vst v22  }
0xcf: {  	v8 =	vbroadcast v3, $0x9;
	v9 =	vbroadcast v3, $0xD;
	[tilespmem:$0x10F50] =	vst v22  }
0xd0: {  	v10 =	vbroadcast v2, $0x1;
	v11 =	vbroadcast v2, $0x5;
	[tilespmem:$0x10F60] =	vst v22  }
0xd1: {  	v12 =	vbroadcast v2, $0x9;
	v13 =	vbroadcast v2, $0xD;
	[tilespmem:$0x10F70] =	vst v22  }
0xd2: {  	v14 =	vbroadcast v4, $0x1;
	v15 =	vbroadcast v4, $0x5;
	[tilespmem:$0x10F80] =	vst v22  }
0xd3: {  	v16 =	vbroadcast v4, $0x9;
	v17 =	vbroadcast v4, $0xD;
	[tilespmem:$0x11090] =	vst v22  }
0xd4: {  	v18 =	vbroadcast v5, $0x1;
	v19 =	vbroadcast v5, $0x5;
	[tilespmem:$0x110A0] =	vst v22  }
0xd5: {  	v20 =	vbroadcast v5, $0x9;
	v21 =	vbroadcast v5, $0xD;
	s1 =	simm.s32 $0x0;
	s26 =	simm.s32 $0xC020;
	s28 =	simm.s32 $0x20;
	[tilespmem:$0x110B0] =	vst v22  }
0xd6: {  	s29 =	simm.s32 $0x4020;
	s30 =	simm.s32 $0x8020;
	s31 =	simm.s32 $0x0;
	v23 =	vimm.s32 $0x0;
	v24 =	vimm.s32 $0x0;
	v25 =	vimm.s32 $0x0;
	[tilespmem:$0x110C0] =	vst v22  }
.LBB2_7:
0xd7: {  	v26 =	vld [tilespmem:s28+$0xFFFFFFE0]  }
0xd8: {  	v27 =	vld [tilespmem:s29+$0xFFFFFFE0]  }
0xd9: {  	v28 =	vld [tilespmem:s30+$0xFFFFFFE0]  }
0xda: {  	v29 =	vld [tilespmem:s26+$0xFFFFFFE0]  }
0xdb: {  	(v2sf) =	vpush v25, $0x0  }
0xdc: {  	(v2sf) =	vpush v24, $0x0  }
0xdd: {  	v34 =	vld [tilespmem:s28+$0xFFFFFFF0];
	(v2sf) =	vpush v23, $0x0  }
0xde: {  	v35 =	vld [tilespmem:s29+$0xFFFFFFF0];
	(v2sf) =	vpush v22, $0x0;
	v30 =	vmul.f32 v26, v6;
	v31 =	vmul.f32 v27, v10  }
0xdf: {  	v52 =	vld [tilespmem:s30+$0xFFFFFFF0];
	v43 =	vmul.f32 v28, v14;
	v44 =	vadd.f32 v29, v18;
	v45 =	vmul.f32 v26, v7  }
0xe0: {  	v56 =	vld [tilespmem:s26+$0xFFFFFFF0];
	v32 =	vmul.f32 v27, v11;
	v46 =	vmul.f32 v28, v15;
	v30 =	vadd.f32 v31, v30  }
0xe1: {  	v48 =	vadd.f32 v29, v19;
	v49 =	vmul.f32 v26, v8;
	v33 =	vmul.f32 v27, v12  }
0xe2: {  	v51 =	vmul.f32 v28, v16;
	v26 =	vmul.f32 v26, v9;
	v30 =	vadd.f32 v43, v30  }
0xe3: {  	v27 =	vmul.f32 v27, v13;
	v54 =	vadd.f32 v29, v20;
	v57 =	vmul.f32 v34, v6  }
0xe4: {  	v36 =	vmul.f32 v35, v10;
	v59 =	vmul.f32 v52, v14;
	v30 =	vsub.f32 v44, v30  }
0xe5: {  	v60 =	vadd.f32 v56, v18;
	v61 =	vmul.f32 v35, v11;
	v31 =	vadd.f32 v32, v45  }
0xe6: {  	v62 =	vmul.f32 v52, v15;
	v37 =	vmul.f32 v35, v12;
	vm0 =	vlt.f32 v30, v1  }
0xe7: {  	v38 =	vmul.f32 v52, v16;
	v47 =	vadd.f32 v46, v31;
	v30 =	vmpcnt.ones.xlane vm0  }
0xe8: {  	v63 =	vadd.f32 v56, v19;
	v40 =	vmul.f32 v34, v9;
	v41 =	vmul.f32 v35, v13  }
0xe9: {  	v42 =	vld [tilespmem:s29+$0x0];
	v50 =	vadd.f32 v33, v49;
	v25 =	vadd.s32 v25, v30;
	v30 =	vsub.f32 v48, v47  }
0xea: {  	v26 =	vadd.f32 v27, v26;
	v27 =	vmul.f32 v28, v17;
	vm1 =	vlt.s32 v25, $0x40  }
0xeb: {  	v58 =	vadd.f32 v36, v57;
	v25 =	vnsel vm1, $0x40, v25;
	vm1 =	vlt.f32 v30, v1  }
0xec: {  	v28 =	vadd.f32 v56, v21;
	v53 =	vadd.f32 v51, v50;
	v55 =	vmpcnt.ones.xlane vm1  }
0xed: {  	v39 =	vld [tilespmem:s28+$0x0];
	v36 =	vmul.f32 v34, v8;
	v26 =	vadd.f32 v27, v26;
	v27 =	vadd.f32 v29, v21  }
0xee: {  	v57 =	vmul.f32 v42, v13;
	v30 =	vsub.f32 v54, v53;
	v24 =	vadd.s32 v24, v55  }
0xef: {  	v45 =	vld [tilespmem:s30+$0x0];
	v29 =	vadd.f32 v59, v58;
	v26 =	vsub.f32 v27, v26;
	vm2 =	vlt.s32 v24, $0x40  }
0xf0: {  	v31 =	vadd.f32 v41, v40;
	v24 =	vnsel vm2, $0x40, v24;
	vm2 =	vlt.f32 v30, v1  }
0xf1: {  	vm3 =	vlt.f32 v26, v1;
	v26 =	vmul.f32 v34, v7;
	v27 =	vmpcnt.ones.xlane vm2  }
0xf2: {  	v51 =	vmul.f32 v39, v7;
	v29 =	vsub.f32 v60, v29;
	v44 =	vmul.f32 v52, v17  }
0xf3: {  	v52 =	vmul.f32 v42, v11;
	v26 =	vadd.f32 v61, v26;
	v23 =	vadd.s32 v23, v27  }
0xf4: {  	v46 =	vld [tilespmem:s26+$0x0];
	v49 =	vmul.f32 v45, v14;
	v27 =	vmpcnt.ones.xlane vm3;
	vm4 =	vlt.s32 v23, $0x40  }
0xf5: {  	v26 =	vadd.f32 v62, v26;
	v23 =	vnsel vm4, $0x40, v23;
	vm4 =	vlt.f32 v29, v1  }
0xf6: {  	v59 =	vmul.f32 v45, v16;
	v22 =	vadd.s32 v22, v27;
	v27 =	vmpcnt.ones.xlane vm4  }
0xf7: {  	v60 =	vmul.f32 v45, v17;
	(v2sf) =	vpush v25, $0x0;
	v26 =	vsub.f32 v63, v26  }
0xf8: {  	vm5 =	vlt.s32 v22, $0x40;
	v25 =	vadd.s32 v25, v27;
	v27 =	vadd.f32 v37, v36  }
0xf9: {  	v50 =	vadd.f32 v46, v18;
	v47 =	vmul.f32 v42, v10;
	v22 =	vnsel vm5, $0x40, v22  }
0xfa: {  	vm5 =	vlt.f32 v26, v1;
	v26 =	vadd.f32 v38, v27;
	v27 =	vadd.f32 v56, v20  }
0xfb: {  	v62 =	vadd.f32 v46, v20;
	v53 =	vadd.f32 v52, v51;
	v43 =	vmpcnt.ones.xlane vm5  }
0xfc: {  	vm6 =	vlt.s32 v25, $0x40;
	v26 =	vsub.f32 v27, v26;
	v27 =	vadd.f32 v44, v31  }
0xfd: {  	(v2sf) =	vpush v24, $0x0;
	v25 =	vnsel vm6, $0x40, v25;
	v24 =	vadd.s32 v24, v43  }
0xfe: {  	vm6 =	vlt.f32 v26, v1;
	v26 =	vmul.f32 v39, v6;
	v27 =	vsub.f32 v28, v27  }
0xff: {  	v54 =	vmul.f32 v45, v15;
	v30 =	vmul.f32 v39, v9;
	vm7 =	vlt.s32 v24, $0x40  }
0x100: {  	v24 =	vnsel vm7, $0x40, v24;
	v26 =	vadd.f32 v47, v26;
	vm7 =	vlt.f32 v27, v1  }
0x101: {  	v55 =	vmul.f32 v42, v12;
	v30 =	vadd.f32 v57, v30;
	v27 =	vmpcnt.ones.xlane vm7  }
0x102: {  	v41 =	vld [tilespmem:s29+$0x10];
	(v2sf) =	vpush v23, $0x0;
	v48 =	vmpcnt.ones.xlane vm6;
	v26 =	vadd.f32 v49, v26  }
0x103: {  	v63 =	vld [tilespmem:s28+$0x10];
	(v2sf) =	vpush v22, $0x0;
	v56 =	vadd.f32 v46, v19;
	v27 =	vadd.s32 v22, v27  }
0x104: {  	v23 =	vadd.s32 v23, v48;
	v26 =	vsub.f32 v50, v26;
	vm14 =	vlt.s32 v27, $0x40  }
0x105: {  	vm8 =	vlt.s32 v23, $0x40;
	v22 =	vnsel vm14, $0x40, v27;
	v27 =	vmul.f32 v39, v8  }
0x106: {  	v43 =	vld [tilespmem:s26+$0x10];
	v23 =	vnsel vm8, $0x40, v23;
	vm8 =	vlt.f32 v26, v1;
	v26 =	vadd.f32 v54, v53  }
0x107: {  	v45 =	vmul.f32 v41, v10;
	v29 =	vadd.f32 v46, v21;
	v27 =	vadd.f32 v55, v27  }
0x108: {  	v52 =	vmul.f32 v63, v8;
	(v2sf) =	vpush v25, $0x0;
	v26 =	vsub.f32 v56, v26  }
0x109: {  	v44 =	vmul.f32 v63, v6;
	(v2sf) =	vpush v24, $0x0;
	v27 =	vadd.f32 v59, v27  }
0x10a: {  	v58 =	vmpcnt.ones.xlane vm8;
	vm9 =	vlt.f32 v26, v1;
	v26 =	vadd.f32 v60, v30  }
0x10b: {  	v28 =	vmul.f32 v41, v13;
	v57 =	vadd.f32 v43, v19;
	v27 =	vsub.f32 v62, v27  }
0x10c: {  	(v2sf) =	vpush v23, $0x0;
	v61 =	vadd.s32 v25, v58;
	v26 =	vsub.f32 v29, v26  }
0x10d: {  	vm10 =	vlt.s32 v61, $0x40;
	v40 =	vmpcnt.ones.xlane vm9;
	vm11 =	vlt.f32 v27, v1  }
0x10e: {  	v25 =	vnsel vm10, $0x40, v61;
	v42 =	vmpcnt.ones.xlane vm11;
	vm10 =	vlt.f32 v26, v1  }
0x10f: {  	(v2sf) =	vpush v22, $0x0;
	v24 =	vadd.s32 v24, v40;
	v26 =	vmpcnt.ones.xlane vm10  }
0x110: {  	(v2sf) =	vpush v25, $0x0;
	v27 =	vld [tilespmem:s30+$0x10];
	vm12 =	vlt.s32 v24, $0x40;
	v23 =	vadd.s32 v23, v42  }
0x111: {  	v24 =	vnsel vm12, $0x40, v24;
	vm12 =	vlt.s32 v23, $0x40;
	v22 =	vadd.s32 v22, v26  }
0x112: {  	(v2sf) =	vpush v24, $0x0;
	v23 =	vnsel vm12, $0x40, v23;
	vm12 =	vlt.s32 v22, $0x40  }
0x113: {  	v48 =	vor.u32 s31, v0;
	v22 =	vnsel vm12, $0x40, v22;
	(v2sf) =	vpush v23, $0x0  }
0x114: {  	s0 =	spop (v2sf);
	v49 =	vmul.f32 v63, v7;
	v50 =	vmul.f32 v41, v11;
	(v2sf) =	vpush v22, $0x0  }
0x115: {  	s16 =	sadd.s32 $0x10, s31;
	s4 =	spop (v2sf);
	v53 =	vmul.f32 v41, v12;
	[tilespmem:s0+$0x10CD0] =	vst.msk vm0, v48;
	v26 =	vadd.f32 v45, v44;
	v46 =	vmul.f32 v27, v14  }
0x116: {  	s14 =	spop (v2sf);
	v47 =	vadd.f32 v43, v18;
	v33 =	vadd.f32 v50, v49;
	v54 =	vor.u32 s16, v0;
	[tilespmem:s4+$0x10E10] =	vst.msk vm1, v48  }
0x117: {  	s15 =	spop (v2sf);
	v55 =	vadd.f32 v53, v52;
	v30 =	vmul.f32 v63, v9;
	[tilespmem:s14+$0x10F50] =	vst.msk vm2, v48;
	v26 =	vadd.f32 v46, v26  }
0x118: {  	s17 =	spop (v2sf);
	v59 =	vadd.f32 v43, v20;
	[tilespmem:s15+$0x11090] =	vst.msk vm3, v48;
	v51 =	vmul.f32 v27, v15;
	v56 =	vmul.f32 v27, v16  }
0x119: {  	s19 =	spop (v2sf);
	v28 =	vadd.f32 v28, v30;
	[tilespmem:s17+$0x10CD0] =	vst.msk vm4, v54;
	v27 =	vmul.f32 v27, v17;
	v26 =	vsub.f32 v47, v26  }
0x11a: {  	p6 =	sgt.u32 s1, $0x3FB;
	p0 =	slt.s32 s0, $0x40;
	s17 =	spop (v2sf);
	[tilespmem:s19+$0x10E10] =	vst.msk vm5, v54;
	v31 =	vadd.f32 v51, v33;
	v58 =	vadd.f32 v56, v55  }
0x11b: {  	p1 =	slt.s32 s4, $0x40;
	s16 =	spop (v2sf);
	s19 =	sadd.s32 $0x20, s31;
	[tilespmem:s17+$0x10F50] =	vst.msk vm6, v54;
	vm15 =	vlt.f32 v26, v1;
	v26 =	vadd.f32 v27, v28;
	v27 =	vadd.f32 v43, v21  }
0x11c: {  	p0 =	por p0, p1;
	p4 =	slt.s32 s14, $0x40;
	s18 =	spop (v2sf);
	v60 =	vor.u32 s19, v0;
	[tilespmem:s16+$0x11090] =	vst.msk vm7, v54;
	v31 =	vsub.f32 v57, v31;
	v30 =	vsub.f32 v59, v58  }
0x11d: {  	p0 =	por p0, p4;
	p5 =	slt.s32 s15, $0x40;
	s16 =	spop (v2sf);
	[tilespmem:s18+$0x10CD0] =	vst.msk vm8, v60;
	v26 =	vsub.f32 v27, v26  }
0x11e: {  	p0 =	por p0, p5;
	s19 =	sadd.s32 $0x30, s31;
	s17 =	spop (v2sf);
	[tilespmem:s16+$0x10E10] =	vst.msk vm9, v60;
	vm8 =	vlt.f32 v31, v1;
	vm9 =	vlt.f32 v30, v1;
	v61 =	vmpcnt.ones.xlane vm15  }
0x11f: {  	p0 =	por p6, !p0;
	s18 =	spop (v2sf);
	[tilespmem:s17+$0x10F50] =	vst.msk vm11, v60;
	v62 =	vmpcnt.ones.xlane vm8;
	v27 =	vor.u32 s19, v0;
	vm11 =	vlt.f32 v26, v1  }
.Ltmp5:
0x120: {  	[tilespmem:s18+$0x11090] =	vst.msk vm10, v60;
	v25 =	vadd.s32 v25, v61;
	s4 =	spop (v2sf);
	v26 =	vmpcnt.ones.xlane vm9;
	v63 =	vmpcnt.ones.xlane vm11;
	(pc) =	sbr.rel @!p0 .LBB2_7-.Ltmp5, $4  }
0x121: {  	v24 =	vadd.s32 v24, v62;
	vm12 =	vlt.s32 v25, $0x40;
	[tilespmem:s4+$0x10CD0] =	vst.msk vm15, v27;
	s16 =	spop (v2sf)  }
0x122: {  	s29 =	sadd.s32 $0x40, s29;
	s28 =	sadd.s32 $0x40, s28;
	vm13 =	vlt.s32 v24, $0x40;
	v23 =	vadd.s32 v23, v26;
	v22 =	vadd.s32 v22, v63;
	[tilespmem:s16+$0x10E10] =	vst.msk vm8, v27;
	s17 =	spop (v2sf)  }
0x123: {  	s26 =	sadd.s32 $0x40, s26;
	s19 =	sadd.s32 $0x4, s1;
	v25 =	vnsel vm12, $0x40, v25;
	vm14 =	vlt.s32 v23, $0x40;
	vm15 =	vlt.s32 v22, $0x40;
	s18 =	spop (v2sf);
	[tilespmem:s17+$0x10F50] =	vst.msk vm9, v27  }
0x124: {  	s30 =	sadd.s32 $0x40, s30;
	s31 =	sadd.s32 $0x40, s31;
	s1 =	smov.u32 s19;
	v24 =	vnsel vm13, $0x40, v24;
	v23 =	vnsel vm14, $0x40, v23;
	v22 =	vnsel vm15, $0x40, v22;
	[tilespmem:s18+$0x11090] =	vst.msk vm11, v27  }
0x125: {  	v22 =	vimm.s32 $0x0  }
0x126: {  	[tilespmem:$0x10D20] =	vst v22  }
0x127: {  	[tilespmem:$0x10D30] =	vst v22  }
0x128: {  	[tilespmem:$0x10D40] =	vst v22  }
0x129: {  	[tilespmem:$0x10D50] =	vst v22  }
0x12a: {  	[tilespmem:$0x10E60] =	vst v22  }
0x12b: {  	[tilespmem:$0x10E70] =	vst v22  }
0x12c: {  	[tilespmem:$0x10E80] =	vst v22  }
0x12d: {  	v6 =	vbroadcast v3, $0x2;
	v7 =	vbroadcast v3, $0x6;
	[tilespmem:$0x10E90] =	vst v22  }
0x12e: {  	v8 =	vbroadcast v3, $0xA;
	v9 =	vbroadcast v3, $0xE;
	[tilespmem:$0x10FA0] =	vst v22  }
0x12f: {  	v10 =	vbroadcast v2, $0x2;
	v11 =	vbroadcast v2, $0x6;
	[tilespmem:$0x10FB0] =	vst v22  }
0x130: {  	v12 =	vbroadcast v2, $0xA;
	v13 =	vbroadcast v2, $0xE;
	[tilespmem:$0x10FC0] =	vst v22  }
0x131: {  	v14 =	vbroadcast v4, $0x2;
	v15 =	vbroadcast v4, $0x6;
	[tilespmem:$0x10FD0] =	vst v22  }
0x132: {  	v16 =	vbroadcast v4, $0xA;
	v17 =	vbroadcast v4, $0xE;
	[tilespmem:$0x110E0] =	vst v22  }
0x133: {  	v18 =	vbroadcast v5, $0x2;
	v19 =	vbroadcast v5, $0x6;
	[tilespmem:$0x110F0] =	vst v22  }
0x134: {  	v20 =	vbroadcast v5, $0xA;
	v21 =	vbroadcast v5, $0xE;
	s1 =	simm.s32 $0x0;
	s26 =	simm.s32 $0xC020;
	s28 =	simm.s32 $0x20;
	[tilespmem:$0x11100] =	vst v22  }
0x135: {  	s29 =	simm.s32 $0x4020;
	s30 =	simm.s32 $0x8020;
	s31 =	simm.s32 $0x0;
	v23 =	vimm.s32 $0x0;
	v24 =	vimm.s32 $0x0;
	v25 =	vimm.s32 $0x0;
	[tilespmem:$0x11110] =	vst v22  }
.LBB2_9:
0x136: {  	v26 =	vld [tilespmem:s28+$0xFFFFFFE0]  }
0x137: {  	v27 =	vld [tilespmem:s29+$0xFFFFFFE0]  }
0x138: {  	v28 =	vld [tilespmem:s30+$0xFFFFFFE0]  }
0x139: {  	v29 =	vld [tilespmem:s26+$0xFFFFFFE0]  }
0x13a: {  	(v2sf) =	vpush v25, $0x0  }
0x13b: {  	(v2sf) =	vpush v24, $0x0  }
0x13c: {  	v34 =	vld [tilespmem:s28+$0xFFFFFFF0];
	(v2sf) =	vpush v23, $0x0  }
0x13d: {  	v35 =	vld [tilespmem:s29+$0xFFFFFFF0];
	(v2sf) =	vpush v22, $0x0;
	v30 =	vmul.f32 v26, v6;
	v31 =	vmul.f32 v27, v10  }
0x13e: {  	v52 =	vld [tilespmem:s30+$0xFFFFFFF0];
	v43 =	vmul.f32 v28, v14;
	v44 =	vadd.f32 v29, v18;
	v45 =	vmul.f32 v26, v7  }
0x13f: {  	v56 =	vld [tilespmem:s26+$0xFFFFFFF0];
	v32 =	vmul.f32 v27, v11;
	v46 =	vmul.f32 v28, v15;
	v30 =	vadd.f32 v31, v30  }
0x140: {  	v48 =	vadd.f32 v29, v19;
	v49 =	vmul.f32 v26, v8;
	v33 =	vmul.f32 v27, v12  }
0x141: {  	v51 =	vmul.f32 v28, v16;
	v26 =	vmul.f32 v26, v9;
	v30 =	vadd.f32 v43, v30  }
0x142: {  	v27 =	vmul.f32 v27, v13;
	v54 =	vadd.f32 v29, v20;
	v57 =	vmul.f32 v34, v6  }
0x143: {  	v36 =	vmul.f32 v35, v10;
	v59 =	vmul.f32 v52, v14;
	v30 =	vsub.f32 v44, v30  }
0x144: {  	v60 =	vadd.f32 v56, v18;
	v61 =	vmul.f32 v35, v11;
	v31 =	vadd.f32 v32, v45  }
0x145: {  	v62 =	vmul.f32 v52, v15;
	v37 =	vmul.f32 v35, v12;
	vm0 =	vlt.f32 v30, v1  }
0x146: {  	v38 =	vmul.f32 v52, v16;
	v47 =	vadd.f32 v46, v31;
	v30 =	vmpcnt.ones.xlane vm0  }
0x147: {  	v63 =	vadd.f32 v56, v19;
	v40 =	vmul.f32 v34, v9;
	v41 =	vmul.f32 v35, v13  }
0x148: {  	v42 =	vld [tilespmem:s29+$0x0];
	v50 =	vadd.f32 v33, v49;
	v25 =	vadd.s32 v25, v30;
	v30 =	vsub.f32 v48, v47  }
0x149: {  	v26 =	vadd.f32 v27, v26;
	v27 =	vmul.f32 v28, v17;
	vm1 =	vlt.s32 v25, $0x40  }
0x14a: {  	v58 =	vadd.f32 v36, v57;
	v25 =	vnsel vm1, $0x40, v25;
	vm1 =	vlt.f32 v30, v1  }
0x14b: {  	v28 =	vadd.f32 v56, v21;
	v53 =	vadd.f32 v51, v50;
	v55 =	vmpcnt.ones.xlane vm1  }
0x14c: {  	v39 =	vld [tilespmem:s28+$0x0];
	v36 =	vmul.f32 v34, v8;
	v26 =	vadd.f32 v27, v26;
	v27 =	vadd.f32 v29, v21  }
0x14d: {  	v57 =	vmul.f32 v42, v13;
	v30 =	vsub.f32 v54, v53;
	v24 =	vadd.s32 v24, v55  }
0x14e: {  	v45 =	vld [tilespmem:s30+$0x0];
	v29 =	vadd.f32 v59, v58;
	v26 =	vsub.f32 v27, v26;
	vm2 =	vlt.s32 v24, $0x40  }
0x14f: {  	v31 =	vadd.f32 v41, v40;
	v24 =	vnsel vm2, $0x40, v24;
	vm2 =	vlt.f32 v30, v1  }
0x150: {  	vm3 =	vlt.f32 v26, v1;
	v26 =	vmul.f32 v34, v7;
	v27 =	vmpcnt.ones.xlane vm2  }
0x151: {  	v51 =	vmul.f32 v39, v7;
	v29 =	vsub.f32 v60, v29;
	v44 =	vmul.f32 v52, v17  }
0x152: {  	v52 =	vmul.f32 v42, v11;
	v26 =	vadd.f32 v61, v26;
	v23 =	vadd.s32 v23, v27  }
0x153: {  	v46 =	vld [tilespmem:s26+$0x0];
	v49 =	vmul.f32 v45, v14;
	v27 =	vmpcnt.ones.xlane vm3;
	vm4 =	vlt.s32 v23, $0x40  }
0x154: {  	v26 =	vadd.f32 v62, v26;
	v23 =	vnsel vm4, $0x40, v23;
	vm4 =	vlt.f32 v29, v1  }
0x155: {  	v59 =	vmul.f32 v45, v16;
	v22 =	vadd.s32 v22, v27;
	v27 =	vmpcnt.ones.xlane vm4  }
0x156: {  	v60 =	vmul.f32 v45, v17;
	(v2sf) =	vpush v25, $0x0;
	v26 =	vsub.f32 v63, v26  }
0x157: {  	vm5 =	vlt.s32 v22, $0x40;
	v25 =	vadd.s32 v25, v27;
	v27 =	vadd.f32 v37, v36  }
0x158: {  	v50 =	vadd.f32 v46, v18;
	v47 =	vmul.f32 v42, v10;
	v22 =	vnsel vm5, $0x40, v22  }
0x159: {  	vm5 =	vlt.f32 v26, v1;
	v26 =	vadd.f32 v38, v27;
	v27 =	vadd.f32 v56, v20  }
0x15a: {  	v62 =	vadd.f32 v46, v20;
	v53 =	vadd.f32 v52, v51;
	v43 =	vmpcnt.ones.xlane vm5  }
0x15b: {  	vm6 =	vlt.s32 v25, $0x40;
	v26 =	vsub.f32 v27, v26;
	v27 =	vadd.f32 v44, v31  }
0x15c: {  	(v2sf) =	vpush v24, $0x0;
	v25 =	vnsel vm6, $0x40, v25;
	v24 =	vadd.s32 v24, v43  }
0x15d: {  	vm6 =	vlt.f32 v26, v1;
	v26 =	vmul.f32 v39, v6;
	v27 =	vsub.f32 v28, v27  }
0x15e: {  	v54 =	vmul.f32 v45, v15;
	v30 =	vmul.f32 v39, v9;
	vm7 =	vlt.s32 v24, $0x40  }
0x15f: {  	v24 =	vnsel vm7, $0x40, v24;
	v26 =	vadd.f32 v47, v26;
	vm7 =	vlt.f32 v27, v1  }
0x160: {  	v55 =	vmul.f32 v42, v12;
	v30 =	vadd.f32 v57, v30;
	v27 =	vmpcnt.ones.xlane vm7  }
0x161: {  	v41 =	vld [tilespmem:s29+$0x10];
	(v2sf) =	vpush v23, $0x0;
	v48 =	vmpcnt.ones.xlane vm6;
	v26 =	vadd.f32 v49, v26  }
0x162: {  	v63 =	vld [tilespmem:s28+$0x10];
	(v2sf) =	vpush v22, $0x0;
	v56 =	vadd.f32 v46, v19;
	v27 =	vadd.s32 v22, v27  }
0x163: {  	v23 =	vadd.s32 v23, v48;
	v26 =	vsub.f32 v50, v26;
	vm14 =	vlt.s32 v27, $0x40  }
0x164: {  	vm8 =	vlt.s32 v23, $0x40;
	v22 =	vnsel vm14, $0x40, v27;
	v27 =	vmul.f32 v39, v8  }
0x165: {  	v43 =	vld [tilespmem:s26+$0x10];
	v23 =	vnsel vm8, $0x40, v23;
	vm8 =	vlt.f32 v26, v1;
	v26 =	vadd.f32 v54, v53  }
0x166: {  	v45 =	vmul.f32 v41, v10;
	v29 =	vadd.f32 v46, v21;
	v27 =	vadd.f32 v55, v27  }
0x167: {  	v52 =	vmul.f32 v63, v8;
	(v2sf) =	vpush v25, $0x0;
	v26 =	vsub.f32 v56, v26  }
0x168: {  	v44 =	vmul.f32 v63, v6;
	(v2sf) =	vpush v24, $0x0;
	v27 =	vadd.f32 v59, v27  }
0x169: {  	v58 =	vmpcnt.ones.xlane vm8;
	vm9 =	vlt.f32 v26, v1;
	v26 =	vadd.f32 v60, v30  }
0x16a: {  	v28 =	vmul.f32 v41, v13;
	v57 =	vadd.f32 v43, v19;
	v27 =	vsub.f32 v62, v27  }
0x16b: {  	(v2sf) =	vpush v23, $0x0;
	v61 =	vadd.s32 v25, v58;
	v26 =	vsub.f32 v29, v26  }
0x16c: {  	vm10 =	vlt.s32 v61, $0x40;
	v40 =	vmpcnt.ones.xlane vm9;
	vm11 =	vlt.f32 v27, v1  }
0x16d: {  	v25 =	vnsel vm10, $0x40, v61;
	v42 =	vmpcnt.ones.xlane vm11;
	vm10 =	vlt.f32 v26, v1  }
0x16e: {  	(v2sf) =	vpush v22, $0x0;
	v24 =	vadd.s32 v24, v40;
	v26 =	vmpcnt.ones.xlane vm10  }
0x16f: {  	(v2sf) =	vpush v25, $0x0;
	v27 =	vld [tilespmem:s30+$0x10];
	vm12 =	vlt.s32 v24, $0x40;
	v23 =	vadd.s32 v23, v42  }
0x170: {  	v24 =	vnsel vm12, $0x40, v24;
	vm12 =	vlt.s32 v23, $0x40;
	v22 =	vadd.s32 v22, v26  }
0x171: {  	(v2sf) =	vpush v24, $0x0;
	v23 =	vnsel vm12, $0x40, v23;
	vm12 =	vlt.s32 v22, $0x40  }
0x172: {  	v48 =	vor.u32 s31, v0;
	v22 =	vnsel vm12, $0x40, v22;
	(v2sf) =	vpush v23, $0x0  }
0x173: {  	s0 =	spop (v2sf);
	v49 =	vmul.f32 v63, v7;
	v50 =	vmul.f32 v41, v11;
	(v2sf) =	vpush v22, $0x0  }
0x174: {  	s16 =	sadd.s32 $0x10, s31;
	s4 =	spop (v2sf);
	v53 =	vmul.f32 v41, v12;
	[tilespmem:s0+$0x10D20] =	vst.msk vm0, v48;
	v26 =	vadd.f32 v45, v44;
	v46 =	vmul.f32 v27, v14  }
0x175: {  	s14 =	spop (v2sf);
	v47 =	vadd.f32 v43, v18;
	v33 =	vadd.f32 v50, v49;
	v54 =	vor.u32 s16, v0;
	[tilespmem:s4+$0x10E60] =	vst.msk vm1, v48  }
0x176: {  	s15 =	spop (v2sf);
	v55 =	vadd.f32 v53, v52;
	v30 =	vmul.f32 v63, v9;
	[tilespmem:s14+$0x10FA0] =	vst.msk vm2, v48;
	v26 =	vadd.f32 v46, v26  }
0x177: {  	s17 =	spop (v2sf);
	v59 =	vadd.f32 v43, v20;
	[tilespmem:s15+$0x110E0] =	vst.msk vm3, v48;
	v51 =	vmul.f32 v27, v15;
	v56 =	vmul.f32 v27, v16  }
0x178: {  	s19 =	spop (v2sf);
	v28 =	vadd.f32 v28, v30;
	[tilespmem:s17+$0x10D20] =	vst.msk vm4, v54;
	v27 =	vmul.f32 v27, v17;
	v26 =	vsub.f32 v47, v26  }
0x179: {  	p6 =	sgt.u32 s1, $0x3FB;
	p0 =	slt.s32 s0, $0x40;
	s17 =	spop (v2sf);
	[tilespmem:s19+$0x10E60] =	vst.msk vm5, v54;
	v31 =	vadd.f32 v51, v33;
	v58 =	vadd.f32 v56, v55  }
0x17a: {  	p1 =	slt.s32 s4, $0x40;
	s16 =	spop (v2sf);
	s19 =	sadd.s32 $0x20, s31;
	[tilespmem:s17+$0x10FA0] =	vst.msk vm6, v54;
	vm15 =	vlt.f32 v26, v1;
	v26 =	vadd.f32 v27, v28;
	v27 =	vadd.f32 v43, v21  }
0x17b: {  	p0 =	por p0, p1;
	p4 =	slt.s32 s14, $0x40;
	s18 =	spop (v2sf);
	v60 =	vor.u32 s19, v0;
	[tilespmem:s16+$0x110E0] =	vst.msk vm7, v54;
	v31 =	vsub.f32 v57, v31;
	v30 =	vsub.f32 v59, v58  }
0x17c: {  	p0 =	por p0, p4;
	p5 =	slt.s32 s15, $0x40;
	s16 =	spop (v2sf);
	[tilespmem:s18+$0x10D20] =	vst.msk vm8, v60;
	v26 =	vsub.f32 v27, v26  }
0x17d: {  	p0 =	por p0, p5;
	s19 =	sadd.s32 $0x30, s31;
	s17 =	spop (v2sf);
	[tilespmem:s16+$0x10E60] =	vst.msk vm9, v60;
	vm8 =	vlt.f32 v31, v1;
	vm9 =	vlt.f32 v30, v1;
	v61 =	vmpcnt.ones.xlane vm15  }
0x17e: {  	p0 =	por p6, !p0;
	s18 =	spop (v2sf);
	[tilespmem:s17+$0x10FA0] =	vst.msk vm11, v60;
	v62 =	vmpcnt.ones.xlane vm8;
	v27 =	vor.u32 s19, v0;
	vm11 =	vlt.f32 v26, v1  }
.Ltmp6:
0x17f: {  	[tilespmem:s18+$0x110E0] =	vst.msk vm10, v60;
	v25 =	vadd.s32 v25, v61;
	s4 =	spop (v2sf);
	v26 =	vmpcnt.ones.xlane vm9;
	v63 =	vmpcnt.ones.xlane vm11;
	(pc) =	sbr.rel @!p0 .LBB2_9-.Ltmp6, $4  }
0x180: {  	v24 =	vadd.s32 v24, v62;
	vm12 =	vlt.s32 v25, $0x40;
	[tilespmem:s4+$0x10D20] =	vst.msk vm15, v27;
	s16 =	spop (v2sf)  }
0x181: {  	s29 =	sadd.s32 $0x40, s29;
	s28 =	sadd.s32 $0x40, s28;
	vm13 =	vlt.s32 v24, $0x40;
	v23 =	vadd.s32 v23, v26;
	v22 =	vadd.s32 v22, v63;
	[tilespmem:s16+$0x10E60] =	vst.msk vm8, v27;
	s17 =	spop (v2sf)  }
0x182: {  	s26 =	sadd.s32 $0x40, s26;
	s19 =	sadd.s32 $0x4, s1;
	v25 =	vnsel vm12, $0x40, v25;
	vm14 =	vlt.s32 v23, $0x40;
	vm15 =	vlt.s32 v22, $0x40;
	s18 =	spop (v2sf);
	[tilespmem:s17+$0x10FA0] =	vst.msk vm9, v27  }
0x183: {  	s30 =	sadd.s32 $0x40, s30;
	s31 =	sadd.s32 $0x40, s31;
	s1 =	smov.u32 s19;
	v24 =	vnsel vm13, $0x40, v24;
	v23 =	vnsel vm14, $0x40, v23;
	v22 =	vnsel vm15, $0x40, v22;
	[tilespmem:s18+$0x110E0] =	vst.msk vm11, v27  }
0x184: {  	v18 =	vimm.s32 $0x0  }
0x185: {  	[tilespmem:$0x10D70] =	vst v18  }
0x186: {  	[tilespmem:$0x10D80] =	vst v18  }
0x187: {  	[tilespmem:$0x10D90] =	vst v18  }
0x188: {  	[tilespmem:$0x10DA0] =	vst v18  }
0x189: {  	[tilespmem:$0x10EB0] =	vst v18  }
0x18a: {  	[tilespmem:$0x10EC0] =	vst v18  }
0x18b: {  	[tilespmem:$0x10ED0] =	vst v18  }
0x18c: {  	v6 =	vbroadcast v3, $0x3;
	v7 =	vbroadcast v3, $0x7;
	[tilespmem:$0x10EE0] =	vst v18  }
0x18d: {  	v8 =	vbroadcast v3, $0xB;
	v3 =	vbroadcast v3, $0xF;
	[tilespmem:$0x10FF0] =	vst v18  }
0x18e: {  	v9 =	vbroadcast v2, $0x3;
	v10 =	vbroadcast v2, $0x7;
	[tilespmem:$0x11000] =	vst v18  }
0x18f: {  	v11 =	vbroadcast v2, $0xB;
	v2 =	vbroadcast v2, $0xF;
	[tilespmem:$0x11010] =	vst v18  }
0x190: {  	v12 =	vbroadcast v4, $0x3;
	v13 =	vbroadcast v4, $0x7;
	[tilespmem:$0x11020] =	vst v18  }
0x191: {  	v14 =	vbroadcast v4, $0xB;
	v4 =	vbroadcast v4, $0xF;
	[tilespmem:$0x11130] =	vst v18  }
0x192: {  	v15 =	vbroadcast v5, $0x3;
	v16 =	vbroadcast v5, $0x7;
	[tilespmem:$0x11140] =	vst v18  }
0x193: {  	v17 =	vbroadcast v5, $0xB;
	v5 =	vbroadcast v5, $0xF;
	s1 =	simm.s32 $0x0;
	s26 =	simm.s32 $0xC020;
	s28 =	simm.s32 $0x20;
	[tilespmem:$0x11150] =	vst v18  }
0x194: {  	s29 =	simm.s32 $0x4020;
	s30 =	simm.s32 $0x8020;
	s31 =	simm.s32 $0x0;
	v19 =	vimm.s32 $0x0;
	v20 =	vimm.s32 $0x0;
	v21 =	vimm.s32 $0x0;
	[tilespmem:$0x11160] =	vst v18  }
.LBB2_11:
0x195: {  	v22 =	vld [tilespmem:s28+$0xFFFFFFE0]  }
0x196: {  	v23 =	vld [tilespmem:s29+$0xFFFFFFE0]  }
0x197: {  	v24 =	vld [tilespmem:s30+$0xFFFFFFE0]  }
0x198: {  	v25 =	vld [tilespmem:s26+$0xFFFFFFE0]  }
0x199: {  	(v2sf) =	vpush v21, $0x0  }
0x19a: {  	(v2sf) =	vpush v20, $0x0  }
0x19b: {  	v30 =	vld [tilespmem:s28+$0xFFFFFFF0];
	(v2sf) =	vpush v19, $0x0  }
0x19c: {  	v31 =	vld [tilespmem:s29+$0xFFFFFFF0];
	(v2sf) =	vpush v18, $0x0;
	v26 =	vmul.f32 v22, v6;
	v27 =	vmul.f32 v23, v9  }
0x19d: {  	v59 =	vld [tilespmem:s30+$0xFFFFFFF0];
	v50 =	vmul.f32 v24, v12;
	v51 =	vadd.f32 v25, v15;
	v52 =	vmul.f32 v22, v7  }
0x19e: {  	v63 =	vld [tilespmem:s26+$0xFFFFFFF0];
	v28 =	vmul.f32 v23, v10;
	v53 =	vmul.f32 v24, v13;
	v26 =	vadd.f32 v27, v26  }
0x19f: {  	v55 =	vadd.f32 v25, v16;
	v56 =	vmul.f32 v22, v8;
	v29 =	vmul.f32 v23, v11  }
0x1a0: {  	v58 =	vmul.f32 v24, v14;
	v22 =	vmul.f32 v22, v3;
	v26 =	vadd.f32 v50, v26  }
0x1a1: {  	v23 =	vmul.f32 v23, v2;
	v61 =	vadd.f32 v25, v17;
	v36 =	vmul.f32 v30, v6  }
0x1a2: {  	v32 =	vmul.f32 v31, v9;
	v38 =	vmul.f32 v59, v12;
	v26 =	vsub.f32 v51, v26  }
0x1a3: {  	v39 =	vadd.f32 v63, v15;
	v40 =	vmul.f32 v31, v10;
	v27 =	vadd.f32 v28, v52  }
0x1a4: {  	v41 =	vmul.f32 v59, v13;
	v43 =	vmul.f32 v30, v8;
	vm0 =	vlt.f32 v26, v1  }
0x1a5: {  	v44 =	vmul.f32 v31, v11;
	v54 =	vadd.f32 v53, v27;
	v26 =	vmpcnt.ones.xlane vm0  }
0x1a6: {  	v49 =	vld [tilespmem:s29+$0x0];
	v42 =	vadd.f32 v63, v16;
	v45 =	vmul.f32 v59, v14;
	v47 =	vmul.f32 v30, v3  }
0x1a7: {  	v48 =	vmul.f32 v31, v2;
	v21 =	vadd.s32 v21, v26;
	v26 =	vsub.f32 v55, v54  }
0x1a8: {  	v57 =	vadd.f32 v29, v56;
	v22 =	vadd.f32 v23, v22;
	vm1 =	vlt.s32 v21, $0x40  }
0x1a9: {  	v23 =	vmul.f32 v24, v4;
	v21 =	vnsel vm1, $0x40, v21;
	vm1 =	vlt.f32 v26, v1  }
0x1aa: {  	v37 =	vadd.f32 v32, v36;
	v60 =	vadd.f32 v58, v57;
	v62 =	vmpcnt.ones.xlane vm1  }
0x1ab: {  	v46 =	vld [tilespmem:s28+$0x0];
	v33 =	vmul.f32 v49, v2;
	v22 =	vadd.f32 v23, v22;
	v23 =	vadd.f32 v25, v5  }
0x1ac: {  	v24 =	vadd.f32 v63, v5;
	v26 =	vsub.f32 v61, v60;
	v20 =	vadd.s32 v20, v62  }
0x1ad: {  	v25 =	vadd.f32 v38, v37;
	v22 =	vsub.f32 v23, v22;
	vm2 =	vlt.s32 v20, $0x40  }
0x1ae: {  	v27 =	vadd.f32 v48, v47;
	v20 =	vnsel vm2, $0x40, v20;
	vm2 =	vlt.f32 v26, v1  }
0x1af: {  	v52 =	vld [tilespmem:s30+$0x0];
	vm3 =	vlt.f32 v22, v1;
	v22 =	vmul.f32 v30, v7;
	v23 =	vmpcnt.ones.xlane vm2  }
0x1b0: {  	v58 =	vmul.f32 v46, v7;
	v48 =	vor.u32 s31, v0;
	v25 =	vsub.f32 v39, v25  }
0x1b1: {  	v51 =	vmul.f32 v59, v4;
	v22 =	vadd.f32 v40, v22;
	v19 =	vadd.s32 v19, v23  }
0x1b2: {  	v53 =	vld [tilespmem:s26+$0x0];
	v59 =	vmul.f32 v49, v10;
	v23 =	vmpcnt.ones.xlane vm3;
	vm4 =	vlt.s32 v19, $0x40  }
0x1b3: {  	v22 =	vadd.f32 v41, v22;
	v19 =	vnsel vm4, $0x40, v19;
	vm4 =	vlt.f32 v25, v1  }
0x1b4: {  	v56 =	vmul.f32 v52, v12;
	v18 =	vadd.s32 v18, v23;
	v23 =	vmpcnt.ones.xlane vm4  }
0x1b5: {  	v35 =	vmul.f32 v52, v14;
	(v2sf) =	vpush v21, $0x0;
	v22 =	vsub.f32 v42, v22  }
0x1b6: {  	vm5 =	vlt.s32 v18, $0x40;
	v21 =	vadd.s32 v21, v23;
	v23 =	vadd.f32 v44, v43  }
0x1b7: {  	v36 =	vmul.f32 v52, v4;
	v57 =	vadd.f32 v53, v15;
	v18 =	vnsel vm5, $0x40, v18  }
0x1b8: {  	vm5 =	vlt.f32 v22, v1;
	v22 =	vadd.f32 v45, v23;
	v23 =	vadd.f32 v63, v17  }
0x1b9: {  	v38 =	vadd.f32 v53, v17;
	v54 =	vmul.f32 v49, v9;
	v50 =	vmpcnt.ones.xlane vm5  }
0x1ba: {  	vm6 =	vlt.s32 v21, $0x40;
	v22 =	vsub.f32 v23, v22;
	v23 =	vadd.f32 v51, v27  }
0x1bb: {  	(v2sf) =	vpush v20, $0x0;
	v21 =	vnsel vm6, $0x40, v21;
	v20 =	vadd.s32 v20, v50  }
0x1bc: {  	vm6 =	vlt.f32 v22, v1;
	v22 =	vmul.f32 v46, v6;
	v23 =	vsub.f32 v24, v23  }
0x1bd: {  	v61 =	vmul.f32 v52, v13;
	v62 =	vmul.f32 v49, v11;
	vm7 =	vlt.s32 v20, $0x40  }
0x1be: {  	v20 =	vnsel vm7, $0x40, v20;
	v22 =	vadd.f32 v54, v22;
	vm7 =	vlt.f32 v23, v1  }
0x1bf: {  	v60 =	vadd.f32 v59, v58;
	v26 =	vmul.f32 v46, v3;
	v23 =	vmpcnt.ones.xlane vm7  }
0x1c0: {  	v39 =	vld [tilespmem:s28+$0x10];
	(v2sf) =	vpush v19, $0x0;
	v55 =	vmpcnt.ones.xlane vm6;
	v22 =	vadd.f32 v56, v22  }
0x1c1: {  	(v2sf) =	vpush v18, $0x0;
	v63 =	vadd.f32 v53, v16;
	v23 =	vadd.s32 v18, v23  }
0x1c2: {  	v19 =	vadd.s32 v19, v55;
	v22 =	vsub.f32 v57, v22;
	vm14 =	vlt.s32 v23, $0x40  }
0x1c3: {  	vm8 =	vlt.s32 v19, $0x40;
	v18 =	vnsel vm14, $0x40, v23;
	v23 =	vmul.f32 v46, v8  }
0x1c4: {  	v41 =	vld [tilespmem:s29+$0x10];
	v19 =	vnsel vm8, $0x40, v19;
	vm8 =	vlt.f32 v22, v1;
	v22 =	vadd.f32 v61, v60  }
0x1c5: {  	v52 =	vmul.f32 v39, v8;
	v26 =	vadd.f32 v33, v26;
	v23 =	vadd.f32 v62, v23  }
0x1c6: {  	v49 =	vmul.f32 v39, v7;
	v25 =	vadd.f32 v53, v5;
	v22 =	vsub.f32 v63, v22  }
0x1c7: {  	v44 =	vmul.f32 v39, v6;
	(v2sf) =	vpush v21, $0x0;
	v23 =	vadd.f32 v35, v23  }
0x1c8: {  	v34 =	vmpcnt.ones.xlane vm8;
	vm9 =	vlt.f32 v22, v1;
	v22 =	vadd.f32 v36, v26  }
0x1c9: {  	v50 =	vmul.f32 v41, v10;
	(v2sf) =	vpush v20, $0x0;
	v23 =	vsub.f32 v38, v23  }
0x1ca: {  	(v2sf) =	vpush v19, $0x0;
	v37 =	vadd.s32 v21, v34;
	v22 =	vsub.f32 v25, v22  }
0x1cb: {  	vm10 =	vlt.s32 v37, $0x40;
	v40 =	vmpcnt.ones.xlane vm9;
	vm11 =	vlt.f32 v23, v1  }
0x1cc: {  	v21 =	vnsel vm10, $0x40, v37;
	v42 =	vmpcnt.ones.xlane vm11;
	vm10 =	vlt.f32 v22, v1  }
0x1cd: {  	v43 =	vld [tilespmem:s26+$0x10];
	(v2sf) =	vpush v18, $0x0;
	v20 =	vadd.s32 v20, v40;
	v22 =	vmpcnt.ones.xlane vm10  }
0x1ce: {  	(v2sf) =	vpush v21, $0x0;
	v23 =	vld [tilespmem:s30+$0x10];
	vm12 =	vlt.s32 v20, $0x40;
	v19 =	vadd.s32 v19, v42  }
0x1cf: {  	v20 =	vnsel vm12, $0x40, v20;
	vm12 =	vlt.s32 v19, $0x40;
	v18 =	vadd.s32 v18, v22  }
0x1d0: {  	(v2sf) =	vpush v20, $0x0;
	v19 =	vnsel vm12, $0x40, v19;
	vm12 =	vlt.s32 v18, $0x40  }
0x1d1: {  	v45 =	vmul.f32 v41, v9;
	v18 =	vnsel vm12, $0x40, v18;
	(v2sf) =	vpush v19, $0x0  }
0x1d2: {  	s0 =	spop (v2sf);
	v53 =	vmul.f32 v41, v11;
	v29 =	vadd.f32 v50, v49;
	(v2sf) =	vpush v18, $0x0  }
0x1d3: {  	s16 =	sadd.s32 $0x10, s31;
	s4 =	spop (v2sf);
	v47 =	vadd.f32 v43, v15;
	[tilespmem:s0+$0x10D70] =	vst.msk vm0, v48;
	v22 =	vadd.f32 v45, v44;
	v46 =	vmul.f32 v23, v12  }
0x1d4: {  	s14 =	spop (v2sf);
	v59 =	vadd.f32 v43, v17;
	v24 =	vmul.f32 v41, v2;
	v54 =	vor.u32 s16, v0;
	[tilespmem:s4+$0x10EB0] =	vst.msk vm1, v48  }
0x1d5: {  	s15 =	spop (v2sf);
	v55 =	vadd.f32 v53, v52;
	v26 =	vmul.f32 v39, v3;
	[tilespmem:s14+$0x10FF0] =	vst.msk vm2, v48;
	v22 =	vadd.f32 v46, v22  }
0x1d6: {  	s17 =	spop (v2sf);
	v57 =	vadd.f32 v43, v16;
	[tilespmem:s15+$0x11130] =	vst.msk vm3, v48;
	v51 =	vmul.f32 v23, v13;
	v56 =	vmul.f32 v23, v14  }
0x1d7: {  	s19 =	spop (v2sf);
	v24 =	vadd.f32 v24, v26;
	[tilespmem:s17+$0x10D70] =	vst.msk vm4, v54;
	v23 =	vmul.f32 v23, v4;
	v22 =	vsub.f32 v47, v22  }
0x1d8: {  	p6 =	sgt.u32 s1, $0x3FB;
	p0 =	slt.s32 s0, $0x40;
	s17 =	spop (v2sf);
	[tilespmem:s19+$0x10EB0] =	vst.msk vm5, v54;
	v27 =	vadd.f32 v51, v29;
	v58 =	vadd.f32 v56, v55  }
0x1d9: {  	p1 =	slt.s32 s4, $0x40;
	s16 =	spop (v2sf);
	s19 =	sadd.s32 $0x20, s31;
	[tilespmem:s17+$0x10FF0] =	vst.msk vm6, v54;
	vm15 =	vlt.f32 v22, v1;
	v22 =	vadd.f32 v23, v24;
	v23 =	vadd.f32 v43, v5  }
0x1da: {  	p0 =	por p0, p1;
	p4 =	slt.s32 s14, $0x40;
	s18 =	spop (v2sf);
	v60 =	vor.u32 s19, v0;
	[tilespmem:s16+$0x11130] =	vst.msk vm7, v54;
	v27 =	vsub.f32 v57, v27;
	v26 =	vsub.f32 v59, v58  }
0x1db: {  	p0 =	por p0, p4;
	p5 =	slt.s32 s15, $0x40;
	s16 =	spop (v2sf);
	[tilespmem:s18+$0x10D70] =	vst.msk vm8, v60;
	v22 =	vsub.f32 v23, v22  }
0x1dc: {  	p0 =	por p0, p5;
	s19 =	sadd.s32 $0x30, s31;
	s17 =	spop (v2sf);
	[tilespmem:s16+$0x10EB0] =	vst.msk vm9, v60;
	vm8 =	vlt.f32 v27, v1;
	vm9 =	vlt.f32 v26, v1;
	v61 =	vmpcnt.ones.xlane vm15  }
0x1dd: {  	p0 =	por p6, !p0;
	s18 =	spop (v2sf);
	[tilespmem:s17+$0x10FF0] =	vst.msk vm11, v60;
	v62 =	vmpcnt.ones.xlane vm8;
	v23 =	vor.u32 s19, v0;
	vm11 =	vlt.f32 v22, v1  }
.Ltmp7:
0x1de: {  	[tilespmem:s18+$0x11130] =	vst.msk vm10, v60;
	v21 =	vadd.s32 v21, v61;
	s4 =	spop (v2sf);
	v22 =	vmpcnt.ones.xlane vm9;
	v63 =	vmpcnt.ones.xlane vm11;
	(pc) =	sbr.rel @!p0 .LBB2_11-.Ltmp7, $4  }
0x1df: {  	v20 =	vadd.s32 v20, v62;
	vm12 =	vlt.s32 v21, $0x40;
	[tilespmem:s4+$0x10D70] =	vst.msk vm15, v23;
	s16 =	spop (v2sf)  }
0x1e0: {  	s28 =	sadd.s32 $0x40, s28;
	s29 =	sadd.s32 $0x40, s29;
	vm13 =	vlt.s32 v20, $0x40;
	v19 =	vadd.s32 v19, v22;
	v18 =	vadd.s32 v18, v63;
	[tilespmem:s16+$0x10EB0] =	vst.msk vm8, v23;
	s17 =	spop (v2sf)  }
0x1e1: {  	s26 =	sadd.s32 $0x40, s26;
	s19 =	sadd.s32 $0x4, s1;
	v21 =	vnsel vm12, $0x40, v21;
	vm14 =	vlt.s32 v19, $0x40;
	vm15 =	vlt.s32 v18, $0x40;
	s18 =	spop (v2sf);
	[tilespmem:s17+$0x10FF0] =	vst.msk vm9, v23  }
0x1e2: {  	s30 =	sadd.s32 $0x40, s30;
	s31 =	sadd.s32 $0x40, s31;
	s1 =	smov.u32 s19;
	v20 =	vnsel vm13, $0x40, v20;
	v19 =	vnsel vm14, $0x40, v19;
	v18 =	vnsel vm15, $0x40, v18;
	[tilespmem:s18+$0x11130] =	vst.msk vm11, v23  }
0x1e3: {  	v2 =	vld [tilespmem:$0x10C80];
	_ =	sdelay $0x2  }
0x1e4: {  	s0 =	sshll.u32 s24, $0xA  }
0x1e5: {  	s1 =	sand.u32 $0x400, s0  }
0x1e6: {  	[tilespmem:s1+$0x11180] =	vst v2  }
0x1e7: {  	v2 =	vld [tilespmem:$0x10C90];
	_ =	sdelay $0x4  }
0x1e8: {  	[tilespmem:s1+$0x11190] =	vst v2  }
0x1e9: {  	v2 =	vld [tilespmem:$0x10CA0];
	_ =	sdelay $0x4  }
0x1ea: {  	[tilespmem:s1+$0x111A0] =	vst v2  }
0x1eb: {  	v2 =	vld [tilespmem:$0x10CB0];
	_ =	sdelay $0x4  }
0x1ec: {  	[tilespmem:s1+$0x111B0] =	vst v2  }
0x1ed: {  	v2 =	vld [tilespmem:$0x10CD0];
	_ =	sdelay $0x4  }
0x1ee: {  	[tilespmem:s1+$0x111C0] =	vst v2  }
0x1ef: {  	v2 =	vld [tilespmem:$0x10CE0];
	_ =	sdelay $0x4  }
0x1f0: {  	[tilespmem:s1+$0x111D0] =	vst v2  }
0x1f1: {  	v2 =	vld [tilespmem:$0x10CF0];
	_ =	sdelay $0x4  }
0x1f2: {  	[tilespmem:s1+$0x111E0] =	vst v2  }
0x1f3: {  	v2 =	vld [tilespmem:$0x10D00];
	_ =	sdelay $0x4  }
0x1f4: {  	[tilespmem:s1+$0x111F0] =	vst v2  }
0x1f5: {  	v2 =	vld [tilespmem:$0x10D20];
	_ =	sdelay $0x4  }
0x1f6: {  	[tilespmem:s1+$0x11200] =	vst v2  }
0x1f7: {  	v2 =	vld [tilespmem:$0x10D30];
	_ =	sdelay $0x4  }
0x1f8: {  	[tilespmem:s1+$0x11210] =	vst v2  }
0x1f9: {  	v2 =	vld [tilespmem:$0x10D40];
	_ =	sdelay $0x4  }
0x1fa: {  	[tilespmem:s1+$0x11220] =	vst v2  }
0x1fb: {  	v2 =	vld [tilespmem:$0x10D50];
	_ =	sdelay $0x4  }
0x1fc: {  	[tilespmem:s1+$0x11230] =	vst v2  }
0x1fd: {  	v2 =	vld [tilespmem:$0x10D70];
	_ =	sdelay $0x4  }
0x1fe: {  	[tilespmem:s1+$0x11240] =	vst v2  }
0x1ff: {  	v2 =	vld [tilespmem:$0x10D80];
	_ =	sdelay $0x4  }
0x200: {  	[tilespmem:s1+$0x11250] =	vst v2  }
0x201: {  	v2 =	vld [tilespmem:$0x10D90];
	_ =	sdelay $0x4  }
0x202: {  	[tilespmem:s1+$0x11260] =	vst v2  }
0x203: {  	v2 =	vld [tilespmem:$0x10DA0];
	_ =	sdelay $0x4  }
0x204: {  	[tilespmem:s1+$0x11270] =	vst v2  }
0x205: {  	v2 =	vld [tilespmem:$0x10DC0];
	_ =	sdelay $0x4  }
0x206: {  	[tilespmem:s1+$0x11280] =	vst v2  }
0x207: {  	v2 =	vld [tilespmem:$0x10DD0];
	_ =	sdelay $0x4  }
0x208: {  	[tilespmem:s1+$0x11290] =	vst v2  }
0x209: {  	v2 =	vld [tilespmem:$0x10DE0];
	_ =	sdelay $0x4  }
0x20a: {  	[tilespmem:s1+$0x112A0] =	vst v2  }
0x20b: {  	v2 =	vld [tilespmem:$0x10DF0];
	_ =	sdelay $0x4  }
0x20c: {  	[tilespmem:s1+$0x112B0] =	vst v2  }
0x20d: {  	v2 =	vld [tilespmem:$0x10E10];
	_ =	sdelay $0x4  }
0x20e: {  	[tilespmem:s1+$0x112C0] =	vst v2  }
0x20f: {  	v2 =	vld [tilespmem:$0x10E20];
	_ =	sdelay $0x4  }
0x210: {  	[tilespmem:s1+$0x112D0] =	vst v2  }
0x211: {  	v2 =	vld [tilespmem:$0x10E30];
	_ =	sdelay $0x4  }
0x212: {  	[tilespmem:s1+$0x112E0] =	vst v2  }
0x213: {  	v2 =	vld [tilespmem:$0x10E40];
	_ =	sdelay $0x4  }
0x214: {  	[tilespmem:s1+$0x112F0] =	vst v2  }
0x215: {  	v2 =	vld [tilespmem:$0x10E60];
	_ =	sdelay $0x4  }
0x216: {  	[tilespmem:s1+$0x11300] =	vst v2  }
0x217: {  	v2 =	vld [tilespmem:$0x10E70];
	_ =	sdelay $0x4  }
0x218: {  	[tilespmem:s1+$0x11310] =	vst v2  }
0x219: {  	v2 =	vld [tilespmem:$0x10E80];
	_ =	sdelay $0x4  }
0x21a: {  	[tilespmem:s1+$0x11320] =	vst v2  }
0x21b: {  	v2 =	vld [tilespmem:$0x10E90];
	_ =	sdelay $0x4  }
0x21c: {  	[tilespmem:s1+$0x11330] =	vst v2  }
0x21d: {  	v2 =	vld [tilespmem:$0x10EB0];
	_ =	sdelay $0x4  }
0x21e: {  	[tilespmem:s1+$0x11340] =	vst v2  }
0x21f: {  	v2 =	vld [tilespmem:$0x10EC0];
	_ =	sdelay $0x4  }
0x220: {  	[tilespmem:s1+$0x11350] =	vst v2  }
0x221: {  	v2 =	vld [tilespmem:$0x10ED0];
	_ =	sdelay $0x4  }
0x222: {  	[tilespmem:s1+$0x11360] =	vst v2  }
0x223: {  	v2 =	vld [tilespmem:$0x10EE0];
	_ =	sdelay $0x4  }
0x224: {  	[tilespmem:s1+$0x11370] =	vst v2  }
0x225: {  	v2 =	vld [tilespmem:$0x10F00];
	_ =	sdelay $0x4  }
0x226: {  	[tilespmem:s1+$0x11380] =	vst v2  }
0x227: {  	v2 =	vld [tilespmem:$0x10F10];
	_ =	sdelay $0x4  }
0x228: {  	[tilespmem:s1+$0x11390] =	vst v2  }
0x229: {  	v2 =	vld [tilespmem:$0x10F20];
	_ =	sdelay $0x4  }
0x22a: {  	[tilespmem:s1+$0x113A0] =	vst v2  }
0x22b: {  	v2 =	vld [tilespmem:$0x10F30];
	_ =	sdelay $0x4  }
0x22c: {  	[tilespmem:s1+$0x113B0] =	vst v2  }
0x22d: {  	v2 =	vld [tilespmem:$0x10F50];
	_ =	sdelay $0x4  }
0x22e: {  	[tilespmem:s1+$0x113C0] =	vst v2  }
0x22f: {  	v2 =	vld [tilespmem:$0x10F60];
	_ =	sdelay $0x4  }
0x230: {  	[tilespmem:s1+$0x113D0] =	vst v2  }
0x231: {  	v2 =	vld [tilespmem:$0x10F70];
	_ =	sdelay $0x4  }
0x232: {  	[tilespmem:s1+$0x113E0] =	vst v2  }
0x233: {  	v2 =	vld [tilespmem:$0x10F80];
	_ =	sdelay $0x4  }
0x234: {  	[tilespmem:s1+$0x113F0] =	vst v2  }
0x235: {  	v2 =	vld [tilespmem:$0x10FA0];
	_ =	sdelay $0x4  }
0x236: {  	[tilespmem:s1+$0x11400] =	vst v2  }
0x237: {  	v2 =	vld [tilespmem:$0x10FB0];
	_ =	sdelay $0x4  }
0x238: {  	[tilespmem:s1+$0x11410] =	vst v2  }
0x239: {  	v2 =	vld [tilespmem:$0x10FC0];
	_ =	sdelay $0x4  }
0x23a: {  	[tilespmem:s1+$0x11420] =	vst v2  }
0x23b: {  	v2 =	vld [tilespmem:$0x10FD0];
	_ =	sdelay $0x4  }
0x23c: {  	[tilespmem:s1+$0x11430] =	vst v2  }
0x23d: {  	v2 =	vld [tilespmem:$0x10FF0];
	_ =	sdelay $0x4  }
0x23e: {  	[tilespmem:s1+$0x11440] =	vst v2  }
0x23f: {  	v2 =	vld [tilespmem:$0x11000];
	_ =	sdelay $0x4  }
0x240: {  	[tilespmem:s1+$0x11450] =	vst v2  }
0x241: {  	v2 =	vld [tilespmem:$0x11010];
	_ =	sdelay $0x4  }
0x242: {  	[tilespmem:s1+$0x11460] =	vst v2  }
0x243: {  	v2 =	vld [tilespmem:$0x11020];
	_ =	sdelay $0x4  }
0x244: {  	[tilespmem:s1+$0x11470] =	vst v2  }
0x245: {  	v2 =	vld [tilespmem:$0x11040];
	_ =	sdelay $0x4  }
0x246: {  	[tilespmem:s1+$0x11480] =	vst v2  }
0x247: {  	v2 =	vld [tilespmem:$0x11050];
	_ =	sdelay $0x4  }
0x248: {  	[tilespmem:s1+$0x11490] =	vst v2  }
0x249: {  	v2 =	vld [tilespmem:$0x11060];
	_ =	sdelay $0x4  }
0x24a: {  	[tilespmem:s1+$0x114A0] =	vst v2  }
0x24b: {  	v2 =	vld [tilespmem:$0x11070];
	_ =	sdelay $0x4  }
0x24c: {  	[tilespmem:s1+$0x114B0] =	vst v2  }
0x24d: {  	v2 =	vld [tilespmem:$0x11090];
	_ =	sdelay $0x4  }
0x24e: {  	[tilespmem:s1+$0x114C0] =	vst v2  }
0x24f: {  	v2 =	vld [tilespmem:$0x110A0];
	_ =	sdelay $0x4  }
0x250: {  	[tilespmem:s1+$0x114D0] =	vst v2  }
0x251: {  	v2 =	vld [tilespmem:$0x110B0];
	_ =	sdelay $0x4  }
0x252: {  	[tilespmem:s1+$0x114E0] =	vst v2  }
0x253: {  	v2 =	vld [tilespmem:$0x110C0];
	_ =	sdelay $0x4  }
0x254: {  	[tilespmem:s1+$0x114F0] =	vst v2  }
0x255: {  	v2 =	vld [tilespmem:$0x110E0];
	_ =	sdelay $0x4  }
0x256: {  	[tilespmem:s1+$0x11500] =	vst v2  }
0x257: {  	v2 =	vld [tilespmem:$0x110F0];
	_ =	sdelay $0x4  }
0x258: {  	[tilespmem:s1+$0x11510] =	vst v2  }
0x259: {  	v2 =	vld [tilespmem:$0x11100];
	_ =	sdelay $0x4  }
0x25a: {  	[tilespmem:s1+$0x11520] =	vst v2  }
0x25b: {  	v2 =	vld [tilespmem:$0x11110];
	_ =	sdelay $0x4  }
0x25c: {  	[tilespmem:s1+$0x11530] =	vst v2  }
0x25d: {  	v2 =	vld [tilespmem:$0x11130];
	_ =	sdelay $0x4  }
0x25e: {  	[tilespmem:s1+$0x11540] =	vst v2  }
0x25f: {  	v2 =	vld [tilespmem:$0x11140];
	_ =	sdelay $0x4  }
0x260: {  	[tilespmem:s1+$0x11550] =	vst v2  }
0x261: {  	v2 =	vld [tilespmem:$0x11150];
	_ =	sdelay $0x4  }
0x262: {  	[tilespmem:s1+$0x11560] =	vst v2  }
0x263: {  	v2 =	vld [tilespmem:$0x11160];
	_ =	sdelay $0x1  }
0x264: {  	s31 =	sshll.u32 s25, $0xA  }
0x265: {  	s0 =	sadd.s32 s11, s31  }
0x266: {  	s0 =	sshrl.u32 s0, $0x3  }
0x267: {  	s4 =	sor.u32 $0x11180, s1;
	s0 =	sadd.s32 s2, s0;
	[tilespmem:s1+$0x11570] =	vst v2  }
0x268: {  	[hbm4b:s0+s3] =	stream.linear.scatter [tilespmem:s4], [sflag:$0x1], $0x400, $0x38;
	[tilespmem:$0x11980] =	vst v63  }
0x269: {  	[sflag:s22] =	ssyncset.done $0x0  }
0x26a: {  	[smem:s21], [sflag:$0x3] =	smem.add.s32 $0x1  }
0x26b: {  	_ =	swait.done [sflag:s22]  }
0x26c: {  	s25 =	ssyncread [sflag:$0x3];
	_ =	sdelay $0x2  }
0x26d: {  	p0 =	slt.s32 s25, $0x40  }
.Ltmp8:
0x26e: {  	_ = 	snop;
	(pc) =	sbr.rel @p0 .LBB2_4-.Ltmp8, $3  }
0x26f: {  	_ =	sdelay $0x1  }
0x270: {  	[sflag:s22] =	ssyncset.s32 $0x0  }
0x271: {  	s1 =	sadd.s32 $0x1, s24;
	[sflag:s22] =	ssyncset.done $0x0  }
0x272: {  	p0 =	sgt.u32 s24, $0x7FFFFFFE  }
0x273: {  	s0 =	simm.s32 @!p0 $0x1  }
0x274: {  	p1 =	seq.s32 @!p0 s24, $0x0;
	_ =	swait.ge @!p0 [sflag:s0], $0x400  }
.Ltmp9:
0x275: {  	p1 =	por p1, p0;
	[sflag:s0] =	ssyncset.done @!p0 $0x0;
	(pc) =	sbr.rel .LBB2_14-.Ltmp9, $4  }
0x276: {  	[sflag:s0] =	ssyncadd.s32 @!p0 $0xFFFFFC00;
	s0 =	simm.s32 @!p1 $0x1  }
0x277: {  	_ =	swait.ge @!p1 [sflag:s0], $0x400  }
0x278: {  	[sflag:s0] =	ssyncset.done @!p1 $0x0  }
0x279: {  	[sflag:s0] =	ssyncadd.s32 @!p1 $0xFFFFFC00  }
.LBB2_15:
0x27a: {  	_ =	sfence.sel $0x180000  }
0x27b: {  	[bflag:$0x0] =	sbarrier.arrive $0xFFFF  }
0x27c: {  	_ =	strace $0x90000047  }
0x27d: {  	s0 =	stileid.u32;
	[bflag:$0x2] =	sbarrier.arrive $0xFFFF  }
0x27e: {  	p0 =	sne.s32 s0, $0x0;
	s0 =	rddreg [dreg:$0x2]  }
0x27f: {  	s0 =	sadd.s32 @!p0 $0x100000, s0  }
0x280: {  	[sflag:s0] =	ssyncadd.tile.s32 @!p0 $0x1;
	_ =	shalt  }
.Lfunc_end2:
_tile_overlayer_lowered:
.L_overlay_start_2:
0x281: {  	(tag) =	ssettag $0x2  }
0x282: {  	s0 =	rddreg [dreg:$0x0];
	s2 =	stileid.u32  }
0x283: {  	s1 =	rddreg [dreg:$0x1];
	p0 =	sne.s32 s2, $0x0  }
0x284: {  	s3 =	rddreg [dreg:$0x2];
	[bflag:$0x3] =	sbarrier.arrive $0xFFFF;
	s2 =	simm.s32 @!p0 $0x1C02  }
0x285: {  	[timem:s3], [sflag:s2] =	dma.local @!p0 [hbm:s0], s1  }
0x286: {  	s0 =	simm.s32 @!p0 $0x2  }
0x287: {  	_ =	swait.ge @!p0 [sflag:s0], s1  }
0x288: {  	s1 =	ssub.s32 @!p0 $0x0, s1;
	[sflag:s0] =	ssyncset.done @!p0 $0x0  }
0x289: {  	[sflag:s0] =	ssyncadd.s32 @!p0 s1  }
0x28a: {  	[bflag:$0x3] =	sbarrier.arrive $0xFFFF  }
0x28b: {  	_ =	shalt  }

</sc_bundles>
